<compile_context>
chip_gen: v7x
topology: tpu7x:2x2x1
jax: 0.10.2.dev20260603
libtpu: 0.0.44.dev20260713+nightly
codegen_flags: <defaults>
</compile_context>

<pallas_src>
import dataclasses
import functools

import jax
import jax.numpy as jnp
from jax import lax
from jax.experimental import pallas as pl
from jax.experimental.pallas import tpu as pltpu
from jax.experimental.pallas import tpu_sc as plsc

BATCH = 16384
DIM = 128
LANES = 16
NUM_WORKERS = 32
ROWS_PER_WORKER = BATCH // NUM_WORKERS
CHUNK = 16
NUM_CHUNKS = ROWS_PER_WORKER // CHUNK
GROUPS = CHUNK // LANES
NSETS = 4
NARR = 12
MARGIN = 1.0


def _make_sc_kernel():
    mesh = plsc.VectorSubcoreMesh(core_axis_name="c", subcore_axis_name="s")
    cp = pltpu.CompilerParams()
    if "needs_layout_passes" in pltpu.CompilerParams.__dataclass_fields__:
        cp = dataclasses.replace(cp, needs_layout_passes=False)

    @functools.partial(
        pl.kernel,
        out_type=jax.ShapeDtypeStruct((NUM_WORKERS, LANES), jnp.float32),
        mesh=mesh,
        compiler_params=cp,
        scratch_types=(
            [pltpu.VMEM((ROWS_PER_WORKER,), jnp.int32)] * 6
            + [pltpu.VMEM((NSETS, NARR, CHUNK, DIM), jnp.float32)]
            + [pltpu.VMEM((LANES,), jnp.float32)]
            + [pltpu.SemaphoreType.DMA] * (NSETS + 1)
        ),
    )
    def transd_sc(ent_e, ent_t, rel_e, rel_t,
                  ph, pt, pr, nh, nt, nr,
                  out,
                  iph, ipt, ipr, inh, int_, inr,
                  data, lacc_v, isem, gsem0, gsem1, gsem2, gsem3):
        wid = lax.axis_index("s") * 2 + lax.axis_index("c")
        base0 = wid * ROWS_PER_WORKER

        idx_bufs = [iph, ipt, ipr, inh, int_, inr]
        loads = []
        for src, dst in zip([ph, pt, pr, nh, nt, nr], idx_bufs):
            loads.append(pltpu.async_copy(
                src.at[pl.ds(base0, ROWS_PER_WORKER)], dst, isem))
        for h in loads:
            h.wait()

        lacc_v[...] = jnp.zeros((LANES,), jnp.float32)

        combos = [
            (ent_e, iph), (ent_t, iph),
            (ent_e, ipt), (ent_t, ipt),
            (rel_e, ipr), (rel_t, ipr),
            (ent_e, inh), (ent_t, inh),
            (ent_e, int_), (ent_t, int_),
            (rel_e, inr), (rel_t, inr),
        ]

        rows0 = lax.iota(jnp.int32, LANES)
        UNROLL = 2

        def fire(chunk, dset, sem):
            off = chunk * CHUNK
            for a, (tbl, ib) in enumerate(combos):
                pltpu.async_copy(
                    tbl.at[ib.at[pl.ds(off, CHUNK)]], data.at[dset, a], sem)

        def drain(chunk, dset, sem):
            off = chunk * CHUNK
            for a, (tbl, ib) in enumerate(combos):
                pltpu.make_async_copy(
                    tbl.at[ib.at[pl.ds(off, CHUNK)]], data.at[dset, a],
                    sem).wait()

        def compute(dset):
            d_ = data.at[dset]
            for g in range(GROUPS):
                rows = rows0 + g * LANES

                def body(fu, carry, rows=rows):
                    (sp, ddp, drpp, rrp, sn, ddn, drpn, rrn) = carry
                    f0 = fu * UNROLL
                    for u in range(UNROLL):
                        col = (rows0 + (f0 + u)) & (DIM - 1)
                        he = plsc.load_gather(d_.at[0], [rows, col])
                        hp = plsc.load_gather(d_.at[1], [rows, col])
                        te = plsc.load_gather(d_.at[2], [rows, col])
                        tp = plsc.load_gather(d_.at[3], [rows, col])
                        re = plsc.load_gather(d_.at[4], [rows, col])
                        rp = plsc.load_gather(d_.at[5], [rows, col])
                        sp = sp + he * hp - te * tp
                        d = he - te + re
                        ddp = ddp + d * d
                        drpp = drpp + d * rp
                        rrp = rrp + rp * rp
                        he = plsc.load_gather(d_.at[6], [rows, col])
                        hp = plsc.load_gather(d_.at[7], [rows, col])
                        te = plsc.load_gather(d_.at[8], [rows, col])
                        tp = plsc.load_gather(d_.at[9], [rows, col])
                        re = plsc.load_gather(d_.at[10], [rows, col])
                        rp = plsc.load_gather(d_.at[11], [rows, col])
                        sn = sn + he * hp - te * tp
                        d = he - te + re
                        ddn = ddn + d * d
                        drpn = drpn + d * rp
                        rrn = rrn + rp * rp
                    return (sp, ddp, drpp, rrp, sn, ddn, drpn, rrn)

                z = jnp.zeros((LANES,), jnp.float32)
                (sp, ddp, drpp, rrp, sn, ddn, drpn, rrn) = lax.fori_loop(
                    0, DIM // UNROLL, body, (z, z, z, z, z, z, z, z))
                ps = ddp + 2.0 * sp * drpp + sp * sp * rrp
                ns = ddn + 2.0 * sn * drpn + sn * sn * rrn
                pairs = jnp.maximum(ns - ps + MARGIN, 0.0)
                lacc_v[...] = lacc_v[...] + pairs

        gsems = [gsem0, gsem1, gsem2, gsem3]
        for c in range(NSETS - 1):
            fire(c, c, gsems[c])

        @pl.loop(0, NUM_CHUNKS // NSETS)
        def _(p):
            c0 = p * NSETS
            for j in range(NSETS):
                sj = (j + NSETS - 1) % NSETS

                @pl.when(c0 + j + NSETS - 1 < NUM_CHUNKS)
                def _(c=c0 + j + NSETS - 1, sj=sj):
                    fire(c, sj, gsems[sj])

                drain(c0 + j, j, gsems[j])
                compute(j)

        pltpu.sync_copy(lacc_v, out.at[wid])

    return transd_sc


_transd_sc = _make_sc_kernel()


def kernel(pos_h, pos_t, pos_r, neg_h, neg_t, neg_r,
           ent_embeddings, rel_embeddings, ent_transfer, rel_transfer):
    partials = _transd_sc(ent_embeddings, ent_transfer, rel_embeddings,
                          rel_transfer, pos_h, pos_t, pos_r,
                          neg_h, neg_t, neg_r)
    return jnp.sum(partials)

# --- scband reference (transcript-rebuilt; emitter-appended) ---
"""Pipeline reference for scband-trans-d-53008486367244 (READ-ONLY COPY).

The authoritative reference and input builder live on the scoring server;
editing this copy changes nothing except your own understanding.
"""

import jax, jax.numpy as jnp
import numpy as np

ENT_TOTAL = 1000000
REL_TOTAL = 1000
ENT_SIZE = 128
REL_SIZE = 128
MARGIN = 1.0
BATCH = 16384


def _resize(x, size):
    # Faithful port of tf_resize along the last axis.
    osize = x.shape[-1]
    if osize == size:
        return x
    if osize > size:
        return x[..., :size]
    pad = [(0, 0)] * (x.ndim - 1) + [(0, size - osize)]
    return jnp.pad(x, pad)


def _transfer(ent_e, ent_p, rel_p):
    rel_size = rel_p.shape[-1]
    return rel_p * jnp.sum(ent_e * ent_p, axis=-1, keepdims=True) + _resize(ent_e, rel_size)


def _calc(ent1_t, ent2_t, rel_e, norm=(2, 2)):
    diff = ent1_t + rel_e - ent2_t
    if norm == (1, 1):
        return -jnp.sum(jnp.abs(diff), axis=-1, keepdims=True)
    elif norm == (2, 2):
        return -jnp.sum(jnp.square(diff), axis=-1, keepdims=True)
    elif norm[0] == norm[1]:
        return -jnp.sum(jnp.power(diff, norm[0]), axis=-1, keepdims=True)
    return -jnp.linalg.norm(jnp.power(diff, norm[0]), ord=norm[1], axis=-1, keepdims=True)


def setup_inputs(seed: int = 0) -> dict:
    key = jax.random.key(seed)
    ks = jax.random.split(key, 10)
    pos_h = jax.random.randint(ks[0], (BATCH,), 0, ENT_TOTAL, dtype=jnp.int32)
    pos_t = jax.random.randint(ks[1], (BATCH,), 0, ENT_TOTAL, dtype=jnp.int32)
    pos_r = jax.random.randint(ks[2], (BATCH,), 0, REL_TOTAL, dtype=jnp.int32)
    neg_h = jax.random.randint(ks[3], (BATCH,), 0, ENT_TOTAL, dtype=jnp.int32)
    neg_t = jax.random.randint(ks[4], (BATCH,), 0, ENT_TOTAL, dtype=jnp.int32)
    neg_r = jax.random.randint(ks[5], (BATCH,), 0, REL_TOTAL, dtype=jnp.int32)
    # Xavier-normal-ish initialized parameter tables
    ent_scale = float(np.sqrt(2.0 / (ENT_TOTAL + ENT_SIZE)))
    rel_scale = float(np.sqrt(2.0 / (REL_TOTAL + REL_SIZE)))
    ent_embeddings = jax.random.normal(ks[6], (ENT_TOTAL, ENT_SIZE), dtype=jnp.float32) * ent_scale
    rel_embeddings = jax.random.normal(ks[7], (REL_TOTAL, REL_SIZE), dtype=jnp.float32) * rel_scale
    ent_transfer = jax.random.normal(ks[8], (ENT_TOTAL, ENT_SIZE), dtype=jnp.float32) * ent_scale
    rel_transfer = jax.random.normal(ks[9], (REL_TOTAL, REL_SIZE), dtype=jnp.float32) * rel_scale
    return {
        "pos_h": pos_h, "pos_t": pos_t, "pos_r": pos_r,
        "neg_h": neg_h, "neg_t": neg_t, "neg_r": neg_r,
        "ent_embeddings": ent_embeddings, "rel_embeddings": rel_embeddings,
        "ent_transfer": ent_transfer, "rel_transfer": rel_transfer,
    }


def reference(pos_h, pos_t, pos_r, neg_h, neg_t, neg_r,
              ent_embeddings, rel_embeddings, ent_transfer, rel_transfer):
    pos_h_e = jnp.take(ent_embeddings, pos_h, axis=0)
    pos_t_e = jnp.take(ent_embeddings, pos_t, axis=0)
    pos_r_e = jnp.take(rel_embeddings, pos_r, axis=0)
    neg_h_e = jnp.take(ent_embeddings, neg_h, axis=0)
    neg_t_e = jnp.take(ent_embeddings, neg_t, axis=0)
    neg_r_e = jnp.take(rel_embeddings, neg_r, axis=0)
    pos_h_p = jnp.take(ent_transfer, pos_h, axis=0)
    pos_t_p = jnp.take(ent_transfer, pos_t, axis=0)
    pos_r_p = jnp.take(rel_transfer, pos_r, axis=0)
    neg_h_p = jnp.take(ent_transfer, neg_h, axis=0)
    neg_t_p = jnp.take(ent_transfer, neg_t, axis=0)
    neg_r_p = jnp.take(rel_transfer, neg_r, axis=0)
    pos_h_t = _transfer(pos_h_e, pos_h_p, pos_r_p)
    pos_t_t = _transfer(pos_t_e, pos_t_p, pos_r_p)
    neg_h_t = _transfer(neg_h_e, neg_h_p, neg_r_p)
    neg_t_t = _transfer(neg_t_e, neg_t_p, neg_r_p)
    pos_score = _calc(pos_h_t, pos_t_t, pos_r_e, (2, 2))
    neg_score = _calc(neg_h_t, neg_t_t, neg_r_e, (2, 2))
    pairs_score = jnp.maximum(pos_score - neg_score + MARGIN, 0.0)
    loss = jnp.sum(pairs_score)
    return loss

if __name__ == "__main__":
    import jax
    _d = setup_inputs()
    print(jax.jit(kernel)(*tuple(_d.values())))

</pallas_src>

<mosaic_0001>
#map = affine_map<(d0, d1) -> (0, 0)>
#map1 = affine_map<(d0, d1) -> (0)>
module attributes {stable_mosaic.version = 14 : i64} {
  func.func @transd_sc(%arg0: i32, %arg1: i32, %arg2: memref<1000000x128xf32, #tpu.memory_space<hbm>>, %arg3: memref<1000000x128xf32, #tpu.memory_space<hbm>>, %arg4: memref<1000x128xf32, #tpu.memory_space<hbm>>, %arg5: memref<1000x128xf32, #tpu.memory_space<hbm>>, %arg6: memref<16384xi32, #tpu.memory_space<hbm>>, %arg7: memref<16384xi32, #tpu.memory_space<hbm>>, %arg8: memref<16384xi32, #tpu.memory_space<hbm>>, %arg9: memref<16384xi32, #tpu.memory_space<hbm>>, %arg10: memref<16384xi32, #tpu.memory_space<hbm>>, %arg11: memref<16384xi32, #tpu.memory_space<hbm>>, %arg12: memref<32x16xf32, #tpu.memory_space<hbm>>, %arg13: memref<512xi32, #tpu.memory_space<vmem>>, %arg14: memref<512xi32, #tpu.memory_space<vmem>>, %arg15: memref<512xi32, #tpu.memory_space<vmem>>, %arg16: memref<512xi32, #tpu.memory_space<vmem>>, %arg17: memref<512xi32, #tpu.memory_space<vmem>>, %arg18: memref<512xi32, #tpu.memory_space<vmem>>, %arg19: memref<4x12x16x128xf32, #tpu.memory_space<vmem>>, %arg20: memref<16xf32, #tpu.memory_space<vmem>>, %arg21: memref<!tpu.dma_semaphore, #tpu.memory_space<semaphore_mem>>, %arg22: memref<!tpu.dma_semaphore, #tpu.memory_space<semaphore_mem>>, %arg23: memref<!tpu.dma_semaphore, #tpu.memory_space<semaphore_mem>>, %arg24: memref<!tpu.dma_semaphore, #tpu.memory_space<semaphore_mem>>, %arg25: memref<!tpu.dma_semaphore, #tpu.memory_space<semaphore_mem>>) attributes {dimension_semantics = [#tpu.dimension_semantics<core_parallel>, #tpu.dimension_semantics<subcore_parallel>], iteration_bounds = array<i64: 2, 16>, scalar_prefetch = 0 : i64, scratch_operands = 13 : i64, tpu.core_type = #tpu.core_type<sc_vector_subcore>, window_params = [{transform_indices = #map}, {transform_indices = #map}, {transform_indices = #map}, {transform_indices = #map}, {transform_indices = #map1}, {transform_indices = #map1}, {transform_indices = #map1}, {transform_indices = #map1}, {transform_indices = #map1}, {transform_indices = #map1}, {transform_indices = #map}]} {
    %mul3A = arith.constant 2 : i32
    %mul3A_0 = arith.muli %arg1, %mul3A : i32
    %add3A = arith.addi %mul3A_0, %arg0 : i32
    %mul3A_1 = arith.constant 512 : i32
    %mul3A_2 = arith.muli %add3A, %mul3A_1 : i32
    %dma_start3A = tpu.memref_slice %arg6[%mul3A_2] : memref<16384xi32, #tpu.memory_space<hbm>> -> memref<512xi32, #tpu.memory_space<hbm>>
    %dma_start3A_3 = tpu.memref_slice %arg6[%mul3A_2] : memref<16384xi32, #tpu.memory_space<hbm>> -> memref<512xi32, #tpu.memory_space<hbm>>
    tpu.enqueue_dma source(%dma_start3A_3 : memref<512xi32, #tpu.memory_space<hbm>>) target(%arg13 : memref<512xi32, #tpu.memory_space<vmem>>) target_semaphore(%arg21 : memref<!tpu.dma_semaphore, #tpu.memory_space<semaphore_mem>>)
    %dma_start3A_4 = tpu.memref_slice %arg7[%mul3A_2] : memref<16384xi32, #tpu.memory_space<hbm>> -> memref<512xi32, #tpu.memory_space<hbm>>
    %dma_start3A_5 = tpu.memref_slice %arg7[%mul3A_2] : memref<16384xi32, #tpu.memory_space<hbm>> -> memref<512xi32, #tpu.memory_space<hbm>>
    tpu.enqueue_dma source(%dma_start3A_5 : memref<512xi32, #tpu.memory_space<hbm>>) target(%arg14 : memref<512xi32, #tpu.memory_space<vmem>>) target_semaphore(%arg21 : memref<!tpu.dma_semaphore, #tpu.memory_space<semaphore_mem>>)
    %dma_start3A_6 = tpu.memref_slice %arg8[%mul3A_2] : memref<16384xi32, #tpu.memory_space<hbm>> -> memref<512xi32, #tpu.memory_space<hbm>>
    %dma_start3A_7 = tpu.memref_slice %arg8[%mul3A_2] : memref<16384xi32, #tpu.memory_space<hbm>> -> memref<512xi32, #tpu.memory_space<hbm>>
    tpu.enqueue_dma source(%dma_start3A_7 : memref<512xi32, #tpu.memory_space<hbm>>) target(%arg15 : memref<512xi32, #tpu.memory_space<vmem>>) target_semaphore(%arg21 : memref<!tpu.dma_semaphore, #tpu.memory_space<semaphore_mem>>)
    %dma_start3A_8 = tpu.memref_slice %arg9[%mul3A_2] : memref<16384xi32, #tpu.memory_space<hbm>> -> memref<512xi32, #tpu.memory_space<hbm>>
    %dma_start3A_9 = tpu.memref_slice %arg9[%mul3A_2] : memref<16384xi32, #tpu.memory_space<hbm>> -> memref<512xi32, #tpu.memory_space<hbm>>
    tpu.enqueue_dma source(%dma_start3A_9 : memref<512xi32, #tpu.memory_space<hbm>>) target(%arg16 : memref<512xi32, #tpu.memory_space<vmem>>) target_semaphore(%arg21 : memref<!tpu.dma_semaphore, #tpu.memory_space<semaphore_mem>>)
    %dma_start3A_10 = tpu.memref_slice %arg10[%mul3A_2] : memref<16384xi32, #tpu.memory_space<hbm>> -> memref<512xi32, #tpu.memory_space<hbm>>
    %dma_start3A_11 = tpu.memref_slice %arg10[%mul3A_2] : memref<16384xi32, #tpu.memory_space<hbm>> -> memref<512xi32, #tpu.memory_space<hbm>>
    tpu.enqueue_dma source(%dma_start3A_11 : memref<512xi32, #tpu.memory_space<hbm>>) target(%arg17 : memref<512xi32, #tpu.memory_space<vmem>>) target_semaphore(%arg21 : memref<!tpu.dma_semaphore, #tpu.memory_space<semaphore_mem>>)
    %dma_start3A_12 = tpu.memref_slice %arg11[%mul3A_2] : memref<16384xi32, #tpu.memory_space<hbm>> -> memref<512xi32, #tpu.memory_space<hbm>>
    %dma_start3A_13 = tpu.memref_slice %arg11[%mul3A_2] : memref<16384xi32, #tpu.memory_space<hbm>> -> memref<512xi32, #tpu.memory_space<hbm>>
    tpu.enqueue_dma source(%dma_start3A_13 : memref<512xi32, #tpu.memory_space<hbm>>) target(%arg18 : memref<512xi32, #tpu.memory_space<vmem>>) target_semaphore(%arg21 : memref<!tpu.dma_semaphore, #tpu.memory_space<semaphore_mem>>)
    %dma_wait3A = tpu.memref_slice %arg6[%mul3A_2] : memref<16384xi32, #tpu.memory_space<hbm>> -> memref<512xi32, #tpu.memory_space<hbm>>
    %dma_wait3A_14 = tpu.memref_slice %arg6[%mul3A_2] : memref<16384xi32, #tpu.memory_space<hbm>> -> memref<512xi32, #tpu.memory_space<hbm>>
    tpu.wait_dma2 semaphore(%arg21 : memref<!tpu.dma_semaphore, #tpu.memory_space<semaphore_mem>>) src(%dma_wait3A_14 : memref<512xi32, #tpu.memory_space<hbm>>) dst(%arg13 : memref<512xi32, #tpu.memory_space<vmem>>)
    %dma_wait3A_15 = tpu.memref_slice %arg7[%mul3A_2] : memref<16384xi32, #tpu.memory_space<hbm>> -> memref<512xi32, #tpu.memory_space<hbm>>
    %dma_wait3A_16 = tpu.memref_slice %arg7[%mul3A_2] : memref<16384xi32, #tpu.memory_space<hbm>> -> memref<512xi32, #tpu.memory_space<hbm>>
    tpu.wait_dma2 semaphore(%arg21 : memref<!tpu.dma_semaphore, #tpu.memory_space<semaphore_mem>>) src(%dma_wait3A_16 : memref<512xi32, #tpu.memory_space<hbm>>) dst(%arg14 : memref<512xi32, #tpu.memory_space<vmem>>)
    %dma_wait3A_17 = tpu.memref_slice %arg8[%mul3A_2] : memref<16384xi32, #tpu.memory_space<hbm>> -> memref<512xi32, #tpu.memory_space<hbm>>
    %dma_wait3A_18 = tpu.memref_slice %arg8[%mul3A_2] : memref<16384xi32, #tpu.memory_space<hbm>> -> memref<512xi32, #tpu.memory_space<hbm>>
    tpu.wait_dma2 semaphore(%arg21 : memref<!tpu.dma_semaphore, #tpu.memory_space<semaphore_mem>>) src(%dma_wait3A_18 : memref<512xi32, #tpu.memory_space<hbm>>) dst(%arg15 : memref<512xi32, #tpu.memory_space<vmem>>)
    %dma_wait3A_19 = tpu.memref_slice %arg9[%mul3A_2] : memref<16384xi32, #tpu.memory_space<hbm>> -> memref<512xi32, #tpu.memory_space<hbm>>
    %dma_wait3A_20 = tpu.memref_slice %arg9[%mul3A_2] : memref<16384xi32, #tpu.memory_space<hbm>> -> memref<512xi32, #tpu.memory_space<hbm>>
    tpu.wait_dma2 semaphore(%arg21 : memref<!tpu.dma_semaphore, #tpu.memory_space<semaphore_mem>>) src(%dma_wait3A_20 : memref<512xi32, #tpu.memory_space<hbm>>) dst(%arg16 : memref<512xi32, #tpu.memory_space<vmem>>)
    %dma_wait3A_21 = tpu.memref_slice %arg10[%mul3A_2] : memref<16384xi32, #tpu.memory_space<hbm>> -> memref<512xi32, #tpu.memory_space<hbm>>
    %dma_wait3A_22 = tpu.memref_slice %arg10[%mul3A_2] : memref<16384xi32, #tpu.memory_space<hbm>> -> memref<512xi32, #tpu.memory_space<hbm>>
    tpu.wait_dma2 semaphore(%arg21 : memref<!tpu.dma_semaphore, #tpu.memory_space<semaphore_mem>>) src(%dma_wait3A_22 : memref<512xi32, #tpu.memory_space<hbm>>) dst(%arg17 : memref<512xi32, #tpu.memory_space<vmem>>)
    %dma_wait3A_23 = tpu.memref_slice %arg11[%mul3A_2] : memref<16384xi32, #tpu.memory_space<hbm>> -> memref<512xi32, #tpu.memory_space<hbm>>
    %dma_wait3A_24 = tpu.memref_slice %arg11[%mul3A_2] : memref<16384xi32, #tpu.memory_space<hbm>> -> memref<512xi32, #tpu.memory_space<hbm>>
    tpu.wait_dma2 semaphore(%arg21 : memref<!tpu.dma_semaphore, #tpu.memory_space<semaphore_mem>>) src(%dma_wait3A_24 : memref<512xi32, #tpu.memory_space<hbm>>) dst(%arg18 : memref<512xi32, #tpu.memory_space<vmem>>)
    %broadcast_in_dim3A = arith.constant 0.000000e+00 : f32
    %broadcast_in_dim3A_25 = vector.broadcast %broadcast_in_dim3A : f32 to vector<16xf32>
    %swap3A = arith.constant 0 : index
    %swap3A_26 = tpu.vector_load %arg20[%swap3A] {strides = array<i32>} : memref<16xf32, #tpu.memory_space<vmem>>, vector<16xf32>,
    tpu.vector_store %arg20[%swap3A], %broadcast_in_dim3A_25 {strides = array<i32>} : memref<16xf32, #tpu.memory_space<vmem>>, vector<16xf32>,
    %iota3A = tpu.iota {dimensions = array<i32: 0>} : vector<16xi32>
    %dma_start3A_27 = arith.constant 0 : i32
    %dma_start3A_28 = arith.constant 0 : i32
    %dma_start3A_29 = arith.constant 0 : i32
    %dma_start3A_30 = arith.constant 0 : i32
    %dma_start3A_31 = tpu.memref_slice %arg19[%dma_start3A_27, %dma_start3A_28, %dma_start3A_29, %dma_start3A_30] : memref<4x12x16x128xf32, #tpu.memory_space<vmem>> -> memref<1x1x16x128xf32, #tpu.memory_space<vmem>>
    %dma_start3A_32 = tpu.memref_squeeze %dma_start3A_31 : memref<1x1x16x128xf32, #tpu.memory_space<vmem>> -> memref<16x128xf32, #tpu.memory_space<vmem>>
    %dma_start3A_33 = arith.constant 0 : i32
    %dma_start3A_34 = tpu.memref_slice %arg13[%dma_start3A_33] : memref<512xi32, #tpu.memory_space<vmem>> -> memref<16xi32, #tpu.memory_space<vmem>>
    %dma_start3A_35 = arith.constant 0 : i32
    %dma_start3A_36 = arith.constant 0 : i32
    %dma_start3A_37 = tpu.memref_slice %arg2[%dma_start3A_35, %dma_start3A_36] : memref<1000000x128xf32, #tpu.memory_space<hbm>> -> memref<1000000x128xf32, #tpu.memory_space<hbm>>
    tpu.enqueue_indirect_dma source(%dma_start3A_37 : memref<1000000x128xf32, #tpu.memory_space<hbm>>) target(%dma_start3A_32 : memref<16x128xf32, #tpu.memory_space<vmem>>) offsets(%dma_start3A_34 : memref<16xi32, #tpu.memory_space<vmem>>) semaphore(%arg22 : memref<!tpu.dma_semaphore, #tpu.memory_space<semaphore_mem>>)
    %dma_start3A_38 = arith.constant 0 : i32
    %dma_start3A_39 = arith.constant 1 : i32
    %dma_start3A_40 = arith.constant 0 : i32
    %dma_start3A_41 = arith.constant 0 : i32
    %dma_start3A_42 = tpu.memref_slice %arg19[%dma_start3A_38, %dma_start3A_39, %dma_start3A_40, %dma_start3A_41] : memref<4x12x16x128xf32, #tpu.memory_space<vmem>> -> memref<1x1x16x128xf32, #tpu.memory_space<vmem>>
    %dma_start3A_43 = tpu.memref_squeeze %dma_start3A_42 : memref<1x1x16x128xf32, #tpu.memory_space<vmem>> -> memref<16x128xf32, #tpu.memory_space<vmem>>
    %dma_start3A_44 = arith.constant 0 : i32
    %dma_start3A_45 = tpu.memref_slice %arg13[%dma_start3A_44] : memref<512xi32, #tpu.memory_space<vmem>> -> memref<16xi32, #tpu.memory_space<vmem>>
    %dma_start3A_46 = arith.constant 0 : i32
    %dma_start3A_47 = arith.constant 0 : i32
    %dma_start3A_48 = tpu.memref_slice %arg3[%dma_start3A_46, %dma_start3A_47] : memref<1000000x128xf32, #tpu.memory_space<hbm>> -> memref<1000000x128xf32, #tpu.memory_space<hbm>>
    tpu.enqueue_indirect_dma source(%dma_start3A_48 : memref<1000000x128xf32, #tpu.memory_space<hbm>>) target(%dma_start3A_43 : memref<16x128xf32, #tpu.memory_space<vmem>>) offsets(%dma_start3A_45 : memref<16xi32, #tpu.memory_space<vmem>>) semaphore(%arg22 : memref<!tpu.dma_semaphore, #tpu.memory_space<semaphore_mem>>)
    %dma_start3A_49 = arith.constant 0 : i32
    %dma_start3A_50 = arith.constant 2 : i32
    %dma_start3A_51 = arith.constant 0 : i32
    %dma_start3A_52 = arith.constant 0 : i32
    %dma_start3A_53 = tpu.memref_slice %arg19[%dma_start3A_49, %dma_start3A_50, %dma_start3A_51, %dma_start3A_52] : memref<4x12x16x128xf32, #tpu.memory_space<vmem>> -> memref<1x1x16x128xf32, #tpu.memory_space<vmem>>
    %dma_start3A_54 = tpu.memref_squeeze %dma_start3A_53 : memref<1x1x16x128xf32, #tpu.memory_space<vmem>> -> memref<16x128xf32, #tpu.memory_space<vmem>>
    %dma_start3A_55 = arith.constant 0 : i32
    %dma_start3A_56 = tpu.memref_slice %arg14[%dma_start3A_55] : memref<512xi32, #tpu.memory_space<vmem>> -> memref<16xi32, #tpu.memory_space<vmem>>
    %dma_start3A_57 = arith.constant 0 : i32
    %dma_start3A_58 = arith.constant 0 : i32
    %dma_start3A_59 = tpu.memref_slice %arg2[%dma_start3A_57, %dma_start3A_58] : memref<1000000x128xf32, #tpu.memory_space<hbm>> -> memref<1000000x128xf32, #tpu.memory_space<hbm>>
    tpu.enqueue_indirect_dma source(%dma_start3A_59 : memref<1000000x128xf32, #tpu.memory_space<hbm>>) target(%dma_start3A_54 : memref<16x128xf32, #tpu.memory_space<vmem>>) offsets(%dma_start3A_56 : memref<16xi32, #tpu.memory_space<vmem>>) semaphore(%arg22 : memref<!tpu.dma_semaphore, #tpu.memory_space<semaphore_mem>>)
    %dma_start3A_60 = arith.constant 0 : i32
    %dma_start3A_61 = arith.constant 3 : i32
    %dma_start3A_62 = arith.constant 0 : i32
    %dma_start3A_63 = arith.constant 0 : i32
    %dma_start3A_64 = tpu.memref_slice %arg19[%dma_start3A_60, %dma_start3A_61, %dma_start3A_62, %dma_start3A_63] : memref<4x12x16x128xf32, #tpu.memory_space<vmem>> -> memref<1x1x16x128xf32, #tpu.memory_space<vmem>>
    %dma_start3A_65 = tpu.memref_squeeze %dma_start3A_64 : memref<1x1x16x128xf32, #tpu.memory_space<vmem>> -> memref<16x128xf32, #tpu.memory_space<vmem>>
    %dma_start3A_66 = arith.constant 0 : i32
    %dma_start3A_67 = tpu.memref_slice %arg14[%dma_start3A_66] : memref<512xi32, #tpu.memory_space<vmem>> -> memref<16xi32, #tpu.memory_space<vmem>>
    %dma_start3A_68 = arith.constant 0 : i32
    %dma_start3A_69 = arith.constant 0 : i32
    %dma_start3A_70 = tpu.memref_slice %arg3[%dma_start3A_68, %dma_start3A_69] : memref<1000000x128xf32, #tpu.memory_space<hbm>> -> memref<1000000x128xf32, #tpu.memory_space<hbm>>
    tpu.enqueue_indirect_dma source(%dma_start3A_70 : memref<1000000x128xf32, #tpu.memory_space<hbm>>) target(%dma_start3A_65 : memref<16x128xf32, #tpu.memory_space<vmem>>) offsets(%dma_start3A_67 : memref<16xi32, #tpu.memory_space<vmem>>) semaphore(%arg22 : memref<!tpu.dma_semaphore, #tpu.memory_space<semaphore_mem>>)
    %dma_start3A_71 = arith.constant 0 : i32
    %dma_start3A_72 = arith.constant 4 : i32
    %dma_start3A_73 = arith.constant 0 : i32
    %dma_start3A_74 = arith.constant 0 : i32
    %dma_start3A_75 = tpu.memref_slice %arg19[%dma_start3A_71, %dma_start3A_72, %dma_start3A_73, %dma_start3A_74] : memref<4x12x16x128xf32, #tpu.memory_space<vmem>> -> memref<1x1x16x128xf32, #tpu.memory_space<vmem>>
    %dma_start3A_76 = tpu.memref_squeeze %dma_start3A_75 : memref<1x1x16x128xf32, #tpu.memory_space<vmem>> -> memref<16x128xf32, #tpu.memory_space<vmem>>
    %dma_start3A_77 = arith.constant 0 : i32
    %dma_start3A_78 = tpu.memref_slice %arg15[%dma_start3A_77] : memref<512xi32, #tpu.memory_space<vmem>> -> memref<16xi32, #tpu.memory_space<vmem>>
    %dma_start3A_79 = arith.constant 0 : i32
    %dma_start3A_80 = arith.constant 0 : i32
    %dma_start3A_81 = tpu.memref_slice %arg4[%dma_start3A_79, %dma_start3A_80] : memref<1000x128xf32, #tpu.memory_space<hbm>> -> memref<1000x128xf32, #tpu.memory_space<hbm>>
    tpu.enqueue_indirect_dma source(%dma_start3A_81 : memref<1000x128xf32, #tpu.memory_space<hbm>>) target(%dma_start3A_76 : memref<16x128xf32, #tpu.memory_space<vmem>>) offsets(%dma_start3A_78 : memref<16xi32, #tpu.memory_space<vmem>>) semaphore(%arg22 : memref<!tpu.dma_semaphore, #tpu.memory_space<semaphore_mem>>)
    %dma_start3A_82 = arith.constant 0 : i32
    %dma_start3A_83 = arith.constant 5 : i32
    %dma_start3A_84 = arith.constant 0 : i32
    %dma_start3A_85 = arith.constant 0 : i32
    %dma_start3A_86 = tpu.memref_slice %arg19[%dma_start3A_82, %dma_start3A_83, %dma_start3A_84, %dma_start3A_85] : memref<4x12x16x128xf32, #tpu.memory_space<vmem>> -> memref<1x1x16x128xf32, #tpu.memory_space<vmem>>
    %dma_start3A_87 = tpu.memref_squeeze %dma_start3A_86 : memref<1x1x16x128xf32, #tpu.memory_space<vmem>> -> memref<16x128xf32, #tpu.memory_space<vmem>>
    %dma_start3A_88 = arith.constant 0 : i32
    %dma_start3A_89 = tpu.memref_slice %arg15[%dma_start3A_88] : memref<512xi32, #tpu.memory_space<vmem>> -> memref<16xi32, #tpu.memory_space<vmem>>
    %dma_start3A_90 = arith.constant 0 : i32
    %dma_start3A_91 = arith.constant 0 : i32
    %dma_start3A_92 = tpu.memref_slice %arg5[%dma_start3A_90, %dma_start3A_91] : memref<1000x128xf32, #tpu.memory_space<hbm>> -> memref<1000x128xf32, #tpu.memory_space<hbm>>
    tpu.enqueue_indirect_dma source(%dma_start3A_92 : memref<1000x128xf32, #tpu.memory_space<hbm>>) target(%dma_start3A_87 : memref<16x128xf32, #tpu.memory_space<vmem>>) offsets(%dma_start3A_89 : memref<16xi32, #tpu.memory_space<vmem>>) semaphore(%arg22 : memref<!tpu.dma_semaphore, #tpu.memory_space<semaphore_mem>>)
    %dma_start3A_93 = arith.constant 0 : i32
    %dma_start3A_94 = arith.constant 6 : i32
    %dma_start3A_95 = arith.constant 0 : i32
    %dma_start3A_96 = arith.constant 0 : i32
    %dma_start3A_97 = tpu.memref_slice %arg19[%dma_start3A_93, %dma_start3A_94, %dma_start3A_95, %dma_start3A_96] : memref<4x12x16x128xf32, #tpu.memory_space<vmem>> -> memref<1x1x16x128xf32, #tpu.memory_space<vmem>>
    %dma_start3A_98 = tpu.memref_squeeze %dma_start3A_97 : memref<1x1x16x128xf32, #tpu.memory_space<vmem>> -> memref<16x128xf32, #tpu.memory_space<vmem>>
    %dma_start3A_99 = arith.constant 0 : i32
    %dma_start3A_100 = tpu.memref_slice %arg16[%dma_start3A_99] : memref<512xi32, #tpu.memory_space<vmem>> -> memref<16xi32, #tpu.memory_space<vmem>>
    %dma_start3A_101 = arith.constant 0 : i32
    %dma_start3A_102 = arith.constant 0 : i32
    %dma_start3A_103 = tpu.memref_slice %arg2[%dma_start3A_101, %dma_start3A_102] : memref<1000000x128xf32, #tpu.memory_space<hbm>> -> memref<1000000x128xf32, #tpu.memory_space<hbm>>
    tpu.enqueue_indirect_dma source(%dma_start3A_103 : memref<1000000x128xf32, #tpu.memory_space<hbm>>) target(%dma_start3A_98 : memref<16x128xf32, #tpu.memory_space<vmem>>) offsets(%dma_start3A_100 : memref<16xi32, #tpu.memory_space<vmem>>) semaphore(%arg22 : memref<!tpu.dma_semaphore, #tpu.memory_space<semaphore_mem>>)
    %dma_start3A_104 = arith.constant 0 : i32
    %dma_start3A_105 = arith.constant 7 : i32
    %dma_start3A_106 = arith.constant 0 : i32
    %dma_start3A_107 = arith.constant 0 : i32
    %dma_start3A_108 = tpu.memref_slice %arg19[%dma_start3A_104, %dma_start3A_105, %dma_start3A_106, %dma_start3A_107] : memref<4x12x16x128xf32, #tpu.memory_space<vmem>> -> memref<1x1x16x128xf32, #tpu.memory_space<vmem>>
    %dma_start3A_109 = tpu.memref_squeeze %dma_start3A_108 : memref<1x1x16x128xf32, #tpu.memory_space<vmem>> -> memref<16x128xf32, #tpu.memory_space<vmem>>
    %dma_start3A_110 = arith.constant 0 : i32
    %dma_start3A_111 = tpu.memref_slice %arg16[%dma_start3A_110] : memref<512xi32, #tpu.memory_space<vmem>> -> memref<16xi32, #tpu.memory_space<vmem>>
    %dma_start3A_112 = arith.constant 0 : i32
    %dma_start3A_113 = arith.constant 0 : i32
    %dma_start3A_114 = tpu.memref_slice %arg3[%dma_start3A_112, %dma_start3A_113] : memref<1000000x128xf32, #tpu.memory_space<hbm>> -> memref<1000000x128xf32, #tpu.memory_space<hbm>>
    tpu.enqueue_indirect_dma source(%dma_start3A_114 : memref<1000000x128xf32, #tpu.memory_space<hbm>>) target(%dma_start3A_109 : memref<16x128xf32, #tpu.memory_space<vmem>>) offsets(%dma_start3A_111 : memref<16xi32, #tpu.memory_space<vmem>>) semaphore(%arg22 : memref<!tpu.dma_semaphore, #tpu.memory_space<semaphore_mem>>)
    %dma_start3A_115 = arith.constant 0 : i32
    %dma_start3A_116 = arith.constant 8 : i32
    %dma_start3A_117 = arith.constant 0 : i32
    %dma_start3A_118 = arith.constant 0 : i32
    %dma_start3A_119 = tpu.memref_slice %arg19[%dma_start3A_115, %dma_start3A_116, %dma_start3A_117, %dma_start3A_118] : memref<4x12x16x128xf32, #tpu.memory_space<vmem>> -> memref<1x1x16x128xf32, #tpu.memory_space<vmem>>
    %dma_start3A_120 = tpu.memref_squeeze %dma_start3A_119 : memref<1x1x16x128xf32, #tpu.memory_space<vmem>> -> memref<16x128xf32, #tpu.memory_space<vmem>>
    %dma_start3A_121 = arith.constant 0 : i32
    %dma_start3A_122 = tpu.memref_slice %arg17[%dma_start3A_121] : memref<512xi32, #tpu.memory_space<vmem>> -> memref<16xi32, #tpu.memory_space<vmem>>
    %dma_start3A_123 = arith.constant 0 : i32
    %dma_start3A_124 = arith.constant 0 : i32
    %dma_start3A_125 = tpu.memref_slice %arg2[%dma_start3A_123, %dma_start3A_124] : memref<1000000x128xf32, #tpu.memory_space<hbm>> -> memref<1000000x128xf32, #tpu.memory_space<hbm>>
    tpu.enqueue_indirect_dma source(%dma_start3A_125 : memref<1000000x128xf32, #tpu.memory_space<hbm>>) target(%dma_start3A_120 : memref<16x128xf32, #tpu.memory_space<vmem>>) offsets(%dma_start3A_122 : memref<16xi32, #tpu.memory_space<vmem>>) semaphore(%arg22 : memref<!tpu.dma_semaphore, #tpu.memory_space<semaphore_mem>>)
    %dma_start3A_126 = arith.constant 0 : i32
    %dma_start3A_127 = arith.constant 9 : i32
    %dma_start3A_128 = arith.constant 0 : i32
    %dma_start3A_129 = arith.constant 0 : i32
    %dma_start3A_130 = tpu.memref_slice %arg19[%dma_start3A_126, %dma_start3A_127, %dma_start3A_128, %dma_start3A_129] : memref<4x12x16x128xf32, #tpu.memory_space<vmem>> -> memref<1x1x16x128xf32, #tpu.memory_space<vmem>>
    %dma_start3A_131 = tpu.memref_squeeze %dma_start3A_130 : memref<1x1x16x128xf32, #tpu.memory_space<vmem>> -> memref<16x128xf32, #tpu.memory_space<vmem>>
    %dma_start3A_132 = arith.constant 0 : i32
    %dma_start3A_133 = tpu.memref_slice %arg17[%dma_start3A_132] : memref<512xi32, #tpu.memory_space<vmem>> -> memref<16xi32, #tpu.memory_space<vmem>>
    %dma_start3A_134 = arith.constant 0 : i32
    %dma_start3A_135 = arith.constant 0 : i32
    %dma_start3A_136 = tpu.memref_slice %arg3[%dma_start3A_134, %dma_start3A_135] : memref<1000000x128xf32, #tpu.memory_space<hbm>> -> memref<1000000x128xf32, #tpu.memory_space<hbm>>
    tpu.enqueue_indirect_dma source(%dma_start3A_136 : memref<1000000x128xf32, #tpu.memory_space<hbm>>) target(%dma_start3A_131 : memref<16x128xf32, #tpu.memory_space<vmem>>) offsets(%dma_start3A_133 : memref<16xi32, #tpu.memory_space<vmem>>) semaphore(%arg22 : memref<!tpu.dma_semaphore, #tpu.memory_space<semaphore_mem>>)
    %dma_start3A_137 = arith.constant 0 : i32
    %dma_start3A_138 = arith.constant 10 : i32
    %dma_start3A_139 = arith.constant 0 : i32
    %dma_start3A_140 = arith.constant 0 : i32
    %dma_start3A_141 = tpu.memref_slice %arg19[%dma_start3A_137, %dma_start3A_138, %dma_start3A_139, %dma_start3A_140] : memref<4x12x16x128xf32, #tpu.memory_space<vmem>> -> memref<1x1x16x128xf32, #tpu.memory_space<vmem>>
    %dma_start3A_142 = tpu.memref_squeeze %dma_start3A_141 : memref<1x1x16x128xf32, #tpu.memory_space<vmem>> -> memref<16x128xf32, #tpu.memory_space<vmem>>
    %dma_start3A_143 = arith.constant 0 : i32
    %dma_start3A_144 = tpu.memref_slice %arg18[%dma_start3A_143] : memref<512xi32, #tpu.memory_space<vmem>> -> memref<16xi32, #tpu.memory_space<vmem>>
    %dma_start3A_145 = arith.constant 0 : i32
    %dma_start3A_146 = arith.constant 0 : i32
    %dma_start3A_147 = tpu.memref_slice %arg4[%dma_start3A_145, %dma_start3A_146] : memref<1000x128xf32, #tpu.memory_space<hbm>> -> memref<1000x128xf32, #tpu.memory_space<hbm>>
    tpu.enqueue_indirect_dma source(%dma_start3A_147 : memref<1000x128xf32, #tpu.memory_space<hbm>>) target(%dma_start3A_142 : memref<16x128xf32, #tpu.memory_space<vmem>>) offsets(%dma_start3A_144 : memref<16xi32, #tpu.memory_space<vmem>>) semaphore(%arg22 : memref<!tpu.dma_semaphore, #tpu.memory_space<semaphore_mem>>)
    %dma_start3A_148 = arith.constant 0 : i32
    %dma_start3A_149 = arith.constant 11 : i32
    %dma_start3A_150 = arith.constant 0 : i32
    %dma_start3A_151 = arith.constant 0 : i32
    %dma_start3A_152 = tpu.memref_slice %arg19[%dma_start3A_148, %dma_start3A_149, %dma_start3A_150, %dma_start3A_151] : memref<4x12x16x128xf32, #tpu.memory_space<vmem>> -> memref<1x1x16x128xf32, #tpu.memory_space<vmem>>
    %dma_start3A_153 = tpu.memref_squeeze %dma_start3A_152 : memref<1x1x16x128xf32, #tpu.memory_space<vmem>> -> memref<16x128xf32, #tpu.memory_space<vmem>>
    %dma_start3A_154 = arith.constant 0 : i32
    %dma_start3A_155 = tpu.memref_slice %arg18[%dma_start3A_154] : memref<512xi32, #tpu.memory_space<vmem>> -> memref<16xi32, #tpu.memory_space<vmem>>
    %dma_start3A_156 = arith.constant 0 : i32
    %dma_start3A_157 = arith.constant 0 : i32
    %dma_start3A_158 = tpu.memref_slice %arg5[%dma_start3A_156, %dma_start3A_157] : memref<1000x128xf32, #tpu.memory_space<hbm>> -> memref<1000x128xf32, #tpu.memory_space<hbm>>
    tpu.enqueue_indirect_dma source(%dma_start3A_158 : memref<1000x128xf32, #tpu.memory_space<hbm>>) target(%dma_start3A_153 : memref<16x128xf32, #tpu.memory_space<vmem>>) offsets(%dma_start3A_155 : memref<16xi32, #tpu.memory_space<vmem>>) semaphore(%arg22 : memref<!tpu.dma_semaphore, #tpu.memory_space<semaphore_mem>>)
    %dma_start3A_159 = arith.constant 1 : i32
    %dma_start3A_160 = arith.constant 0 : i32
    %dma_start3A_161 = arith.constant 0 : i32
    %dma_start3A_162 = arith.constant 0 : i32
    %dma_start3A_163 = tpu.memref_slice %arg19[%dma_start3A_159, %dma_start3A_160, %dma_start3A_161, %dma_start3A_162] : memref<4x12x16x128xf32, #tpu.memory_space<vmem>> -> memref<1x1x16x128xf32, #tpu.memory_space<vmem>>
    %dma_start3A_164 = tpu.memref_squeeze %dma_start3A_163 : memref<1x1x16x128xf32, #tpu.memory_space<vmem>> -> memref<16x128xf32, #tpu.memory_space<vmem>>
    %dma_start3A_165 = arith.constant 16 : i32
    %dma_start3A_166 = tpu.memref_slice %arg13[%dma_start3A_165] : memref<512xi32, #tpu.memory_space<vmem>> -> memref<16xi32, #tpu.memory_space<vmem>>
    %dma_start3A_167 = arith.constant 0 : i32
    %dma_start3A_168 = arith.constant 0 : i32
    %dma_start3A_169 = tpu.memref_slice %arg2[%dma_start3A_167, %dma_start3A_168] : memref<1000000x128xf32, #tpu.memory_space<hbm>> -> memref<1000000x128xf32, #tpu.memory_space<hbm>>
    tpu.enqueue_indirect_dma source(%dma_start3A_169 : memref<1000000x128xf32, #tpu.memory_space<hbm>>) target(%dma_start3A_164 : memref<16x128xf32, #tpu.memory_space<vmem>>) offsets(%dma_start3A_166 : memref<16xi32, #tpu.memory_space<vmem>>) semaphore(%arg23 : memref<!tpu.dma_semaphore, #tpu.memory_space<semaphore_mem>>)
    %dma_start3A_170 = arith.constant 1 : i32
    %dma_start3A_171 = arith.constant 1 : i32
    %dma_start3A_172 = arith.constant 0 : i32
    %dma_start3A_173 = arith.constant 0 : i32
    %dma_start3A_174 = tpu.memref_slice %arg19[%dma_start3A_170, %dma_start3A_171, %dma_start3A_172, %dma_start3A_173] : memref<4x12x16x128xf32, #tpu.memory_space<vmem>> -> memref<1x1x16x128xf32, #tpu.memory_space<vmem>>
    %dma_start3A_175 = tpu.memref_squeeze %dma_start3A_174 : memref<1x1x16x128xf32, #tpu.memory_space<vmem>> -> memref<16x128xf32, #tpu.memory_space<vmem>>
    %dma_start3A_176 = arith.constant 16 : i32
    %dma_start3A_177 = tpu.memref_slice %arg13[%dma_start3A_176] : memref<512xi32, #tpu.memory_space<vmem>> -> memref<16xi32, #tpu.memory_space<vmem>>
    %dma_start3A_178 = arith.constant 0 : i32
    %dma_start3A_179 = arith.constant 0 : i32
    %dma_start3A_180 = tpu.memref_slice %arg3[%dma_start3A_178, %dma_start3A_179] : memref<1000000x128xf32, #tpu.memory_space<hbm>> -> memref<1000000x128xf32, #tpu.memory_space<hbm>>
    tpu.enqueue_indirect_dma source(%dma_start3A_180 : memref<1000000x128xf32, #tpu.memory_space<hbm>>) target(%dma_start3A_175 : memref<16x128xf32, #tpu.memory_space<vmem>>) offsets(%dma_start3A_177 : memref<16xi32, #tpu.memory_space<vmem>>) semaphore(%arg23 : memref<!tpu.dma_semaphore, #tpu.memory_space<semaphore_mem>>)
    %dma_start3A_181 = arith.constant 1 : i32
    %dma_start3A_182 = arith.constant 2 : i32
    %dma_start3A_183 = arith.constant 0 : i32
    %dma_start3A_184 = arith.constant 0 : i32
    %dma_start3A_185 = tpu.memref_slice %arg19[%dma_start3A_181, %dma_start3A_182, %dma_start3A_183, %dma_start3A_184] : memref<4x12x16x128xf32, #tpu.memory_space<vmem>> -> memref<1x1x16x128xf32, #tpu.memory_space<vmem>>
    %dma_start3A_186 = tpu.memref_squeeze %dma_start3A_185 : memref<1x1x16x128xf32, #tpu.memory_space<vmem>> -> memref<16x128xf32, #tpu.memory_space<vmem>>
    %dma_start3A_187 = arith.constant 16 : i32
    %dma_start3A_188 = tpu.memref_slice %arg14[%dma_start3A_187] : memref<512xi32, #tpu.memory_space<vmem>> -> memref<16xi32, #tpu.memory_space<vmem>>
    %dma_start3A_189 = arith.constant 0 : i32
    %dma_start3A_190 = arith.constant 0 : i32
    %dma_start3A_191 = tpu.memref_slice %arg2[%dma_start3A_189, %dma_start3A_190] : memref<1000000x128xf32, #tpu.memory_space<hbm>> -> memref<1000000x128xf32, #tpu.memory_space<hbm>>
    tpu.enqueue_indirect_dma source(%dma_start3A_191 : memref<1000000x128xf32, #tpu.memory_space<hbm>>) target(%dma_start3A_186 : memref<16x128xf32, #tpu.memory_space<vmem>>) offsets(%dma_start3A_188 : memref<16xi32, #tpu.memory_space<vmem>>) semaphore(%arg23 : memref<!tpu.dma_semaphore, #tpu.memory_space<semaphore_mem>>)
    %dma_start3A_192 = arith.constant 1 : i32
    %dma_start3A_193 = arith.constant 3 : i32
    %dma_start3A_194 = arith.constant 0 : i32
    %dma_start3A_195 = arith.constant 0 : i32
    %dma_start3A_196 = tpu.memref_slice %arg19[%dma_start3A_192, %dma_start3A_193, %dma_start3A_194, %dma_start3A_195] : memref<4x12x16x128xf32, #tpu.memory_space<vmem>> -> memref<1x1x16x128xf32, #tpu.memory_space<vmem>>
    %dma_start3A_197 = tpu.memref_squeeze %dma_start3A_196 : memref<1x1x16x128xf32, #tpu.memory_space<vmem>> -> memref<16x128xf32, #tpu.memory_space<vmem>>
    %dma_start3A_198 = arith.constant 16 : i32
    %dma_start3A_199 = tpu.memref_slice %arg14[%dma_start3A_198] : memref<512xi32, #tpu.memory_space<vmem>> -> memref<16xi32, #tpu.memory_space<vmem>>
    %dma_start3A_200 = arith.constant 0 : i32
    %dma_start3A_201 = arith.constant 0 : i32
    %dma_start3A_202 = tpu.memref_slice %arg3[%dma_start3A_200, %dma_start3A_201] : memref<1000000x128xf32, #tpu.memory_space<hbm>> -> memref<1000000x128xf32, #tpu.memory_space<hbm>>
    tpu.enqueue_indirect_dma source(%dma_start3A_202 : memref<1000000x128xf32, #tpu.memory_space<hbm>>) target(%dma_start3A_197 : memref<16x128xf32, #tpu.memory_space<vmem>>) offsets(%dma_start3A_199 : memref<16xi32, #tpu.memory_space<vmem>>) semaphore(%arg23 : memref<!tpu.dma_semaphore, #tpu.memory_space<semaphore_mem>>)
    %dma_start3A_203 = arith.constant 1 : i32
    %dma_start3A_204 = arith.constant 4 : i32
    %dma_start3A_205 = arith.constant 0 : i32
    %dma_start3A_206 = arith.constant 0 : i32
    %dma_start3A_207 = tpu.memref_slice %arg19[%dma_start3A_203, %dma_start3A_204, %dma_start3A_205, %dma_start3A_206] : memref<4x12x16x128xf32, #tpu.memory_space<vmem>> -> memref<1x1x16x128xf32, #tpu.memory_space<vmem>>
    %dma_start3A_208 = tpu.memref_squeeze %dma_start3A_207 : memref<1x1x16x128xf32, #tpu.memory_space<vmem>> -> memref<16x128xf32, #tpu.memory_space<vmem>>
    %dma_start3A_209 = arith.constant 16 : i32
    %dma_start3A_210 = tpu.memref_slice %arg15[%dma_start3A_209] : memref<512xi32, #tpu.memory_space<vmem>> -> memref<16xi32, #tpu.memory_space<vmem>>
    %dma_start3A_211 = arith.constant 0 : i32
    %dma_start3A_212 = arith.constant 0 : i32
    %dma_start3A_213 = tpu.memref_slice %arg4[%dma_start3A_211, %dma_start3A_212] : memref<1000x128xf32, #tpu.memory_space<hbm>> -> memref<1000x128xf32, #tpu.memory_space<hbm>>
    tpu.enqueue_indirect_dma source(%dma_start3A_213 : memref<1000x128xf32, #tpu.memory_space<hbm>>) target(%dma_start3A_208 : memref<16x128xf32, #tpu.memory_space<vmem>>) offsets(%dma_start3A_210 : memref<16xi32, #tpu.memory_space<vmem>>) semaphore(%arg23 : memref<!tpu.dma_semaphore, #tpu.memory_space<semaphore_mem>>)
    %dma_start3A_214 = arith.constant 1 : i32
    %dma_start3A_215 = arith.constant 5 : i32
    %dma_start3A_216 = arith.constant 0 : i32
    %dma_start3A_217 = arith.constant 0 : i32
    %dma_start3A_218 = tpu.memref_slice %arg19[%dma_start3A_214, %dma_start3A_215, %dma_start3A_216, %dma_start3A_217] : memref<4x12x16x128xf32, #tpu.memory_space<vmem>> -> memref<1x1x16x128xf32, #tpu.memory_space<vmem>>
    %dma_start3A_219 = tpu.memref_squeeze %dma_start3A_218 : memref<1x1x16x128xf32, #tpu.memory_space<vmem>> -> memref<16x128xf32, #tpu.memory_space<vmem>>
    %dma_start3A_220 = arith.constant 16 : i32
    %dma_start3A_221 = tpu.memref_slice %arg15[%dma_start3A_220] : memref<512xi32, #tpu.memory_space<vmem>> -> memref<16xi32, #tpu.memory_space<vmem>>
    %dma_start3A_222 = arith.constant 0 : i32
    %dma_start3A_223 = arith.constant 0 : i32
    %dma_start3A_224 = tpu.memref_slice %arg5[%dma_start3A_222, %dma_start3A_223] : memref<1000x128xf32, #tpu.memory_space<hbm>> -> memref<1000x128xf32, #tpu.memory_space<hbm>>
    tpu.enqueue_indirect_dma source(%dma_start3A_224 : memref<1000x128xf32, #tpu.memory_space<hbm>>) target(%dma_start3A_219 : memref<16x128xf32, #tpu.memory_space<vmem>>) offsets(%dma_start3A_221 : memref<16xi32, #tpu.memory_space<vmem>>) semaphore(%arg23 : memref<!tpu.dma_semaphore, #tpu.memory_space<semaphore_mem>>)
    %dma_start3A_225 = arith.constant 1 : i32
    %dma_start3A_226 = arith.constant 6 : i32
    %dma_start3A_227 = arith.constant 0 : i32
    %dma_start3A_228 = arith.constant 0 : i32
    %dma_start3A_229 = tpu.memref_slice %arg19[%dma_start3A_225, %dma_start3A_226, %dma_start3A_227, %dma_start3A_228] : memref<4x12x16x128xf32, #tpu.memory_space<vmem>> -> memref<1x1x16x128xf32, #tpu.memory_space<vmem>>
    %dma_start3A_230 = tpu.memref_squeeze %dma_start3A_229 : memref<1x1x16x128xf32, #tpu.memory_space<vmem>> -> memref<16x128xf32, #tpu.memory_space<vmem>>
    %dma_start3A_231 = arith.constant 16 : i32
    %dma_start3A_232 = tpu.memref_slice %arg16[%dma_start3A_231] : memref<512xi32, #tpu.memory_space<vmem>> -> memref<16xi32, #tpu.memory_space<vmem>>
    %dma_start3A_233 = arith.constant 0 : i32
    %dma_start3A_234 = arith.constant 0 : i32
    %dma_start3A_235 = tpu.memref_slice %arg2[%dma_start3A_233, %dma_start3A_234] : memref<1000000x128xf32, #tpu.memory_space<hbm>> -> memref<1000000x128xf32, #tpu.memory_space<hbm>>
    tpu.enqueue_indirect_dma source(%dma_start3A_235 : memref<1000000x128xf32, #tpu.memory_space<hbm>>) target(%dma_start3A_230 : memref<16x128xf32, #tpu.memory_space<vmem>>) offsets(%dma_start3A_232 : memref<16xi32, #tpu.memory_space<vmem>>) semaphore(%arg23 : memref<!tpu.dma_semaphore, #tpu.memory_space<semaphore_mem>>)
    %dma_start3A_236 = arith.constant 1 : i32
    %dma_start3A_237 = arith.constant 7 : i32
    %dma_start3A_238 = arith.constant 0 : i32
    %dma_start3A_239 = arith.constant 0 : i32
    %dma_start3A_240 = tpu.memref_slice %arg19[%dma_start3A_236, %dma_start3A_237, %dma_start3A_238, %dma_start3A_239] : memref<4x12x16x128xf32, #tpu.memory_space<vmem>> -> memref<1x1x16x128xf32, #tpu.memory_space<vmem>>
    %dma_start3A_241 = tpu.memref_squeeze %dma_start3A_240 : memref<1x1x16x128xf32, #tpu.memory_space<vmem>> -> memref<16x128xf32, #tpu.memory_space<vmem>>
    %dma_start3A_242 = arith.constant 16 : i32
    %dma_start3A_243 = tpu.memref_slice %arg16[%dma_start3A_242] : memref<512xi32, #tpu.memory_space<vmem>> -> memref<16xi32, #tpu.memory_space<vmem>>
    %dma_start3A_244 = arith.constant 0 : i32
    %dma_start3A_245 = arith.constant 0 : i32
    %dma_start3A_246 = tpu.memref_slice %arg3[%dma_start3A_244, %dma_start3A_245] : memref<1000000x128xf32, #tpu.memory_space<hbm>> -> memref<1000000x128xf32, #tpu.memory_space<hbm>>
    tpu.enqueue_indirect_dma source(%dma_start3A_246 : memref<1000000x128xf32, #tpu.memory_space<hbm>>) target(%dma_start3A_241 : memref<16x128xf32, #tpu.memory_space<vmem>>) offsets(%dma_start3A_243 : memref<16xi32, #tpu.memory_space<vmem>>) semaphore(%arg23 : memref<!tpu.dma_semaphore, #tpu.memory_space<semaphore_mem>>)
    %dma_start3A_247 = arith.constant 1 : i32
    %dma_start3A_248 = arith.constant 8 : i32
    %dma_start3A_249 = arith.constant 0 : i32
    %dma_start3A_250 = arith.constant 0 : i32
    %dma_start3A_251 = tpu.memref_slice %arg19[%dma_start3A_247, %dma_start3A_248, %dma_start3A_249, %dma_start3A_250] : memref<4x12x16x128xf32, #tpu.memory_space<vmem>> -> memref<1x1x16x128xf32, #tpu.memory_space<vmem>>
    %dma_start3A_252 = tpu.memref_squeeze %dma_start3A_251 : memref<1x1x16x128xf32, #tpu.memory_space<vmem>> -> memref<16x128xf32, #tpu.memory_space<vmem>>
    %dma_start3A_253 = arith.constant 16 : i32
    %dma_start3A_254 = tpu.memref_slice %arg17[%dma_start3A_253] : memref<512xi32, #tpu.memory_space<vmem>> -> memref<16xi32, #tpu.memory_space<vmem>>
    %dma_start3A_255 = arith.constant 0 : i32
    %dma_start3A_256 = arith.constant 0 : i32
    %dma_start3A_257 = tpu.memref_slice %arg2[%dma_start3A_255, %dma_start3A_256] : memref<1000000x128xf32, #tpu.memory_space<hbm>> -> memref<1000000x128xf32, #tpu.memory_space<hbm>>
    tpu.enqueue_indirect_dma source(%dma_start3A_257 : memref<1000000x128xf32, #tpu.memory_space<hbm>>) target(%dma_start3A_252 : memref<16x128xf32, #tpu.memory_space<vmem>>) offsets(%dma_start3A_254 : memref<16xi32, #tpu.memory_space<vmem>>) semaphore(%arg23 : memref<!tpu.dma_semaphore, #tpu.memory_space<semaphore_mem>>)
    %dma_start3A_258 = arith.constant 1 : i32
    %dma_start3A_259 = arith.constant 9 : i32
    %dma_start3A_260 = arith.constant 0 : i32
    %dma_start3A_261 = arith.constant 0 : i32
    %dma_start3A_262 = tpu.memref_slice %arg19[%dma_start3A_258, %dma_start3A_259, %dma_start3A_260, %dma_start3A_261] : memref<4x12x16x128xf32, #tpu.memory_space<vmem>> -> memref<1x1x16x128xf32, #tpu.memory_space<vmem>>
    %dma_start3A_263 = tpu.memref_squeeze %dma_start3A_262 : memref<1x1x16x128xf32, #tpu.memory_space<vmem>> -> memref<16x128xf32, #tpu.memory_space<vmem>>
    %dma_start3A_264 = arith.constant 16 : i32
    %dma_start3A_265 = tpu.memref_slice %arg17[%dma_start3A_264] : memref<512xi32, #tpu.memory_space<vmem>> -> memref<16xi32, #tpu.memory_space<vmem>>
    %dma_start3A_266 = arith.constant 0 : i32
    %dma_start3A_267 = arith.constant 0 : i32
    %dma_start3A_268 = tpu.memref_slice %arg3[%dma_start3A_266, %dma_start3A_267] : memref<1000000x128xf32, #tpu.memory_space<hbm>> -> memref<1000000x128xf32, #tpu.memory_space<hbm>>
    tpu.enqueue_indirect_dma source(%dma_start3A_268 : memref<1000000x128xf32, #tpu.memory_space<hbm>>) target(%dma_start3A_263 : memref<16x128xf32, #tpu.memory_space<vmem>>) offsets(%dma_start3A_265 : memref<16xi32, #tpu.memory_space<vmem>>) semaphore(%arg23 : memref<!tpu.dma_semaphore, #tpu.memory_space<semaphore_mem>>)
    %dma_start3A_269 = arith.constant 1 : i32
    %dma_start3A_270 = arith.constant 10 : i32
    %dma_start3A_271 = arith.constant 0 : i32
    %dma_start3A_272 = arith.constant 0 : i32
    %dma_start3A_273 = tpu.memref_slice %arg19[%dma_start3A_269, %dma_start3A_270, %dma_start3A_271, %dma_start3A_272] : memref<4x12x16x128xf32, #tpu.memory_space<vmem>> -> memref<1x1x16x128xf32, #tpu.memory_space<vmem>>
    %dma_start3A_274 = tpu.memref_squeeze %dma_start3A_273 : memref<1x1x16x128xf32, #tpu.memory_space<vmem>> -> memref<16x128xf32, #tpu.memory_space<vmem>>
    %dma_start3A_275 = arith.constant 16 : i32
    %dma_start3A_276 = tpu.memref_slice %arg18[%dma_start3A_275] : memref<512xi32, #tpu.memory_space<vmem>> -> memref<16xi32, #tpu.memory_space<vmem>>
    %dma_start3A_277 = arith.constant 0 : i32
    %dma_start3A_278 = arith.constant 0 : i32
    %dma_start3A_279 = tpu.memref_slice %arg4[%dma_start3A_277, %dma_start3A_278] : memref<1000x128xf32, #tpu.memory_space<hbm>> -> memref<1000x128xf32, #tpu.memory_space<hbm>>
    tpu.enqueue_indirect_dma source(%dma_start3A_279 : memref<1000x128xf32, #tpu.memory_space<hbm>>) target(%dma_start3A_274 : memref<16x128xf32, #tpu.memory_space<vmem>>) offsets(%dma_start3A_276 : memref<16xi32, #tpu.memory_space<vmem>>) semaphore(%arg23 : memref<!tpu.dma_semaphore, #tpu.memory_space<semaphore_mem>>)
    %dma_start3A_280 = arith.constant 1 : i32
    %dma_start3A_281 = arith.constant 11 : i32
    %dma_start3A_282 = arith.constant 0 : i32
    %dma_start3A_283 = arith.constant 0 : i32
    %dma_start3A_284 = tpu.memref_slice %arg19[%dma_start3A_280, %dma_start3A_281, %dma_start3A_282, %dma_start3A_283] : memref<4x12x16x128xf32, #tpu.memory_space<vmem>> -> memref<1x1x16x128xf32, #tpu.memory_space<vmem>>
    %dma_start3A_285 = tpu.memref_squeeze %dma_start3A_284 : memref<1x1x16x128xf32, #tpu.memory_space<vmem>> -> memref<16x128xf32, #tpu.memory_space<vmem>>
    %dma_start3A_286 = arith.constant 16 : i32
    %dma_start3A_287 = tpu.memref_slice %arg18[%dma_start3A_286] : memref<512xi32, #tpu.memory_space<vmem>> -> memref<16xi32, #tpu.memory_space<vmem>>
    %dma_start3A_288 = arith.constant 0 : i32
    %dma_start3A_289 = arith.constant 0 : i32
    %dma_start3A_290 = tpu.memref_slice %arg5[%dma_start3A_288, %dma_start3A_289] : memref<1000x128xf32, #tpu.memory_space<hbm>> -> memref<1000x128xf32, #tpu.memory_space<hbm>>
    tpu.enqueue_indirect_dma source(%dma_start3A_290 : memref<1000x128xf32, #tpu.memory_space<hbm>>) target(%dma_start3A_285 : memref<16x128xf32, #tpu.memory_space<vmem>>) offsets(%dma_start3A_287 : memref<16xi32, #tpu.memory_space<vmem>>) semaphore(%arg23 : memref<!tpu.dma_semaphore, #tpu.memory_space<semaphore_mem>>)
    %dma_start3A_291 = arith.constant 2 : i32
    %dma_start3A_292 = arith.constant 0 : i32
    %dma_start3A_293 = arith.constant 0 : i32
    %dma_start3A_294 = arith.constant 0 : i32
    %dma_start3A_295 = tpu.memref_slice %arg19[%dma_start3A_291, %dma_start3A_292, %dma_start3A_293, %dma_start3A_294] : memref<4x12x16x128xf32, #tpu.memory_space<vmem>> -> memref<1x1x16x128xf32, #tpu.memory_space<vmem>>
    %dma_start3A_296 = tpu.memref_squeeze %dma_start3A_295 : memref<1x1x16x128xf32, #tpu.memory_space<vmem>> -> memref<16x128xf32, #tpu.memory_space<vmem>>
    %dma_start3A_297 = arith.constant 32 : i32
    %dma_start3A_298 = tpu.memref_slice %arg13[%dma_start3A_297] : memref<512xi32, #tpu.memory_space<vmem>> -> memref<16xi32, #tpu.memory_space<vmem>>
    %dma_start3A_299 = arith.constant 0 : i32
    %dma_start3A_300 = arith.constant 0 : i32
    %dma_start3A_301 = tpu.memref_slice %arg2[%dma_start3A_299, %dma_start3A_300] : memref<1000000x128xf32, #tpu.memory_space<hbm>> -> memref<1000000x128xf32, #tpu.memory_space<hbm>>
    tpu.enqueue_indirect_dma source(%dma_start3A_301 : memref<1000000x128xf32, #tpu.memory_space<hbm>>) target(%dma_start3A_296 : memref<16x128xf32, #tpu.memory_space<vmem>>) offsets(%dma_start3A_298 : memref<16xi32, #tpu.memory_space<vmem>>) semaphore(%arg24 : memref<!tpu.dma_semaphore, #tpu.memory_space<semaphore_mem>>)
    %dma_start3A_302 = arith.constant 2 : i32
    %dma_start3A_303 = arith.constant 1 : i32
    %dma_start3A_304 = arith.constant 0 : i32
    %dma_start3A_305 = arith.constant 0 : i32
    %dma_start3A_306 = tpu.memref_slice %arg19[%dma_start3A_302, %dma_start3A_303, %dma_start3A_304, %dma_start3A_305] : memref<4x12x16x128xf32, #tpu.memory_space<vmem>> -> memref<1x1x16x128xf32, #tpu.memory_space<vmem>>
    %dma_start3A_307 = tpu.memref_squeeze %dma_start3A_306 : memref<1x1x16x128xf32, #tpu.memory_space<vmem>> -> memref<16x128xf32, #tpu.memory_space<vmem>>
    %dma_start3A_308 = arith.constant 32 : i32
    %dma_start3A_309 = tpu.memref_slice %arg13[%dma_start3A_308] : memref<512xi32, #tpu.memory_space<vmem>> -> memref<16xi32, #tpu.memory_space<vmem>>
    %dma_start3A_310 = arith.constant 0 : i32
    %dma_start3A_311 = arith.constant 0 : i32
    %dma_start3A_312 = tpu.memref_slice %arg3[%dma_start3A_310, %dma_start3A_311] : memref<1000000x128xf32, #tpu.memory_space<hbm>> -> memref<1000000x128xf32, #tpu.memory_space<hbm>>
    tpu.enqueue_indirect_dma source(%dma_start3A_312 : memref<1000000x128xf32, #tpu.memory_space<hbm>>) target(%dma_start3A_307 : memref<16x128xf32, #tpu.memory_space<vmem>>) offsets(%dma_start3A_309 : memref<16xi32, #tpu.memory_space<vmem>>) semaphore(%arg24 : memref<!tpu.dma_semaphore, #tpu.memory_space<semaphore_mem>>)
    %dma_start3A_313 = arith.constant 2 : i32
    %dma_start3A_314 = arith.constant 2 : i32
    %dma_start3A_315 = arith.constant 0 : i32
    %dma_start3A_316 = arith.constant 0 : i32
    %dma_start3A_317 = tpu.memref_slice %arg19[%dma_start3A_313, %dma_start3A_314, %dma_start3A_315, %dma_start3A_316] : memref<4x12x16x128xf32, #tpu.memory_space<vmem>> -> memref<1x1x16x128xf32, #tpu.memory_space<vmem>>
    %dma_start3A_318 = tpu.memref_squeeze %dma_start3A_317 : memref<1x1x16x128xf32, #tpu.memory_space<vmem>> -> memref<16x128xf32, #tpu.memory_space<vmem>>
    %dma_start3A_319 = arith.constant 32 : i32
    %dma_start3A_320 = tpu.memref_slice %arg14[%dma_start3A_319] : memref<512xi32, #tpu.memory_space<vmem>> -> memref<16xi32, #tpu.memory_space<vmem>>
    %dma_start3A_321 = arith.constant 0 : i32
    %dma_start3A_322 = arith.constant 0 : i32
    %dma_start3A_323 = tpu.memref_slice %arg2[%dma_start3A_321, %dma_start3A_322] : memref<1000000x128xf32, #tpu.memory_space<hbm>> -> memref<1000000x128xf32, #tpu.memory_space<hbm>>
    tpu.enqueue_indirect_dma source(%dma_start3A_323 : memref<1000000x128xf32, #tpu.memory_space<hbm>>) target(%dma_start3A_318 : memref<16x128xf32, #tpu.memory_space<vmem>>) offsets(%dma_start3A_320 : memref<16xi32, #tpu.memory_space<vmem>>) semaphore(%arg24 : memref<!tpu.dma_semaphore, #tpu.memory_space<semaphore_mem>>)
    %dma_start3A_324 = arith.constant 2 : i32
    %dma_start3A_325 = arith.constant 3 : i32
    %dma_start3A_326 = arith.constant 0 : i32
    %dma_start3A_327 = arith.constant 0 : i32
    %dma_start3A_328 = tpu.memref_slice %arg19[%dma_start3A_324, %dma_start3A_325, %dma_start3A_326, %dma_start3A_327] : memref<4x12x16x128xf32, #tpu.memory_space<vmem>> -> memref<1x1x16x128xf32, #tpu.memory_space<vmem>>
    %dma_start3A_329 = tpu.memref_squeeze %dma_start3A_328 : memref<1x1x16x128xf32, #tpu.memory_space<vmem>> -> memref<16x128xf32, #tpu.memory_space<vmem>>
    %dma_start3A_330 = arith.constant 32 : i32
    %dma_start3A_331 = tpu.memref_slice %arg14[%dma_start3A_330] : memref<512xi32, #tpu.memory_space<vmem>> -> memref<16xi32, #tpu.memory_space<vmem>>
    %dma_start3A_332 = arith.constant 0 : i32
    %dma_start3A_333 = arith.constant 0 : i32
    %dma_start3A_334 = tpu.memref_slice %arg3[%dma_start3A_332, %dma_start3A_333] : memref<1000000x128xf32, #tpu.memory_space<hbm>> -> memref<1000000x128xf32, #tpu.memory_space<hbm>>
    tpu.enqueue_indirect_dma source(%dma_start3A_334 : memref<1000000x128xf32, #tpu.memory_space<hbm>>) target(%dma_start3A_329 : memref<16x128xf32, #tpu.memory_space<vmem>>) offsets(%dma_start3A_331 : memref<16xi32, #tpu.memory_space<vmem>>) semaphore(%arg24 : memref<!tpu.dma_semaphore, #tpu.memory_space<semaphore_mem>>)
    %dma_start3A_335 = arith.constant 2 : i32
    %dma_start3A_336 = arith.constant 4 : i32
    %dma_start3A_337 = arith.constant 0 : i32
    %dma_start3A_338 = arith.constant 0 : i32
    %dma_start3A_339 = tpu.memref_slice %arg19[%dma_start3A_335, %dma_start3A_336, %dma_start3A_337, %dma_start3A_338] : memref<4x12x16x128xf32, #tpu.memory_space<vmem>> -> memref<1x1x16x128xf32, #tpu.memory_space<vmem>>
    %dma_start3A_340 = tpu.memref_squeeze %dma_start3A_339 : memref<1x1x16x128xf32, #tpu.memory_space<vmem>> -> memref<16x128xf32, #tpu.memory_space<vmem>>
    %dma_start3A_341 = arith.constant 32 : i32
    %dma_start3A_342 = tpu.memref_slice %arg15[%dma_start3A_341] : memref<512xi32, #tpu.memory_space<vmem>> -> memref<16xi32, #tpu.memory_space<vmem>>
    %dma_start3A_343 = arith.constant 0 : i32
    %dma_start3A_344 = arith.constant 0 : i32
    %dma_start3A_345 = tpu.memref_slice %arg4[%dma_start3A_343, %dma_start3A_344] : memref<1000x128xf32, #tpu.memory_space<hbm>> -> memref<1000x128xf32, #tpu.memory_space<hbm>>
    tpu.enqueue_indirect_dma source(%dma_start3A_345 : memref<1000x128xf32, #tpu.memory_space<hbm>>) target(%dma_start3A_340 : memref<16x128xf32, #tpu.memory_space<vmem>>) offsets(%dma_start3A_342 : memref<16xi32, #tpu.memory_space<vmem>>) semaphore(%arg24 : memref<!tpu.dma_semaphore, #tpu.memory_space<semaphore_mem>>)
    %dma_start3A_346 = arith.constant 2 : i32
    %dma_start3A_347 = arith.constant 5 : i32
    %dma_start3A_348 = arith.constant 0 : i32
    %dma_start3A_349 = arith.constant 0 : i32
    %dma_start3A_350 = tpu.memref_slice %arg19[%dma_start3A_346, %dma_start3A_347, %dma_start3A_348, %dma_start3A_349] : memref<4x12x16x128xf32, #tpu.memory_space<vmem>> -> memref<1x1x16x128xf32, #tpu.memory_space<vmem>>
    %dma_start3A_351 = tpu.memref_squeeze %dma_start3A_350 : memref<1x1x16x128xf32, #tpu.memory_space<vmem>> -> memref<16x128xf32, #tpu.memory_space<vmem>>
    %dma_start3A_352 = arith.constant 32 : i32
    %dma_start3A_353 = tpu.memref_slice %arg15[%dma_start3A_352] : memref<512xi32, #tpu.memory_space<vmem>> -> memref<16xi32, #tpu.memory_space<vmem>>
    %dma_start3A_354 = arith.constant 0 : i32
    %dma_start3A_355 = arith.constant 0 : i32
    %dma_start3A_356 = tpu.memref_slice %arg5[%dma_start3A_354, %dma_start3A_355] : memref<1000x128xf32, #tpu.memory_space<hbm>> -> memref<1000x128xf32, #tpu.memory_space<hbm>>
    tpu.enqueue_indirect_dma source(%dma_start3A_356 : memref<1000x128xf32, #tpu.memory_space<hbm>>) target(%dma_start3A_351 : memref<16x128xf32, #tpu.memory_space<vmem>>) offsets(%dma_start3A_353 : memref<16xi32, #tpu.memory_space<vmem>>) semaphore(%arg24 : memref<!tpu.dma_semaphore, #tpu.memory_space<semaphore_mem>>)
    %dma_start3A_357 = arith.constant 2 : i32
    %dma_start3A_358 = arith.constant 6 : i32
    %dma_start3A_359 = arith.constant 0 : i32
    %dma_start3A_360 = arith.constant 0 : i32
    %dma_start3A_361 = tpu.memref_slice %arg19[%dma_start3A_357, %dma_start3A_358, %dma_start3A_359, %dma_start3A_360] : memref<4x12x16x128xf32, #tpu.memory_space<vmem>> -> memref<1x1x16x128xf32, #tpu.memory_space<vmem>>
    %dma_start3A_362 = tpu.memref_squeeze %dma_start3A_361 : memref<1x1x16x128xf32, #tpu.memory_space<vmem>> -> memref<16x128xf32, #tpu.memory_space<vmem>>
    %dma_start3A_363 = arith.constant 32 : i32
    %dma_start3A_364 = tpu.memref_slice %arg16[%dma_start3A_363] : memref<512xi32, #tpu.memory_space<vmem>> -> memref<16xi32, #tpu.memory_space<vmem>>
    %dma_start3A_365 = arith.constant 0 : i32
    %dma_start3A_366 = arith.constant 0 : i32
    %dma_start3A_367 = tpu.memref_slice %arg2[%dma_start3A_365, %dma_start3A_366] : memref<1000000x128xf32, #tpu.memory_space<hbm>> -> memref<1000000x128xf32, #tpu.memory_space<hbm>>
    tpu.enqueue_indirect_dma source(%dma_start3A_367 : memref<1000000x128xf32, #tpu.memory_space<hbm>>) target(%dma_start3A_362 : memref<16x128xf32, #tpu.memory_space<vmem>>) offsets(%dma_start3A_364 : memref<16xi32, #tpu.memory_space<vmem>>) semaphore(%arg24 : memref<!tpu.dma_semaphore, #tpu.memory_space<semaphore_mem>>)
    %dma_start3A_368 = arith.constant 2 : i32
    %dma_start3A_369 = arith.constant 7 : i32
    %dma_start3A_370 = arith.constant 0 : i32
    %dma_start3A_371 = arith.constant 0 : i32
    %dma_start3A_372 = tpu.memref_slice %arg19[%dma_start3A_368, %dma_start3A_369, %dma_start3A_370, %dma_start3A_371] : memref<4x12x16x128xf32, #tpu.memory_space<vmem>> -> memref<1x1x16x128xf32, #tpu.memory_space<vmem>>
    %dma_start3A_373 = tpu.memref_squeeze %dma_start3A_372 : memref<1x1x16x128xf32, #tpu.memory_space<vmem>> -> memref<16x128xf32, #tpu.memory_space<vmem>>
    %dma_start3A_374 = arith.constant 32 : i32
    %dma_start3A_375 = tpu.memref_slice %arg16[%dma_start3A_374] : memref<512xi32, #tpu.memory_space<vmem>> -> memref<16xi32, #tpu.memory_space<vmem>>
    %dma_start3A_376 = arith.constant 0 : i32
    %dma_start3A_377 = arith.constant 0 : i32
    %dma_start3A_378 = tpu.memref_slice %arg3[%dma_start3A_376, %dma_start3A_377] : memref<1000000x128xf32, #tpu.memory_space<hbm>> -> memref<1000000x128xf32, #tpu.memory_space<hbm>>
    tpu.enqueue_indirect_dma source(%dma_start3A_378 : memref<1000000x128xf32, #tpu.memory_space<hbm>>) target(%dma_start3A_373 : memref<16x128xf32, #tpu.memory_space<vmem>>) offsets(%dma_start3A_375 : memref<16xi32, #tpu.memory_space<vmem>>) semaphore(%arg24 : memref<!tpu.dma_semaphore, #tpu.memory_space<semaphore_mem>>)
    %dma_start3A_379 = arith.constant 2 : i32
    %dma_start3A_380 = arith.constant 8 : i32
    %dma_start3A_381 = arith.constant 0 : i32
    %dma_start3A_382 = arith.constant 0 : i32
    %dma_start3A_383 = tpu.memref_slice %arg19[%dma_start3A_379, %dma_start3A_380, %dma_start3A_381, %dma_start3A_382] : memref<4x12x16x128xf32, #tpu.memory_space<vmem>> -> memref<1x1x16x128xf32, #tpu.memory_space<vmem>>
    %dma_start3A_384 = tpu.memref_squeeze %dma_start3A_383 : memref<1x1x16x128xf32, #tpu.memory_space<vmem>> -> memref<16x128xf32, #tpu.memory_space<vmem>>
    %dma_start3A_385 = arith.constant 32 : i32
    %dma_start3A_386 = tpu.memref_slice %arg17[%dma_start3A_385] : memref<512xi32, #tpu.memory_space<vmem>> -> memref<16xi32, #tpu.memory_space<vmem>>
    %dma_start3A_387 = arith.constant 0 : i32
    %dma_start3A_388 = arith.constant 0 : i32
    %dma_start3A_389 = tpu.memref_slice %arg2[%dma_start3A_387, %dma_start3A_388] : memref<1000000x128xf32, #tpu.memory_space<hbm>> -> memref<1000000x128xf32, #tpu.memory_space<hbm>>
    tpu.enqueue_indirect_dma source(%dma_start3A_389 : memref<1000000x128xf32, #tpu.memory_space<hbm>>) target(%dma_start3A_384 : memref<16x128xf32, #tpu.memory_space<vmem>>) offsets(%dma_start3A_386 : memref<16xi32, #tpu.memory_space<vmem>>) semaphore(%arg24 : memref<!tpu.dma_semaphore, #tpu.memory_space<semaphore_mem>>)
    %dma_start3A_390 = arith.constant 2 : i32
    %dma_start3A_391 = arith.constant 9 : i32
    %dma_start3A_392 = arith.constant 0 : i32
    %dma_start3A_393 = arith.constant 0 : i32
    %dma_start3A_394 = tpu.memref_slice %arg19[%dma_start3A_390, %dma_start3A_391, %dma_start3A_392, %dma_start3A_393] : memref<4x12x16x128xf32, #tpu.memory_space<vmem>> -> memref<1x1x16x128xf32, #tpu.memory_space<vmem>>
    %dma_start3A_395 = tpu.memref_squeeze %dma_start3A_394 : memref<1x1x16x128xf32, #tpu.memory_space<vmem>> -> memref<16x128xf32, #tpu.memory_space<vmem>>
    %dma_start3A_396 = arith.constant 32 : i32
    %dma_start3A_397 = tpu.memref_slice %arg17[%dma_start3A_396] : memref<512xi32, #tpu.memory_space<vmem>> -> memref<16xi32, #tpu.memory_space<vmem>>
    %dma_start3A_398 = arith.constant 0 : i32
    %dma_start3A_399 = arith.constant 0 : i32
    %dma_start3A_400 = tpu.memref_slice %arg3[%dma_start3A_398, %dma_start3A_399] : memref<1000000x128xf32, #tpu.memory_space<hbm>> -> memref<1000000x128xf32, #tpu.memory_space<hbm>>
    tpu.enqueue_indirect_dma source(%dma_start3A_400 : memref<1000000x128xf32, #tpu.memory_space<hbm>>) target(%dma_start3A_395 : memref<16x128xf32, #tpu.memory_space<vmem>>) offsets(%dma_start3A_397 : memref<16xi32, #tpu.memory_space<vmem>>) semaphore(%arg24 : memref<!tpu.dma_semaphore, #tpu.memory_space<semaphore_mem>>)
    %dma_start3A_401 = arith.constant 2 : i32
    %dma_start3A_402 = arith.constant 10 : i32
    %dma_start3A_403 = arith.constant 0 : i32
    %dma_start3A_404 = arith.constant 0 : i32
    %dma_start3A_405 = tpu.memref_slice %arg19[%dma_start3A_401, %dma_start3A_402, %dma_start3A_403, %dma_start3A_404] : memref<4x12x16x128xf32, #tpu.memory_space<vmem>> -> memref<1x1x16x128xf32, #tpu.memory_space<vmem>>
    %dma_start3A_406 = tpu.memref_squeeze %dma_start3A_405 : memref<1x1x16x128xf32, #tpu.memory_space<vmem>> -> memref<16x128xf32, #tpu.memory_space<vmem>>
    %dma_start3A_407 = arith.constant 32 : i32
    %dma_start3A_408 = tpu.memref_slice %arg18[%dma_start3A_407] : memref<512xi32, #tpu.memory_space<vmem>> -> memref<16xi32, #tpu.memory_space<vmem>>
    %dma_start3A_409 = arith.constant 0 : i32
    %dma_start3A_410 = arith.constant 0 : i32
    %dma_start3A_411 = tpu.memref_slice %arg4[%dma_start3A_409, %dma_start3A_410] : memref<1000x128xf32, #tpu.memory_space<hbm>> -> memref<1000x128xf32, #tpu.memory_space<hbm>>
    tpu.enqueue_indirect_dma source(%dma_start3A_411 : memref<1000x128xf32, #tpu.memory_space<hbm>>) target(%dma_start3A_406 : memref<16x128xf32, #tpu.memory_space<vmem>>) offsets(%dma_start3A_408 : memref<16xi32, #tpu.memory_space<vmem>>) semaphore(%arg24 : memref<!tpu.dma_semaphore, #tpu.memory_space<semaphore_mem>>)
    %dma_start3A_412 = arith.constant 2 : i32
    %dma_start3A_413 = arith.constant 11 : i32
    %dma_start3A_414 = arith.constant 0 : i32
    %dma_start3A_415 = arith.constant 0 : i32
    %dma_start3A_416 = tpu.memref_slice %arg19[%dma_start3A_412, %dma_start3A_413, %dma_start3A_414, %dma_start3A_415] : memref<4x12x16x128xf32, #tpu.memory_space<vmem>> -> memref<1x1x16x128xf32, #tpu.memory_space<vmem>>
    %dma_start3A_417 = tpu.memref_squeeze %dma_start3A_416 : memref<1x1x16x128xf32, #tpu.memory_space<vmem>> -> memref<16x128xf32, #tpu.memory_space<vmem>>
    %dma_start3A_418 = arith.constant 32 : i32
    %dma_start3A_419 = tpu.memref_slice %arg18[%dma_start3A_418] : memref<512xi32, #tpu.memory_space<vmem>> -> memref<16xi32, #tpu.memory_space<vmem>>
    %dma_start3A_420 = arith.constant 0 : i32
    %dma_start3A_421 = arith.constant 0 : i32
    %dma_start3A_422 = tpu.memref_slice %arg5[%dma_start3A_420, %dma_start3A_421] : memref<1000x128xf32, #tpu.memory_space<hbm>> -> memref<1000x128xf32, #tpu.memory_space<hbm>>
    tpu.enqueue_indirect_dma source(%dma_start3A_422 : memref<1000x128xf32, #tpu.memory_space<hbm>>) target(%dma_start3A_417 : memref<16x128xf32, #tpu.memory_space<vmem>>) offsets(%dma_start3A_419 : memref<16xi32, #tpu.memory_space<vmem>>) semaphore(%arg24 : memref<!tpu.dma_semaphore, #tpu.memory_space<semaphore_mem>>)
    %scan3A = arith.constant 0 : i32
    %scan3A_423 = arith.constant 8 : i32
    %scan3A_424 = arith.addi %scan3A, %scan3A_423 : i32
    %scan3A_425 = arith.constant 1 : i32
    scf.for %scan3A_427 = %scan3A to %scan3A_424 step %scan3A_425  : i32 {
      %mul3A_428 = arith.constant 1 : i32
      %mul3A_429 = arith.muli %scan3A_427, %mul3A_428 : i32
      %add3A_430 = arith.constant 0 : i32
      %add3A_431 = arith.addi %add3A_430, %mul3A_429 : i32
      %mul3A_432 = arith.constant 4 : i32
      %mul3A_433 = arith.muli %add3A_431, %mul3A_432 : i32
      %add3A_434 = arith.constant 0 : i32
      %add3A_435 = arith.addi %mul3A_433, %add3A_434 : i32
      %add3A_436 = arith.constant 4 : i32
      %add3A_437 = arith.addi %add3A_435, %add3A_436 : i32
      %sub3A = arith.constant 1 : i32
      %sub3A_438 = arith.subi %add3A_437, %sub3A : i32
      %lt3A = arith.constant 32 : i32
      %lt3A_439 = arith.cmpi slt, %sub3A_438, %lt3A : i32
      %add3A_440 = arith.constant 0 : i32
      %add3A_441 = arith.addi %mul3A_433, %add3A_440 : i32
      %add3A_442 = arith.constant 4 : i32
      %add3A_443 = arith.addi %add3A_441, %add3A_442 : i32
      %sub3A_444 = arith.constant 1 : i32
      %sub3A_445 = arith.subi %add3A_443, %sub3A_444 : i32
      %convert_element_type3A = arith.extui %lt3A_439 : i1 to i32
      %cond3A = arith.constant 0 : i32
      %cond3A_446 = arith.cmpi ne, %convert_element_type3A, %cond3A : i32
      scf.if %cond3A_446 {
        %mul3A_1152 = arith.constant 16 : i32
        %mul3A_1153 = arith.muli %sub3A_445, %mul3A_1152 : i32
        %dma_start3A_1154 = arith.constant 3 : i32
        %dma_start3A_1155 = arith.constant 0 : i32
        %dma_start3A_1156 = arith.constant 0 : i32
        %dma_start3A_1157 = arith.constant 0 : i32
        %dma_start3A_1158 = tpu.memref_slice %arg19[%dma_start3A_1154, %dma_start3A_1155, %dma_start3A_1156, %dma_start3A_1157] : memref<4x12x16x128xf32, #tpu.memory_space<vmem>> -> memref<1x1x16x128xf32, #tpu.memory_space<vmem>>
        %dma_start3A_1159 = tpu.memref_squeeze %dma_start3A_1158 : memref<1x1x16x128xf32, #tpu.memory_space<vmem>> -> memref<16x128xf32, #tpu.memory_space<vmem>>
        %dma_start3A_1160 = tpu.memref_slice %arg13[%mul3A_1153] : memref<512xi32, #tpu.memory_space<vmem>> -> memref<16xi32, #tpu.memory_space<vmem>>
        %dma_start3A_1161 = arith.constant 0 : i32
        %dma_start3A_1162 = arith.constant 0 : i32
        %dma_start3A_1163 = tpu.memref_slice %arg2[%dma_start3A_1161, %dma_start3A_1162] : memref<1000000x128xf32, #tpu.memory_space<hbm>> -> memref<1000000x128xf32, #tpu.memory_space<hbm>>
        tpu.enqueue_indirect_dma source(%dma_start3A_1163 : memref<1000000x128xf32, #tpu.memory_space<hbm>>) target(%dma_start3A_1159 : memref<16x128xf32, #tpu.memory_space<vmem>>) offsets(%dma_start3A_1160 : memref<16xi32, #tpu.memory_space<vmem>>) semaphore(%arg25 : memref<!tpu.dma_semaphore, #tpu.memory_space<semaphore_mem>>)
        %dma_start3A_1164 = arith.constant 3 : i32
        %dma_start3A_1165 = arith.constant 1 : i32
        %dma_start3A_1166 = arith.constant 0 : i32
        %dma_start3A_1167 = arith.constant 0 : i32
        %dma_start3A_1168 = tpu.memref_slice %arg19[%dma_start3A_1164, %dma_start3A_1165, %dma_start3A_1166, %dma_start3A_1167] : memref<4x12x16x128xf32, #tpu.memory_space<vmem>> -> memref<1x1x16x128xf32, #tpu.memory_space<vmem>>
        %dma_start3A_1169 = tpu.memref_squeeze %dma_start3A_1168 : memref<1x1x16x128xf32, #tpu.memory_space<vmem>> -> memref<16x128xf32, #tpu.memory_space<vmem>>
        %dma_start3A_1170 = tpu.memref_slice %arg13[%mul3A_1153] : memref<512xi32, #tpu.memory_space<vmem>> -> memref<16xi32, #tpu.memory_space<vmem>>
        %dma_start3A_1171 = arith.constant 0 : i32
        %dma_start3A_1172 = arith.constant 0 : i32
        %dma_start3A_1173 = tpu.memref_slice %arg3[%dma_start3A_1171, %dma_start3A_1172] : memref<1000000x128xf32, #tpu.memory_space<hbm>> -> memref<1000000x128xf32, #tpu.memory_space<hbm>>
        tpu.enqueue_indirect_dma source(%dma_start3A_1173 : memref<1000000x128xf32, #tpu.memory_space<hbm>>) target(%dma_start3A_1169 : memref<16x128xf32, #tpu.memory_space<vmem>>) offsets(%dma_start3A_1170 : memref<16xi32, #tpu.memory_space<vmem>>) semaphore(%arg25 : memref<!tpu.dma_semaphore, #tpu.memory_space<semaphore_mem>>)
        %dma_start3A_1174 = arith.constant 3 : i32
        %dma_start3A_1175 = arith.constant 2 : i32
        %dma_start3A_1176 = arith.constant 0 : i32
        %dma_start3A_1177 = arith.constant 0 : i32
        %dma_start3A_1178 = tpu.memref_slice %arg19[%dma_start3A_1174, %dma_start3A_1175, %dma_start3A_1176, %dma_start3A_1177] : memref<4x12x16x128xf32, #tpu.memory_space<vmem>> -> memref<1x1x16x128xf32, #tpu.memory_space<vmem>>
        %dma_start3A_1179 = tpu.memref_squeeze %dma_start3A_1178 : memref<1x1x16x128xf32, #tpu.memory_space<vmem>> -> memref<16x128xf32, #tpu.memory_space<vmem>>
        %dma_start3A_1180 = tpu.memref_slice %arg14[%mul3A_1153] : memref<512xi32, #tpu.memory_space<vmem>> -> memref<16xi32, #tpu.memory_space<vmem>>
        %dma_start3A_1181 = arith.constant 0 : i32
        %dma_start3A_1182 = arith.constant 0 : i32
        %dma_start3A_1183 = tpu.memref_slice %arg2[%dma_start3A_1181, %dma_start3A_1182] : memref<1000000x128xf32, #tpu.memory_space<hbm>> -> memref<1000000x128xf32, #tpu.memory_space<hbm>>
        tpu.enqueue_indirect_dma source(%dma_start3A_1183 : memref<1000000x128xf32, #tpu.memory_space<hbm>>) target(%dma_start3A_1179 : memref<16x128xf32, #tpu.memory_space<vmem>>) offsets(%dma_start3A_1180 : memref<16xi32, #tpu.memory_space<vmem>>) semaphore(%arg25 : memref<!tpu.dma_semaphore, #tpu.memory_space<semaphore_mem>>)
        %dma_start3A_1184 = arith.constant 3 : i32
        %dma_start3A_1185 = arith.constant 3 : i32
        %dma_start3A_1186 = arith.constant 0 : i32
        %dma_start3A_1187 = arith.constant 0 : i32
        %dma_start3A_1188 = tpu.memref_slice %arg19[%dma_start3A_1184, %dma_start3A_1185, %dma_start3A_1186, %dma_start3A_1187] : memref<4x12x16x128xf32, #tpu.memory_space<vmem>> -> memref<1x1x16x128xf32, #tpu.memory_space<vmem>>
        %dma_start3A_1189 = tpu.memref_squeeze %dma_start3A_1188 : memref<1x1x16x128xf32, #tpu.memory_space<vmem>> -> memref<16x128xf32, #tpu.memory_space<vmem>>
        %dma_start3A_1190 = tpu.memref_slice %arg14[%mul3A_1153] : memref<512xi32, #tpu.memory_space<vmem>> -> memref<16xi32, #tpu.memory_space<vmem>>
        %dma_start3A_1191 = arith.constant 0 : i32
        %dma_start3A_1192 = arith.constant 0 : i32
        %dma_start3A_1193 = tpu.memref_slice %arg3[%dma_start3A_1191, %dma_start3A_1192] : memref<1000000x128xf32, #tpu.memory_space<hbm>> -> memref<1000000x128xf32, #tpu.memory_space<hbm>>
        tpu.enqueue_indirect_dma source(%dma_start3A_1193 : memref<1000000x128xf32, #tpu.memory_space<hbm>>) target(%dma_start3A_1189 : memref<16x128xf32, #tpu.memory_space<vmem>>) offsets(%dma_start3A_1190 : memref<16xi32, #tpu.memory_space<vmem>>) semaphore(%arg25 : memref<!tpu.dma_semaphore, #tpu.memory_space<semaphore_mem>>)
        %dma_start3A_1194 = arith.constant 3 : i32
        %dma_start3A_1195 = arith.constant 4 : i32
        %dma_start3A_1196 = arith.constant 0 : i32
        %dma_start3A_1197 = arith.constant 0 : i32
        %dma_start3A_1198 = tpu.memref_slice %arg19[%dma_start3A_1194, %dma_start3A_1195, %dma_start3A_1196, %dma_start3A_1197] : memref<4x12x16x128xf32, #tpu.memory_space<vmem>> -> memref<1x1x16x128xf32, #tpu.memory_space<vmem>>
        %dma_start3A_1199 = tpu.memref_squeeze %dma_start3A_1198 : memref<1x1x16x128xf32, #tpu.memory_space<vmem>> -> memref<16x128xf32, #tpu.memory_space<vmem>>
        %dma_start3A_1200 = tpu.memref_slice %arg15[%mul3A_1153] : memref<512xi32, #tpu.memory_space<vmem>> -> memref<16xi32, #tpu.memory_space<vmem>>
        %dma_start3A_1201 = arith.constant 0 : i32
        %dma_start3A_1202 = arith.constant 0 : i32
        %dma_start3A_1203 = tpu.memref_slice %arg4[%dma_start3A_1201, %dma_start3A_1202] : memref<1000x128xf32, #tpu.memory_space<hbm>> -> memref<1000x128xf32, #tpu.memory_space<hbm>>
        tpu.enqueue_indirect_dma source(%dma_start3A_1203 : memref<1000x128xf32, #tpu.memory_space<hbm>>) target(%dma_start3A_1199 : memref<16x128xf32, #tpu.memory_space<vmem>>) offsets(%dma_start3A_1200 : memref<16xi32, #tpu.memory_space<vmem>>) semaphore(%arg25 : memref<!tpu.dma_semaphore, #tpu.memory_space<semaphore_mem>>)
        %dma_start3A_1204 = arith.constant 3 : i32
        %dma_start3A_1205 = arith.constant 5 : i32
        %dma_start3A_1206 = arith.constant 0 : i32
        %dma_start3A_1207 = arith.constant 0 : i32
        %dma_start3A_1208 = tpu.memref_slice %arg19[%dma_start3A_1204, %dma_start3A_1205, %dma_start3A_1206, %dma_start3A_1207] : memref<4x12x16x128xf32, #tpu.memory_space<vmem>> -> memref<1x1x16x128xf32, #tpu.memory_space<vmem>>
        %dma_start3A_1209 = tpu.memref_squeeze %dma_start3A_1208 : memref<1x1x16x128xf32, #tpu.memory_space<vmem>> -> memref<16x128xf32, #tpu.memory_space<vmem>>
        %dma_start3A_1210 = tpu.memref_slice %arg15[%mul3A_1153] : memref<512xi32, #tpu.memory_space<vmem>> -> memref<16xi32, #tpu.memory_space<vmem>>
        %dma_start3A_1211 = arith.constant 0 : i32
        %dma_start3A_1212 = arith.constant 0 : i32
        %dma_start3A_1213 = tpu.memref_slice %arg5[%dma_start3A_1211, %dma_start3A_1212] : memref<1000x128xf32, #tpu.memory_space<hbm>> -> memref<1000x128xf32, #tpu.memory_space<hbm>>
        tpu.enqueue_indirect_dma source(%dma_start3A_1213 : memref<1000x128xf32, #tpu.memory_space<hbm>>) target(%dma_start3A_1209 : memref<16x128xf32, #tpu.memory_space<vmem>>) offsets(%dma_start3A_1210 : memref<16xi32, #tpu.memory_space<vmem>>) semaphore(%arg25 : memref<!tpu.dma_semaphore, #tpu.memory_space<semaphore_mem>>)
        %dma_start3A_1214 = arith.constant 3 : i32
        %dma_start3A_1215 = arith.constant 6 : i32
        %dma_start3A_1216 = arith.constant 0 : i32
        %dma_start3A_1217 = arith.constant 0 : i32
        %dma_start3A_1218 = tpu.memref_slice %arg19[%dma_start3A_1214, %dma_start3A_1215, %dma_start3A_1216, %dma_start3A_1217] : memref<4x12x16x128xf32, #tpu.memory_space<vmem>> -> memref<1x1x16x128xf32, #tpu.memory_space<vmem>>
        %dma_start3A_1219 = tpu.memref_squeeze %dma_start3A_1218 : memref<1x1x16x128xf32, #tpu.memory_space<vmem>> -> memref<16x128xf32, #tpu.memory_space<vmem>>
        %dma_start3A_1220 = tpu.memref_slice %arg16[%mul3A_1153] : memref<512xi32, #tpu.memory_space<vmem>> -> memref<16xi32, #tpu.memory_space<vmem>>
        %dma_start3A_1221 = arith.constant 0 : i32
        %dma_start3A_1222 = arith.constant 0 : i32
        %dma_start3A_1223 = tpu.memref_slice %arg2[%dma_start3A_1221, %dma_start3A_1222] : memref<1000000x128xf32, #tpu.memory_space<hbm>> -> memref<1000000x128xf32, #tpu.memory_space<hbm>>
        tpu.enqueue_indirect_dma source(%dma_start3A_1223 : memref<1000000x128xf32, #tpu.memory_space<hbm>>) target(%dma_start3A_1219 : memref<16x128xf32, #tpu.memory_space<vmem>>) offsets(%dma_start3A_1220 : memref<16xi32, #tpu.memory_space<vmem>>) semaphore(%arg25 : memref<!tpu.dma_semaphore, #tpu.memory_space<semaphore_mem>>)
        %dma_start3A_1224 = arith.constant 3 : i32
        %dma_start3A_1225 = arith.constant 7 : i32
        %dma_start3A_1226 = arith.constant 0 : i32
        %dma_start3A_1227 = arith.constant 0 : i32
        %dma_start3A_1228 = tpu.memref_slice %arg19[%dma_start3A_1224, %dma_start3A_1225, %dma_start3A_1226, %dma_start3A_1227] : memref<4x12x16x128xf32, #tpu.memory_space<vmem>> -> memref<1x1x16x128xf32, #tpu.memory_space<vmem>>
        %dma_start3A_1229 = tpu.memref_squeeze %dma_start3A_1228 : memref<1x1x16x128xf32, #tpu.memory_space<vmem>> -> memref<16x128xf32, #tpu.memory_space<vmem>>
        %dma_start3A_1230 = tpu.memref_slice %arg16[%mul3A_1153] : memref<512xi32, #tpu.memory_space<vmem>> -> memref<16xi32, #tpu.memory_space<vmem>>
        %dma_start3A_1231 = arith.constant 0 : i32
        %dma_start3A_1232 = arith.constant 0 : i32
        %dma_start3A_1233 = tpu.memref_slice %arg3[%dma_start3A_1231, %dma_start3A_1232] : memref<1000000x128xf32, #tpu.memory_space<hbm>> -> memref<1000000x128xf32, #tpu.memory_space<hbm>>
        tpu.enqueue_indirect_dma source(%dma_start3A_1233 : memref<1000000x128xf32, #tpu.memory_space<hbm>>) target(%dma_start3A_1229 : memref<16x128xf32, #tpu.memory_space<vmem>>) offsets(%dma_start3A_1230 : memref<16xi32, #tpu.memory_space<vmem>>) semaphore(%arg25 : memref<!tpu.dma_semaphore, #tpu.memory_space<semaphore_mem>>)
        %dma_start3A_1234 = arith.constant 3 : i32
        %dma_start3A_1235 = arith.constant 8 : i32
        %dma_start3A_1236 = arith.constant 0 : i32
        %dma_start3A_1237 = arith.constant 0 : i32
        %dma_start3A_1238 = tpu.memref_slice %arg19[%dma_start3A_1234, %dma_start3A_1235, %dma_start3A_1236, %dma_start3A_1237] : memref<4x12x16x128xf32, #tpu.memory_space<vmem>> -> memref<1x1x16x128xf32, #tpu.memory_space<vmem>>
        %dma_start3A_1239 = tpu.memref_squeeze %dma_start3A_1238 : memref<1x1x16x128xf32, #tpu.memory_space<vmem>> -> memref<16x128xf32, #tpu.memory_space<vmem>>
        %dma_start3A_1240 = tpu.memref_slice %arg17[%mul3A_1153] : memref<512xi32, #tpu.memory_space<vmem>> -> memref<16xi32, #tpu.memory_space<vmem>>
        %dma_start3A_1241 = arith.constant 0 : i32
        %dma_start3A_1242 = arith.constant 0 : i32
        %dma_start3A_1243 = tpu.memref_slice %arg2[%dma_start3A_1241, %dma_start3A_1242] : memref<1000000x128xf32, #tpu.memory_space<hbm>> -> memref<1000000x128xf32, #tpu.memory_space<hbm>>
        tpu.enqueue_indirect_dma source(%dma_start3A_1243 : memref<1000000x128xf32, #tpu.memory_space<hbm>>) target(%dma_start3A_1239 : memref<16x128xf32, #tpu.memory_space<vmem>>) offsets(%dma_start3A_1240 : memref<16xi32, #tpu.memory_space<vmem>>) semaphore(%arg25 : memref<!tpu.dma_semaphore, #tpu.memory_space<semaphore_mem>>)
        %dma_start3A_1244 = arith.constant 3 : i32
        %dma_start3A_1245 = arith.constant 9 : i32
        %dma_start3A_1246 = arith.constant 0 : i32
        %dma_start3A_1247 = arith.constant 0 : i32
        %dma_start3A_1248 = tpu.memref_slice %arg19[%dma_start3A_1244, %dma_start3A_1245, %dma_start3A_1246, %dma_start3A_1247] : memref<4x12x16x128xf32, #tpu.memory_space<vmem>> -> memref<1x1x16x128xf32, #tpu.memory_space<vmem>>
        %dma_start3A_1249 = tpu.memref_squeeze %dma_start3A_1248 : memref<1x1x16x128xf32, #tpu.memory_space<vmem>> -> memref<16x128xf32, #tpu.memory_space<vmem>>
        %dma_start3A_1250 = tpu.memref_slice %arg17[%mul3A_1153] : memref<512xi32, #tpu.memory_space<vmem>> -> memref<16xi32, #tpu.memory_space<vmem>>
        %dma_start3A_1251 = arith.constant 0 : i32
        %dma_start3A_1252 = arith.constant 0 : i32
        %dma_start3A_1253 = tpu.memref_slice %arg3[%dma_start3A_1251, %dma_start3A_1252] : memref<1000000x128xf32, #tpu.memory_space<hbm>> -> memref<1000000x128xf32, #tpu.memory_space<hbm>>
        tpu.enqueue_indirect_dma source(%dma_start3A_1253 : memref<1000000x128xf32, #tpu.memory_space<hbm>>) target(%dma_start3A_1249 : memref<16x128xf32, #tpu.memory_space<vmem>>) offsets(%dma_start3A_1250 : memref<16xi32, #tpu.memory_space<vmem>>) semaphore(%arg25 : memref<!tpu.dma_semaphore, #tpu.memory_space<semaphore_mem>>)
        %dma_start3A_1254 = arith.constant 3 : i32
        %dma_start3A_1255 = arith.constant 10 : i32
        %dma_start3A_1256 = arith.constant 0 : i32
        %dma_start3A_1257 = arith.constant 0 : i32
        %dma_start3A_1258 = tpu.memref_slice %arg19[%dma_start3A_1254, %dma_start3A_1255, %dma_start3A_1256, %dma_start3A_1257] : memref<4x12x16x128xf32, #tpu.memory_space<vmem>> -> memref<1x1x16x128xf32, #tpu.memory_space<vmem>>
        %dma_start3A_1259 = tpu.memref_squeeze %dma_start3A_1258 : memref<1x1x16x128xf32, #tpu.memory_space<vmem>> -> memref<16x128xf32, #tpu.memory_space<vmem>>
        %dma_start3A_1260 = tpu.memref_slice %arg18[%mul3A_1153] : memref<512xi32, #tpu.memory_space<vmem>> -> memref<16xi32, #tpu.memory_space<vmem>>
        %dma_start3A_1261 = arith.constant 0 : i32
        %dma_start3A_1262 = arith.constant 0 : i32
        %dma_start3A_1263 = tpu.memref_slice %arg4[%dma_start3A_1261, %dma_start3A_1262] : memref<1000x128xf32, #tpu.memory_space<hbm>> -> memref<1000x128xf32, #tpu.memory_space<hbm>>
        tpu.enqueue_indirect_dma source(%dma_start3A_1263 : memref<1000x128xf32, #tpu.memory_space<hbm>>) target(%dma_start3A_1259 : memref<16x128xf32, #tpu.memory_space<vmem>>) offsets(%dma_start3A_1260 : memref<16xi32, #tpu.memory_space<vmem>>) semaphore(%arg25 : memref<!tpu.dma_semaphore, #tpu.memory_space<semaphore_mem>>)
        %dma_start3A_1264 = arith.constant 3 : i32
        %dma_start3A_1265 = arith.constant 11 : i32
        %dma_start3A_1266 = arith.constant 0 : i32
        %dma_start3A_1267 = arith.constant 0 : i32
        %dma_start3A_1268 = tpu.memref_slice %arg19[%dma_start3A_1264, %dma_start3A_1265, %dma_start3A_1266, %dma_start3A_1267] : memref<4x12x16x128xf32, #tpu.memory_space<vmem>> -> memref<1x1x16x128xf32, #tpu.memory_space<vmem>>
        %dma_start3A_1269 = tpu.memref_squeeze %dma_start3A_1268 : memref<1x1x16x128xf32, #tpu.memory_space<vmem>> -> memref<16x128xf32, #tpu.memory_space<vmem>>
        %dma_start3A_1270 = tpu.memref_slice %arg18[%mul3A_1153] : memref<512xi32, #tpu.memory_space<vmem>> -> memref<16xi32, #tpu.memory_space<vmem>>
        %dma_start3A_1271 = arith.constant 0 : i32
        %dma_start3A_1272 = arith.constant 0 : i32
        %dma_start3A_1273 = tpu.memref_slice %arg5[%dma_start3A_1271, %dma_start3A_1272] : memref<1000x128xf32, #tpu.memory_space<hbm>> -> memref<1000x128xf32, #tpu.memory_space<hbm>>
        tpu.enqueue_indirect_dma source(%dma_start3A_1273 : memref<1000x128xf32, #tpu.memory_space<hbm>>) target(%dma_start3A_1269 : memref<16x128xf32, #tpu.memory_space<vmem>>) offsets(%dma_start3A_1270 : memref<16xi32, #tpu.memory_space<vmem>>) semaphore(%arg25 : memref<!tpu.dma_semaphore, #tpu.memory_space<semaphore_mem>>)
      } else {
      }
      %add3A_447 = arith.constant 0 : i32
      %add3A_448 = arith.addi %mul3A_433, %add3A_447 : i32
      %mul3A_449 = arith.constant 16 : i32
      %mul3A_450 = arith.muli %add3A_448, %mul3A_449 : i32
      %dma_wait3A_451 = arith.constant 0 : i32
      %dma_wait3A_452 = arith.constant 0 : i32
      %dma_wait3A_453 = arith.constant 0 : i32
      %dma_wait3A_454 = arith.constant 0 : i32
      %dma_wait3A_455 = tpu.memref_slice %arg19[%dma_wait3A_451, %dma_wait3A_452, %dma_wait3A_453, %dma_wait3A_454] : memref<4x12x16x128xf32, #tpu.memory_space<vmem>> -> memref<1x1x16x128xf32, #tpu.memory_space<vmem>>
      %dma_wait3A_456 = tpu.memref_squeeze %dma_wait3A_455 : memref<1x1x16x128xf32, #tpu.memory_space<vmem>> -> memref<16x128xf32, #tpu.memory_space<vmem>>
      %dma_wait3A_457 = tpu.memref_slice %arg13[%mul3A_450] : memref<512xi32, #tpu.memory_space<vmem>> -> memref<16xi32, #tpu.memory_space<vmem>>
      %dma_wait3A_458 = arith.constant 0 : i32
      %dma_wait3A_459 = arith.constant 0 : i32
      %dma_wait3A_460 = tpu.memref_slice %arg2[%dma_wait3A_458, %dma_wait3A_459] : memref<1000000x128xf32, #tpu.memory_space<hbm>> -> memref<1000000x128xf32, #tpu.memory_space<hbm>>
      tpu.wait_indirect_dma semaphore(%arg22 : memref<!tpu.dma_semaphore, #tpu.memory_space<semaphore_mem>>) src(%dma_wait3A_460 : memref<1000000x128xf32, #tpu.memory_space<hbm>>) dst(%dma_wait3A_456 : memref<16x128xf32, #tpu.memory_space<vmem>>)
      %dma_wait3A_461 = arith.constant 0 : i32
      %dma_wait3A_462 = arith.constant 1 : i32
      %dma_wait3A_463 = arith.constant 0 : i32
      %dma_wait3A_464 = arith.constant 0 : i32
      %dma_wait3A_465 = tpu.memref_slice %arg19[%dma_wait3A_461, %dma_wait3A_462, %dma_wait3A_463, %dma_wait3A_464] : memref<4x12x16x128xf32, #tpu.memory_space<vmem>> -> memref<1x1x16x128xf32, #tpu.memory_space<vmem>>
      %dma_wait3A_466 = tpu.memref_squeeze %dma_wait3A_465 : memref<1x1x16x128xf32, #tpu.memory_space<vmem>> -> memref<16x128xf32, #tpu.memory_space<vmem>>
      %dma_wait3A_467 = tpu.memref_slice %arg13[%mul3A_450] : memref<512xi32, #tpu.memory_space<vmem>> -> memref<16xi32, #tpu.memory_space<vmem>>
      %dma_wait3A_468 = arith.constant 0 : i32
      %dma_wait3A_469 = arith.constant 0 : i32
      %dma_wait3A_470 = tpu.memref_slice %arg3[%dma_wait3A_468, %dma_wait3A_469] : memref<1000000x128xf32, #tpu.memory_space<hbm>> -> memref<1000000x128xf32, #tpu.memory_space<hbm>>
      tpu.wait_indirect_dma semaphore(%arg22 : memref<!tpu.dma_semaphore, #tpu.memory_space<semaphore_mem>>) src(%dma_wait3A_470 : memref<1000000x128xf32, #tpu.memory_space<hbm>>) dst(%dma_wait3A_466 : memref<16x128xf32, #tpu.memory_space<vmem>>)
      %dma_wait3A_471 = arith.constant 0 : i32
      %dma_wait3A_472 = arith.constant 2 : i32
      %dma_wait3A_473 = arith.constant 0 : i32
      %dma_wait3A_474 = arith.constant 0 : i32
      %dma_wait3A_475 = tpu.memref_slice %arg19[%dma_wait3A_471, %dma_wait3A_472, %dma_wait3A_473, %dma_wait3A_474] : memref<4x12x16x128xf32, #tpu.memory_space<vmem>> -> memref<1x1x16x128xf32, #tpu.memory_space<vmem>>
      %dma_wait3A_476 = tpu.memref_squeeze %dma_wait3A_475 : memref<1x1x16x128xf32, #tpu.memory_space<vmem>> -> memref<16x128xf32, #tpu.memory_space<vmem>>
      %dma_wait3A_477 = tpu.memref_slice %arg14[%mul3A_450] : memref<512xi32, #tpu.memory_space<vmem>> -> memref<16xi32, #tpu.memory_space<vmem>>
      %dma_wait3A_478 = arith.constant 0 : i32
      %dma_wait3A_479 = arith.constant 0 : i32
      %dma_wait3A_480 = tpu.memref_slice %arg2[%dma_wait3A_478, %dma_wait3A_479] : memref<1000000x128xf32, #tpu.memory_space<hbm>> -> memref<1000000x128xf32, #tpu.memory_space<hbm>>
      tpu.wait_indirect_dma semaphore(%arg22 : memref<!tpu.dma_semaphore, #tpu.memory_space<semaphore_mem>>) src(%dma_wait3A_480 : memref<1000000x128xf32, #tpu.memory_space<hbm>>) dst(%dma_wait3A_476 : memref<16x128xf32, #tpu.memory_space<vmem>>)
      %dma_wait3A_481 = arith.constant 0 : i32
      %dma_wait3A_482 = arith.constant 3 : i32
      %dma_wait3A_483 = arith.constant 0 : i32
      %dma_wait3A_484 = arith.constant 0 : i32
      %dma_wait3A_485 = tpu.memref_slice %arg19[%dma_wait3A_481, %dma_wait3A_482, %dma_wait3A_483, %dma_wait3A_484] : memref<4x12x16x128xf32, #tpu.memory_space<vmem>> -> memref<1x1x16x128xf32, #tpu.memory_space<vmem>>
      %dma_wait3A_486 = tpu.memref_squeeze %dma_wait3A_485 : memref<1x1x16x128xf32, #tpu.memory_space<vmem>> -> memref<16x128xf32, #tpu.memory_space<vmem>>
      %dma_wait3A_487 = tpu.memref_slice %arg14[%mul3A_450] : memref<512xi32, #tpu.memory_space<vmem>> -> memref<16xi32, #tpu.memory_space<vmem>>
      %dma_wait3A_488 = arith.constant 0 : i32
      %dma_wait3A_489 = arith.constant 0 : i32
      %dma_wait3A_490 = tpu.memref_slice %arg3[%dma_wait3A_488, %dma_wait3A_489] : memref<1000000x128xf32, #tpu.memory_space<hbm>> -> memref<1000000x128xf32, #tpu.memory_space<hbm>>
      tpu.wait_indirect_dma semaphore(%arg22 : memref<!tpu.dma_semaphore, #tpu.memory_space<semaphore_mem>>) src(%dma_wait3A_490 : memref<1000000x128xf32, #tpu.memory_space<hbm>>) dst(%dma_wait3A_486 : memref<16x128xf32, #tpu.memory_space<vmem>>)
      %dma_wait3A_491 = arith.constant 0 : i32
      %dma_wait3A_492 = arith.constant 4 : i32
      %dma_wait3A_493 = arith.constant 0 : i32
      %dma_wait3A_494 = arith.constant 0 : i32
      %dma_wait3A_495 = tpu.memref_slice %arg19[%dma_wait3A_491, %dma_wait3A_492, %dma_wait3A_493, %dma_wait3A_494] : memref<4x12x16x128xf32, #tpu.memory_space<vmem>> -> memref<1x1x16x128xf32, #tpu.memory_space<vmem>>
      %dma_wait3A_496 = tpu.memref_squeeze %dma_wait3A_495 : memref<1x1x16x128xf32, #tpu.memory_space<vmem>> -> memref<16x128xf32, #tpu.memory_space<vmem>>
      %dma_wait3A_497 = tpu.memref_slice %arg15[%mul3A_450] : memref<512xi32, #tpu.memory_space<vmem>> -> memref<16xi32, #tpu.memory_space<vmem>>
      %dma_wait3A_498 = arith.constant 0 : i32
      %dma_wait3A_499 = arith.constant 0 : i32
      %dma_wait3A_500 = tpu.memref_slice %arg4[%dma_wait3A_498, %dma_wait3A_499] : memref<1000x128xf32, #tpu.memory_space<hbm>> -> memref<1000x128xf32, #tpu.memory_space<hbm>>
      tpu.wait_indirect_dma semaphore(%arg22 : memref<!tpu.dma_semaphore, #tpu.memory_space<semaphore_mem>>) src(%dma_wait3A_500 : memref<1000x128xf32, #tpu.memory_space<hbm>>) dst(%dma_wait3A_496 : memref<16x128xf32, #tpu.memory_space<vmem>>)
      %dma_wait3A_501 = arith.constant 0 : i32
      %dma_wait3A_502 = arith.constant 5 : i32
      %dma_wait3A_503 = arith.constant 0 : i32
      %dma_wait3A_504 = arith.constant 0 : i32
      %dma_wait3A_505 = tpu.memref_slice %arg19[%dma_wait3A_501, %dma_wait3A_502, %dma_wait3A_503, %dma_wait3A_504] : memref<4x12x16x128xf32, #tpu.memory_space<vmem>> -> memref<1x1x16x128xf32, #tpu.memory_space<vmem>>
      %dma_wait3A_506 = tpu.memref_squeeze %dma_wait3A_505 : memref<1x1x16x128xf32, #tpu.memory_space<vmem>> -> memref<16x128xf32, #tpu.memory_space<vmem>>
      %dma_wait3A_507 = tpu.memref_slice %arg15[%mul3A_450] : memref<512xi32, #tpu.memory_space<vmem>> -> memref<16xi32, #tpu.memory_space<vmem>>
      %dma_wait3A_508 = arith.constant 0 : i32
      %dma_wait3A_509 = arith.constant 0 : i32
      %dma_wait3A_510 = tpu.memref_slice %arg5[%dma_wait3A_508, %dma_wait3A_509] : memref<1000x128xf32, #tpu.memory_space<hbm>> -> memref<1000x128xf32, #tpu.memory_space<hbm>>
      tpu.wait_indirect_dma semaphore(%arg22 : memref<!tpu.dma_semaphore, #tpu.memory_space<semaphore_mem>>) src(%dma_wait3A_510 : memref<1000x128xf32, #tpu.memory_space<hbm>>) dst(%dma_wait3A_506 : memref<16x128xf32, #tpu.memory_space<vmem>>)
      %dma_wait3A_511 = arith.constant 0 : i32
      %dma_wait3A_512 = arith.constant 6 : i32
      %dma_wait3A_513 = arith.constant 0 : i32
      %dma_wait3A_514 = arith.constant 0 : i32
      %dma_wait3A_515 = tpu.memref_slice %arg19[%dma_wait3A_511, %dma_wait3A_512, %dma_wait3A_513, %dma_wait3A_514] : memref<4x12x16x128xf32, #tpu.memory_space<vmem>> -> memref<1x1x16x128xf32, #tpu.memory_space<vmem>>
      %dma_wait3A_516 = tpu.memref_squeeze %dma_wait3A_515 : memref<1x1x16x128xf32, #tpu.memory_space<vmem>> -> memref<16x128xf32, #tpu.memory_space<vmem>>
      %dma_wait3A_517 = tpu.memref_slice %arg16[%mul3A_450] : memref<512xi32, #tpu.memory_space<vmem>> -> memref<16xi32, #tpu.memory_space<vmem>>
      %dma_wait3A_518 = arith.constant 0 : i32
      %dma_wait3A_519 = arith.constant 0 : i32
      %dma_wait3A_520 = tpu.memref_slice %arg2[%dma_wait3A_518, %dma_wait3A_519] : memref<1000000x128xf32, #tpu.memory_space<hbm>> -> memref<1000000x128xf32, #tpu.memory_space<hbm>>
      tpu.wait_indirect_dma semaphore(%arg22 : memref<!tpu.dma_semaphore, #tpu.memory_space<semaphore_mem>>) src(%dma_wait3A_520 : memref<1000000x128xf32, #tpu.memory_space<hbm>>) dst(%dma_wait3A_516 : memref<16x128xf32, #tpu.memory_space<vmem>>)
      %dma_wait3A_521 = arith.constant 0 : i32
      %dma_wait3A_522 = arith.constant 7 : i32
      %dma_wait3A_523 = arith.constant 0 : i32
      %dma_wait3A_524 = arith.constant 0 : i32
      %dma_wait3A_525 = tpu.memref_slice %arg19[%dma_wait3A_521, %dma_wait3A_522, %dma_wait3A_523, %dma_wait3A_524] : memref<4x12x16x128xf32, #tpu.memory_space<vmem>> -> memref<1x1x16x128xf32, #tpu.memory_space<vmem>>
      %dma_wait3A_526 = tpu.memref_squeeze %dma_wait3A_525 : memref<1x1x16x128xf32, #tpu.memory_space<vmem>> -> memref<16x128xf32, #tpu.memory_space<vmem>>
      %dma_wait3A_527 = tpu.memref_slice %arg16[%mul3A_450] : memref<512xi32, #tpu.memory_space<vmem>> -> memref<16xi32, #tpu.memory_space<vmem>>
      %dma_wait3A_528 = arith.constant 0 : i32
      %dma_wait3A_529 = arith.constant 0 : i32
      %dma_wait3A_530 = tpu.memref_slice %arg3[%dma_wait3A_528, %dma_wait3A_529] : memref<1000000x128xf32, #tpu.memory_space<hbm>> -> memref<1000000x128xf32, #tpu.memory_space<hbm>>
      tpu.wait_indirect_dma semaphore(%arg22 : memref<!tpu.dma_semaphore, #tpu.memory_space<semaphore_mem>>) src(%dma_wait3A_530 : memref<1000000x128xf32, #tpu.memory_space<hbm>>) dst(%dma_wait3A_526 : memref<16x128xf32, #tpu.memory_space<vmem>>)
      %dma_wait3A_531 = arith.constant 0 : i32
      %dma_wait3A_532 = arith.constant 8 : i32
      %dma_wait3A_533 = arith.constant 0 : i32
      %dma_wait3A_534 = arith.constant 0 : i32
      %dma_wait3A_535 = tpu.memref_slice %arg19[%dma_wait3A_531, %dma_wait3A_532, %dma_wait3A_533, %dma_wait3A_534] : memref<4x12x16x128xf32, #tpu.memory_space<vmem>> -> memref<1x1x16x128xf32, #tpu.memory_space<vmem>>
      %dma_wait3A_536 = tpu.memref_squeeze %dma_wait3A_535 : memref<1x1x16x128xf32, #tpu.memory_space<vmem>> -> memref<16x128xf32, #tpu.memory_space<vmem>>
      %dma_wait3A_537 = tpu.memref_slice %arg17[%mul3A_450] : memref<512xi32, #tpu.memory_space<vmem>> -> memref<16xi32, #tpu.memory_space<vmem>>
      %dma_wait3A_538 = arith.constant 0 : i32
      %dma_wait3A_539 = arith.constant 0 : i32
      %dma_wait3A_540 = tpu.memref_slice %arg2[%dma_wait3A_538, %dma_wait3A_539] : memref<1000000x128xf32, #tpu.memory_space<hbm>> -> memref<1000000x128xf32, #tpu.memory_space<hbm>>
      tpu.wait_indirect_dma semaphore(%arg22 : memref<!tpu.dma_semaphore, #tpu.memory_space<semaphore_mem>>) src(%dma_wait3A_540 : memref<1000000x128xf32, #tpu.memory_space<hbm>>) dst(%dma_wait3A_536 : memref<16x128xf32, #tpu.memory_space<vmem>>)
      %dma_wait3A_541 = arith.constant 0 : i32
      %dma_wait3A_542 = arith.constant 9 : i32
      %dma_wait3A_543 = arith.constant 0 : i32
      %dma_wait3A_544 = arith.constant 0 : i32
      %dma_wait3A_545 = tpu.memref_slice %arg19[%dma_wait3A_541, %dma_wait3A_542, %dma_wait3A_543, %dma_wait3A_544] : memref<4x12x16x128xf32, #tpu.memory_space<vmem>> -> memref<1x1x16x128xf32, #tpu.memory_space<vmem>>
      %dma_wait3A_546 = tpu.memref_squeeze %dma_wait3A_545 : memref<1x1x16x128xf32, #tpu.memory_space<vmem>> -> memref<16x128xf32, #tpu.memory_space<vmem>>
      %dma_wait3A_547 = tpu.memref_slice %arg17[%mul3A_450] : memref<512xi32, #tpu.memory_space<vmem>> -> memref<16xi32, #tpu.memory_space<vmem>>
      %dma_wait3A_548 = arith.constant 0 : i32
      %dma_wait3A_549 = arith.constant 0 : i32
      %dma_wait3A_550 = tpu.memref_slice %arg3[%dma_wait3A_548, %dma_wait3A_549] : memref<1000000x128xf32, #tpu.memory_space<hbm>> -> memref<1000000x128xf32, #tpu.memory_space<hbm>>
      tpu.wait_indirect_dma semaphore(%arg22 : memref<!tpu.dma_semaphore, #tpu.memory_space<semaphore_mem>>) src(%dma_wait3A_550 : memref<1000000x128xf32, #tpu.memory_space<hbm>>) dst(%dma_wait3A_546 : memref<16x128xf32, #tpu.memory_space<vmem>>)
      %dma_wait3A_551 = arith.constant 0 : i32
      %dma_wait3A_552 = arith.constant 10 : i32
      %dma_wait3A_553 = arith.constant 0 : i32
      %dma_wait3A_554 = arith.constant 0 : i32
      %dma_wait3A_555 = tpu.memref_slice %arg19[%dma_wait3A_551, %dma_wait3A_552, %dma_wait3A_553, %dma_wait3A_554] : memref<4x12x16x128xf32, #tpu.memory_space<vmem>> -> memref<1x1x16x128xf32, #tpu.memory_space<vmem>>
      %dma_wait3A_556 = tpu.memref_squeeze %dma_wait3A_555 : memref<1x1x16x128xf32, #tpu.memory_space<vmem>> -> memref<16x128xf32, #tpu.memory_space<vmem>>
      %dma_wait3A_557 = tpu.memref_slice %arg18[%mul3A_450] : memref<512xi32, #tpu.memory_space<vmem>> -> memref<16xi32, #tpu.memory_space<vmem>>
      %dma_wait3A_558 = arith.constant 0 : i32
      %dma_wait3A_559 = arith.constant 0 : i32
      %dma_wait3A_560 = tpu.memref_slice %arg4[%dma_wait3A_558, %dma_wait3A_559] : memref<1000x128xf32, #tpu.memory_space<hbm>> -> memref<1000x128xf32, #tpu.memory_space<hbm>>
      tpu.wait_indirect_dma semaphore(%arg22 : memref<!tpu.dma_semaphore, #tpu.memory_space<semaphore_mem>>) src(%dma_wait3A_560 : memref<1000x128xf32, #tpu.memory_space<hbm>>) dst(%dma_wait3A_556 : memref<16x128xf32, #tpu.memory_space<vmem>>)
      %dma_wait3A_561 = arith.constant 0 : i32
      %dma_wait3A_562 = arith.constant 11 : i32
      %dma_wait3A_563 = arith.constant 0 : i32
      %dma_wait3A_564 = arith.constant 0 : i32
      %dma_wait3A_565 = tpu.memref_slice %arg19[%dma_wait3A_561, %dma_wait3A_562, %dma_wait3A_563, %dma_wait3A_564] : memref<4x12x16x128xf32, #tpu.memory_space<vmem>> -> memref<1x1x16x128xf32, #tpu.memory_space<vmem>>
      %dma_wait3A_566 = tpu.memref_squeeze %dma_wait3A_565 : memref<1x1x16x128xf32, #tpu.memory_space<vmem>> -> memref<16x128xf32, #tpu.memory_space<vmem>>
      %dma_wait3A_567 = tpu.memref_slice %arg18[%mul3A_450] : memref<512xi32, #tpu.memory_space<vmem>> -> memref<16xi32, #tpu.memory_space<vmem>>
      %dma_wait3A_568 = arith.constant 0 : i32
      %dma_wait3A_569 = arith.constant 0 : i32
      %dma_wait3A_570 = tpu.memref_slice %arg5[%dma_wait3A_568, %dma_wait3A_569] : memref<1000x128xf32, #tpu.memory_space<hbm>> -> memref<1000x128xf32, #tpu.memory_space<hbm>>
      tpu.wait_indirect_dma semaphore(%arg22 : memref<!tpu.dma_semaphore, #tpu.memory_space<semaphore_mem>>) src(%dma_wait3A_570 : memref<1000x128xf32, #tpu.memory_space<hbm>>) dst(%dma_wait3A_566 : memref<16x128xf32, #tpu.memory_space<vmem>>)
      %add3A_571 = arith.constant 0 : i32
      %add3A_572 = vector.broadcast %add3A_571 : i32 to vector<16xi32>
      %add3A_573 = arith.addi %iota3A, %add3A_572 : vector<16xi32>
      %broadcast_in_dim3A_574 = arith.constant 0.000000e+00 : f32
      %broadcast_in_dim3A_575 = vector.broadcast %broadcast_in_dim3A_574 : f32 to vector<16xf32>
      %scan3A_576 = arith.constant 0 : i32
      %scan3A_577 = arith.constant 0 : i32
      %scan3A_578 = arith.constant 64 : i32
      %scan3A_579 = arith.addi %scan3A_577, %scan3A_578 : i32
      %scan3A_580 = arith.constant 1 : i32
      %scan3A_581:8 = scf.for %scan3A_1152 = %scan3A_577 to %scan3A_579 step %scan3A_580 iter_args(%scan3A_1153 = %broadcast_in_dim3A_575, %scan3A_1154 = %broadcast_in_dim3A_575, %scan3A_1155 = %broadcast_in_dim3A_575, %scan3A_1156 = %broadcast_in_dim3A_575, %scan3A_1157 = %broadcast_in_dim3A_575, %scan3A_1158 = %broadcast_in_dim3A_575, %scan3A_1159 = %broadcast_in_dim3A_575, %scan3A_1160 = %broadcast_in_dim3A_575) -> (vector<16xf32>, vector<16xf32>, vector<16xf32>, vector<16xf32>, vector<16xf32>, vector<16xf32>, vector<16xf32>, vector<16xf32>)  : i32 {
        %mul3A_1161 = arith.constant 2 : i32
        %mul3A_1162 = arith.muli %scan3A_1152, %mul3A_1161 : i32
        %add3A_1163 = arith.constant 0 : i32
        %add3A_1164 = arith.addi %mul3A_1162, %add3A_1163 : i32
        %add3A_1165 = vector.broadcast %add3A_1164 : i32 to vector<16xi32>
        %add3A_1166 = arith.addi %iota3A, %add3A_1165 : vector<16xi32>
        %and3A = arith.constant 127 : i32
        %and3A_1167 = vector.broadcast %and3A : i32 to vector<16xi32>
        %and3A_1168 = arith.andi %add3A_1166, %and3A_1167 : vector<16xi32>
        %gather3A = arith.constant 0 : i32
        %gather3A_1169 = arith.constant 0 : i32
        %gather3A_1170 = arith.constant 0 : i32
        %gather3A_1171 = arith.constant 0 : i32
        %gather3A_1172 = tpu.memref_slice %arg19[%scan3A_576, %gather3A_1169, %gather3A_1170, %gather3A_1171] : memref<4x12x16x128xf32, #tpu.memory_space<vmem>> -> memref<1x12x16x128xf32, #tpu.memory_space<vmem>>
        %gather3A_1173 = tpu.memref_squeeze %gather3A_1172 : memref<1x12x16x128xf32, #tpu.memory_space<vmem>> -> memref<12x16x128xf32, #tpu.memory_space<vmem>>
        %gather3A_1174 = arith.constant 0 : i32
        %gather3A_1175 = arith.constant 0 : i32
        %gather3A_1176 = tpu.memref_slice %gather3A_1173[%gather3A, %gather3A_1174, %gather3A_1175] : memref<12x16x128xf32, #tpu.memory_space<vmem>> -> memref<1x16x128xf32, #tpu.memory_space<vmem>>
        %gather3A_1177 = tpu.memref_squeeze %gather3A_1176 : memref<1x16x128xf32, #tpu.memory_space<vmem>> -> memref<16x128xf32, #tpu.memory_space<vmem>>
        %gather3A_1178 = tpu.vector_load_idx %gather3A_1177[%add3A_573, %and3A_1168] : memref<16x128xf32, #tpu.memory_space<vmem>>[vector<16xi32>, vector<16xi32>], vector<16xf32>,
        %gather3A_1179 = arith.constant 1 : i32
        %gather3A_1180 = arith.constant 0 : i32
        %gather3A_1181 = arith.constant 0 : i32
        %gather3A_1182 = arith.constant 0 : i32
        %gather3A_1183 = tpu.memref_slice %arg19[%scan3A_576, %gather3A_1180, %gather3A_1181, %gather3A_1182] : memref<4x12x16x128xf32, #tpu.memory_space<vmem>> -> memref<1x12x16x128xf32, #tpu.memory_space<vmem>>
        %gather3A_1184 = tpu.memref_squeeze %gather3A_1183 : memref<1x12x16x128xf32, #tpu.memory_space<vmem>> -> memref<12x16x128xf32, #tpu.memory_space<vmem>>
        %gather3A_1185 = arith.constant 0 : i32
        %gather3A_1186 = arith.constant 0 : i32
        %gather3A_1187 = tpu.memref_slice %gather3A_1184[%gather3A_1179, %gather3A_1185, %gather3A_1186] : memref<12x16x128xf32, #tpu.memory_space<vmem>> -> memref<1x16x128xf32, #tpu.memory_space<vmem>>
        %gather3A_1188 = tpu.memref_squeeze %gather3A_1187 : memref<1x16x128xf32, #tpu.memory_space<vmem>> -> memref<16x128xf32, #tpu.memory_space<vmem>>
        %gather3A_1189 = tpu.vector_load_idx %gather3A_1188[%add3A_573, %and3A_1168] : memref<16x128xf32, #tpu.memory_space<vmem>>[vector<16xi32>, vector<16xi32>], vector<16xf32>,
        %gather3A_1190 = arith.constant 2 : i32
        %gather3A_1191 = arith.constant 0 : i32
        %gather3A_1192 = arith.constant 0 : i32
        %gather3A_1193 = arith.constant 0 : i32
        %gather3A_1194 = tpu.memref_slice %arg19[%scan3A_576, %gather3A_1191, %gather3A_1192, %gather3A_1193] : memref<4x12x16x128xf32, #tpu.memory_space<vmem>> -> memref<1x12x16x128xf32, #tpu.memory_space<vmem>>
        %gather3A_1195 = tpu.memref_squeeze %gather3A_1194 : memref<1x12x16x128xf32, #tpu.memory_space<vmem>> -> memref<12x16x128xf32, #tpu.memory_space<vmem>>
        %gather3A_1196 = arith.constant 0 : i32
        %gather3A_1197 = arith.constant 0 : i32
        %gather3A_1198 = tpu.memref_slice %gather3A_1195[%gather3A_1190, %gather3A_1196, %gather3A_1197] : memref<12x16x128xf32, #tpu.memory_space<vmem>> -> memref<1x16x128xf32, #tpu.memory_space<vmem>>
        %gather3A_1199 = tpu.memref_squeeze %gather3A_1198 : memref<1x16x128xf32, #tpu.memory_space<vmem>> -> memref<16x128xf32, #tpu.memory_space<vmem>>
        %gather3A_1200 = tpu.vector_load_idx %gather3A_1199[%add3A_573, %and3A_1168] : memref<16x128xf32, #tpu.memory_space<vmem>>[vector<16xi32>, vector<16xi32>], vector<16xf32>,
        %gather3A_1201 = arith.constant 3 : i32
        %gather3A_1202 = arith.constant 0 : i32
        %gather3A_1203 = arith.constant 0 : i32
        %gather3A_1204 = arith.constant 0 : i32
        %gather3A_1205 = tpu.memref_slice %arg19[%scan3A_576, %gather3A_1202, %gather3A_1203, %gather3A_1204] : memref<4x12x16x128xf32, #tpu.memory_space<vmem>> -> memref<1x12x16x128xf32, #tpu.memory_space<vmem>>
        %gather3A_1206 = tpu.memref_squeeze %gather3A_1205 : memref<1x12x16x128xf32, #tpu.memory_space<vmem>> -> memref<12x16x128xf32, #tpu.memory_space<vmem>>
        %gather3A_1207 = arith.constant 0 : i32
        %gather3A_1208 = arith.constant 0 : i32
        %gather3A_1209 = tpu.memref_slice %gather3A_1206[%gather3A_1201, %gather3A_1207, %gather3A_1208] : memref<12x16x128xf32, #tpu.memory_space<vmem>> -> memref<1x16x128xf32, #tpu.memory_space<vmem>>
        %gather3A_1210 = tpu.memref_squeeze %gather3A_1209 : memref<1x16x128xf32, #tpu.memory_space<vmem>> -> memref<16x128xf32, #tpu.memory_space<vmem>>
        %gather3A_1211 = tpu.vector_load_idx %gather3A_1210[%add3A_573, %and3A_1168] : memref<16x128xf32, #tpu.memory_space<vmem>>[vector<16xi32>, vector<16xi32>], vector<16xf32>,
        %gather3A_1212 = arith.constant 4 : i32
        %gather3A_1213 = arith.constant 0 : i32
        %gather3A_1214 = arith.constant 0 : i32
        %gather3A_1215 = arith.constant 0 : i32
        %gather3A_1216 = tpu.memref_slice %arg19[%scan3A_576, %gather3A_1213, %gather3A_1214, %gather3A_1215] : memref<4x12x16x128xf32, #tpu.memory_space<vmem>> -> memref<1x12x16x128xf32, #tpu.memory_space<vmem>>
        %gather3A_1217 = tpu.memref_squeeze %gather3A_1216 : memref<1x12x16x128xf32, #tpu.memory_space<vmem>> -> memref<12x16x128xf32, #tpu.memory_space<vmem>>
        %gather3A_1218 = arith.constant 0 : i32
        %gather3A_1219 = arith.constant 0 : i32
        %gather3A_1220 = tpu.memref_slice %gather3A_1217[%gather3A_1212, %gather3A_1218, %gather3A_1219] : memref<12x16x128xf32, #tpu.memory_space<vmem>> -> memref<1x16x128xf32, #tpu.memory_space<vmem>>
        %gather3A_1221 = tpu.memref_squeeze %gather3A_1220 : memref<1x16x128xf32, #tpu.memory_space<vmem>> -> memref<16x128xf32, #tpu.memory_space<vmem>>
        %gather3A_1222 = tpu.vector_load_idx %gather3A_1221[%add3A_573, %and3A_1168] : memref<16x128xf32, #tpu.memory_space<vmem>>[vector<16xi32>, vector<16xi32>], vector<16xf32>,
        %gather3A_1223 = arith.constant 5 : i32
        %gather3A_1224 = arith.constant 0 : i32
        %gather3A_1225 = arith.constant 0 : i32
        %gather3A_1226 = arith.constant 0 : i32
        %gather3A_1227 = tpu.memref_slice %arg19[%scan3A_576, %gather3A_1224, %gather3A_1225, %gather3A_1226] : memref<4x12x16x128xf32, #tpu.memory_space<vmem>> -> memref<1x12x16x128xf32, #tpu.memory_space<vmem>>
        %gather3A_1228 = tpu.memref_squeeze %gather3A_1227 : memref<1x12x16x128xf32, #tpu.memory_space<vmem>> -> memref<12x16x128xf32, #tpu.memory_space<vmem>>
        %gather3A_1229 = arith.constant 0 : i32
        %gather3A_1230 = arith.constant 0 : i32
        %gather3A_1231 = tpu.memref_slice %gather3A_1228[%gather3A_1223, %gather3A_1229, %gather3A_1230] : memref<12x16x128xf32, #tpu.memory_space<vmem>> -> memref<1x16x128xf32, #tpu.memory_space<vmem>>
        %gather3A_1232 = tpu.memref_squeeze %gather3A_1231 : memref<1x16x128xf32, #tpu.memory_space<vmem>> -> memref<16x128xf32, #tpu.memory_space<vmem>>
        %gather3A_1233 = tpu.vector_load_idx %gather3A_1232[%add3A_573, %and3A_1168] : memref<16x128xf32, #tpu.memory_space<vmem>>[vector<16xi32>, vector<16xi32>], vector<16xf32>,
        %mul3A_1234 = arith.mulf %gather3A_1178, %gather3A_1189 : vector<16xf32>
        %add3A_1235 = arith.addf %scan3A_1153, %mul3A_1234 : vector<16xf32>
        %mul3A_1236 = arith.mulf %gather3A_1200, %gather3A_1211 : vector<16xf32>
        %sub3A_1237 = arith.subf %add3A_1235, %mul3A_1236 : vector<16xf32>
        %sub3A_1238 = arith.subf %gather3A_1178, %gather3A_1200 : vector<16xf32>
        %add3A_1239 = arith.addf %sub3A_1238, %gather3A_1222 : vector<16xf32>
        %mul3A_1240 = arith.mulf %add3A_1239, %add3A_1239 : vector<16xf32>
        %add3A_1241 = arith.addf %scan3A_1154, %mul3A_1240 : vector<16xf32>
        %mul3A_1242 = arith.mulf %add3A_1239, %gather3A_1233 : vector<16xf32>
        %add3A_1243 = arith.addf %scan3A_1155, %mul3A_1242 : vector<16xf32>
        %mul3A_1244 = arith.mulf %gather3A_1233, %gather3A_1233 : vector<16xf32>
        %add3A_1245 = arith.addf %scan3A_1156, %mul3A_1244 : vector<16xf32>
        %gather3A_1246 = arith.constant 6 : i32
        %gather3A_1247 = arith.constant 0 : i32
        %gather3A_1248 = arith.constant 0 : i32
        %gather3A_1249 = arith.constant 0 : i32
        %gather3A_1250 = tpu.memref_slice %arg19[%scan3A_576, %gather3A_1247, %gather3A_1248, %gather3A_1249] : memref<4x12x16x128xf32, #tpu.memory_space<vmem>> -> memref<1x12x16x128xf32, #tpu.memory_space<vmem>>
        %gather3A_1251 = tpu.memref_squeeze %gather3A_1250 : memref<1x12x16x128xf32, #tpu.memory_space<vmem>> -> memref<12x16x128xf32, #tpu.memory_space<vmem>>
        %gather3A_1252 = arith.constant 0 : i32
        %gather3A_1253 = arith.constant 0 : i32
        %gather3A_1254 = tpu.memref_slice %gather3A_1251[%gather3A_1246, %gather3A_1252, %gather3A_1253] : memref<12x16x128xf32, #tpu.memory_space<vmem>> -> memref<1x16x128xf32, #tpu.memory_space<vmem>>
        %gather3A_1255 = tpu.memref_squeeze %gather3A_1254 : memref<1x16x128xf32, #tpu.memory_space<vmem>> -> memref<16x128xf32, #tpu.memory_space<vmem>>
        %gather3A_1256 = tpu.vector_load_idx %gather3A_1255[%add3A_573, %and3A_1168] : memref<16x128xf32, #tpu.memory_space<vmem>>[vector<16xi32>, vector<16xi32>], vector<16xf32>,
        %gather3A_1257 = arith.constant 7 : i32
        %gather3A_1258 = arith.constant 0 : i32
        %gather3A_1259 = arith.constant 0 : i32
        %gather3A_1260 = arith.constant 0 : i32
        %gather3A_1261 = tpu.memref_slice %arg19[%scan3A_576, %gather3A_1258, %gather3A_1259, %gather3A_1260] : memref<4x12x16x128xf32, #tpu.memory_space<vmem>> -> memref<1x12x16x128xf32, #tpu.memory_space<vmem>>
        %gather3A_1262 = tpu.memref_squeeze %gather3A_1261 : memref<1x12x16x128xf32, #tpu.memory_space<vmem>> -> memref<12x16x128xf32, #tpu.memory_space<vmem>>
        %gather3A_1263 = arith.constant 0 : i32
        %gather3A_1264 = arith.constant 0 : i32
        %gather3A_1265 = tpu.memref_slice %gather3A_1262[%gather3A_1257, %gather3A_1263, %gather3A_1264] : memref<12x16x128xf32, #tpu.memory_space<vmem>> -> memref<1x16x128xf32, #tpu.memory_space<vmem>>
        %gather3A_1266 = tpu.memref_squeeze %gather3A_1265 : memref<1x16x128xf32, #tpu.memory_space<vmem>> -> memref<16x128xf32, #tpu.memory_space<vmem>>
        %gather3A_1267 = tpu.vector_load_idx %gather3A_1266[%add3A_573, %and3A_1168] : memref<16x128xf32, #tpu.memory_space<vmem>>[vector<16xi32>, vector<16xi32>], vector<16xf32>,
        %gather3A_1268 = arith.constant 8 : i32
        %gather3A_1269 = arith.constant 0 : i32
        %gather3A_1270 = arith.constant 0 : i32
        %gather3A_1271 = arith.constant 0 : i32
        %gather3A_1272 = tpu.memref_slice %arg19[%scan3A_576, %gather3A_1269, %gather3A_1270, %gather3A_1271] : memref<4x12x16x128xf32, #tpu.memory_space<vmem>> -> memref<1x12x16x128xf32, #tpu.memory_space<vmem>>
        %gather3A_1273 = tpu.memref_squeeze %gather3A_1272 : memref<1x12x16x128xf32, #tpu.memory_space<vmem>> -> memref<12x16x128xf32, #tpu.memory_space<vmem>>
        %gather3A_1274 = arith.constant 0 : i32
        %gather3A_1275 = arith.constant 0 : i32
        %gather3A_1276 = tpu.memref_slice %gather3A_1273[%gather3A_1268, %gather3A_1274, %gather3A_1275] : memref<12x16x128xf32, #tpu.memory_space<vmem>> -> memref<1x16x128xf32, #tpu.memory_space<vmem>>
        %gather3A_1277 = tpu.memref_squeeze %gather3A_1276 : memref<1x16x128xf32, #tpu.memory_space<vmem>> -> memref<16x128xf32, #tpu.memory_space<vmem>>
        %gather3A_1278 = tpu.vector_load_idx %gather3A_1277[%add3A_573, %and3A_1168] : memref<16x128xf32, #tpu.memory_space<vmem>>[vector<16xi32>, vector<16xi32>], vector<16xf32>,
        %gather3A_1279 = arith.constant 9 : i32
        %gather3A_1280 = arith.constant 0 : i32
        %gather3A_1281 = arith.constant 0 : i32
        %gather3A_1282 = arith.constant 0 : i32
        %gather3A_1283 = tpu.memref_slice %arg19[%scan3A_576, %gather3A_1280, %gather3A_1281, %gather3A_1282] : memref<4x12x16x128xf32, #tpu.memory_space<vmem>> -> memref<1x12x16x128xf32, #tpu.memory_space<vmem>>
        %gather3A_1284 = tpu.memref_squeeze %gather3A_1283 : memref<1x12x16x128xf32, #tpu.memory_space<vmem>> -> memref<12x16x128xf32, #tpu.memory_space<vmem>>
        %gather3A_1285 = arith.constant 0 : i32
        %gather3A_1286 = arith.constant 0 : i32
        %gather3A_1287 = tpu.memref_slice %gather3A_1284[%gather3A_1279, %gather3A_1285, %gather3A_1286] : memref<12x16x128xf32, #tpu.memory_space<vmem>> -> memref<1x16x128xf32, #tpu.memory_space<vmem>>
        %gather3A_1288 = tpu.memref_squeeze %gather3A_1287 : memref<1x16x128xf32, #tpu.memory_space<vmem>> -> memref<16x128xf32, #tpu.memory_space<vmem>>
        %gather3A_1289 = tpu.vector_load_idx %gather3A_1288[%add3A_573, %and3A_1168] : memref<16x128xf32, #tpu.memory_space<vmem>>[vector<16xi32>, vector<16xi32>], vector<16xf32>,
        %gather3A_1290 = arith.constant 10 : i32
        %gather3A_1291 = arith.constant 0 : i32
        %gather3A_1292 = arith.constant 0 : i32
        %gather3A_1293 = arith.constant 0 : i32
        %gather3A_1294 = tpu.memref_slice %arg19[%scan3A_576, %gather3A_1291, %gather3A_1292, %gather3A_1293] : memref<4x12x16x128xf32, #tpu.memory_space<vmem>> -> memref<1x12x16x128xf32, #tpu.memory_space<vmem>>
        %gather3A_1295 = tpu.memref_squeeze %gather3A_1294 : memref<1x12x16x128xf32, #tpu.memory_space<vmem>> -> memref<12x16x128xf32, #tpu.memory_space<vmem>>
        %gather3A_1296 = arith.constant 0 : i32
        %gather3A_1297 = arith.constant 0 : i32
        %gather3A_1298 = tpu.memref_slice %gather3A_1295[%gather3A_1290, %gather3A_1296, %gather3A_1297] : memref<12x16x128xf32, #tpu.memory_space<vmem>> -> memref<1x16x128xf32, #tpu.memory_space<vmem>>
        %gather3A_1299 = tpu.memref_squeeze %gather3A_1298 : memref<1x16x128xf32, #tpu.memory_space<vmem>> -> memref<16x128xf32, #tpu.memory_space<vmem>>
        %gather3A_1300 = tpu.vector_load_idx %gather3A_1299[%add3A_573, %and3A_1168] : memref<16x128xf32, #tpu.memory_space<vmem>>[vector<16xi32>, vector<16xi32>], vector<16xf32>,
        %gather3A_1301 = arith.constant 11 : i32
        %gather3A_1302 = arith.constant 0 : i32
        %gather3A_1303 = arith.constant 0 : i32
        %gather3A_1304 = arith.constant 0 : i32
        %gather3A_1305 = tpu.memref_slice %arg19[%scan3A_576, %gather3A_1302, %gather3A_1303, %gather3A_1304] : memref<4x12x16x128xf32, #tpu.memory_space<vmem>> -> memref<1x12x16x128xf32, #tpu.memory_space<vmem>>
        %gather3A_1306 = tpu.memref_squeeze %gather3A_1305 : memref<1x12x16x128xf32, #tpu.memory_space<vmem>> -> memref<12x16x128xf32, #tpu.memory_space<vmem>>
        %gather3A_1307 = arith.constant 0 : i32
        %gather3A_1308 = arith.constant 0 : i32
        %gather3A_1309 = tpu.memref_slice %gather3A_1306[%gather3A_1301, %gather3A_1307, %gather3A_1308] : memref<12x16x128xf32, #tpu.memory_space<vmem>> -> memref<1x16x128xf32, #tpu.memory_space<vmem>>
        %gather3A_1310 = tpu.memref_squeeze %gather3A_1309 : memref<1x16x128xf32, #tpu.memory_space<vmem>> -> memref<16x128xf32, #tpu.memory_space<vmem>>
        %gather3A_1311 = tpu.vector_load_idx %gather3A_1310[%add3A_573, %and3A_1168] : memref<16x128xf32, #tpu.memory_space<vmem>>[vector<16xi32>, vector<16xi32>], vector<16xf32>,
        %mul3A_1312 = arith.mulf %gather3A_1256, %gather3A_1267 : vector<16xf32>
        %add3A_1313 = arith.addf %scan3A_1157, %mul3A_1312 : vector<16xf32>
        %mul3A_1314 = arith.mulf %gather3A_1278, %gather3A_1289 : vector<16xf32>
        %sub3A_1315 = arith.subf %add3A_1313, %mul3A_1314 : vector<16xf32>
        %sub3A_1316 = arith.subf %gather3A_1256, %gather3A_1278 : vector<16xf32>
        %add3A_1317 = arith.addf %sub3A_1316, %gather3A_1300 : vector<16xf32>
        %mul3A_1318 = arith.mulf %add3A_1317, %add3A_1317 : vector<16xf32>
        %add3A_1319 = arith.addf %scan3A_1158, %mul3A_1318 : vector<16xf32>
        %mul3A_1320 = arith.mulf %add3A_1317, %gather3A_1311 : vector<16xf32>
        %add3A_1321 = arith.addf %scan3A_1159, %mul3A_1320 : vector<16xf32>
        %mul3A_1322 = arith.mulf %gather3A_1311, %gather3A_1311 : vector<16xf32>
        %add3A_1323 = arith.addf %scan3A_1160, %mul3A_1322 : vector<16xf32>
        %add3A_1324 = arith.constant 1 : i32
        %add3A_1325 = arith.addi %mul3A_1162, %add3A_1324 : i32
        %add3A_1326 = vector.broadcast %add3A_1325 : i32 to vector<16xi32>
        %add3A_1327 = arith.addi %iota3A, %add3A_1326 : vector<16xi32>
        %and3A_1328 = arith.constant 127 : i32
        %and3A_1329 = vector.broadcast %and3A_1328 : i32 to vector<16xi32>
        %and3A_1330 = arith.andi %add3A_1327, %and3A_1329 : vector<16xi32>
        %gather3A_1331 = arith.constant 0 : i32
        %gather3A_1332 = arith.constant 0 : i32
        %gather3A_1333 = arith.constant 0 : i32
        %gather3A_1334 = arith.constant 0 : i32
        %gather3A_1335 = tpu.memref_slice %arg19[%scan3A_576, %gather3A_1332, %gather3A_1333, %gather3A_1334] : memref<4x12x16x128xf32, #tpu.memory_space<vmem>> -> memref<1x12x16x128xf32, #tpu.memory_space<vmem>>
        %gather3A_1336 = tpu.memref_squeeze %gather3A_1335 : memref<1x12x16x128xf32, #tpu.memory_space<vmem>> -> memref<12x16x128xf32, #tpu.memory_space<vmem>>
        %gather3A_1337 = arith.constant 0 : i32
        %gather3A_1338 = arith.constant 0 : i32
        %gather3A_1339 = tpu.memref_slice %gather3A_1336[%gather3A_1331, %gather3A_1337, %gather3A_1338] : memref<12x16x128xf32, #tpu.memory_space<vmem>> -> memref<1x16x128xf32, #tpu.memory_space<vmem>>
        %gather3A_1340 = tpu.memref_squeeze %gather3A_1339 : memref<1x16x128xf32, #tpu.memory_space<vmem>> -> memref<16x128xf32, #tpu.memory_space<vmem>>
        %gather3A_1341 = tpu.vector_load_idx %gather3A_1340[%add3A_573, %and3A_1330] : memref<16x128xf32, #tpu.memory_space<vmem>>[vector<16xi32>, vector<16xi32>], vector<16xf32>,
        %gather3A_1342 = arith.constant 1 : i32
        %gather3A_1343 = arith.constant 0 : i32
        %gather3A_1344 = arith.constant 0 : i32
        %gather3A_1345 = arith.constant 0 : i32
        %gather3A_1346 = tpu.memref_slice %arg19[%scan3A_576, %gather3A_1343, %gather3A_1344, %gather3A_1345] : memref<4x12x16x128xf32, #tpu.memory_space<vmem>> -> memref<1x12x16x128xf32, #tpu.memory_space<vmem>>
        %gather3A_1347 = tpu.memref_squeeze %gather3A_1346 : memref<1x12x16x128xf32, #tpu.memory_space<vmem>> -> memref<12x16x128xf32, #tpu.memory_space<vmem>>
        %gather3A_1348 = arith.constant 0 : i32
        %gather3A_1349 = arith.constant 0 : i32
        %gather3A_1350 = tpu.memref_slice %gather3A_1347[%gather3A_1342, %gather3A_1348, %gather3A_1349] : memref<12x16x128xf32, #tpu.memory_space<vmem>> -> memref<1x16x128xf32, #tpu.memory_space<vmem>>
        %gather3A_1351 = tpu.memref_squeeze %gather3A_1350 : memref<1x16x128xf32, #tpu.memory_space<vmem>> -> memref<16x128xf32, #tpu.memory_space<vmem>>
        %gather3A_1352 = tpu.vector_load_idx %gather3A_1351[%add3A_573, %and3A_1330] : memref<16x128xf32, #tpu.memory_space<vmem>>[vector<16xi32>, vector<16xi32>], vector<16xf32>,
        %gather3A_1353 = arith.constant 2 : i32
        %gather3A_1354 = arith.constant 0 : i32
        %gather3A_1355 = arith.constant 0 : i32
        %gather3A_1356 = arith.constant 0 : i32
        %gather3A_1357 = tpu.memref_slice %arg19[%scan3A_576, %gather3A_1354, %gather3A_1355, %gather3A_1356] : memref<4x12x16x128xf32, #tpu.memory_space<vmem>> -> memref<1x12x16x128xf32, #tpu.memory_space<vmem>>
        %gather3A_1358 = tpu.memref_squeeze %gather3A_1357 : memref<1x12x16x128xf32, #tpu.memory_space<vmem>> -> memref<12x16x128xf32, #tpu.memory_space<vmem>>
        %gather3A_1359 = arith.constant 0 : i32
        %gather3A_1360 = arith.constant 0 : i32
        %gather3A_1361 = tpu.memref_slice %gather3A_1358[%gather3A_1353, %gather3A_1359, %gather3A_1360] : memref<12x16x128xf32, #tpu.memory_space<vmem>> -> memref<1x16x128xf32, #tpu.memory_space<vmem>>
        %gather3A_1362 = tpu.memref_squeeze %gather3A_1361 : memref<1x16x128xf32, #tpu.memory_space<vmem>> -> memref<16x128xf32, #tpu.memory_space<vmem>>
        %gather3A_1363 = tpu.vector_load_idx %gather3A_1362[%add3A_573, %and3A_1330] : memref<16x128xf32, #tpu.memory_space<vmem>>[vector<16xi32>, vector<16xi32>], vector<16xf32>,
        %gather3A_1364 = arith.constant 3 : i32
        %gather3A_1365 = arith.constant 0 : i32
        %gather3A_1366 = arith.constant 0 : i32
        %gather3A_1367 = arith.constant 0 : i32
        %gather3A_1368 = tpu.memref_slice %arg19[%scan3A_576, %gather3A_1365, %gather3A_1366, %gather3A_1367] : memref<4x12x16x128xf32, #tpu.memory_space<vmem>> -> memref<1x12x16x128xf32, #tpu.memory_space<vmem>>
        %gather3A_1369 = tpu.memref_squeeze %gather3A_1368 : memref<1x12x16x128xf32, #tpu.memory_space<vmem>> -> memref<12x16x128xf32, #tpu.memory_space<vmem>>
        %gather3A_1370 = arith.constant 0 : i32
        %gather3A_1371 = arith.constant 0 : i32
        %gather3A_1372 = tpu.memref_slice %gather3A_1369[%gather3A_1364, %gather3A_1370, %gather3A_1371] : memref<12x16x128xf32, #tpu.memory_space<vmem>> -> memref<1x16x128xf32, #tpu.memory_space<vmem>>
        %gather3A_1373 = tpu.memref_squeeze %gather3A_1372 : memref<1x16x128xf32, #tpu.memory_space<vmem>> -> memref<16x128xf32, #tpu.memory_space<vmem>>
        %gather3A_1374 = tpu.vector_load_idx %gather3A_1373[%add3A_573, %and3A_1330] : memref<16x128xf32, #tpu.memory_space<vmem>>[vector<16xi32>, vector<16xi32>], vector<16xf32>,
        %gather3A_1375 = arith.constant 4 : i32
        %gather3A_1376 = arith.constant 0 : i32
        %gather3A_1377 = arith.constant 0 : i32
        %gather3A_1378 = arith.constant 0 : i32
        %gather3A_1379 = tpu.memref_slice %arg19[%scan3A_576, %gather3A_1376, %gather3A_1377, %gather3A_1378] : memref<4x12x16x128xf32, #tpu.memory_space<vmem>> -> memref<1x12x16x128xf32, #tpu.memory_space<vmem>>
        %gather3A_1380 = tpu.memref_squeeze %gather3A_1379 : memref<1x12x16x128xf32, #tpu.memory_space<vmem>> -> memref<12x16x128xf32, #tpu.memory_space<vmem>>
        %gather3A_1381 = arith.constant 0 : i32
        %gather3A_1382 = arith.constant 0 : i32
        %gather3A_1383 = tpu.memref_slice %gather3A_1380[%gather3A_1375, %gather3A_1381, %gather3A_1382] : memref<12x16x128xf32, #tpu.memory_space<vmem>> -> memref<1x16x128xf32, #tpu.memory_space<vmem>>
        %gather3A_1384 = tpu.memref_squeeze %gather3A_1383 : memref<1x16x128xf32, #tpu.memory_space<vmem>> -> memref<16x128xf32, #tpu.memory_space<vmem>>
        %gather3A_1385 = tpu.vector_load_idx %gather3A_1384[%add3A_573, %and3A_1330] : memref<16x128xf32, #tpu.memory_space<vmem>>[vector<16xi32>, vector<16xi32>], vector<16xf32>,
        %gather3A_1386 = arith.constant 5 : i32
        %gather3A_1387 = arith.constant 0 : i32
        %gather3A_1388 = arith.constant 0 : i32
        %gather3A_1389 = arith.constant 0 : i32
        %gather3A_1390 = tpu.memref_slice %arg19[%scan3A_576, %gather3A_1387, %gather3A_1388, %gather3A_1389] : memref<4x12x16x128xf32, #tpu.memory_space<vmem>> -> memref<1x12x16x128xf32, #tpu.memory_space<vmem>>
        %gather3A_1391 = tpu.memref_squeeze %gather3A_1390 : memref<1x12x16x128xf32, #tpu.memory_space<vmem>> -> memref<12x16x128xf32, #tpu.memory_space<vmem>>
        %gather3A_1392 = arith.constant 0 : i32
        %gather3A_1393 = arith.constant 0 : i32
        %gather3A_1394 = tpu.memref_slice %gather3A_1391[%gather3A_1386, %gather3A_1392, %gather3A_1393] : memref<12x16x128xf32, #tpu.memory_space<vmem>> -> memref<1x16x128xf32, #tpu.memory_space<vmem>>
        %gather3A_1395 = tpu.memref_squeeze %gather3A_1394 : memref<1x16x128xf32, #tpu.memory_space<vmem>> -> memref<16x128xf32, #tpu.memory_space<vmem>>
        %gather3A_1396 = tpu.vector_load_idx %gather3A_1395[%add3A_573, %and3A_1330] : memref<16x128xf32, #tpu.memory_space<vmem>>[vector<16xi32>, vector<16xi32>], vector<16xf32>,
        %mul3A_1397 = arith.mulf %gather3A_1341, %gather3A_1352 : vector<16xf32>
        %add3A_1398 = arith.addf %sub3A_1237, %mul3A_1397 : vector<16xf32>
        %mul3A_1399 = arith.mulf %gather3A_1363, %gather3A_1374 : vector<16xf32>
        %sub3A_1400 = arith.subf %add3A_1398, %mul3A_1399 : vector<16xf32>
        %sub3A_1401 = arith.subf %gather3A_1341, %gather3A_1363 : vector<16xf32>
        %add3A_1402 = arith.addf %sub3A_1401, %gather3A_1385 : vector<16xf32>
        %mul3A_1403 = arith.mulf %add3A_1402, %add3A_1402 : vector<16xf32>
        %add3A_1404 = arith.addf %add3A_1241, %mul3A_1403 : vector<16xf32>
        %mul3A_1405 = arith.mulf %add3A_1402, %gather3A_1396 : vector<16xf32>
        %add3A_1406 = arith.addf %add3A_1243, %mul3A_1405 : vector<16xf32>
        %mul3A_1407 = arith.mulf %gather3A_1396, %gather3A_1396 : vector<16xf32>
        %add3A_1408 = arith.addf %add3A_1245, %mul3A_1407 : vector<16xf32>
        %gather3A_1409 = arith.constant 6 : i32
        %gather3A_1410 = arith.constant 0 : i32
        %gather3A_1411 = arith.constant 0 : i32
        %gather3A_1412 = arith.constant 0 : i32
        %gather3A_1413 = tpu.memref_slice %arg19[%scan3A_576, %gather3A_1410, %gather3A_1411, %gather3A_1412] : memref<4x12x16x128xf32, #tpu.memory_space<vmem>> -> memref<1x12x16x128xf32, #tpu.memory_space<vmem>>
        %gather3A_1414 = tpu.memref_squeeze %gather3A_1413 : memref<1x12x16x128xf32, #tpu.memory_space<vmem>> -> memref<12x16x128xf32, #tpu.memory_space<vmem>>
        %gather3A_1415 = arith.constant 0 : i32
        %gather3A_1416 = arith.constant 0 : i32
        %gather3A_1417 = tpu.memref_slice %gather3A_1414[%gather3A_1409, %gather3A_1415, %gather3A_1416] : memref<12x16x128xf32, #tpu.memory_space<vmem>> -> memref<1x16x128xf32, #tpu.memory_space<vmem>>
        %gather3A_1418 = tpu.memref_squeeze %gather3A_1417 : memref<1x16x128xf32, #tpu.memory_space<vmem>> -> memref<16x128xf32, #tpu.memory_space<vmem>>
        %gather3A_1419 = tpu.vector_load_idx %gather3A_1418[%add3A_573, %and3A_1330] : memref<16x128xf32, #tpu.memory_space<vmem>>[vector<16xi32>, vector<16xi32>], vector<16xf32>,
        %gather3A_1420 = arith.constant 7 : i32
        %gather3A_1421 = arith.constant 0 : i32
        %gather3A_1422 = arith.constant 0 : i32
        %gather3A_1423 = arith.constant 0 : i32
        %gather3A_1424 = tpu.memref_slice %arg19[%scan3A_576, %gather3A_1421, %gather3A_1422, %gather3A_1423] : memref<4x12x16x128xf32, #tpu.memory_space<vmem>> -> memref<1x12x16x128xf32, #tpu.memory_space<vmem>>
        %gather3A_1425 = tpu.memref_squeeze %gather3A_1424 : memref<1x12x16x128xf32, #tpu.memory_space<vmem>> -> memref<12x16x128xf32, #tpu.memory_space<vmem>>
        %gather3A_1426 = arith.constant 0 : i32
        %gather3A_1427 = arith.constant 0 : i32
        %gather3A_1428 = tpu.memref_slice %gather3A_1425[%gather3A_1420, %gather3A_1426, %gather3A_1427] : memref<12x16x128xf32, #tpu.memory_space<vmem>> -> memref<1x16x128xf32, #tpu.memory_space<vmem>>
        %gather3A_1429 = tpu.memref_squeeze %gather3A_1428 : memref<1x16x128xf32, #tpu.memory_space<vmem>> -> memref<16x128xf32, #tpu.memory_space<vmem>>
        %gather3A_1430 = tpu.vector_load_idx %gather3A_1429[%add3A_573, %and3A_1330] : memref<16x128xf32, #tpu.memory_space<vmem>>[vector<16xi32>, vector<16xi32>], vector<16xf32>,
        %gather3A_1431 = arith.constant 8 : i32
        %gather3A_1432 = arith.constant 0 : i32
        %gather3A_1433 = arith.constant 0 : i32
        %gather3A_1434 = arith.constant 0 : i32
        %gather3A_1435 = tpu.memref_slice %arg19[%scan3A_576, %gather3A_1432, %gather3A_1433, %gather3A_1434] : memref<4x12x16x128xf32, #tpu.memory_space<vmem>> -> memref<1x12x16x128xf32, #tpu.memory_space<vmem>>
        %gather3A_1436 = tpu.memref_squeeze %gather3A_1435 : memref<1x12x16x128xf32, #tpu.memory_space<vmem>> -> memref<12x16x128xf32, #tpu.memory_space<vmem>>
        %gather3A_1437 = arith.constant 0 : i32
        %gather3A_1438 = arith.constant 0 : i32
        %gather3A_1439 = tpu.memref_slice %gather3A_1436[%gather3A_1431, %gather3A_1437, %gather3A_1438] : memref<12x16x128xf32, #tpu.memory_space<vmem>> -> memref<1x16x128xf32, #tpu.memory_space<vmem>>
        %gather3A_1440 = tpu.memref_squeeze %gather3A_1439 : memref<1x16x128xf32, #tpu.memory_space<vmem>> -> memref<16x128xf32, #tpu.memory_space<vmem>>
        %gather3A_1441 = tpu.vector_load_idx %gather3A_1440[%add3A_573, %and3A_1330] : memref<16x128xf32, #tpu.memory_space<vmem>>[vector<16xi32>, vector<16xi32>], vector<16xf32>,
        %gather3A_1442 = arith.constant 9 : i32
        %gather3A_1443 = arith.constant 0 : i32
        %gather3A_1444 = arith.constant 0 : i32
        %gather3A_1445 = arith.constant 0 : i32
        %gather3A_1446 = tpu.memref_slice %arg19[%scan3A_576, %gather3A_1443, %gather3A_1444, %gather3A_1445] : memref<4x12x16x128xf32, #tpu.memory_space<vmem>> -> memref<1x12x16x128xf32, #tpu.memory_space<vmem>>
        %gather3A_1447 = tpu.memref_squeeze %gather3A_1446 : memref<1x12x16x128xf32, #tpu.memory_space<vmem>> -> memref<12x16x128xf32, #tpu.memory_space<vmem>>
        %gather3A_1448 = arith.constant 0 : i32
        %gather3A_1449 = arith.constant 0 : i32
        %gather3A_1450 = tpu.memref_slice %gather3A_1447[%gather3A_1442, %gather3A_1448, %gather3A_1449] : memref<12x16x128xf32, #tpu.memory_space<vmem>> -> memref<1x16x128xf32, #tpu.memory_space<vmem>>
        %gather3A_1451 = tpu.memref_squeeze %gather3A_1450 : memref<1x16x128xf32, #tpu.memory_space<vmem>> -> memref<16x128xf32, #tpu.memory_space<vmem>>
        %gather3A_1452 = tpu.vector_load_idx %gather3A_1451[%add3A_573, %and3A_1330] : memref<16x128xf32, #tpu.memory_space<vmem>>[vector<16xi32>, vector<16xi32>], vector<16xf32>,
        %gather3A_1453 = arith.constant 10 : i32
        %gather3A_1454 = arith.constant 0 : i32
        %gather3A_1455 = arith.constant 0 : i32
        %gather3A_1456 = arith.constant 0 : i32
        %gather3A_1457 = tpu.memref_slice %arg19[%scan3A_576, %gather3A_1454, %gather3A_1455, %gather3A_1456] : memref<4x12x16x128xf32, #tpu.memory_space<vmem>> -> memref<1x12x16x128xf32, #tpu.memory_space<vmem>>
        %gather3A_1458 = tpu.memref_squeeze %gather3A_1457 : memref<1x12x16x128xf32, #tpu.memory_space<vmem>> -> memref<12x16x128xf32, #tpu.memory_space<vmem>>
        %gather3A_1459 = arith.constant 0 : i32
        %gather3A_1460 = arith.constant 0 : i32
        %gather3A_1461 = tpu.memref_slice %gather3A_1458[%gather3A_1453, %gather3A_1459, %gather3A_1460] : memref<12x16x128xf32, #tpu.memory_space<vmem>> -> memref<1x16x128xf32, #tpu.memory_space<vmem>>
        %gather3A_1462 = tpu.memref_squeeze %gather3A_1461 : memref<1x16x128xf32, #tpu.memory_space<vmem>> -> memref<16x128xf32, #tpu.memory_space<vmem>>
        %gather3A_1463 = tpu.vector_load_idx %gather3A_1462[%add3A_573, %and3A_1330] : memref<16x128xf32, #tpu.memory_space<vmem>>[vector<16xi32>, vector<16xi32>], vector<16xf32>,
        %gather3A_1464 = arith.constant 11 : i32
        %gather3A_1465 = arith.constant 0 : i32
        %gather3A_1466 = arith.constant 0 : i32
        %gather3A_1467 = arith.constant 0 : i32
        %gather3A_1468 = tpu.memref_slice %arg19[%scan3A_576, %gather3A_1465, %gather3A_1466, %gather3A_1467] : memref<4x12x16x128xf32, #tpu.memory_space<vmem>> -> memref<1x12x16x128xf32, #tpu.memory_space<vmem>>
        %gather3A_1469 = tpu.memref_squeeze %gather3A_1468 : memref<1x12x16x128xf32, #tpu.memory_space<vmem>> -> memref<12x16x128xf32, #tpu.memory_space<vmem>>
        %gather3A_1470 = arith.constant 0 : i32
        %gather3A_1471 = arith.constant 0 : i32
        %gather3A_1472 = tpu.memref_slice %gather3A_1469[%gather3A_1464, %gather3A_1470, %gather3A_1471] : memref<12x16x128xf32, #tpu.memory_space<vmem>> -> memref<1x16x128xf32, #tpu.memory_space<vmem>>
        %gather3A_1473 = tpu.memref_squeeze %gather3A_1472 : memref<1x16x128xf32, #tpu.memory_space<vmem>> -> memref<16x128xf32, #tpu.memory_space<vmem>>
        %gather3A_1474 = tpu.vector_load_idx %gather3A_1473[%add3A_573, %and3A_1330] : memref<16x128xf32, #tpu.memory_space<vmem>>[vector<16xi32>, vector<16xi32>], vector<16xf32>,
        %mul3A_1475 = arith.mulf %gather3A_1419, %gather3A_1430 : vector<16xf32>
        %add3A_1476 = arith.addf %sub3A_1315, %mul3A_1475 : vector<16xf32>
        %mul3A_1477 = arith.mulf %gather3A_1441, %gather3A_1452 : vector<16xf32>
        %sub3A_1478 = arith.subf %add3A_1476, %mul3A_1477 : vector<16xf32>
        %sub3A_1479 = arith.subf %gather3A_1419, %gather3A_1441 : vector<16xf32>
        %add3A_1480 = arith.addf %sub3A_1479, %gather3A_1463 : vector<16xf32>
        %mul3A_1481 = arith.mulf %add3A_1480, %add3A_1480 : vector<16xf32>
        %add3A_1482 = arith.addf %add3A_1319, %mul3A_1481 : vector<16xf32>
        %mul3A_1483 = arith.mulf %add3A_1480, %gather3A_1474 : vector<16xf32>
        %add3A_1484 = arith.addf %add3A_1321, %mul3A_1483 : vector<16xf32>
        %mul3A_1485 = arith.mulf %gather3A_1474, %gather3A_1474 : vector<16xf32>
        %add3A_1486 = arith.addf %add3A_1323, %mul3A_1485 : vector<16xf32>
        scf.yield %sub3A_1400, %add3A_1404, %add3A_1406, %add3A_1408, %sub3A_1478, %add3A_1482, %add3A_1484, %add3A_1486 : vector<16xf32>, vector<16xf32>, vector<16xf32>, vector<16xf32>, vector<16xf32>, vector<16xf32>, vector<16xf32>, vector<16xf32>
      }
      %scan3A_582 = arith.constant 64 : i32
      %mul3A_583 = arith.constant 2.000000e+00 : f32
      %mul3A_584 = vector.broadcast %mul3A_583 : f32 to vector<16xf32>
      %mul3A_585 = arith.mulf %mul3A_584, %scan3A_581#0 : vector<16xf32>
      %mul3A_586 = arith.mulf %mul3A_585, %scan3A_581#2 : vector<16xf32>
      %add3A_587 = arith.addf %scan3A_581#1, %mul3A_586 : vector<16xf32>
      %mul3A_588 = arith.mulf %scan3A_581#0, %scan3A_581#0 : vector<16xf32>
      %mul3A_589 = arith.mulf %mul3A_588, %scan3A_581#3 : vector<16xf32>
      %add3A_590 = arith.addf %add3A_587, %mul3A_589 : vector<16xf32>
      %mul3A_591 = arith.constant 2.000000e+00 : f32
      %mul3A_592 = vector.broadcast %mul3A_591 : f32 to vector<16xf32>
      %mul3A_593 = arith.mulf %mul3A_592, %scan3A_581#4 : vector<16xf32>
      %mul3A_594 = arith.mulf %mul3A_593, %scan3A_581#6 : vector<16xf32>
      %add3A_595 = arith.addf %scan3A_581#5, %mul3A_594 : vector<16xf32>
      %mul3A_596 = arith.mulf %scan3A_581#4, %scan3A_581#4 : vector<16xf32>
      %mul3A_597 = arith.mulf %mul3A_596, %scan3A_581#7 : vector<16xf32>
      %add3A_598 = arith.addf %add3A_595, %mul3A_597 : vector<16xf32>
      %sub3A_599 = arith.subf %add3A_598, %add3A_590 : vector<16xf32>
      %add3A_600 = arith.constant 1.000000e+00 : f32
      %add3A_601 = vector.broadcast %add3A_600 : f32 to vector<16xf32>
      %add3A_602 = arith.addf %sub3A_599, %add3A_601 : vector<16xf32>
      %max3A = arith.constant 0.000000e+00 : f32
      %max3A_603 = vector.broadcast %max3A : f32 to vector<16xf32>
      %max3A_604 = arith.maximumf %add3A_602, %max3A_603 : vector<16xf32>
      %get3A = arith.constant 0 : index
      %get3A_605 = tpu.vector_load %arg20[%get3A] {strides = array<i32>} : memref<16xf32, #tpu.memory_space<vmem>>, vector<16xf32>,
      %add3A_606 = arith.addf %get3A_605, %max3A_604 : vector<16xf32>
      %swap3A_607 = arith.constant 0 : index
      %swap3A_608 = tpu.vector_load %arg20[%swap3A_607] {strides = array<i32>} : memref<16xf32, #tpu.memory_space<vmem>>, vector<16xf32>,
      tpu.vector_store %arg20[%swap3A_607], %add3A_606 {strides = array<i32>} : memref<16xf32, #tpu.memory_space<vmem>>, vector<16xf32>,
      %add3A_609 = arith.constant 1 : i32
      %add3A_610 = arith.addi %mul3A_433, %add3A_609 : i32
      %add3A_611 = arith.constant 4 : i32
      %add3A_612 = arith.addi %add3A_610, %add3A_611 : i32
      %sub3A_613 = arith.constant 1 : i32
      %sub3A_614 = arith.subi %add3A_612, %sub3A_613 : i32
      %lt3A_615 = arith.constant 32 : i32
      %lt3A_616 = arith.cmpi slt, %sub3A_614, %lt3A_615 : i32
      %add3A_617 = arith.constant 1 : i32
      %add3A_618 = arith.addi %mul3A_433, %add3A_617 : i32
      %add3A_619 = arith.constant 4 : i32
      %add3A_620 = arith.addi %add3A_618, %add3A_619 : i32
      %sub3A_621 = arith.constant 1 : i32
      %sub3A_622 = arith.subi %add3A_620, %sub3A_621 : i32
      %convert_element_type3A_623 = arith.extui %lt3A_616 : i1 to i32
      %cond3A_624 = arith.constant 0 : i32
      %cond3A_625 = arith.cmpi ne, %convert_element_type3A_623, %cond3A_624 : i32
      scf.if %cond3A_625 {
        %mul3A_1152 = arith.constant 16 : i32
        %mul3A_1153 = arith.muli %sub3A_622, %mul3A_1152 : i32
        %dma_start3A_1154 = arith.constant 0 : i32
        %dma_start3A_1155 = arith.constant 0 : i32
        %dma_start3A_1156 = arith.constant 0 : i32
        %dma_start3A_1157 = arith.constant 0 : i32
        %dma_start3A_1158 = tpu.memref_slice %arg19[%dma_start3A_1154, %dma_start3A_1155, %dma_start3A_1156, %dma_start3A_1157] : memref<4x12x16x128xf32, #tpu.memory_space<vmem>> -> memref<1x1x16x128xf32, #tpu.memory_space<vmem>>
        %dma_start3A_1159 = tpu.memref_squeeze %dma_start3A_1158 : memref<1x1x16x128xf32, #tpu.memory_space<vmem>> -> memref<16x128xf32, #tpu.memory_space<vmem>>
        %dma_start3A_1160 = tpu.memref_slice %arg13[%mul3A_1153] : memref<512xi32, #tpu.memory_space<vmem>> -> memref<16xi32, #tpu.memory_space<vmem>>
        %dma_start3A_1161 = arith.constant 0 : i32
        %dma_start3A_1162 = arith.constant 0 : i32
        %dma_start3A_1163 = tpu.memref_slice %arg2[%dma_start3A_1161, %dma_start3A_1162] : memref<1000000x128xf32, #tpu.memory_space<hbm>> -> memref<1000000x128xf32, #tpu.memory_space<hbm>>
        tpu.enqueue_indirect_dma source(%dma_start3A_1163 : memref<1000000x128xf32, #tpu.memory_space<hbm>>) target(%dma_start3A_1159 : memref<16x128xf32, #tpu.memory_space<vmem>>) offsets(%dma_start3A_1160 : memref<16xi32, #tpu.memory_space<vmem>>) semaphore(%arg22 : memref<!tpu.dma_semaphore, #tpu.memory_space<semaphore_mem>>)
        %dma_start3A_1164 = arith.constant 0 : i32
        %dma_start3A_1165 = arith.constant 1 : i32
        %dma_start3A_1166 = arith.constant 0 : i32
        %dma_start3A_1167 = arith.constant 0 : i32
        %dma_start3A_1168 = tpu.memref_slice %arg19[%dma_start3A_1164, %dma_start3A_1165, %dma_start3A_1166, %dma_start3A_1167] : memref<4x12x16x128xf32, #tpu.memory_space<vmem>> -> memref<1x1x16x128xf32, #tpu.memory_space<vmem>>
        %dma_start3A_1169 = tpu.memref_squeeze %dma_start3A_1168 : memref<1x1x16x128xf32, #tpu.memory_space<vmem>> -> memref<16x128xf32, #tpu.memory_space<vmem>>
        %dma_start3A_1170 = tpu.memref_slice %arg13[%mul3A_1153] : memref<512xi32, #tpu.memory_space<vmem>> -> memref<16xi32, #tpu.memory_space<vmem>>
        %dma_start3A_1171 = arith.constant 0 : i32
        %dma_start3A_1172 = arith.constant 0 : i32
        %dma_start3A_1173 = tpu.memref_slice %arg3[%dma_start3A_1171, %dma_start3A_1172] : memref<1000000x128xf32, #tpu.memory_space<hbm>> -> memref<1000000x128xf32, #tpu.memory_space<hbm>>
        tpu.enqueue_indirect_dma source(%dma_start3A_1173 : memref<1000000x128xf32, #tpu.memory_space<hbm>>) target(%dma_start3A_1169 : memref<16x128xf32, #tpu.memory_space<vmem>>) offsets(%dma_start3A_1170 : memref<16xi32, #tpu.memory_space<vmem>>) semaphore(%arg22 : memref<!tpu.dma_semaphore, #tpu.memory_space<semaphore_mem>>)
        %dma_start3A_1174 = arith.constant 0 : i32
        %dma_start3A_1175 = arith.constant 2 : i32
        %dma_start3A_1176 = arith.constant 0 : i32
        %dma_start3A_1177 = arith.constant 0 : i32
        %dma_start3A_1178 = tpu.memref_slice %arg19[%dma_start3A_1174, %dma_start3A_1175, %dma_start3A_1176, %dma_start3A_1177] : memref<4x12x16x128xf32, #tpu.memory_space<vmem>> -> memref<1x1x16x128xf32, #tpu.memory_space<vmem>>
        %dma_start3A_1179 = tpu.memref_squeeze %dma_start3A_1178 : memref<1x1x16x128xf32, #tpu.memory_space<vmem>> -> memref<16x128xf32, #tpu.memory_space<vmem>>
        %dma_start3A_1180 = tpu.memref_slice %arg14[%mul3A_1153] : memref<512xi32, #tpu.memory_space<vmem>> -> memref<16xi32, #tpu.memory_space<vmem>>
        %dma_start3A_1181 = arith.constant 0 : i32
        %dma_start3A_1182 = arith.constant 0 : i32
        %dma_start3A_1183 = tpu.memref_slice %arg2[%dma_start3A_1181, %dma_start3A_1182] : memref<1000000x128xf32, #tpu.memory_space<hbm>> -> memref<1000000x128xf32, #tpu.memory_space<hbm>>
        tpu.enqueue_indirect_dma source(%dma_start3A_1183 : memref<1000000x128xf32, #tpu.memory_space<hbm>>) target(%dma_start3A_1179 : memref<16x128xf32, #tpu.memory_space<vmem>>) offsets(%dma_start3A_1180 : memref<16xi32, #tpu.memory_space<vmem>>) semaphore(%arg22 : memref<!tpu.dma_semaphore, #tpu.memory_space<semaphore_mem>>)
        %dma_start3A_1184 = arith.constant 0 : i32
        %dma_start3A_1185 = arith.constant 3 : i32
        %dma_start3A_1186 = arith.constant 0 : i32
        %dma_start3A_1187 = arith.constant 0 : i32
        %dma_start3A_1188 = tpu.memref_slice %arg19[%dma_start3A_1184, %dma_start3A_1185, %dma_start3A_1186, %dma_start3A_1187] : memref<4x12x16x128xf32, #tpu.memory_space<vmem>> -> memref<1x1x16x128xf32, #tpu.memory_space<vmem>>
        %dma_start3A_1189 = tpu.memref_squeeze %dma_start3A_1188 : memref<1x1x16x128xf32, #tpu.memory_space<vmem>> -> memref<16x128xf32, #tpu.memory_space<vmem>>
        %dma_start3A_1190 = tpu.memref_slice %arg14[%mul3A_1153] : memref<512xi32, #tpu.memory_space<vmem>> -> memref<16xi32, #tpu.memory_space<vmem>>
        %dma_start3A_1191 = arith.constant 0 : i32
        %dma_start3A_1192 = arith.constant 0 : i32
        %dma_start3A_1193 = tpu.memref_slice %arg3[%dma_start3A_1191, %dma_start3A_1192] : memref<1000000x128xf32, #tpu.memory_space<hbm>> -> memref<1000000x128xf32, #tpu.memory_space<hbm>>
        tpu.enqueue_indirect_dma source(%dma_start3A_1193 : memref<1000000x128xf32, #tpu.memory_space<hbm>>) target(%dma_start3A_1189 : memref<16x128xf32, #tpu.memory_space<vmem>>) offsets(%dma_start3A_1190 : memref<16xi32, #tpu.memory_space<vmem>>) semaphore(%arg22 : memref<!tpu.dma_semaphore, #tpu.memory_space<semaphore_mem>>)
        %dma_start3A_1194 = arith.constant 0 : i32
        %dma_start3A_1195 = arith.constant 4 : i32
        %dma_start3A_1196 = arith.constant 0 : i32
        %dma_start3A_1197 = arith.constant 0 : i32
        %dma_start3A_1198 = tpu.memref_slice %arg19[%dma_start3A_1194, %dma_start3A_1195, %dma_start3A_1196, %dma_start3A_1197] : memref<4x12x16x128xf32, #tpu.memory_space<vmem>> -> memref<1x1x16x128xf32, #tpu.memory_space<vmem>>
        %dma_start3A_1199 = tpu.memref_squeeze %dma_start3A_1198 : memref<1x1x16x128xf32, #tpu.memory_space<vmem>> -> memref<16x128xf32, #tpu.memory_space<vmem>>
        %dma_start3A_1200 = tpu.memref_slice %arg15[%mul3A_1153] : memref<512xi32, #tpu.memory_space<vmem>> -> memref<16xi32, #tpu.memory_space<vmem>>
        %dma_start3A_1201 = arith.constant 0 : i32
        %dma_start3A_1202 = arith.constant 0 : i32
        %dma_start3A_1203 = tpu.memref_slice %arg4[%dma_start3A_1201, %dma_start3A_1202] : memref<1000x128xf32, #tpu.memory_space<hbm>> -> memref<1000x128xf32, #tpu.memory_space<hbm>>
        tpu.enqueue_indirect_dma source(%dma_start3A_1203 : memref<1000x128xf32, #tpu.memory_space<hbm>>) target(%dma_start3A_1199 : memref<16x128xf32, #tpu.memory_space<vmem>>) offsets(%dma_start3A_1200 : memref<16xi32, #tpu.memory_space<vmem>>) semaphore(%arg22 : memref<!tpu.dma_semaphore, #tpu.memory_space<semaphore_mem>>)
        %dma_start3A_1204 = arith.constant 0 : i32
        %dma_start3A_1205 = arith.constant 5 : i32
        %dma_start3A_1206 = arith.constant 0 : i32
        %dma_start3A_1207 = arith.constant 0 : i32
        %dma_start3A_1208 = tpu.memref_slice %arg19[%dma_start3A_1204, %dma_start3A_1205, %dma_start3A_1206, %dma_start3A_1207] : memref<4x12x16x128xf32, #tpu.memory_space<vmem>> -> memref<1x1x16x128xf32, #tpu.memory_space<vmem>>
        %dma_start3A_1209 = tpu.memref_squeeze %dma_start3A_1208 : memref<1x1x16x128xf32, #tpu.memory_space<vmem>> -> memref<16x128xf32, #tpu.memory_space<vmem>>
        %dma_start3A_1210 = tpu.memref_slice %arg15[%mul3A_1153] : memref<512xi32, #tpu.memory_space<vmem>> -> memref<16xi32, #tpu.memory_space<vmem>>
        %dma_start3A_1211 = arith.constant 0 : i32
        %dma_start3A_1212 = arith.constant 0 : i32
        %dma_start3A_1213 = tpu.memref_slice %arg5[%dma_start3A_1211, %dma_start3A_1212] : memref<1000x128xf32, #tpu.memory_space<hbm>> -> memref<1000x128xf32, #tpu.memory_space<hbm>>
        tpu.enqueue_indirect_dma source(%dma_start3A_1213 : memref<1000x128xf32, #tpu.memory_space<hbm>>) target(%dma_start3A_1209 : memref<16x128xf32, #tpu.memory_space<vmem>>) offsets(%dma_start3A_1210 : memref<16xi32, #tpu.memory_space<vmem>>) semaphore(%arg22 : memref<!tpu.dma_semaphore, #tpu.memory_space<semaphore_mem>>)
        %dma_start3A_1214 = arith.constant 0 : i32
        %dma_start3A_1215 = arith.constant 6 : i32
        %dma_start3A_1216 = arith.constant 0 : i32
        %dma_start3A_1217 = arith.constant 0 : i32
        %dma_start3A_1218 = tpu.memref_slice %arg19[%dma_start3A_1214, %dma_start3A_1215, %dma_start3A_1216, %dma_start3A_1217] : memref<4x12x16x128xf32, #tpu.memory_space<vmem>> -> memref<1x1x16x128xf32, #tpu.memory_space<vmem>>
        %dma_start3A_1219 = tpu.memref_squeeze %dma_start3A_1218 : memref<1x1x16x128xf32, #tpu.memory_space<vmem>> -> memref<16x128xf32, #tpu.memory_space<vmem>>
        %dma_start3A_1220 = tpu.memref_slice %arg16[%mul3A_1153] : memref<512xi32, #tpu.memory_space<vmem>> -> memref<16xi32, #tpu.memory_space<vmem>>
        %dma_start3A_1221 = arith.constant 0 : i32
        %dma_start3A_1222 = arith.constant 0 : i32
        %dma_start3A_1223 = tpu.memref_slice %arg2[%dma_start3A_1221, %dma_start3A_1222] : memref<1000000x128xf32, #tpu.memory_space<hbm>> -> memref<1000000x128xf32, #tpu.memory_space<hbm>>
        tpu.enqueue_indirect_dma source(%dma_start3A_1223 : memref<1000000x128xf32, #tpu.memory_space<hbm>>) target(%dma_start3A_1219 : memref<16x128xf32, #tpu.memory_space<vmem>>) offsets(%dma_start3A_1220 : memref<16xi32, #tpu.memory_space<vmem>>) semaphore(%arg22 : memref<!tpu.dma_semaphore, #tpu.memory_space<semaphore_mem>>)
        %dma_start3A_1224 = arith.constant 0 : i32
        %dma_start3A_1225 = arith.constant 7 : i32
        %dma_start3A_1226 = arith.constant 0 : i32
        %dma_start3A_1227 = arith.constant 0 : i32
        %dma_start3A_1228 = tpu.memref_slice %arg19[%dma_start3A_1224, %dma_start3A_1225, %dma_start3A_1226, %dma_start3A_1227] : memref<4x12x16x128xf32, #tpu.memory_space<vmem>> -> memref<1x1x16x128xf32, #tpu.memory_space<vmem>>
        %dma_start3A_1229 = tpu.memref_squeeze %dma_start3A_1228 : memref<1x1x16x128xf32, #tpu.memory_space<vmem>> -> memref<16x128xf32, #tpu.memory_space<vmem>>
        %dma_start3A_1230 = tpu.memref_slice %arg16[%mul3A_1153] : memref<512xi32, #tpu.memory_space<vmem>> -> memref<16xi32, #tpu.memory_space<vmem>>
        %dma_start3A_1231 = arith.constant 0 : i32
        %dma_start3A_1232 = arith.constant 0 : i32
        %dma_start3A_1233 = tpu.memref_slice %arg3[%dma_start3A_1231, %dma_start3A_1232] : memref<1000000x128xf32, #tpu.memory_space<hbm>> -> memref<1000000x128xf32, #tpu.memory_space<hbm>>
        tpu.enqueue_indirect_dma source(%dma_start3A_1233 : memref<1000000x128xf32, #tpu.memory_space<hbm>>) target(%dma_start3A_1229 : memref<16x128xf32, #tpu.memory_space<vmem>>) offsets(%dma_start3A_1230 : memref<16xi32, #tpu.memory_space<vmem>>) semaphore(%arg22 : memref<!tpu.dma_semaphore, #tpu.memory_space<semaphore_mem>>)
        %dma_start3A_1234 = arith.constant 0 : i32
        %dma_start3A_1235 = arith.constant 8 : i32
        %dma_start3A_1236 = arith.constant 0 : i32
        %dma_start3A_1237 = arith.constant 0 : i32
        %dma_start3A_1238 = tpu.memref_slice %arg19[%dma_start3A_1234, %dma_start3A_1235, %dma_start3A_1236, %dma_start3A_1237] : memref<4x12x16x128xf32, #tpu.memory_space<vmem>> -> memref<1x1x16x128xf32, #tpu.memory_space<vmem>>
        %dma_start3A_1239 = tpu.memref_squeeze %dma_start3A_1238 : memref<1x1x16x128xf32, #tpu.memory_space<vmem>> -> memref<16x128xf32, #tpu.memory_space<vmem>>
        %dma_start3A_1240 = tpu.memref_slice %arg17[%mul3A_1153] : memref<512xi32, #tpu.memory_space<vmem>> -> memref<16xi32, #tpu.memory_space<vmem>>
        %dma_start3A_1241 = arith.constant 0 : i32
        %dma_start3A_1242 = arith.constant 0 : i32
        %dma_start3A_1243 = tpu.memref_slice %arg2[%dma_start3A_1241, %dma_start3A_1242] : memref<1000000x128xf32, #tpu.memory_space<hbm>> -> memref<1000000x128xf32, #tpu.memory_space<hbm>>
        tpu.enqueue_indirect_dma source(%dma_start3A_1243 : memref<1000000x128xf32, #tpu.memory_space<hbm>>) target(%dma_start3A_1239 : memref<16x128xf32, #tpu.memory_space<vmem>>) offsets(%dma_start3A_1240 : memref<16xi32, #tpu.memory_space<vmem>>) semaphore(%arg22 : memref<!tpu.dma_semaphore, #tpu.memory_space<semaphore_mem>>)
        %dma_start3A_1244 = arith.constant 0 : i32
        %dma_start3A_1245 = arith.constant 9 : i32
        %dma_start3A_1246 = arith.constant 0 : i32
        %dma_start3A_1247 = arith.constant 0 : i32
        %dma_start3A_1248 = tpu.memref_slice %arg19[%dma_start3A_1244, %dma_start3A_1245, %dma_start3A_1246, %dma_start3A_1247] : memref<4x12x16x128xf32, #tpu.memory_space<vmem>> -> memref<1x1x16x128xf32, #tpu.memory_space<vmem>>
        %dma_start3A_1249 = tpu.memref_squeeze %dma_start3A_1248 : memref<1x1x16x128xf32, #tpu.memory_space<vmem>> -> memref<16x128xf32, #tpu.memory_space<vmem>>
        %dma_start3A_1250 = tpu.memref_slice %arg17[%mul3A_1153] : memref<512xi32, #tpu.memory_space<vmem>> -> memref<16xi32, #tpu.memory_space<vmem>>
        %dma_start3A_1251 = arith.constant 0 : i32
        %dma_start3A_1252 = arith.constant 0 : i32
        %dma_start3A_1253 = tpu.memref_slice %arg3[%dma_start3A_1251, %dma_start3A_1252] : memref<1000000x128xf32, #tpu.memory_space<hbm>> -> memref<1000000x128xf32, #tpu.memory_space<hbm>>
        tpu.enqueue_indirect_dma source(%dma_start3A_1253 : memref<1000000x128xf32, #tpu.memory_space<hbm>>) target(%dma_start3A_1249 : memref<16x128xf32, #tpu.memory_space<vmem>>) offsets(%dma_start3A_1250 : memref<16xi32, #tpu.memory_space<vmem>>) semaphore(%arg22 : memref<!tpu.dma_semaphore, #tpu.memory_space<semaphore_mem>>)
        %dma_start3A_1254 = arith.constant 0 : i32
        %dma_start3A_1255 = arith.constant 10 : i32
        %dma_start3A_1256 = arith.constant 0 : i32
        %dma_start3A_1257 = arith.constant 0 : i32
        %dma_start3A_1258 = tpu.memref_slice %arg19[%dma_start3A_1254, %dma_start3A_1255, %dma_start3A_1256, %dma_start3A_1257] : memref<4x12x16x128xf32, #tpu.memory_space<vmem>> -> memref<1x1x16x128xf32, #tpu.memory_space<vmem>>
        %dma_start3A_1259 = tpu.memref_squeeze %dma_start3A_1258 : memref<1x1x16x128xf32, #tpu.memory_space<vmem>> -> memref<16x128xf32, #tpu.memory_space<vmem>>
        %dma_start3A_1260 = tpu.memref_slice %arg18[%mul3A_1153] : memref<512xi32, #tpu.memory_space<vmem>> -> memref<16xi32, #tpu.memory_space<vmem>>
        %dma_start3A_1261 = arith.constant 0 : i32
        %dma_start3A_1262 = arith.constant 0 : i32
        %dma_start3A_1263 = tpu.memref_slice %arg4[%dma_start3A_1261, %dma_start3A_1262] : memref<1000x128xf32, #tpu.memory_space<hbm>> -> memref<1000x128xf32, #tpu.memory_space<hbm>>
        tpu.enqueue_indirect_dma source(%dma_start3A_1263 : memref<1000x128xf32, #tpu.memory_space<hbm>>) target(%dma_start3A_1259 : memref<16x128xf32, #tpu.memory_space<vmem>>) offsets(%dma_start3A_1260 : memref<16xi32, #tpu.memory_space<vmem>>) semaphore(%arg22 : memref<!tpu.dma_semaphore, #tpu.memory_space<semaphore_mem>>)
        %dma_start3A_1264 = arith.constant 0 : i32
        %dma_start3A_1265 = arith.constant 11 : i32
        %dma_start3A_1266 = arith.constant 0 : i32
        %dma_start3A_1267 = arith.constant 0 : i32
        %dma_start3A_1268 = tpu.memref_slice %arg19[%dma_start3A_1264, %dma_start3A_1265, %dma_start3A_1266, %dma_start3A_1267] : memref<4x12x16x128xf32, #tpu.memory_space<vmem>> -> memref<1x1x16x128xf32, #tpu.memory_space<vmem>>
        %dma_start3A_1269 = tpu.memref_squeeze %dma_start3A_1268 : memref<1x1x16x128xf32, #tpu.memory_space<vmem>> -> memref<16x128xf32, #tpu.memory_space<vmem>>
        %dma_start3A_1270 = tpu.memref_slice %arg18[%mul3A_1153] : memref<512xi32, #tpu.memory_space<vmem>> -> memref<16xi32, #tpu.memory_space<vmem>>
        %dma_start3A_1271 = arith.constant 0 : i32
        %dma_start3A_1272 = arith.constant 0 : i32
        %dma_start3A_1273 = tpu.memref_slice %arg5[%dma_start3A_1271, %dma_start3A_1272] : memref<1000x128xf32, #tpu.memory_space<hbm>> -> memref<1000x128xf32, #tpu.memory_space<hbm>>
        tpu.enqueue_indirect_dma source(%dma_start3A_1273 : memref<1000x128xf32, #tpu.memory_space<hbm>>) target(%dma_start3A_1269 : memref<16x128xf32, #tpu.memory_space<vmem>>) offsets(%dma_start3A_1270 : memref<16xi32, #tpu.memory_space<vmem>>) semaphore(%arg22 : memref<!tpu.dma_semaphore, #tpu.memory_space<semaphore_mem>>)
      } else {
      }
      %add3A_626 = arith.constant 1 : i32
      %add3A_627 = arith.addi %mul3A_433, %add3A_626 : i32
      %mul3A_628 = arith.constant 16 : i32
      %mul3A_629 = arith.muli %add3A_627, %mul3A_628 : i32
      %dma_wait3A_630 = arith.constant 1 : i32
      %dma_wait3A_631 = arith.constant 0 : i32
      %dma_wait3A_632 = arith.constant 0 : i32
      %dma_wait3A_633 = arith.constant 0 : i32
      %dma_wait3A_634 = tpu.memref_slice %arg19[%dma_wait3A_630, %dma_wait3A_631, %dma_wait3A_632, %dma_wait3A_633] : memref<4x12x16x128xf32, #tpu.memory_space<vmem>> -> memref<1x1x16x128xf32, #tpu.memory_space<vmem>>
      %dma_wait3A_635 = tpu.memref_squeeze %dma_wait3A_634 : memref<1x1x16x128xf32, #tpu.memory_space<vmem>> -> memref<16x128xf32, #tpu.memory_space<vmem>>
      %dma_wait3A_636 = tpu.memref_slice %arg13[%mul3A_629] : memref<512xi32, #tpu.memory_space<vmem>> -> memref<16xi32, #tpu.memory_space<vmem>>
      %dma_wait3A_637 = arith.constant 0 : i32
      %dma_wait3A_638 = arith.constant 0 : i32
      %dma_wait3A_639 = tpu.memref_slice %arg2[%dma_wait3A_637, %dma_wait3A_638] : memref<1000000x128xf32, #tpu.memory_space<hbm>> -> memref<1000000x128xf32, #tpu.memory_space<hbm>>
      tpu.wait_indirect_dma semaphore(%arg23 : memref<!tpu.dma_semaphore, #tpu.memory_space<semaphore_mem>>) src(%dma_wait3A_639 : memref<1000000x128xf32, #tpu.memory_space<hbm>>) dst(%dma_wait3A_635 : memref<16x128xf32, #tpu.memory_space<vmem>>)
      %dma_wait3A_640 = arith.constant 1 : i32
      %dma_wait3A_641 = arith.constant 1 : i32
      %dma_wait3A_642 = arith.constant 0 : i32
      %dma_wait3A_643 = arith.constant 0 : i32
      %dma_wait3A_644 = tpu.memref_slice %arg19[%dma_wait3A_640, %dma_wait3A_641, %dma_wait3A_642, %dma_wait3A_643] : memref<4x12x16x128xf32, #tpu.memory_space<vmem>> -> memref<1x1x16x128xf32, #tpu.memory_space<vmem>>
      %dma_wait3A_645 = tpu.memref_squeeze %dma_wait3A_644 : memref<1x1x16x128xf32, #tpu.memory_space<vmem>> -> memref<16x128xf32, #tpu.memory_space<vmem>>
      %dma_wait3A_646 = tpu.memref_slice %arg13[%mul3A_629] : memref<512xi32, #tpu.memory_space<vmem>> -> memref<16xi32, #tpu.memory_space<vmem>>
      %dma_wait3A_647 = arith.constant 0 : i32
      %dma_wait3A_648 = arith.constant 0 : i32
      %dma_wait3A_649 = tpu.memref_slice %arg3[%dma_wait3A_647, %dma_wait3A_648] : memref<1000000x128xf32, #tpu.memory_space<hbm>> -> memref<1000000x128xf32, #tpu.memory_space<hbm>>
      tpu.wait_indirect_dma semaphore(%arg23 : memref<!tpu.dma_semaphore, #tpu.memory_space<semaphore_mem>>) src(%dma_wait3A_649 : memref<1000000x128xf32, #tpu.memory_space<hbm>>) dst(%dma_wait3A_645 : memref<16x128xf32, #tpu.memory_space<vmem>>)
      %dma_wait3A_650 = arith.constant 1 : i32
      %dma_wait3A_651 = arith.constant 2 : i32
      %dma_wait3A_652 = arith.constant 0 : i32
      %dma_wait3A_653 = arith.constant 0 : i32
      %dma_wait3A_654 = tpu.memref_slice %arg19[%dma_wait3A_650, %dma_wait3A_651, %dma_wait3A_652, %dma_wait3A_653] : memref<4x12x16x128xf32, #tpu.memory_space<vmem>> -> memref<1x1x16x128xf32, #tpu.memory_space<vmem>>
      %dma_wait3A_655 = tpu.memref_squeeze %dma_wait3A_654 : memref<1x1x16x128xf32, #tpu.memory_space<vmem>> -> memref<16x128xf32, #tpu.memory_space<vmem>>
      %dma_wait3A_656 = tpu.memref_slice %arg14[%mul3A_629] : memref<512xi32, #tpu.memory_space<vmem>> -> memref<16xi32, #tpu.memory_space<vmem>>
      %dma_wait3A_657 = arith.constant 0 : i32
      %dma_wait3A_658 = arith.constant 0 : i32
      %dma_wait3A_659 = tpu.memref_slice %arg2[%dma_wait3A_657, %dma_wait3A_658] : memref<1000000x128xf32, #tpu.memory_space<hbm>> -> memref<1000000x128xf32, #tpu.memory_space<hbm>>
      tpu.wait_indirect_dma semaphore(%arg23 : memref<!tpu.dma_semaphore, #tpu.memory_space<semaphore_mem>>) src(%dma_wait3A_659 : memref<1000000x128xf32, #tpu.memory_space<hbm>>) dst(%dma_wait3A_655 : memref<16x128xf32, #tpu.memory_space<vmem>>)
      %dma_wait3A_660 = arith.constant 1 : i32
      %dma_wait3A_661 = arith.constant 3 : i32
      %dma_wait3A_662 = arith.constant 0 : i32
      %dma_wait3A_663 = arith.constant 0 : i32
      %dma_wait3A_664 = tpu.memref_slice %arg19[%dma_wait3A_660, %dma_wait3A_661, %dma_wait3A_662, %dma_wait3A_663] : memref<4x12x16x128xf32, #tpu.memory_space<vmem>> -> memref<1x1x16x128xf32, #tpu.memory_space<vmem>>
      %dma_wait3A_665 = tpu.memref_squeeze %dma_wait3A_664 : memref<1x1x16x128xf32, #tpu.memory_space<vmem>> -> memref<16x128xf32, #tpu.memory_space<vmem>>
      %dma_wait3A_666 = tpu.memref_slice %arg14[%mul3A_629] : memref<512xi32, #tpu.memory_space<vmem>> -> memref<16xi32, #tpu.memory_space<vmem>>
      %dma_wait3A_667 = arith.constant 0 : i32
      %dma_wait3A_668 = arith.constant 0 : i32
      %dma_wait3A_669 = tpu.memref_slice %arg3[%dma_wait3A_667, %dma_wait3A_668] : memref<1000000x128xf32, #tpu.memory_space<hbm>> -> memref<1000000x128xf32, #tpu.memory_space<hbm>>
      tpu.wait_indirect_dma semaphore(%arg23 : memref<!tpu.dma_semaphore, #tpu.memory_space<semaphore_mem>>) src(%dma_wait3A_669 : memref<1000000x128xf32, #tpu.memory_space<hbm>>) dst(%dma_wait3A_665 : memref<16x128xf32, #tpu.memory_space<vmem>>)
      %dma_wait3A_670 = arith.constant 1 : i32
      %dma_wait3A_671 = arith.constant 4 : i32
      %dma_wait3A_672 = arith.constant 0 : i32
      %dma_wait3A_673 = arith.constant 0 : i32
      %dma_wait3A_674 = tpu.memref_slice %arg19[%dma_wait3A_670, %dma_wait3A_671, %dma_wait3A_672, %dma_wait3A_673] : memref<4x12x16x128xf32, #tpu.memory_space<vmem>> -> memref<1x1x16x128xf32, #tpu.memory_space<vmem>>
      %dma_wait3A_675 = tpu.memref_squeeze %dma_wait3A_674 : memref<1x1x16x128xf32, #tpu.memory_space<vmem>> -> memref<16x128xf32, #tpu.memory_space<vmem>>
      %dma_wait3A_676 = tpu.memref_slice %arg15[%mul3A_629] : memref<512xi32, #tpu.memory_space<vmem>> -> memref<16xi32, #tpu.memory_space<vmem>>
      %dma_wait3A_677 = arith.constant 0 : i32
      %dma_wait3A_678 = arith.constant 0 : i32
      %dma_wait3A_679 = tpu.memref_slice %arg4[%dma_wait3A_677, %dma_wait3A_678] : memref<1000x128xf32, #tpu.memory_space<hbm>> -> memref<1000x128xf32, #tpu.memory_space<hbm>>
      tpu.wait_indirect_dma semaphore(%arg23 : memref<!tpu.dma_semaphore, #tpu.memory_space<semaphore_mem>>) src(%dma_wait3A_679 : memref<1000x128xf32, #tpu.memory_space<hbm>>) dst(%dma_wait3A_675 : memref<16x128xf32, #tpu.memory_space<vmem>>)
      %dma_wait3A_680 = arith.constant 1 : i32
      %dma_wait3A_681 = arith.constant 5 : i32
      %dma_wait3A_682 = arith.constant 0 : i32
      %dma_wait3A_683 = arith.constant 0 : i32
      %dma_wait3A_684 = tpu.memref_slice %arg19[%dma_wait3A_680, %dma_wait3A_681, %dma_wait3A_682, %dma_wait3A_683] : memref<4x12x16x128xf32, #tpu.memory_space<vmem>> -> memref<1x1x16x128xf32, #tpu.memory_space<vmem>>
      %dma_wait3A_685 = tpu.memref_squeeze %dma_wait3A_684 : memref<1x1x16x128xf32, #tpu.memory_space<vmem>> -> memref<16x128xf32, #tpu.memory_space<vmem>>
      %dma_wait3A_686 = tpu.memref_slice %arg15[%mul3A_629] : memref<512xi32, #tpu.memory_space<vmem>> -> memref<16xi32, #tpu.memory_space<vmem>>
      %dma_wait3A_687 = arith.constant 0 : i32
      %dma_wait3A_688 = arith.constant 0 : i32
      %dma_wait3A_689 = tpu.memref_slice %arg5[%dma_wait3A_687, %dma_wait3A_688] : memref<1000x128xf32, #tpu.memory_space<hbm>> -> memref<1000x128xf32, #tpu.memory_space<hbm>>
      tpu.wait_indirect_dma semaphore(%arg23 : memref<!tpu.dma_semaphore, #tpu.memory_space<semaphore_mem>>) src(%dma_wait3A_689 : memref<1000x128xf32, #tpu.memory_space<hbm>>) dst(%dma_wait3A_685 : memref<16x128xf32, #tpu.memory_space<vmem>>)
      %dma_wait3A_690 = arith.constant 1 : i32
      %dma_wait3A_691 = arith.constant 6 : i32
      %dma_wait3A_692 = arith.constant 0 : i32
      %dma_wait3A_693 = arith.constant 0 : i32
      %dma_wait3A_694 = tpu.memref_slice %arg19[%dma_wait3A_690, %dma_wait3A_691, %dma_wait3A_692, %dma_wait3A_693] : memref<4x12x16x128xf32, #tpu.memory_space<vmem>> -> memref<1x1x16x128xf32, #tpu.memory_space<vmem>>
      %dma_wait3A_695 = tpu.memref_squeeze %dma_wait3A_694 : memref<1x1x16x128xf32, #tpu.memory_space<vmem>> -> memref<16x128xf32, #tpu.memory_space<vmem>>
      %dma_wait3A_696 = tpu.memref_slice %arg16[%mul3A_629] : memref<512xi32, #tpu.memory_space<vmem>> -> memref<16xi32, #tpu.memory_space<vmem>>
      %dma_wait3A_697 = arith.constant 0 : i32
      %dma_wait3A_698 = arith.constant 0 : i32
      %dma_wait3A_699 = tpu.memref_slice %arg2[%dma_wait3A_697, %dma_wait3A_698] : memref<1000000x128xf32, #tpu.memory_space<hbm>> -> memref<1000000x128xf32, #tpu.memory_space<hbm>>
      tpu.wait_indirect_dma semaphore(%arg23 : memref<!tpu.dma_semaphore, #tpu.memory_space<semaphore_mem>>) src(%dma_wait3A_699 : memref<1000000x128xf32, #tpu.memory_space<hbm>>) dst(%dma_wait3A_695 : memref<16x128xf32, #tpu.memory_space<vmem>>)
      %dma_wait3A_700 = arith.constant 1 : i32
      %dma_wait3A_701 = arith.constant 7 : i32
      %dma_wait3A_702 = arith.constant 0 : i32
      %dma_wait3A_703 = arith.constant 0 : i32
      %dma_wait3A_704 = tpu.memref_slice %arg19[%dma_wait3A_700, %dma_wait3A_701, %dma_wait3A_702, %dma_wait3A_703] : memref<4x12x16x128xf32, #tpu.memory_space<vmem>> -> memref<1x1x16x128xf32, #tpu.memory_space<vmem>>
      %dma_wait3A_705 = tpu.memref_squeeze %dma_wait3A_704 : memref<1x1x16x128xf32, #tpu.memory_space<vmem>> -> memref<16x128xf32, #tpu.memory_space<vmem>>
      %dma_wait3A_706 = tpu.memref_slice %arg16[%mul3A_629] : memref<512xi32, #tpu.memory_space<vmem>> -> memref<16xi32, #tpu.memory_space<vmem>>
      %dma_wait3A_707 = arith.constant 0 : i32
      %dma_wait3A_708 = arith.constant 0 : i32
      %dma_wait3A_709 = tpu.memref_slice %arg3[%dma_wait3A_707, %dma_wait3A_708] : memref<1000000x128xf32, #tpu.memory_space<hbm>> -> memref<1000000x128xf32, #tpu.memory_space<hbm>>
      tpu.wait_indirect_dma semaphore(%arg23 : memref<!tpu.dma_semaphore, #tpu.memory_space<semaphore_mem>>) src(%dma_wait3A_709 : memref<1000000x128xf32, #tpu.memory_space<hbm>>) dst(%dma_wait3A_705 : memref<16x128xf32, #tpu.memory_space<vmem>>)
      %dma_wait3A_710 = arith.constant 1 : i32
      %dma_wait3A_711 = arith.constant 8 : i32
      %dma_wait3A_712 = arith.constant 0 : i32
      %dma_wait3A_713 = arith.constant 0 : i32
      %dma_wait3A_714 = tpu.memref_slice %arg19[%dma_wait3A_710, %dma_wait3A_711, %dma_wait3A_712, %dma_wait3A_713] : memref<4x12x16x128xf32, #tpu.memory_space<vmem>> -> memref<1x1x16x128xf32, #tpu.memory_space<vmem>>
      %dma_wait3A_715 = tpu.memref_squeeze %dma_wait3A_714 : memref<1x1x16x128xf32, #tpu.memory_space<vmem>> -> memref<16x128xf32, #tpu.memory_space<vmem>>
      %dma_wait3A_716 = tpu.memref_slice %arg17[%mul3A_629] : memref<512xi32, #tpu.memory_space<vmem>> -> memref<16xi32, #tpu.memory_space<vmem>>
      %dma_wait3A_717 = arith.constant 0 : i32
      %dma_wait3A_718 = arith.constant 0 : i32
      %dma_wait3A_719 = tpu.memref_slice %arg2[%dma_wait3A_717, %dma_wait3A_718] : memref<1000000x128xf32, #tpu.memory_space<hbm>> -> memref<1000000x128xf32, #tpu.memory_space<hbm>>
      tpu.wait_indirect_dma semaphore(%arg23 : memref<!tpu.dma_semaphore, #tpu.memory_space<semaphore_mem>>) src(%dma_wait3A_719 : memref<1000000x128xf32, #tpu.memory_space<hbm>>) dst(%dma_wait3A_715 : memref<16x128xf32, #tpu.memory_space<vmem>>)
      %dma_wait3A_720 = arith.constant 1 : i32
      %dma_wait3A_721 = arith.constant 9 : i32
      %dma_wait3A_722 = arith.constant 0 : i32
      %dma_wait3A_723 = arith.constant 0 : i32
      %dma_wait3A_724 = tpu.memref_slice %arg19[%dma_wait3A_720, %dma_wait3A_721, %dma_wait3A_722, %dma_wait3A_723] : memref<4x12x16x128xf32, #tpu.memory_space<vmem>> -> memref<1x1x16x128xf32, #tpu.memory_space<vmem>>
      %dma_wait3A_725 = tpu.memref_squeeze %dma_wait3A_724 : memref<1x1x16x128xf32, #tpu.memory_space<vmem>> -> memref<16x128xf32, #tpu.memory_space<vmem>>
      %dma_wait3A_726 = tpu.memref_slice %arg17[%mul3A_629] : memref<512xi32, #tpu.memory_space<vmem>> -> memref<16xi32, #tpu.memory_space<vmem>>
      %dma_wait3A_727 = arith.constant 0 : i32
      %dma_wait3A_728 = arith.constant 0 : i32
      %dma_wait3A_729 = tpu.memref_slice %arg3[%dma_wait3A_727, %dma_wait3A_728] : memref<1000000x128xf32, #tpu.memory_space<hbm>> -> memref<1000000x128xf32, #tpu.memory_space<hbm>>
      tpu.wait_indirect_dma semaphore(%arg23 : memref<!tpu.dma_semaphore, #tpu.memory_space<semaphore_mem>>) src(%dma_wait3A_729 : memref<1000000x128xf32, #tpu.memory_space<hbm>>) dst(%dma_wait3A_725 : memref<16x128xf32, #tpu.memory_space<vmem>>)
      %dma_wait3A_730 = arith.constant 1 : i32
      %dma_wait3A_731 = arith.constant 10 : i32
      %dma_wait3A_732 = arith.constant 0 : i32
      %dma_wait3A_733 = arith.constant 0 : i32
      %dma_wait3A_734 = tpu.memref_slice %arg19[%dma_wait3A_730, %dma_wait3A_731, %dma_wait3A_732, %dma_wait3A_733] : memref<4x12x16x128xf32, #tpu.memory_space<vmem>> -> memref<1x1x16x128xf32, #tpu.memory_space<vmem>>
      %dma_wait3A_735 = tpu.memref_squeeze %dma_wait3A_734 : memref<1x1x16x128xf32, #tpu.memory_space<vmem>> -> memref<16x128xf32, #tpu.memory_space<vmem>>
      %dma_wait3A_736 = tpu.memref_slice %arg18[%mul3A_629] : memref<512xi32, #tpu.memory_space<vmem>> -> memref<16xi32, #tpu.memory_space<vmem>>
      %dma_wait3A_737 = arith.constant 0 : i32
      %dma_wait3A_738 = arith.constant 0 : i32
      %dma_wait3A_739 = tpu.memref_slice %arg4[%dma_wait3A_737, %dma_wait3A_738] : memref<1000x128xf32, #tpu.memory_space<hbm>> -> memref<1000x128xf32, #tpu.memory_space<hbm>>
      tpu.wait_indirect_dma semaphore(%arg23 : memref<!tpu.dma_semaphore, #tpu.memory_space<semaphore_mem>>) src(%dma_wait3A_739 : memref<1000x128xf32, #tpu.memory_space<hbm>>) dst(%dma_wait3A_735 : memref<16x128xf32, #tpu.memory_space<vmem>>)
      %dma_wait3A_740 = arith.constant 1 : i32
      %dma_wait3A_741 = arith.constant 11 : i32
      %dma_wait3A_742 = arith.constant 0 : i32
      %dma_wait3A_743 = arith.constant 0 : i32
      %dma_wait3A_744 = tpu.memref_slice %arg19[%dma_wait3A_740, %dma_wait3A_741, %dma_wait3A_742, %dma_wait3A_743] : memref<4x12x16x128xf32, #tpu.memory_space<vmem>> -> memref<1x1x16x128xf32, #tpu.memory_space<vmem>>
      %dma_wait3A_745 = tpu.memref_squeeze %dma_wait3A_744 : memref<1x1x16x128xf32, #tpu.memory_space<vmem>> -> memref<16x128xf32, #tpu.memory_space<vmem>>
      %dma_wait3A_746 = tpu.memref_slice %arg18[%mul3A_629] : memref<512xi32, #tpu.memory_space<vmem>> -> memref<16xi32, #tpu.memory_space<vmem>>
      %dma_wait3A_747 = arith.constant 0 : i32
      %dma_wait3A_748 = arith.constant 0 : i32
      %dma_wait3A_749 = tpu.memref_slice %arg5[%dma_wait3A_747, %dma_wait3A_748] : memref<1000x128xf32, #tpu.memory_space<hbm>> -> memref<1000x128xf32, #tpu.memory_space<hbm>>
      tpu.wait_indirect_dma semaphore(%arg23 : memref<!tpu.dma_semaphore, #tpu.memory_space<semaphore_mem>>) src(%dma_wait3A_749 : memref<1000x128xf32, #tpu.memory_space<hbm>>) dst(%dma_wait3A_745 : memref<16x128xf32, #tpu.memory_space<vmem>>)
      %add3A_750 = arith.constant 0 : i32
      %add3A_751 = vector.broadcast %add3A_750 : i32 to vector<16xi32>
      %add3A_752 = arith.addi %iota3A, %add3A_751 : vector<16xi32>
      %broadcast_in_dim3A_753 = arith.constant 0.000000e+00 : f32
      %broadcast_in_dim3A_754 = vector.broadcast %broadcast_in_dim3A_753 : f32 to vector<16xf32>
      %scan3A_755 = arith.constant 1 : i32
      %scan3A_756 = arith.constant 0 : i32
      %scan3A_757 = arith.constant 64 : i32
      %scan3A_758 = arith.addi %scan3A_756, %scan3A_757 : i32
      %scan3A_759 = arith.constant 1 : i32
      %scan3A_760:8 = scf.for %scan3A_1152 = %scan3A_756 to %scan3A_758 step %scan3A_759 iter_args(%scan3A_1153 = %broadcast_in_dim3A_754, %scan3A_1154 = %broadcast_in_dim3A_754, %scan3A_1155 = %broadcast_in_dim3A_754, %scan3A_1156 = %broadcast_in_dim3A_754, %scan3A_1157 = %broadcast_in_dim3A_754, %scan3A_1158 = %broadcast_in_dim3A_754, %scan3A_1159 = %broadcast_in_dim3A_754, %scan3A_1160 = %broadcast_in_dim3A_754) -> (vector<16xf32>, vector<16xf32>, vector<16xf32>, vector<16xf32>, vector<16xf32>, vector<16xf32>, vector<16xf32>, vector<16xf32>)  : i32 {
        %mul3A_1161 = arith.constant 2 : i32
        %mul3A_1162 = arith.muli %scan3A_1152, %mul3A_1161 : i32
        %add3A_1163 = arith.constant 0 : i32
        %add3A_1164 = arith.addi %mul3A_1162, %add3A_1163 : i32
        %add3A_1165 = vector.broadcast %add3A_1164 : i32 to vector<16xi32>
        %add3A_1166 = arith.addi %iota3A, %add3A_1165 : vector<16xi32>
        %and3A = arith.constant 127 : i32
        %and3A_1167 = vector.broadcast %and3A : i32 to vector<16xi32>
        %and3A_1168 = arith.andi %add3A_1166, %and3A_1167 : vector<16xi32>
        %gather3A = arith.constant 0 : i32
        %gather3A_1169 = arith.constant 0 : i32
        %gather3A_1170 = arith.constant 0 : i32
        %gather3A_1171 = arith.constant 0 : i32
        %gather3A_1172 = tpu.memref_slice %arg19[%scan3A_755, %gather3A_1169, %gather3A_1170, %gather3A_1171] : memref<4x12x16x128xf32, #tpu.memory_space<vmem>> -> memref<1x12x16x128xf32, #tpu.memory_space<vmem>>
        %gather3A_1173 = tpu.memref_squeeze %gather3A_1172 : memref<1x12x16x128xf32, #tpu.memory_space<vmem>> -> memref<12x16x128xf32, #tpu.memory_space<vmem>>
        %gather3A_1174 = arith.constant 0 : i32
        %gather3A_1175 = arith.constant 0 : i32
        %gather3A_1176 = tpu.memref_slice %gather3A_1173[%gather3A, %gather3A_1174, %gather3A_1175] : memref<12x16x128xf32, #tpu.memory_space<vmem>> -> memref<1x16x128xf32, #tpu.memory_space<vmem>>
        %gather3A_1177 = tpu.memref_squeeze %gather3A_1176 : memref<1x16x128xf32, #tpu.memory_space<vmem>> -> memref<16x128xf32, #tpu.memory_space<vmem>>
        %gather3A_1178 = tpu.vector_load_idx %gather3A_1177[%add3A_752, %and3A_1168] : memref<16x128xf32, #tpu.memory_space<vmem>>[vector<16xi32>, vector<16xi32>], vector<16xf32>,
        %gather3A_1179 = arith.constant 1 : i32
        %gather3A_1180 = arith.constant 0 : i32
        %gather3A_1181 = arith.constant 0 : i32
        %gather3A_1182 = arith.constant 0 : i32
        %gather3A_1183 = tpu.memref_slice %arg19[%scan3A_755, %gather3A_1180, %gather3A_1181, %gather3A_1182] : memref<4x12x16x128xf32, #tpu.memory_space<vmem>> -> memref<1x12x16x128xf32, #tpu.memory_space<vmem>>
        %gather3A_1184 = tpu.memref_squeeze %gather3A_1183 : memref<1x12x16x128xf32, #tpu.memory_space<vmem>> -> memref<12x16x128xf32, #tpu.memory_space<vmem>>
        %gather3A_1185 = arith.constant 0 : i32
        %gather3A_1186 = arith.constant 0 : i32
        %gather3A_1187 = tpu.memref_slice %gather3A_1184[%gather3A_1179, %gather3A_1185, %gather3A_1186] : memref<12x16x128xf32, #tpu.memory_space<vmem>> -> memref<1x16x128xf32, #tpu.memory_space<vmem>>
        %gather3A_1188 = tpu.memref_squeeze %gather3A_1187 : memref<1x16x128xf32, #tpu.memory_space<vmem>> -> memref<16x128xf32, #tpu.memory_space<vmem>>
        %gather3A_1189 = tpu.vector_load_idx %gather3A_1188[%add3A_752, %and3A_1168] : memref<16x128xf32, #tpu.memory_space<vmem>>[vector<16xi32>, vector<16xi32>], vector<16xf32>,
        %gather3A_1190 = arith.constant 2 : i32
        %gather3A_1191 = arith.constant 0 : i32
        %gather3A_1192 = arith.constant 0 : i32
        %gather3A_1193 = arith.constant 0 : i32
        %gather3A_1194 = tpu.memref_slice %arg19[%scan3A_755, %gather3A_1191, %gather3A_1192, %gather3A_1193] : memref<4x12x16x128xf32, #tpu.memory_space<vmem>> -> memref<1x12x16x128xf32, #tpu.memory_space<vmem>>
        %gather3A_1195 = tpu.memref_squeeze %gather3A_1194 : memref<1x12x16x128xf32, #tpu.memory_space<vmem>> -> memref<12x16x128xf32, #tpu.memory_space<vmem>>
        %gather3A_1196 = arith.constant 0 : i32
        %gather3A_1197 = arith.constant 0 : i32
        %gather3A_1198 = tpu.memref_slice %gather3A_1195[%gather3A_1190, %gather3A_1196, %gather3A_1197] : memref<12x16x128xf32, #tpu.memory_space<vmem>> -> memref<1x16x128xf32, #tpu.memory_space<vmem>>
        %gather3A_1199 = tpu.memref_squeeze %gather3A_1198 : memref<1x16x128xf32, #tpu.memory_space<vmem>> -> memref<16x128xf32, #tpu.memory_space<vmem>>
        %gather3A_1200 = tpu.vector_load_idx %gather3A_1199[%add3A_752, %and3A_1168] : memref<16x128xf32, #tpu.memory_space<vmem>>[vector<16xi32>, vector<16xi32>], vector<16xf32>,
        %gather3A_1201 = arith.constant 3 : i32
        %gather3A_1202 = arith.constant 0 : i32
        %gather3A_1203 = arith.constant 0 : i32
        %gather3A_1204 = arith.constant 0 : i32
        %gather3A_1205 = tpu.memref_slice %arg19[%scan3A_755, %gather3A_1202, %gather3A_1203, %gather3A_1204] : memref<4x12x16x128xf32, #tpu.memory_space<vmem>> -> memref<1x12x16x128xf32, #tpu.memory_space<vmem>>
        %gather3A_1206 = tpu.memref_squeeze %gather3A_1205 : memref<1x12x16x128xf32, #tpu.memory_space<vmem>> -> memref<12x16x128xf32, #tpu.memory_space<vmem>>
        %gather3A_1207 = arith.constant 0 : i32
        %gather3A_1208 = arith.constant 0 : i32
        %gather3A_1209 = tpu.memref_slice %gather3A_1206[%gather3A_1201, %gather3A_1207, %gather3A_1208] : memref<12x16x128xf32, #tpu.memory_space<vmem>> -> memref<1x16x128xf32, #tpu.memory_space<vmem>>
        %gather3A_1210 = tpu.memref_squeeze %gather3A_1209 : memref<1x16x128xf32, #tpu.memory_space<vmem>> -> memref<16x128xf32, #tpu.memory_space<vmem>>
        %gather3A_1211 = tpu.vector_load_idx %gather3A_1210[%add3A_752, %and3A_1168] : memref<16x128xf32, #tpu.memory_space<vmem>>[vector<16xi32>, vector<16xi32>], vector<16xf32>,
        %gather3A_1212 = arith.constant 4 : i32
        %gather3A_1213 = arith.constant 0 : i32
        %gather3A_1214 = arith.constant 0 : i32
        %gather3A_1215 = arith.constant 0 : i32
        %gather3A_1216 = tpu.memref_slice %arg19[%scan3A_755, %gather3A_1213, %gather3A_1214, %gather3A_1215] : memref<4x12x16x128xf32, #tpu.memory_space<vmem>> -> memref<1x12x16x128xf32, #tpu.memory_space<vmem>>
        %gather3A_1217 = tpu.memref_squeeze %gather3A_1216 : memref<1x12x16x128xf32, #tpu.memory_space<vmem>> -> memref<12x16x128xf32, #tpu.memory_space<vmem>>
        %gather3A_1218 = arith.constant 0 : i32
        %gather3A_1219 = arith.constant 0 : i32
        %gather3A_1220 = tpu.memref_slice %gather3A_1217[%gather3A_1212, %gather3A_1218, %gather3A_1219] : memref<12x16x128xf32, #tpu.memory_space<vmem>> -> memref<1x16x128xf32, #tpu.memory_space<vmem>>
        %gather3A_1221 = tpu.memref_squeeze %gather3A_1220 : memref<1x16x128xf32, #tpu.memory_space<vmem>> -> memref<16x128xf32, #tpu.memory_space<vmem>>
        %gather3A_1222 = tpu.vector_load_idx %gather3A_1221[%add3A_752, %and3A_1168] : memref<16x128xf32, #tpu.memory_space<vmem>>[vector<16xi32>, vector<16xi32>], vector<16xf32>,
        %gather3A_1223 = arith.constant 5 : i32
        %gather3A_1224 = arith.constant 0 : i32
        %gather3A_1225 = arith.constant 0 : i32
        %gather3A_1226 = arith.constant 0 : i32
        %gather3A_1227 = tpu.memref_slice %arg19[%scan3A_755, %gather3A_1224, %gather3A_1225, %gather3A_1226] : memref<4x12x16x128xf32, #tpu.memory_space<vmem>> -> memref<1x12x16x128xf32, #tpu.memory_space<vmem>>
        %gather3A_1228 = tpu.memref_squeeze %gather3A_1227 : memref<1x12x16x128xf32, #tpu.memory_space<vmem>> -> memref<12x16x128xf32, #tpu.memory_space<vmem>>
        %gather3A_1229 = arith.constant 0 : i32
        %gather3A_1230 = arith.constant 0 : i32
        %gather3A_1231 = tpu.memref_slice %gather3A_1228[%gather3A_1223, %gather3A_1229, %gather3A_1230] : memref<12x16x128xf32, #tpu.memory_space<vmem>> -> memref<1x16x128xf32, #tpu.memory_space<vmem>>
        %gather3A_1232 = tpu.memref_squeeze %gather3A_1231 : memref<1x16x128xf32, #tpu.memory_space<vmem>> -> memref<16x128xf32, #tpu.memory_space<vmem>>
        %gather3A_1233 = tpu.vector_load_idx %gather3A_1232[%add3A_752, %and3A_1168] : memref<16x128xf32, #tpu.memory_space<vmem>>[vector<16xi32>, vector<16xi32>], vector<16xf32>,
        %mul3A_1234 = arith.mulf %gather3A_1178, %gather3A_1189 : vector<16xf32>
        %add3A_1235 = arith.addf %scan3A_1153, %mul3A_1234 : vector<16xf32>
        %mul3A_1236 = arith.mulf %gather3A_1200, %gather3A_1211 : vector<16xf32>
        %sub3A_1237 = arith.subf %add3A_1235, %mul3A_1236 : vector<16xf32>
        %sub3A_1238 = arith.subf %gather3A_1178, %gather3A_1200 : vector<16xf32>
        %add3A_1239 = arith.addf %sub3A_1238, %gather3A_1222 : vector<16xf32>
        %mul3A_1240 = arith.mulf %add3A_1239, %add3A_1239 : vector<16xf32>
        %add3A_1241 = arith.addf %scan3A_1154, %mul3A_1240 : vector<16xf32>
        %mul3A_1242 = arith.mulf %add3A_1239, %gather3A_1233 : vector<16xf32>
        %add3A_1243 = arith.addf %scan3A_1155, %mul3A_1242 : vector<16xf32>
        %mul3A_1244 = arith.mulf %gather3A_1233, %gather3A_1233 : vector<16xf32>
        %add3A_1245 = arith.addf %scan3A_1156, %mul3A_1244 : vector<16xf32>
        %gather3A_1246 = arith.constant 6 : i32
        %gather3A_1247 = arith.constant 0 : i32
        %gather3A_1248 = arith.constant 0 : i32
        %gather3A_1249 = arith.constant 0 : i32
        %gather3A_1250 = tpu.memref_slice %arg19[%scan3A_755, %gather3A_1247, %gather3A_1248, %gather3A_1249] : memref<4x12x16x128xf32, #tpu.memory_space<vmem>> -> memref<1x12x16x128xf32, #tpu.memory_space<vmem>>
        %gather3A_1251 = tpu.memref_squeeze %gather3A_1250 : memref<1x12x16x128xf32, #tpu.memory_space<vmem>> -> memref<12x16x128xf32, #tpu.memory_space<vmem>>
        %gather3A_1252 = arith.constant 0 : i32
        %gather3A_1253 = arith.constant 0 : i32
        %gather3A_1254 = tpu.memref_slice %gather3A_1251[%gather3A_1246, %gather3A_1252, %gather3A_1253] : memref<12x16x128xf32, #tpu.memory_space<vmem>> -> memref<1x16x128xf32, #tpu.memory_space<vmem>>
        %gather3A_1255 = tpu.memref_squeeze %gather3A_1254 : memref<1x16x128xf32, #tpu.memory_space<vmem>> -> memref<16x128xf32, #tpu.memory_space<vmem>>
        %gather3A_1256 = tpu.vector_load_idx %gather3A_1255[%add3A_752, %and3A_1168] : memref<16x128xf32, #tpu.memory_space<vmem>>[vector<16xi32>, vector<16xi32>], vector<16xf32>,
        %gather3A_1257 = arith.constant 7 : i32
        %gather3A_1258 = arith.constant 0 : i32
        %gather3A_1259 = arith.constant 0 : i32
        %gather3A_1260 = arith.constant 0 : i32
        %gather3A_1261 = tpu.memref_slice %arg19[%scan3A_755, %gather3A_1258, %gather3A_1259, %gather3A_1260] : memref<4x12x16x128xf32, #tpu.memory_space<vmem>> -> memref<1x12x16x128xf32, #tpu.memory_space<vmem>>
        %gather3A_1262 = tpu.memref_squeeze %gather3A_1261 : memref<1x12x16x128xf32, #tpu.memory_space<vmem>> -> memref<12x16x128xf32, #tpu.memory_space<vmem>>
        %gather3A_1263 = arith.constant 0 : i32
        %gather3A_1264 = arith.constant 0 : i32
        %gather3A_1265 = tpu.memref_slice %gather3A_1262[%gather3A_1257, %gather3A_1263, %gather3A_1264] : memref<12x16x128xf32, #tpu.memory_space<vmem>> -> memref<1x16x128xf32, #tpu.memory_space<vmem>>
        %gather3A_1266 = tpu.memref_squeeze %gather3A_1265 : memref<1x16x128xf32, #tpu.memory_space<vmem>> -> memref<16x128xf32, #tpu.memory_space<vmem>>
        %gather3A_1267 = tpu.vector_load_idx %gather3A_1266[%add3A_752, %and3A_1168] : memref<16x128xf32, #tpu.memory_space<vmem>>[vector<16xi32>, vector<16xi32>], vector<16xf32>,
        %gather3A_1268 = arith.constant 8 : i32
        %gather3A_1269 = arith.constant 0 : i32
        %gather3A_1270 = arith.constant 0 : i32
        %gather3A_1271 = arith.constant 0 : i32
        %gather3A_1272 = tpu.memref_slice %arg19[%scan3A_755, %gather3A_1269, %gather3A_1270, %gather3A_1271] : memref<4x12x16x128xf32, #tpu.memory_space<vmem>> -> memref<1x12x16x128xf32, #tpu.memory_space<vmem>>
        %gather3A_1273 = tpu.memref_squeeze %gather3A_1272 : memref<1x12x16x128xf32, #tpu.memory_space<vmem>> -> memref<12x16x128xf32, #tpu.memory_space<vmem>>
        %gather3A_1274 = arith.constant 0 : i32
        %gather3A_1275 = arith.constant 0 : i32
        %gather3A_1276 = tpu.memref_slice %gather3A_1273[%gather3A_1268, %gather3A_1274, %gather3A_1275] : memref<12x16x128xf32, #tpu.memory_space<vmem>> -> memref<1x16x128xf32, #tpu.memory_space<vmem>>
        %gather3A_1277 = tpu.memref_squeeze %gather3A_1276 : memref<1x16x128xf32, #tpu.memory_space<vmem>> -> memref<16x128xf32, #tpu.memory_space<vmem>>
        %gather3A_1278 = tpu.vector_load_idx %gather3A_1277[%add3A_752, %and3A_1168] : memref<16x128xf32, #tpu.memory_space<vmem>>[vector<16xi32>, vector<16xi32>], vector<16xf32>,
        %gather3A_1279 = arith.constant 9 : i32
        %gather3A_1280 = arith.constant 0 : i32
        %gather3A_1281 = arith.constant 0 : i32
        %gather3A_1282 = arith.constant 0 : i32
        %gather3A_1283 = tpu.memref_slice %arg19[%scan3A_755, %gather3A_1280, %gather3A_1281, %gather3A_1282] : memref<4x12x16x128xf32, #tpu.memory_space<vmem>> -> memref<1x12x16x128xf32, #tpu.memory_space<vmem>>
        %gather3A_1284 = tpu.memref_squeeze %gather3A_1283 : memref<1x12x16x128xf32, #tpu.memory_space<vmem>> -> memref<12x16x128xf32, #tpu.memory_space<vmem>>
        %gather3A_1285 = arith.constant 0 : i32
        %gather3A_1286 = arith.constant 0 : i32
        %gather3A_1287 = tpu.memref_slice %gather3A_1284[%gather3A_1279, %gather3A_1285, %gather3A_1286] : memref<12x16x128xf32, #tpu.memory_space<vmem>> -> memref<1x16x128xf32, #tpu.memory_space<vmem>>
        %gather3A_1288 = tpu.memref_squeeze %gather3A_1287 : memref<1x16x128xf32, #tpu.memory_space<vmem>> -> memref<16x128xf32, #tpu.memory_space<vmem>>
        %gather3A_1289 = tpu.vector_load_idx %gather3A_1288[%add3A_752, %and3A_1168] : memref<16x128xf32, #tpu.memory_space<vmem>>[vector<16xi32>, vector<16xi32>], vector<16xf32>,
        %gather3A_1290 = arith.constant 10 : i32
        %gather3A_1291 = arith.constant 0 : i32
        %gather3A_1292 = arith.constant 0 : i32
        %gather3A_1293 = arith.constant 0 : i32
        %gather3A_1294 = tpu.memref_slice %arg19[%scan3A_755, %gather3A_1291, %gather3A_1292, %gather3A_1293] : memref<4x12x16x128xf32, #tpu.memory_space<vmem>> -> memref<1x12x16x128xf32, #tpu.memory_space<vmem>>
        %gather3A_1295 = tpu.memref_squeeze %gather3A_1294 : memref<1x12x16x128xf32, #tpu.memory_space<vmem>> -> memref<12x16x128xf32, #tpu.memory_space<vmem>>
        %gather3A_1296 = arith.constant 0 : i32
        %gather3A_1297 = arith.constant 0 : i32
        %gather3A_1298 = tpu.memref_slice %gather3A_1295[%gather3A_1290, %gather3A_1296, %gather3A_1297] : memref<12x16x128xf32, #tpu.memory_space<vmem>> -> memref<1x16x128xf32, #tpu.memory_space<vmem>>
        %gather3A_1299 = tpu.memref_squeeze %gather3A_1298 : memref<1x16x128xf32, #tpu.memory_space<vmem>> -> memref<16x128xf32, #tpu.memory_space<vmem>>
        %gather3A_1300 = tpu.vector_load_idx %gather3A_1299[%add3A_752, %and3A_1168] : memref<16x128xf32, #tpu.memory_space<vmem>>[vector<16xi32>, vector<16xi32>], vector<16xf32>,
        %gather3A_1301 = arith.constant 11 : i32
        %gather3A_1302 = arith.constant 0 : i32
        %gather3A_1303 = arith.constant 0 : i32
        %gather3A_1304 = arith.constant 0 : i32
        %gather3A_1305 = tpu.memref_slice %arg19[%scan3A_755, %gather3A_1302, %gather3A_1303, %gather3A_1304] : memref<4x12x16x128xf32, #tpu.memory_space<vmem>> -> memref<1x12x16x128xf32, #tpu.memory_space<vmem>>
        %gather3A_1306 = tpu.memref_squeeze %gather3A_1305 : memref<1x12x16x128xf32, #tpu.memory_space<vmem>> -> memref<12x16x128xf32, #tpu.memory_space<vmem>>
        %gather3A_1307 = arith.constant 0 : i32
        %gather3A_1308 = arith.constant 0 : i32
        %gather3A_1309 = tpu.memref_slice %gather3A_1306[%gather3A_1301, %gather3A_1307, %gather3A_1308] : memref<12x16x128xf32, #tpu.memory_space<vmem>> -> memref<1x16x128xf32, #tpu.memory_space<vmem>>
        %gather3A_1310 = tpu.memref_squeeze %gather3A_1309 : memref<1x16x128xf32, #tpu.memory_space<vmem>> -> memref<16x128xf32, #tpu.memory_space<vmem>>
        %gather3A_1311 = tpu.vector_load_idx %gather3A_1310[%add3A_752, %and3A_1168] : memref<16x128xf32, #tpu.memory_space<vmem>>[vector<16xi32>, vector<16xi32>], vector<16xf32>,
        %mul3A_1312 = arith.mulf %gather3A_1256, %gather3A_1267 : vector<16xf32>
        %add3A_1313 = arith.addf %scan3A_1157, %mul3A_1312 : vector<16xf32>
        %mul3A_1314 = arith.mulf %gather3A_1278, %gather3A_1289 : vector<16xf32>
        %sub3A_1315 = arith.subf %add3A_1313, %mul3A_1314 : vector<16xf32>
        %sub3A_1316 = arith.subf %gather3A_1256, %gather3A_1278 : vector<16xf32>
        %add3A_1317 = arith.addf %sub3A_1316, %gather3A_1300 : vector<16xf32>
        %mul3A_1318 = arith.mulf %add3A_1317, %add3A_1317 : vector<16xf32>
        %add3A_1319 = arith.addf %scan3A_1158, %mul3A_1318 : vector<16xf32>
        %mul3A_1320 = arith.mulf %add3A_1317, %gather3A_1311 : vector<16xf32>
        %add3A_1321 = arith.addf %scan3A_1159, %mul3A_1320 : vector<16xf32>
        %mul3A_1322 = arith.mulf %gather3A_1311, %gather3A_1311 : vector<16xf32>
        %add3A_1323 = arith.addf %scan3A_1160, %mul3A_1322 : vector<16xf32>
        %add3A_1324 = arith.constant 1 : i32
        %add3A_1325 = arith.addi %mul3A_1162, %add3A_1324 : i32
        %add3A_1326 = vector.broadcast %add3A_1325 : i32 to vector<16xi32>
        %add3A_1327 = arith.addi %iota3A, %add3A_1326 : vector<16xi32>
        %and3A_1328 = arith.constant 127 : i32
        %and3A_1329 = vector.broadcast %and3A_1328 : i32 to vector<16xi32>
        %and3A_1330 = arith.andi %add3A_1327, %and3A_1329 : vector<16xi32>
        %gather3A_1331 = arith.constant 0 : i32
        %gather3A_1332 = arith.constant 0 : i32
        %gather3A_1333 = arith.constant 0 : i32
        %gather3A_1334 = arith.constant 0 : i32
        %gather3A_1335 = tpu.memref_slice %arg19[%scan3A_755, %gather3A_1332, %gather3A_1333, %gather3A_1334] : memref<4x12x16x128xf32, #tpu.memory_space<vmem>> -> memref<1x12x16x128xf32, #tpu.memory_space<vmem>>
        %gather3A_1336 = tpu.memref_squeeze %gather3A_1335 : memref<1x12x16x128xf32, #tpu.memory_space<vmem>> -> memref<12x16x128xf32, #tpu.memory_space<vmem>>
        %gather3A_1337 = arith.constant 0 : i32
        %gather3A_1338 = arith.constant 0 : i32
        %gather3A_1339 = tpu.memref_slice %gather3A_1336[%gather3A_1331, %gather3A_1337, %gather3A_1338] : memref<12x16x128xf32, #tpu.memory_space<vmem>> -> memref<1x16x128xf32, #tpu.memory_space<vmem>>
        %gather3A_1340 = tpu.memref_squeeze %gather3A_1339 : memref<1x16x128xf32, #tpu.memory_space<vmem>> -> memref<16x128xf32, #tpu.memory_space<vmem>>
        %gather3A_1341 = tpu.vector_load_idx %gather3A_1340[%add3A_752, %and3A_1330] : memref<16x128xf32, #tpu.memory_space<vmem>>[vector<16xi32>, vector<16xi32>], vector<16xf32>,
        %gather3A_1342 = arith.constant 1 : i32
        %gather3A_1343 = arith.constant 0 : i32
        %gather3A_1344 = arith.constant 0 : i32
        %gather3A_1345 = arith.constant 0 : i32
        %gather3A_1346 = tpu.memref_slice %arg19[%scan3A_755, %gather3A_1343, %gather3A_1344, %gather3A_1345] : memref<4x12x16x128xf32, #tpu.memory_space<vmem>> -> memref<1x12x16x128xf32, #tpu.memory_space<vmem>>
        %gather3A_1347 = tpu.memref_squeeze %gather3A_1346 : memref<1x12x16x128xf32, #tpu.memory_space<vmem>> -> memref<12x16x128xf32, #tpu.memory_space<vmem>>
        %gather3A_1348 = arith.constant 0 : i32
        %gather3A_1349 = arith.constant 0 : i32
        %gather3A_1350 = tpu.memref_slice %gather3A_1347[%gather3A_1342, %gather3A_1348, %gather3A_1349] : memref<12x16x128xf32, #tpu.memory_space<vmem>> -> memref<1x16x128xf32, #tpu.memory_space<vmem>>
        %gather3A_1351 = tpu.memref_squeeze %gather3A_1350 : memref<1x16x128xf32, #tpu.memory_space<vmem>> -> memref<16x128xf32, #tpu.memory_space<vmem>>
        %gather3A_1352 = tpu.vector_load_idx %gather3A_1351[%add3A_752, %and3A_1330] : memref<16x128xf32, #tpu.memory_space<vmem>>[vector<16xi32>, vector<16xi32>], vector<16xf32>,
        %gather3A_1353 = arith.constant 2 : i32
        %gather3A_1354 = arith.constant 0 : i32
        %gather3A_1355 = arith.constant 0 : i32
        %gather3A_1356 = arith.constant 0 : i32
        %gather3A_1357 = tpu.memref_slice %arg19[%scan3A_755, %gather3A_1354, %gather3A_1355, %gather3A_1356] : memref<4x12x16x128xf32, #tpu.memory_space<vmem>> -> memref<1x12x16x128xf32, #tpu.memory_space<vmem>>
        %gather3A_1358 = tpu.memref_squeeze %gather3A_1357 : memref<1x12x16x128xf32, #tpu.memory_space<vmem>> -> memref<12x16x128xf32, #tpu.memory_space<vmem>>
        %gather3A_1359 = arith.constant 0 : i32
        %gather3A_1360 = arith.constant 0 : i32
        %gather3A_1361 = tpu.memref_slice %gather3A_1358[%gather3A_1353, %gather3A_1359, %gather3A_1360] : memref<12x16x128xf32, #tpu.memory_space<vmem>> -> memref<1x16x128xf32, #tpu.memory_space<vmem>>
        %gather3A_1362 = tpu.memref_squeeze %gather3A_1361 : memref<1x16x128xf32, #tpu.memory_space<vmem>> -> memref<16x128xf32, #tpu.memory_space<vmem>>
        %gather3A_1363 = tpu.vector_load_idx %gather3A_1362[%add3A_752, %and3A_1330] : memref<16x128xf32, #tpu.memory_space<vmem>>[vector<16xi32>, vector<16xi32>], vector<16xf32>,
        %gather3A_1364 = arith.constant 3 : i32
        %gather3A_1365 = arith.constant 0 : i32
        %gather3A_1366 = arith.constant 0 : i32
        %gather3A_1367 = arith.constant 0 : i32
        %gather3A_1368 = tpu.memref_slice %arg19[%scan3A_755, %gather3A_1365, %gather3A_1366, %gather3A_1367] : memref<4x12x16x128xf32, #tpu.memory_space<vmem>> -> memref<1x12x16x128xf32, #tpu.memory_space<vmem>>
        %gather3A_1369 = tpu.memref_squeeze %gather3A_1368 : memref<1x12x16x128xf32, #tpu.memory_space<vmem>> -> memref<12x16x128xf32, #tpu.memory_space<vmem>>
        %gather3A_1370 = arith.constant 0 : i32
        %gather3A_1371 = arith.constant 0 : i32
        %gather3A_1372 = tpu.memref_slice %gather3A_1369[%gather3A_1364, %gather3A_1370, %gather3A_1371] : memref<12x16x128xf32, #tpu.memory_space<vmem>> -> memref<1x16x128xf32, #tpu.memory_space<vmem>>
        %gather3A_1373 = tpu.memref_squeeze %gather3A_1372 : memref<1x16x128xf32, #tpu.memory_space<vmem>> -> memref<16x128xf32, #tpu.memory_space<vmem>>
        %gather3A_1374 = tpu.vector_load_idx %gather3A_1373[%add3A_752, %and3A_1330] : memref<16x128xf32, #tpu.memory_space<vmem>>[vector<16xi32>, vector<16xi32>], vector<16xf32>,
        %gather3A_1375 = arith.constant 4 : i32
        %gather3A_1376 = arith.constant 0 : i32
        %gather3A_1377 = arith.constant 0 : i32
        %gather3A_1378 = arith.constant 0 : i32
        %gather3A_1379 = tpu.memref_slice %arg19[%scan3A_755, %gather3A_1376, %gather3A_1377, %gather3A_1378] : memref<4x12x16x128xf32, #tpu.memory_space<vmem>> -> memref<1x12x16x128xf32, #tpu.memory_space<vmem>>
        %gather3A_1380 = tpu.memref_squeeze %gather3A_1379 : memref<1x12x16x128xf32, #tpu.memory_space<vmem>> -> memref<12x16x128xf32, #tpu.memory_space<vmem>>
        %gather3A_1381 = arith.constant 0 : i32
        %gather3A_1382 = arith.constant 0 : i32
        %gather3A_1383 = tpu.memref_slice %gather3A_1380[%gather3A_1375, %gather3A_1381, %gather3A_1382] : memref<12x16x128xf32, #tpu.memory_space<vmem>> -> memref<1x16x128xf32, #tpu.memory_space<vmem>>
        %gather3A_1384 = tpu.memref_squeeze %gather3A_1383 : memref<1x16x128xf32, #tpu.memory_space<vmem>> -> memref<16x128xf32, #tpu.memory_space<vmem>>
        %gather3A_1385 = tpu.vector_load_idx %gather3A_1384[%add3A_752, %and3A_1330] : memref<16x128xf32, #tpu.memory_space<vmem>>[vector<16xi32>, vector<16xi32>], vector<16xf32>,
        %gather3A_1386 = arith.constant 5 : i32
        %gather3A_1387 = arith.constant 0 : i32
        %gather3A_1388 = arith.constant 0 : i32
        %gather3A_1389 = arith.constant 0 : i32
        %gather3A_1390 = tpu.memref_slice %arg19[%scan3A_755, %gather3A_1387, %gather3A_1388, %gather3A_1389] : memref<4x12x16x128xf32, #tpu.memory_space<vmem>> -> memref<1x12x16x128xf32, #tpu.memory_space<vmem>>
        %gather3A_1391 = tpu.memref_squeeze %gather3A_1390 : memref<1x12x16x128xf32, #tpu.memory_space<vmem>> -> memref<12x16x128xf32, #tpu.memory_space<vmem>>
        %gather3A_1392 = arith.constant 0 : i32
        %gather3A_1393 = arith.constant 0 : i32
        %gather3A_1394 = tpu.memref_slice %gather3A_1391[%gather3A_1386, %gather3A_1392, %gather3A_1393] : memref<12x16x128xf32, #tpu.memory_space<vmem>> -> memref<1x16x128xf32, #tpu.memory_space<vmem>>
        %gather3A_1395 = tpu.memref_squeeze %gather3A_1394 : memref<1x16x128xf32, #tpu.memory_space<vmem>> -> memref<16x128xf32, #tpu.memory_space<vmem>>
        %gather3A_1396 = tpu.vector_load_idx %gather3A_1395[%add3A_752, %and3A_1330] : memref<16x128xf32, #tpu.memory_space<vmem>>[vector<16xi32>, vector<16xi32>], vector<16xf32>,
        %mul3A_1397 = arith.mulf %gather3A_1341, %gather3A_1352 : vector<16xf32>
        %add3A_1398 = arith.addf %sub3A_1237, %mul3A_1397 : vector<16xf32>
        %mul3A_1399 = arith.mulf %gather3A_1363, %gather3A_1374 : vector<16xf32>
        %sub3A_1400 = arith.subf %add3A_1398, %mul3A_1399 : vector<16xf32>
        %sub3A_1401 = arith.subf %gather3A_1341, %gather3A_1363 : vector<16xf32>
        %add3A_1402 = arith.addf %sub3A_1401, %gather3A_1385 : vector<16xf32>
        %mul3A_1403 = arith.mulf %add3A_1402, %add3A_1402 : vector<16xf32>
        %add3A_1404 = arith.addf %add3A_1241, %mul3A_1403 : vector<16xf32>
        %mul3A_1405 = arith.mulf %add3A_1402, %gather3A_1396 : vector<16xf32>
        %add3A_1406 = arith.addf %add3A_1243, %mul3A_1405 : vector<16xf32>
        %mul3A_1407 = arith.mulf %gather3A_1396, %gather3A_1396 : vector<16xf32>
        %add3A_1408 = arith.addf %add3A_1245, %mul3A_1407 : vector<16xf32>
        %gather3A_1409 = arith.constant 6 : i32
        %gather3A_1410 = arith.constant 0 : i32
        %gather3A_1411 = arith.constant 0 : i32
        %gather3A_1412 = arith.constant 0 : i32
        %gather3A_1413 = tpu.memref_slice %arg19[%scan3A_755, %gather3A_1410, %gather3A_1411, %gather3A_1412] : memref<4x12x16x128xf32, #tpu.memory_space<vmem>> -> memref<1x12x16x128xf32, #tpu.memory_space<vmem>>
        %gather3A_1414 = tpu.memref_squeeze %gather3A_1413 : memref<1x12x16x128xf32, #tpu.memory_space<vmem>> -> memref<12x16x128xf32, #tpu.memory_space<vmem>>
        %gather3A_1415 = arith.constant 0 : i32
        %gather3A_1416 = arith.constant 0 : i32
        %gather3A_1417 = tpu.memref_slice %gather3A_1414[%gather3A_1409, %gather3A_1415, %gather3A_1416] : memref<12x16x128xf32, #tpu.memory_space<vmem>> -> memref<1x16x128xf32, #tpu.memory_space<vmem>>
        %gather3A_1418 = tpu.memref_squeeze %gather3A_1417 : memref<1x16x128xf32, #tpu.memory_space<vmem>> -> memref<16x128xf32, #tpu.memory_space<vmem>>
        %gather3A_1419 = tpu.vector_load_idx %gather3A_1418[%add3A_752, %and3A_1330] : memref<16x128xf32, #tpu.memory_space<vmem>>[vector<16xi32>, vector<16xi32>], vector<16xf32>,
        %gather3A_1420 = arith.constant 7 : i32
        %gather3A_1421 = arith.constant 0 : i32
        %gather3A_1422 = arith.constant 0 : i32
        %gather3A_1423 = arith.constant 0 : i32
        %gather3A_1424 = tpu.memref_slice %arg19[%scan3A_755, %gather3A_1421, %gather3A_1422, %gather3A_1423] : memref<4x12x16x128xf32, #tpu.memory_space<vmem>> -> memref<1x12x16x128xf32, #tpu.memory_space<vmem>>
        %gather3A_1425 = tpu.memref_squeeze %gather3A_1424 : memref<1x12x16x128xf32, #tpu.memory_space<vmem>> -> memref<12x16x128xf32, #tpu.memory_space<vmem>>
        %gather3A_1426 = arith.constant 0 : i32
        %gather3A_1427 = arith.constant 0 : i32
        %gather3A_1428 = tpu.memref_slice %gather3A_1425[%gather3A_1420, %gather3A_1426, %gather3A_1427] : memref<12x16x128xf32, #tpu.memory_space<vmem>> -> memref<1x16x128xf32, #tpu.memory_space<vmem>>
        %gather3A_1429 = tpu.memref_squeeze %gather3A_1428 : memref<1x16x128xf32, #tpu.memory_space<vmem>> -> memref<16x128xf32, #tpu.memory_space<vmem>>
        %gather3A_1430 = tpu.vector_load_idx %gather3A_1429[%add3A_752, %and3A_1330] : memref<16x128xf32, #tpu.memory_space<vmem>>[vector<16xi32>, vector<16xi32>], vector<16xf32>,
        %gather3A_1431 = arith.constant 8 : i32
        %gather3A_1432 = arith.constant 0 : i32
        %gather3A_1433 = arith.constant 0 : i32
        %gather3A_1434 = arith.constant 0 : i32
        %gather3A_1435 = tpu.memref_slice %arg19[%scan3A_755, %gather3A_1432, %gather3A_1433, %gather3A_1434] : memref<4x12x16x128xf32, #tpu.memory_space<vmem>> -> memref<1x12x16x128xf32, #tpu.memory_space<vmem>>
        %gather3A_1436 = tpu.memref_squeeze %gather3A_1435 : memref<1x12x16x128xf32, #tpu.memory_space<vmem>> -> memref<12x16x128xf32, #tpu.memory_space<vmem>>
        %gather3A_1437 = arith.constant 0 : i32
        %gather3A_1438 = arith.constant 0 : i32
        %gather3A_1439 = tpu.memref_slice %gather3A_1436[%gather3A_1431, %gather3A_1437, %gather3A_1438] : memref<12x16x128xf32, #tpu.memory_space<vmem>> -> memref<1x16x128xf32, #tpu.memory_space<vmem>>
        %gather3A_1440 = tpu.memref_squeeze %gather3A_1439 : memref<1x16x128xf32, #tpu.memory_space<vmem>> -> memref<16x128xf32, #tpu.memory_space<vmem>>
        %gather3A_1441 = tpu.vector_load_idx %gather3A_1440[%add3A_752, %and3A_1330] : memref<16x128xf32, #tpu.memory_space<vmem>>[vector<16xi32>, vector<16xi32>], vector<16xf32>,
        %gather3A_1442 = arith.constant 9 : i32
        %gather3A_1443 = arith.constant 0 : i32
        %gather3A_1444 = arith.constant 0 : i32
        %gather3A_1445 = arith.constant 0 : i32
        %gather3A_1446 = tpu.memref_slice %arg19[%scan3A_755, %gather3A_1443, %gather3A_1444, %gather3A_1445] : memref<4x12x16x128xf32, #tpu.memory_space<vmem>> -> memref<1x12x16x128xf32, #tpu.memory_space<vmem>>
        %gather3A_1447 = tpu.memref_squeeze %gather3A_1446 : memref<1x12x16x128xf32, #tpu.memory_space<vmem>> -> memref<12x16x128xf32, #tpu.memory_space<vmem>>
        %gather3A_1448 = arith.constant 0 : i32
        %gather3A_1449 = arith.constant 0 : i32
        %gather3A_1450 = tpu.memref_slice %gather3A_1447[%gather3A_1442, %gather3A_1448, %gather3A_1449] : memref<12x16x128xf32, #tpu.memory_space<vmem>> -> memref<1x16x128xf32, #tpu.memory_space<vmem>>
        %gather3A_1451 = tpu.memref_squeeze %gather3A_1450 : memref<1x16x128xf32, #tpu.memory_space<vmem>> -> memref<16x128xf32, #tpu.memory_space<vmem>>
        %gather3A_1452 = tpu.vector_load_idx %gather3A_1451[%add3A_752, %and3A_1330] : memref<16x128xf32, #tpu.memory_space<vmem>>[vector<16xi32>, vector<16xi32>], vector<16xf32>,
        %gather3A_1453 = arith.constant 10 : i32
        %gather3A_1454 = arith.constant 0 : i32
        %gather3A_1455 = arith.constant 0 : i32
        %gather3A_1456 = arith.constant 0 : i32
        %gather3A_1457 = tpu.memref_slice %arg19[%scan3A_755, %gather3A_1454, %gather3A_1455, %gather3A_1456] : memref<4x12x16x128xf32, #tpu.memory_space<vmem>> -> memref<1x12x16x128xf32, #tpu.memory_space<vmem>>
        %gather3A_1458 = tpu.memref_squeeze %gather3A_1457 : memref<1x12x16x128xf32, #tpu.memory_space<vmem>> -> memref<12x16x128xf32, #tpu.memory_space<vmem>>
        %gather3A_1459 = arith.constant 0 : i32
        %gather3A_1460 = arith.constant 0 : i32
        %gather3A_1461 = tpu.memref_slice %gather3A_1458[%gather3A_1453, %gather3A_1459, %gather3A_1460] : memref<12x16x128xf32, #tpu.memory_space<vmem>> -> memref<1x16x128xf32, #tpu.memory_space<vmem>>
        %gather3A_1462 = tpu.memref_squeeze %gather3A_1461 : memref<1x16x128xf32, #tpu.memory_space<vmem>> -> memref<16x128xf32, #tpu.memory_space<vmem>>
        %gather3A_1463 = tpu.vector_load_idx %gather3A_1462[%add3A_752, %and3A_1330] : memref<16x128xf32, #tpu.memory_space<vmem>>[vector<16xi32>, vector<16xi32>], vector<16xf32>,
        %gather3A_1464 = arith.constant 11 : i32
        %gather3A_1465 = arith.constant 0 : i32
        %gather3A_1466 = arith.constant 0 : i32
        %gather3A_1467 = arith.constant 0 : i32
        %gather3A_1468 = tpu.memref_slice %arg19[%scan3A_755, %gather3A_1465, %gather3A_1466, %gather3A_1467] : memref<4x12x16x128xf32, #tpu.memory_space<vmem>> -> memref<1x12x16x128xf32, #tpu.memory_space<vmem>>
        %gather3A_1469 = tpu.memref_squeeze %gather3A_1468 : memref<1x12x16x128xf32, #tpu.memory_space<vmem>> -> memref<12x16x128xf32, #tpu.memory_space<vmem>>
        %gather3A_1470 = arith.constant 0 : i32
        %gather3A_1471 = arith.constant 0 : i32
        %gather3A_1472 = tpu.memref_slice %gather3A_1469[%gather3A_1464, %gather3A_1470, %gather3A_1471] : memref<12x16x128xf32, #tpu.memory_space<vmem>> -> memref<1x16x128xf32, #tpu.memory_space<vmem>>
        %gather3A_1473 = tpu.memref_squeeze %gather3A_1472 : memref<1x16x128xf32, #tpu.memory_space<vmem>> -> memref<16x128xf32, #tpu.memory_space<vmem>>
        %gather3A_1474 = tpu.vector_load_idx %gather3A_1473[%add3A_752, %and3A_1330] : memref<16x128xf32, #tpu.memory_space<vmem>>[vector<16xi32>, vector<16xi32>], vector<16xf32>,
        %mul3A_1475 = arith.mulf %gather3A_1419, %gather3A_1430 : vector<16xf32>
        %add3A_1476 = arith.addf %sub3A_1315, %mul3A_1475 : vector<16xf32>
        %mul3A_1477 = arith.mulf %gather3A_1441, %gather3A_1452 : vector<16xf32>
        %sub3A_1478 = arith.subf %add3A_1476, %mul3A_1477 : vector<16xf32>
        %sub3A_1479 = arith.subf %gather3A_1419, %gather3A_1441 : vector<16xf32>
        %add3A_1480 = arith.addf %sub3A_1479, %gather3A_1463 : vector<16xf32>
        %mul3A_1481 = arith.mulf %add3A_1480, %add3A_1480 : vector<16xf32>
        %add3A_1482 = arith.addf %add3A_1319, %mul3A_1481 : vector<16xf32>
        %mul3A_1483 = arith.mulf %add3A_1480, %gather3A_1474 : vector<16xf32>
        %add3A_1484 = arith.addf %add3A_1321, %mul3A_1483 : vector<16xf32>
        %mul3A_1485 = arith.mulf %gather3A_1474, %gather3A_1474 : vector<16xf32>
        %add3A_1486 = arith.addf %add3A_1323, %mul3A_1485 : vector<16xf32>
        scf.yield %sub3A_1400, %add3A_1404, %add3A_1406, %add3A_1408, %sub3A_1478, %add3A_1482, %add3A_1484, %add3A_1486 : vector<16xf32>, vector<16xf32>, vector<16xf32>, vector<16xf32>, vector<16xf32>, vector<16xf32>, vector<16xf32>, vector<16xf32>
      }
      %scan3A_761 = arith.constant 64 : i32
      %mul3A_762 = arith.constant 2.000000e+00 : f32
      %mul3A_763 = vector.broadcast %mul3A_762 : f32 to vector<16xf32>
      %mul3A_764 = arith.mulf %mul3A_763, %scan3A_760#0 : vector<16xf32>
      %mul3A_765 = arith.mulf %mul3A_764, %scan3A_760#2 : vector<16xf32>
      %add3A_766 = arith.addf %scan3A_760#1, %mul3A_765 : vector<16xf32>
      %mul3A_767 = arith.mulf %scan3A_760#0, %scan3A_760#0 : vector<16xf32>
      %mul3A_768 = arith.mulf %mul3A_767, %scan3A_760#3 : vector<16xf32>
      %add3A_769 = arith.addf %add3A_766, %mul3A_768 : vector<16xf32>
      %mul3A_770 = arith.constant 2.000000e+00 : f32
      %mul3A_771 = vector.broadcast %mul3A_770 : f32 to vector<16xf32>
      %mul3A_772 = arith.mulf %mul3A_771, %scan3A_760#4 : vector<16xf32>
      %mul3A_773 = arith.mulf %mul3A_772, %scan3A_760#6 : vector<16xf32>
      %add3A_774 = arith.addf %scan3A_760#5, %mul3A_773 : vector<16xf32>
      %mul3A_775 = arith.mulf %scan3A_760#4, %scan3A_760#4 : vector<16xf32>
      %mul3A_776 = arith.mulf %mul3A_775, %scan3A_760#7 : vector<16xf32>
      %add3A_777 = arith.addf %add3A_774, %mul3A_776 : vector<16xf32>
      %sub3A_778 = arith.subf %add3A_777, %add3A_769 : vector<16xf32>
      %add3A_779 = arith.constant 1.000000e+00 : f32
      %add3A_780 = vector.broadcast %add3A_779 : f32 to vector<16xf32>
      %add3A_781 = arith.addf %sub3A_778, %add3A_780 : vector<16xf32>
      %max3A_782 = arith.constant 0.000000e+00 : f32
      %max3A_783 = vector.broadcast %max3A_782 : f32 to vector<16xf32>
      %max3A_784 = arith.maximumf %add3A_781, %max3A_783 : vector<16xf32>
      %get3A_785 = arith.constant 0 : index
      %get3A_786 = tpu.vector_load %arg20[%get3A_785] {strides = array<i32>} : memref<16xf32, #tpu.memory_space<vmem>>, vector<16xf32>,
      %add3A_787 = arith.addf %get3A_786, %max3A_784 : vector<16xf32>
      %swap3A_788 = arith.constant 0 : index
      %swap3A_789 = tpu.vector_load %arg20[%swap3A_788] {strides = array<i32>} : memref<16xf32, #tpu.memory_space<vmem>>, vector<16xf32>,
      tpu.vector_store %arg20[%swap3A_788], %add3A_787 {strides = array<i32>} : memref<16xf32, #tpu.memory_space<vmem>>, vector<16xf32>,
      %add3A_790 = arith.constant 2 : i32
      %add3A_791 = arith.addi %mul3A_433, %add3A_790 : i32
      %add3A_792 = arith.constant 4 : i32
      %add3A_793 = arith.addi %add3A_791, %add3A_792 : i32
      %sub3A_794 = arith.constant 1 : i32
      %sub3A_795 = arith.subi %add3A_793, %sub3A_794 : i32
      %lt3A_796 = arith.constant 32 : i32
      %lt3A_797 = arith.cmpi slt, %sub3A_795, %lt3A_796 : i32
      %add3A_798 = arith.constant 2 : i32
      %add3A_799 = arith.addi %mul3A_433, %add3A_798 : i32
      %add3A_800 = arith.constant 4 : i32
      %add3A_801 = arith.addi %add3A_799, %add3A_800 : i32
      %sub3A_802 = arith.constant 1 : i32
      %sub3A_803 = arith.subi %add3A_801, %sub3A_802 : i32
      %convert_element_type3A_804 = arith.extui %lt3A_797 : i1 to i32
      %cond3A_805 = arith.constant 0 : i32
      %cond3A_806 = arith.cmpi ne, %convert_element_type3A_804, %cond3A_805 : i32
      scf.if %cond3A_806 {
        %mul3A_1152 = arith.constant 16 : i32
        %mul3A_1153 = arith.muli %sub3A_803, %mul3A_1152 : i32
        %dma_start3A_1154 = arith.constant 1 : i32
        %dma_start3A_1155 = arith.constant 0 : i32
        %dma_start3A_1156 = arith.constant 0 : i32
        %dma_start3A_1157 = arith.constant 0 : i32
        %dma_start3A_1158 = tpu.memref_slice %arg19[%dma_start3A_1154, %dma_start3A_1155, %dma_start3A_1156, %dma_start3A_1157] : memref<4x12x16x128xf32, #tpu.memory_space<vmem>> -> memref<1x1x16x128xf32, #tpu.memory_space<vmem>>
        %dma_start3A_1159 = tpu.memref_squeeze %dma_start3A_1158 : memref<1x1x16x128xf32, #tpu.memory_space<vmem>> -> memref<16x128xf32, #tpu.memory_space<vmem>>
        %dma_start3A_1160 = tpu.memref_slice %arg13[%mul3A_1153] : memref<512xi32, #tpu.memory_space<vmem>> -> memref<16xi32, #tpu.memory_space<vmem>>
        %dma_start3A_1161 = arith.constant 0 : i32
        %dma_start3A_1162 = arith.constant 0 : i32
        %dma_start3A_1163 = tpu.memref_slice %arg2[%dma_start3A_1161, %dma_start3A_1162] : memref<1000000x128xf32, #tpu.memory_space<hbm>> -> memref<1000000x128xf32, #tpu.memory_space<hbm>>
        tpu.enqueue_indirect_dma source(%dma_start3A_1163 : memref<1000000x128xf32, #tpu.memory_space<hbm>>) target(%dma_start3A_1159 : memref<16x128xf32, #tpu.memory_space<vmem>>) offsets(%dma_start3A_1160 : memref<16xi32, #tpu.memory_space<vmem>>) semaphore(%arg23 : memref<!tpu.dma_semaphore, #tpu.memory_space<semaphore_mem>>)
        %dma_start3A_1164 = arith.constant 1 : i32
        %dma_start3A_1165 = arith.constant 1 : i32
        %dma_start3A_1166 = arith.constant 0 : i32
        %dma_start3A_1167 = arith.constant 0 : i32
        %dma_start3A_1168 = tpu.memref_slice %arg19[%dma_start3A_1164, %dma_start3A_1165, %dma_start3A_1166, %dma_start3A_1167] : memref<4x12x16x128xf32, #tpu.memory_space<vmem>> -> memref<1x1x16x128xf32, #tpu.memory_space<vmem>>
        %dma_start3A_1169 = tpu.memref_squeeze %dma_start3A_1168 : memref<1x1x16x128xf32, #tpu.memory_space<vmem>> -> memref<16x128xf32, #tpu.memory_space<vmem>>
        %dma_start3A_1170 = tpu.memref_slice %arg13[%mul3A_1153] : memref<512xi32, #tpu.memory_space<vmem>> -> memref<16xi32, #tpu.memory_space<vmem>>
        %dma_start3A_1171 = arith.constant 0 : i32
        %dma_start3A_1172 = arith.constant 0 : i32
        %dma_start3A_1173 = tpu.memref_slice %arg3[%dma_start3A_1171, %dma_start3A_1172] : memref<1000000x128xf32, #tpu.memory_space<hbm>> -> memref<1000000x128xf32, #tpu.memory_space<hbm>>
        tpu.enqueue_indirect_dma source(%dma_start3A_1173 : memref<1000000x128xf32, #tpu.memory_space<hbm>>) target(%dma_start3A_1169 : memref<16x128xf32, #tpu.memory_space<vmem>>) offsets(%dma_start3A_1170 : memref<16xi32, #tpu.memory_space<vmem>>) semaphore(%arg23 : memref<!tpu.dma_semaphore, #tpu.memory_space<semaphore_mem>>)
        %dma_start3A_1174 = arith.constant 1 : i32
        %dma_start3A_1175 = arith.constant 2 : i32
        %dma_start3A_1176 = arith.constant 0 : i32
        %dma_start3A_1177 = arith.constant 0 : i32
        %dma_start3A_1178 = tpu.memref_slice %arg19[%dma_start3A_1174, %dma_start3A_1175, %dma_start3A_1176, %dma_start3A_1177] : memref<4x12x16x128xf32, #tpu.memory_space<vmem>> -> memref<1x1x16x128xf32, #tpu.memory_space<vmem>>
        %dma_start3A_1179 = tpu.memref_squeeze %dma_start3A_1178 : memref<1x1x16x128xf32, #tpu.memory_space<vmem>> -> memref<16x128xf32, #tpu.memory_space<vmem>>
        %dma_start3A_1180 = tpu.memref_slice %arg14[%mul3A_1153] : memref<512xi32, #tpu.memory_space<vmem>> -> memref<16xi32, #tpu.memory_space<vmem>>
        %dma_start3A_1181 = arith.constant 0 : i32
        %dma_start3A_1182 = arith.constant 0 : i32
        %dma_start3A_1183 = tpu.memref_slice %arg2[%dma_start3A_1181, %dma_start3A_1182] : memref<1000000x128xf32, #tpu.memory_space<hbm>> -> memref<1000000x128xf32, #tpu.memory_space<hbm>>
        tpu.enqueue_indirect_dma source(%dma_start3A_1183 : memref<1000000x128xf32, #tpu.memory_space<hbm>>) target(%dma_start3A_1179 : memref<16x128xf32, #tpu.memory_space<vmem>>) offsets(%dma_start3A_1180 : memref<16xi32, #tpu.memory_space<vmem>>) semaphore(%arg23 : memref<!tpu.dma_semaphore, #tpu.memory_space<semaphore_mem>>)
        %dma_start3A_1184 = arith.constant 1 : i32
        %dma_start3A_1185 = arith.constant 3 : i32
        %dma_start3A_1186 = arith.constant 0 : i32
        %dma_start3A_1187 = arith.constant 0 : i32
        %dma_start3A_1188 = tpu.memref_slice %arg19[%dma_start3A_1184, %dma_start3A_1185, %dma_start3A_1186, %dma_start3A_1187] : memref<4x12x16x128xf32, #tpu.memory_space<vmem>> -> memref<1x1x16x128xf32, #tpu.memory_space<vmem>>
        %dma_start3A_1189 = tpu.memref_squeeze %dma_start3A_1188 : memref<1x1x16x128xf32, #tpu.memory_space<vmem>> -> memref<16x128xf32, #tpu.memory_space<vmem>>
        %dma_start3A_1190 = tpu.memref_slice %arg14[%mul3A_1153] : memref<512xi32, #tpu.memory_space<vmem>> -> memref<16xi32, #tpu.memory_space<vmem>>
        %dma_start3A_1191 = arith.constant 0 : i32
        %dma_start3A_1192 = arith.constant 0 : i32
        %dma_start3A_1193 = tpu.memref_slice %arg3[%dma_start3A_1191, %dma_start3A_1192] : memref<1000000x128xf32, #tpu.memory_space<hbm>> -> memref<1000000x128xf32, #tpu.memory_space<hbm>>
        tpu.enqueue_indirect_dma source(%dma_start3A_1193 : memref<1000000x128xf32, #tpu.memory_space<hbm>>) target(%dma_start3A_1189 : memref<16x128xf32, #tpu.memory_space<vmem>>) offsets(%dma_start3A_1190 : memref<16xi32, #tpu.memory_space<vmem>>) semaphore(%arg23 : memref<!tpu.dma_semaphore, #tpu.memory_space<semaphore_mem>>)
        %dma_start3A_1194 = arith.constant 1 : i32
        %dma_start3A_1195 = arith.constant 4 : i32
        %dma_start3A_1196 = arith.constant 0 : i32
        %dma_start3A_1197 = arith.constant 0 : i32
        %dma_start3A_1198 = tpu.memref_slice %arg19[%dma_start3A_1194, %dma_start3A_1195, %dma_start3A_1196, %dma_start3A_1197] : memref<4x12x16x128xf32, #tpu.memory_space<vmem>> -> memref<1x1x16x128xf32, #tpu.memory_space<vmem>>
        %dma_start3A_1199 = tpu.memref_squeeze %dma_start3A_1198 : memref<1x1x16x128xf32, #tpu.memory_space<vmem>> -> memref<16x128xf32, #tpu.memory_space<vmem>>
        %dma_start3A_1200 = tpu.memref_slice %arg15[%mul3A_1153] : memref<512xi32, #tpu.memory_space<vmem>> -> memref<16xi32, #tpu.memory_space<vmem>>
        %dma_start3A_1201 = arith.constant 0 : i32
        %dma_start3A_1202 = arith.constant 0 : i32
        %dma_start3A_1203 = tpu.memref_slice %arg4[%dma_start3A_1201, %dma_start3A_1202] : memref<1000x128xf32, #tpu.memory_space<hbm>> -> memref<1000x128xf32, #tpu.memory_space<hbm>>
        tpu.enqueue_indirect_dma source(%dma_start3A_1203 : memref<1000x128xf32, #tpu.memory_space<hbm>>) target(%dma_start3A_1199 : memref<16x128xf32, #tpu.memory_space<vmem>>) offsets(%dma_start3A_1200 : memref<16xi32, #tpu.memory_space<vmem>>) semaphore(%arg23 : memref<!tpu.dma_semaphore, #tpu.memory_space<semaphore_mem>>)
        %dma_start3A_1204 = arith.constant 1 : i32
        %dma_start3A_1205 = arith.constant 5 : i32
        %dma_start3A_1206 = arith.constant 0 : i32
        %dma_start3A_1207 = arith.constant 0 : i32
        %dma_start3A_1208 = tpu.memref_slice %arg19[%dma_start3A_1204, %dma_start3A_1205, %dma_start3A_1206, %dma_start3A_1207] : memref<4x12x16x128xf32, #tpu.memory_space<vmem>> -> memref<1x1x16x128xf32, #tpu.memory_space<vmem>>
        %dma_start3A_1209 = tpu.memref_squeeze %dma_start3A_1208 : memref<1x1x16x128xf32, #tpu.memory_space<vmem>> -> memref<16x128xf32, #tpu.memory_space<vmem>>
        %dma_start3A_1210 = tpu.memref_slice %arg15[%mul3A_1153] : memref<512xi32, #tpu.memory_space<vmem>> -> memref<16xi32, #tpu.memory_space<vmem>>
        %dma_start3A_1211 = arith.constant 0 : i32
        %dma_start3A_1212 = arith.constant 0 : i32
        %dma_start3A_1213 = tpu.memref_slice %arg5[%dma_start3A_1211, %dma_start3A_1212] : memref<1000x128xf32, #tpu.memory_space<hbm>> -> memref<1000x128xf32, #tpu.memory_space<hbm>>
        tpu.enqueue_indirect_dma source(%dma_start3A_1213 : memref<1000x128xf32, #tpu.memory_space<hbm>>) target(%dma_start3A_1209 : memref<16x128xf32, #tpu.memory_space<vmem>>) offsets(%dma_start3A_1210 : memref<16xi32, #tpu.memory_space<vmem>>) semaphore(%arg23 : memref<!tpu.dma_semaphore, #tpu.memory_space<semaphore_mem>>)
        %dma_start3A_1214 = arith.constant 1 : i32
        %dma_start3A_1215 = arith.constant 6 : i32
        %dma_start3A_1216 = arith.constant 0 : i32
        %dma_start3A_1217 = arith.constant 0 : i32
        %dma_start3A_1218 = tpu.memref_slice %arg19[%dma_start3A_1214, %dma_start3A_1215, %dma_start3A_1216, %dma_start3A_1217] : memref<4x12x16x128xf32, #tpu.memory_space<vmem>> -> memref<1x1x16x128xf32, #tpu.memory_space<vmem>>
        %dma_start3A_1219 = tpu.memref_squeeze %dma_start3A_1218 : memref<1x1x16x128xf32, #tpu.memory_space<vmem>> -> memref<16x128xf32, #tpu.memory_space<vmem>>
        %dma_start3A_1220 = tpu.memref_slice %arg16[%mul3A_1153] : memref<512xi32, #tpu.memory_space<vmem>> -> memref<16xi32, #tpu.memory_space<vmem>>
        %dma_start3A_1221 = arith.constant 0 : i32
        %dma_start3A_1222 = arith.constant 0 : i32
        %dma_start3A_1223 = tpu.memref_slice %arg2[%dma_start3A_1221, %dma_start3A_1222] : memref<1000000x128xf32, #tpu.memory_space<hbm>> -> memref<1000000x128xf32, #tpu.memory_space<hbm>>
        tpu.enqueue_indirect_dma source(%dma_start3A_1223 : memref<1000000x128xf32, #tpu.memory_space<hbm>>) target(%dma_start3A_1219 : memref<16x128xf32, #tpu.memory_space<vmem>>) offsets(%dma_start3A_1220 : memref<16xi32, #tpu.memory_space<vmem>>) semaphore(%arg23 : memref<!tpu.dma_semaphore, #tpu.memory_space<semaphore_mem>>)
        %dma_start3A_1224 = arith.constant 1 : i32
        %dma_start3A_1225 = arith.constant 7 : i32
        %dma_start3A_1226 = arith.constant 0 : i32
        %dma_start3A_1227 = arith.constant 0 : i32
        %dma_start3A_1228 = tpu.memref_slice %arg19[%dma_start3A_1224, %dma_start3A_1225, %dma_start3A_1226, %dma_start3A_1227] : memref<4x12x16x128xf32, #tpu.memory_space<vmem>> -> memref<1x1x16x128xf32, #tpu.memory_space<vmem>>
        %dma_start3A_1229 = tpu.memref_squeeze %dma_start3A_1228 : memref<1x1x16x128xf32, #tpu.memory_space<vmem>> -> memref<16x128xf32, #tpu.memory_space<vmem>>
        %dma_start3A_1230 = tpu.memref_slice %arg16[%mul3A_1153] : memref<512xi32, #tpu.memory_space<vmem>> -> memref<16xi32, #tpu.memory_space<vmem>>
        %dma_start3A_1231 = arith.constant 0 : i32
        %dma_start3A_1232 = arith.constant 0 : i32
        %dma_start3A_1233 = tpu.memref_slice %arg3[%dma_start3A_1231, %dma_start3A_1232] : memref<1000000x128xf32, #tpu.memory_space<hbm>> -> memref<1000000x128xf32, #tpu.memory_space<hbm>>
        tpu.enqueue_indirect_dma source(%dma_start3A_1233 : memref<1000000x128xf32, #tpu.memory_space<hbm>>) target(%dma_start3A_1229 : memref<16x128xf32, #tpu.memory_space<vmem>>) offsets(%dma_start3A_1230 : memref<16xi32, #tpu.memory_space<vmem>>) semaphore(%arg23 : memref<!tpu.dma_semaphore, #tpu.memory_space<semaphore_mem>>)
        %dma_start3A_1234 = arith.constant 1 : i32
        %dma_start3A_1235 = arith.constant 8 : i32
        %dma_start3A_1236 = arith.constant 0 : i32
        %dma_start3A_1237 = arith.constant 0 : i32
        %dma_start3A_1238 = tpu.memref_slice %arg19[%dma_start3A_1234, %dma_start3A_1235, %dma_start3A_1236, %dma_start3A_1237] : memref<4x12x16x128xf32, #tpu.memory_space<vmem>> -> memref<1x1x16x128xf32, #tpu.memory_space<vmem>>
        %dma_start3A_1239 = tpu.memref_squeeze %dma_start3A_1238 : memref<1x1x16x128xf32, #tpu.memory_space<vmem>> -> memref<16x128xf32, #tpu.memory_space<vmem>>
        %dma_start3A_1240 = tpu.memref_slice %arg17[%mul3A_1153] : memref<512xi32, #tpu.memory_space<vmem>> -> memref<16xi32, #tpu.memory_space<vmem>>
        %dma_start3A_1241 = arith.constant 0 : i32
        %dma_start3A_1242 = arith.constant 0 : i32
        %dma_start3A_1243 = tpu.memref_slice %arg2[%dma_start3A_1241, %dma_start3A_1242] : memref<1000000x128xf32, #tpu.memory_space<hbm>> -> memref<1000000x128xf32, #tpu.memory_space<hbm>>
        tpu.enqueue_indirect_dma source(%dma_start3A_1243 : memref<1000000x128xf32, #tpu.memory_space<hbm>>) target(%dma_start3A_1239 : memref<16x128xf32, #tpu.memory_space<vmem>>) offsets(%dma_start3A_1240 : memref<16xi32, #tpu.memory_space<vmem>>) semaphore(%arg23 : memref<!tpu.dma_semaphore, #tpu.memory_space<semaphore_mem>>)
        %dma_start3A_1244 = arith.constant 1 : i32
        %dma_start3A_1245 = arith.constant 9 : i32
        %dma_start3A_1246 = arith.constant 0 : i32
        %dma_start3A_1247 = arith.constant 0 : i32
        %dma_start3A_1248 = tpu.memref_slice %arg19[%dma_start3A_1244, %dma_start3A_1245, %dma_start3A_1246, %dma_start3A_1247] : memref<4x12x16x128xf32, #tpu.memory_space<vmem>> -> memref<1x1x16x128xf32, #tpu.memory_space<vmem>>
        %dma_start3A_1249 = tpu.memref_squeeze %dma_start3A_1248 : memref<1x1x16x128xf32, #tpu.memory_space<vmem>> -> memref<16x128xf32, #tpu.memory_space<vmem>>
        %dma_start3A_1250 = tpu.memref_slice %arg17[%mul3A_1153] : memref<512xi32, #tpu.memory_space<vmem>> -> memref<16xi32, #tpu.memory_space<vmem>>
        %dma_start3A_1251 = arith.constant 0 : i32
        %dma_start3A_1252 = arith.constant 0 : i32
        %dma_start3A_1253 = tpu.memref_slice %arg3[%dma_start3A_1251, %dma_start3A_1252] : memref<1000000x128xf32, #tpu.memory_space<hbm>> -> memref<1000000x128xf32, #tpu.memory_space<hbm>>
        tpu.enqueue_indirect_dma source(%dma_start3A_1253 : memref<1000000x128xf32, #tpu.memory_space<hbm>>) target(%dma_start3A_1249 : memref<16x128xf32, #tpu.memory_space<vmem>>) offsets(%dma_start3A_1250 : memref<16xi32, #tpu.memory_space<vmem>>) semaphore(%arg23 : memref<!tpu.dma_semaphore, #tpu.memory_space<semaphore_mem>>)
        %dma_start3A_1254 = arith.constant 1 : i32
        %dma_start3A_1255 = arith.constant 10 : i32
        %dma_start3A_1256 = arith.constant 0 : i32
        %dma_start3A_1257 = arith.constant 0 : i32
        %dma_start3A_1258 = tpu.memref_slice %arg19[%dma_start3A_1254, %dma_start3A_1255, %dma_start3A_1256, %dma_start3A_1257] : memref<4x12x16x128xf32, #tpu.memory_space<vmem>> -> memref<1x1x16x128xf32, #tpu.memory_space<vmem>>
        %dma_start3A_1259 = tpu.memref_squeeze %dma_start3A_1258 : memref<1x1x16x128xf32, #tpu.memory_space<vmem>> -> memref<16x128xf32, #tpu.memory_space<vmem>>
        %dma_start3A_1260 = tpu.memref_slice %arg18[%mul3A_1153] : memref<512xi32, #tpu.memory_space<vmem>> -> memref<16xi32, #tpu.memory_space<vmem>>
        %dma_start3A_1261 = arith.constant 0 : i32
        %dma_start3A_1262 = arith.constant 0 : i32
        %dma_start3A_1263 = tpu.memref_slice %arg4[%dma_start3A_1261, %dma_start3A_1262] : memref<1000x128xf32, #tpu.memory_space<hbm>> -> memref<1000x128xf32, #tpu.memory_space<hbm>>
        tpu.enqueue_indirect_dma source(%dma_start3A_1263 : memref<1000x128xf32, #tpu.memory_space<hbm>>) target(%dma_start3A_1259 : memref<16x128xf32, #tpu.memory_space<vmem>>) offsets(%dma_start3A_1260 : memref<16xi32, #tpu.memory_space<vmem>>) semaphore(%arg23 : memref<!tpu.dma_semaphore, #tpu.memory_space<semaphore_mem>>)
        %dma_start3A_1264 = arith.constant 1 : i32
        %dma_start3A_1265 = arith.constant 11 : i32
        %dma_start3A_1266 = arith.constant 0 : i32
        %dma_start3A_1267 = arith.constant 0 : i32
        %dma_start3A_1268 = tpu.memref_slice %arg19[%dma_start3A_1264, %dma_start3A_1265, %dma_start3A_1266, %dma_start3A_1267] : memref<4x12x16x128xf32, #tpu.memory_space<vmem>> -> memref<1x1x16x128xf32, #tpu.memory_space<vmem>>
        %dma_start3A_1269 = tpu.memref_squeeze %dma_start3A_1268 : memref<1x1x16x128xf32, #tpu.memory_space<vmem>> -> memref<16x128xf32, #tpu.memory_space<vmem>>
        %dma_start3A_1270 = tpu.memref_slice %arg18[%mul3A_1153] : memref<512xi32, #tpu.memory_space<vmem>> -> memref<16xi32, #tpu.memory_space<vmem>>
        %dma_start3A_1271 = arith.constant 0 : i32
        %dma_start3A_1272 = arith.constant 0 : i32
        %dma_start3A_1273 = tpu.memref_slice %arg5[%dma_start3A_1271, %dma_start3A_1272] : memref<1000x128xf32, #tpu.memory_space<hbm>> -> memref<1000x128xf32, #tpu.memory_space<hbm>>
        tpu.enqueue_indirect_dma source(%dma_start3A_1273 : memref<1000x128xf32, #tpu.memory_space<hbm>>) target(%dma_start3A_1269 : memref<16x128xf32, #tpu.memory_space<vmem>>) offsets(%dma_start3A_1270 : memref<16xi32, #tpu.memory_space<vmem>>) semaphore(%arg23 : memref<!tpu.dma_semaphore, #tpu.memory_space<semaphore_mem>>)
      } else {
      }
      %add3A_807 = arith.constant 2 : i32
      %add3A_808 = arith.addi %mul3A_433, %add3A_807 : i32
      %mul3A_809 = arith.constant 16 : i32
      %mul3A_810 = arith.muli %add3A_808, %mul3A_809 : i32
      %dma_wait3A_811 = arith.constant 2 : i32
      %dma_wait3A_812 = arith.constant 0 : i32
      %dma_wait3A_813 = arith.constant 0 : i32
      %dma_wait3A_814 = arith.constant 0 : i32
      %dma_wait3A_815 = tpu.memref_slice %arg19[%dma_wait3A_811, %dma_wait3A_812, %dma_wait3A_813, %dma_wait3A_814] : memref<4x12x16x128xf32, #tpu.memory_space<vmem>> -> memref<1x1x16x128xf32, #tpu.memory_space<vmem>>
      %dma_wait3A_816 = tpu.memref_squeeze %dma_wait3A_815 : memref<1x1x16x128xf32, #tpu.memory_space<vmem>> -> memref<16x128xf32, #tpu.memory_space<vmem>>
      %dma_wait3A_817 = tpu.memref_slice %arg13[%mul3A_810] : memref<512xi32, #tpu.memory_space<vmem>> -> memref<16xi32, #tpu.memory_space<vmem>>
      %dma_wait3A_818 = arith.constant 0 : i32
      %dma_wait3A_819 = arith.constant 0 : i32
      %dma_wait3A_820 = tpu.memref_slice %arg2[%dma_wait3A_818, %dma_wait3A_819] : memref<1000000x128xf32, #tpu.memory_space<hbm>> -> memref<1000000x128xf32, #tpu.memory_space<hbm>>
      tpu.wait_indirect_dma semaphore(%arg24 : memref<!tpu.dma_semaphore, #tpu.memory_space<semaphore_mem>>) src(%dma_wait3A_820 : memref<1000000x128xf32, #tpu.memory_space<hbm>>) dst(%dma_wait3A_816 : memref<16x128xf32, #tpu.memory_space<vmem>>)
      %dma_wait3A_821 = arith.constant 2 : i32
      %dma_wait3A_822 = arith.constant 1 : i32
      %dma_wait3A_823 = arith.constant 0 : i32
      %dma_wait3A_824 = arith.constant 0 : i32
      %dma_wait3A_825 = tpu.memref_slice %arg19[%dma_wait3A_821, %dma_wait3A_822, %dma_wait3A_823, %dma_wait3A_824] : memref<4x12x16x128xf32, #tpu.memory_space<vmem>> -> memref<1x1x16x128xf32, #tpu.memory_space<vmem>>
      %dma_wait3A_826 = tpu.memref_squeeze %dma_wait3A_825 : memref<1x1x16x128xf32, #tpu.memory_space<vmem>> -> memref<16x128xf32, #tpu.memory_space<vmem>>
      %dma_wait3A_827 = tpu.memref_slice %arg13[%mul3A_810] : memref<512xi32, #tpu.memory_space<vmem>> -> memref<16xi32, #tpu.memory_space<vmem>>
      %dma_wait3A_828 = arith.constant 0 : i32
      %dma_wait3A_829 = arith.constant 0 : i32
      %dma_wait3A_830 = tpu.memref_slice %arg3[%dma_wait3A_828, %dma_wait3A_829] : memref<1000000x128xf32, #tpu.memory_space<hbm>> -> memref<1000000x128xf32, #tpu.memory_space<hbm>>
      tpu.wait_indirect_dma semaphore(%arg24 : memref<!tpu.dma_semaphore, #tpu.memory_space<semaphore_mem>>) src(%dma_wait3A_830 : memref<1000000x128xf32, #tpu.memory_space<hbm>>) dst(%dma_wait3A_826 : memref<16x128xf32, #tpu.memory_space<vmem>>)
      %dma_wait3A_831 = arith.constant 2 : i32
      %dma_wait3A_832 = arith.constant 2 : i32
      %dma_wait3A_833 = arith.constant 0 : i32
      %dma_wait3A_834 = arith.constant 0 : i32
      %dma_wait3A_835 = tpu.memref_slice %arg19[%dma_wait3A_831, %dma_wait3A_832, %dma_wait3A_833, %dma_wait3A_834] : memref<4x12x16x128xf32, #tpu.memory_space<vmem>> -> memref<1x1x16x128xf32, #tpu.memory_space<vmem>>
      %dma_wait3A_836 = tpu.memref_squeeze %dma_wait3A_835 : memref<1x1x16x128xf32, #tpu.memory_space<vmem>> -> memref<16x128xf32, #tpu.memory_space<vmem>>
      %dma_wait3A_837 = tpu.memref_slice %arg14[%mul3A_810] : memref<512xi32, #tpu.memory_space<vmem>> -> memref<16xi32, #tpu.memory_space<vmem>>
      %dma_wait3A_838 = arith.constant 0 : i32
      %dma_wait3A_839 = arith.constant 0 : i32
      %dma_wait3A_840 = tpu.memref_slice %arg2[%dma_wait3A_838, %dma_wait3A_839] : memref<1000000x128xf32, #tpu.memory_space<hbm>> -> memref<1000000x128xf32, #tpu.memory_space<hbm>>
      tpu.wait_indirect_dma semaphore(%arg24 : memref<!tpu.dma_semaphore, #tpu.memory_space<semaphore_mem>>) src(%dma_wait3A_840 : memref<1000000x128xf32, #tpu.memory_space<hbm>>) dst(%dma_wait3A_836 : memref<16x128xf32, #tpu.memory_space<vmem>>)
      %dma_wait3A_841 = arith.constant 2 : i32
      %dma_wait3A_842 = arith.constant 3 : i32
      %dma_wait3A_843 = arith.constant 0 : i32
      %dma_wait3A_844 = arith.constant 0 : i32
      %dma_wait3A_845 = tpu.memref_slice %arg19[%dma_wait3A_841, %dma_wait3A_842, %dma_wait3A_843, %dma_wait3A_844] : memref<4x12x16x128xf32, #tpu.memory_space<vmem>> -> memref<1x1x16x128xf32, #tpu.memory_space<vmem>>
      %dma_wait3A_846 = tpu.memref_squeeze %dma_wait3A_845 : memref<1x1x16x128xf32, #tpu.memory_space<vmem>> -> memref<16x128xf32, #tpu.memory_space<vmem>>
      %dma_wait3A_847 = tpu.memref_slice %arg14[%mul3A_810] : memref<512xi32, #tpu.memory_space<vmem>> -> memref<16xi32, #tpu.memory_space<vmem>>
      %dma_wait3A_848 = arith.constant 0 : i32
      %dma_wait3A_849 = arith.constant 0 : i32
      %dma_wait3A_850 = tpu.memref_slice %arg3[%dma_wait3A_848, %dma_wait3A_849] : memref<1000000x128xf32, #tpu.memory_space<hbm>> -> memref<1000000x128xf32, #tpu.memory_space<hbm>>
      tpu.wait_indirect_dma semaphore(%arg24 : memref<!tpu.dma_semaphore, #tpu.memory_space<semaphore_mem>>) src(%dma_wait3A_850 : memref<1000000x128xf32, #tpu.memory_space<hbm>>) dst(%dma_wait3A_846 : memref<16x128xf32, #tpu.memory_space<vmem>>)
      %dma_wait3A_851 = arith.constant 2 : i32
      %dma_wait3A_852 = arith.constant 4 : i32
      %dma_wait3A_853 = arith.constant 0 : i32
      %dma_wait3A_854 = arith.constant 0 : i32
      %dma_wait3A_855 = tpu.memref_slice %arg19[%dma_wait3A_851, %dma_wait3A_852, %dma_wait3A_853, %dma_wait3A_854] : memref<4x12x16x128xf32, #tpu.memory_space<vmem>> -> memref<1x1x16x128xf32, #tpu.memory_space<vmem>>
      %dma_wait3A_856 = tpu.memref_squeeze %dma_wait3A_855 : memref<1x1x16x128xf32, #tpu.memory_space<vmem>> -> memref<16x128xf32, #tpu.memory_space<vmem>>
      %dma_wait3A_857 = tpu.memref_slice %arg15[%mul3A_810] : memref<512xi32, #tpu.memory_space<vmem>> -> memref<16xi32, #tpu.memory_space<vmem>>
      %dma_wait3A_858 = arith.constant 0 : i32
      %dma_wait3A_859 = arith.constant 0 : i32
      %dma_wait3A_860 = tpu.memref_slice %arg4[%dma_wait3A_858, %dma_wait3A_859] : memref<1000x128xf32, #tpu.memory_space<hbm>> -> memref<1000x128xf32, #tpu.memory_space<hbm>>
      tpu.wait_indirect_dma semaphore(%arg24 : memref<!tpu.dma_semaphore, #tpu.memory_space<semaphore_mem>>) src(%dma_wait3A_860 : memref<1000x128xf32, #tpu.memory_space<hbm>>) dst(%dma_wait3A_856 : memref<16x128xf32, #tpu.memory_space<vmem>>)
      %dma_wait3A_861 = arith.constant 2 : i32
      %dma_wait3A_862 = arith.constant 5 : i32
      %dma_wait3A_863 = arith.constant 0 : i32
      %dma_wait3A_864 = arith.constant 0 : i32
      %dma_wait3A_865 = tpu.memref_slice %arg19[%dma_wait3A_861, %dma_wait3A_862, %dma_wait3A_863, %dma_wait3A_864] : memref<4x12x16x128xf32, #tpu.memory_space<vmem>> -> memref<1x1x16x128xf32, #tpu.memory_space<vmem>>
      %dma_wait3A_866 = tpu.memref_squeeze %dma_wait3A_865 : memref<1x1x16x128xf32, #tpu.memory_space<vmem>> -> memref<16x128xf32, #tpu.memory_space<vmem>>
      %dma_wait3A_867 = tpu.memref_slice %arg15[%mul3A_810] : memref<512xi32, #tpu.memory_space<vmem>> -> memref<16xi32, #tpu.memory_space<vmem>>
      %dma_wait3A_868 = arith.constant 0 : i32
      %dma_wait3A_869 = arith.constant 0 : i32
      %dma_wait3A_870 = tpu.memref_slice %arg5[%dma_wait3A_868, %dma_wait3A_869] : memref<1000x128xf32, #tpu.memory_space<hbm>> -> memref<1000x128xf32, #tpu.memory_space<hbm>>
      tpu.wait_indirect_dma semaphore(%arg24 : memref<!tpu.dma_semaphore, #tpu.memory_space<semaphore_mem>>) src(%dma_wait3A_870 : memref<1000x128xf32, #tpu.memory_space<hbm>>) dst(%dma_wait3A_866 : memref<16x128xf32, #tpu.memory_space<vmem>>)
      %dma_wait3A_871 = arith.constant 2 : i32
      %dma_wait3A_872 = arith.constant 6 : i32
      %dma_wait3A_873 = arith.constant 0 : i32
      %dma_wait3A_874 = arith.constant 0 : i32
      %dma_wait3A_875 = tpu.memref_slice %arg19[%dma_wait3A_871, %dma_wait3A_872, %dma_wait3A_873, %dma_wait3A_874] : memref<4x12x16x128xf32, #tpu.memory_space<vmem>> -> memref<1x1x16x128xf32, #tpu.memory_space<vmem>>
      %dma_wait3A_876 = tpu.memref_squeeze %dma_wait3A_875 : memref<1x1x16x128xf32, #tpu.memory_space<vmem>> -> memref<16x128xf32, #tpu.memory_space<vmem>>
      %dma_wait3A_877 = tpu.memref_slice %arg16[%mul3A_810] : memref<512xi32, #tpu.memory_space<vmem>> -> memref<16xi32, #tpu.memory_space<vmem>>
      %dma_wait3A_878 = arith.constant 0 : i32
      %dma_wait3A_879 = arith.constant 0 : i32
      %dma_wait3A_880 = tpu.memref_slice %arg2[%dma_wait3A_878, %dma_wait3A_879] : memref<1000000x128xf32, #tpu.memory_space<hbm>> -> memref<1000000x128xf32, #tpu.memory_space<hbm>>
      tpu.wait_indirect_dma semaphore(%arg24 : memref<!tpu.dma_semaphore, #tpu.memory_space<semaphore_mem>>) src(%dma_wait3A_880 : memref<1000000x128xf32, #tpu.memory_space<hbm>>) dst(%dma_wait3A_876 : memref<16x128xf32, #tpu.memory_space<vmem>>)
      %dma_wait3A_881 = arith.constant 2 : i32
      %dma_wait3A_882 = arith.constant 7 : i32
      %dma_wait3A_883 = arith.constant 0 : i32
      %dma_wait3A_884 = arith.constant 0 : i32
      %dma_wait3A_885 = tpu.memref_slice %arg19[%dma_wait3A_881, %dma_wait3A_882, %dma_wait3A_883, %dma_wait3A_884] : memref<4x12x16x128xf32, #tpu.memory_space<vmem>> -> memref<1x1x16x128xf32, #tpu.memory_space<vmem>>
      %dma_wait3A_886 = tpu.memref_squeeze %dma_wait3A_885 : memref<1x1x16x128xf32, #tpu.memory_space<vmem>> -> memref<16x128xf32, #tpu.memory_space<vmem>>
      %dma_wait3A_887 = tpu.memref_slice %arg16[%mul3A_810] : memref<512xi32, #tpu.memory_space<vmem>> -> memref<16xi32, #tpu.memory_space<vmem>>
      %dma_wait3A_888 = arith.constant 0 : i32
      %dma_wait3A_889 = arith.constant 0 : i32
      %dma_wait3A_890 = tpu.memref_slice %arg3[%dma_wait3A_888, %dma_wait3A_889] : memref<1000000x128xf32, #tpu.memory_space<hbm>> -> memref<1000000x128xf32, #tpu.memory_space<hbm>>
      tpu.wait_indirect_dma semaphore(%arg24 : memref<!tpu.dma_semaphore, #tpu.memory_space<semaphore_mem>>) src(%dma_wait3A_890 : memref<1000000x128xf32, #tpu.memory_space<hbm>>) dst(%dma_wait3A_886 : memref<16x128xf32, #tpu.memory_space<vmem>>)
      %dma_wait3A_891 = arith.constant 2 : i32
      %dma_wait3A_892 = arith.constant 8 : i32
      %dma_wait3A_893 = arith.constant 0 : i32
      %dma_wait3A_894 = arith.constant 0 : i32
      %dma_wait3A_895 = tpu.memref_slice %arg19[%dma_wait3A_891, %dma_wait3A_892, %dma_wait3A_893, %dma_wait3A_894] : memref<4x12x16x128xf32, #tpu.memory_space<vmem>> -> memref<1x1x16x128xf32, #tpu.memory_space<vmem>>
      %dma_wait3A_896 = tpu.memref_squeeze %dma_wait3A_895 : memref<1x1x16x128xf32, #tpu.memory_space<vmem>> -> memref<16x128xf32, #tpu.memory_space<vmem>>
      %dma_wait3A_897 = tpu.memref_slice %arg17[%mul3A_810] : memref<512xi32, #tpu.memory_space<vmem>> -> memref<16xi32, #tpu.memory_space<vmem>>
      %dma_wait3A_898 = arith.constant 0 : i32
      %dma_wait3A_899 = arith.constant 0 : i32
      %dma_wait3A_900 = tpu.memref_slice %arg2[%dma_wait3A_898, %dma_wait3A_899] : memref<1000000x128xf32, #tpu.memory_space<hbm>> -> memref<1000000x128xf32, #tpu.memory_space<hbm>>
      tpu.wait_indirect_dma semaphore(%arg24 : memref<!tpu.dma_semaphore, #tpu.memory_space<semaphore_mem>>) src(%dma_wait3A_900 : memref<1000000x128xf32, #tpu.memory_space<hbm>>) dst(%dma_wait3A_896 : memref<16x128xf32, #tpu.memory_space<vmem>>)
      %dma_wait3A_901 = arith.constant 2 : i32
      %dma_wait3A_902 = arith.constant 9 : i32
      %dma_wait3A_903 = arith.constant 0 : i32
      %dma_wait3A_904 = arith.constant 0 : i32
      %dma_wait3A_905 = tpu.memref_slice %arg19[%dma_wait3A_901, %dma_wait3A_902, %dma_wait3A_903, %dma_wait3A_904] : memref<4x12x16x128xf32, #tpu.memory_space<vmem>> -> memref<1x1x16x128xf32, #tpu.memory_space<vmem>>
      %dma_wait3A_906 = tpu.memref_squeeze %dma_wait3A_905 : memref<1x1x16x128xf32, #tpu.memory_space<vmem>> -> memref<16x128xf32, #tpu.memory_space<vmem>>
      %dma_wait3A_907 = tpu.memref_slice %arg17[%mul3A_810] : memref<512xi32, #tpu.memory_space<vmem>> -> memref<16xi32, #tpu.memory_space<vmem>>
      %dma_wait3A_908 = arith.constant 0 : i32
      %dma_wait3A_909 = arith.constant 0 : i32
      %dma_wait3A_910 = tpu.memref_slice %arg3[%dma_wait3A_908, %dma_wait3A_909] : memref<1000000x128xf32, #tpu.memory_space<hbm>> -> memref<1000000x128xf32, #tpu.memory_space<hbm>>
      tpu.wait_indirect_dma semaphore(%arg24 : memref<!tpu.dma_semaphore, #tpu.memory_space<semaphore_mem>>) src(%dma_wait3A_910 : memref<1000000x128xf32, #tpu.memory_space<hbm>>) dst(%dma_wait3A_906 : memref<16x128xf32, #tpu.memory_space<vmem>>)
      %dma_wait3A_911 = arith.constant 2 : i32
      %dma_wait3A_912 = arith.constant 10 : i32
      %dma_wait3A_913 = arith.constant 0 : i32
      %dma_wait3A_914 = arith.constant 0 : i32
      %dma_wait3A_915 = tpu.memref_slice %arg19[%dma_wait3A_911, %dma_wait3A_912, %dma_wait3A_913, %dma_wait3A_914] : memref<4x12x16x128xf32, #tpu.memory_space<vmem>> -> memref<1x1x16x128xf32, #tpu.memory_space<vmem>>
      %dma_wait3A_916 = tpu.memref_squeeze %dma_wait3A_915 : memref<1x1x16x128xf32, #tpu.memory_space<vmem>> -> memref<16x128xf32, #tpu.memory_space<vmem>>
      %dma_wait3A_917 = tpu.memref_slice %arg18[%mul3A_810] : memref<512xi32, #tpu.memory_space<vmem>> -> memref<16xi32, #tpu.memory_space<vmem>>
      %dma_wait3A_918 = arith.constant 0 : i32
      %dma_wait3A_919 = arith.constant 0 : i32
      %dma_wait3A_920 = tpu.memref_slice %arg4[%dma_wait3A_918, %dma_wait3A_919] : memref<1000x128xf32, #tpu.memory_space<hbm>> -> memref<1000x128xf32, #tpu.memory_space<hbm>>
      tpu.wait_indirect_dma semaphore(%arg24 : memref<!tpu.dma_semaphore, #tpu.memory_space<semaphore_mem>>) src(%dma_wait3A_920 : memref<1000x128xf32, #tpu.memory_space<hbm>>) dst(%dma_wait3A_916 : memref<16x128xf32, #tpu.memory_space<vmem>>)
      %dma_wait3A_921 = arith.constant 2 : i32
      %dma_wait3A_922 = arith.constant 11 : i32
      %dma_wait3A_923 = arith.constant 0 : i32
      %dma_wait3A_924 = arith.constant 0 : i32
      %dma_wait3A_925 = tpu.memref_slice %arg19[%dma_wait3A_921, %dma_wait3A_922, %dma_wait3A_923, %dma_wait3A_924] : memref<4x12x16x128xf32, #tpu.memory_space<vmem>> -> memref<1x1x16x128xf32, #tpu.memory_space<vmem>>
      %dma_wait3A_926 = tpu.memref_squeeze %dma_wait3A_925 : memref<1x1x16x128xf32, #tpu.memory_space<vmem>> -> memref<16x128xf32, #tpu.memory_space<vmem>>
      %dma_wait3A_927 = tpu.memref_slice %arg18[%mul3A_810] : memref<512xi32, #tpu.memory_space<vmem>> -> memref<16xi32, #tpu.memory_space<vmem>>
      %dma_wait3A_928 = arith.constant 0 : i32
      %dma_wait3A_929 = arith.constant 0 : i32
      %dma_wait3A_930 = tpu.memref_slice %arg5[%dma_wait3A_928, %dma_wait3A_929] : memref<1000x128xf32, #tpu.memory_space<hbm>> -> memref<1000x128xf32, #tpu.memory_space<hbm>>
      tpu.wait_indirect_dma semaphore(%arg24 : memref<!tpu.dma_semaphore, #tpu.memory_space<semaphore_mem>>) src(%dma_wait3A_930 : memref<1000x128xf32, #tpu.memory_space<hbm>>) dst(%dma_wait3A_926 : memref<16x128xf32, #tpu.memory_space<vmem>>)
      %add3A_931 = arith.constant 0 : i32
      %add3A_932 = vector.broadcast %add3A_931 : i32 to vector<16xi32>
      %add3A_933 = arith.addi %iota3A, %add3A_932 : vector<16xi32>
      %broadcast_in_dim3A_934 = arith.constant 0.000000e+00 : f32
      %broadcast_in_dim3A_935 = vector.broadcast %broadcast_in_dim3A_934 : f32 to vector<16xf32>
      %scan3A_936 = arith.constant 2 : i32
      %scan3A_937 = arith.constant 0 : i32
      %scan3A_938 = arith.constant 64 : i32
      %scan3A_939 = arith.addi %scan3A_937, %scan3A_938 : i32
      %scan3A_940 = arith.constant 1 : i32
      %scan3A_941:8 = scf.for %scan3A_1152 = %scan3A_937 to %scan3A_939 step %scan3A_940 iter_args(%scan3A_1153 = %broadcast_in_dim3A_935, %scan3A_1154 = %broadcast_in_dim3A_935, %scan3A_1155 = %broadcast_in_dim3A_935, %scan3A_1156 = %broadcast_in_dim3A_935, %scan3A_1157 = %broadcast_in_dim3A_935, %scan3A_1158 = %broadcast_in_dim3A_935, %scan3A_1159 = %broadcast_in_dim3A_935, %scan3A_1160 = %broadcast_in_dim3A_935) -> (vector<16xf32>, vector<16xf32>, vector<16xf32>, vector<16xf32>, vector<16xf32>, vector<16xf32>, vector<16xf32>, vector<16xf32>)  : i32 {
        %mul3A_1161 = arith.constant 2 : i32
        %mul3A_1162 = arith.muli %scan3A_1152, %mul3A_1161 : i32
        %add3A_1163 = arith.constant 0 : i32
        %add3A_1164 = arith.addi %mul3A_1162, %add3A_1163 : i32
        %add3A_1165 = vector.broadcast %add3A_1164 : i32 to vector<16xi32>
        %add3A_1166 = arith.addi %iota3A, %add3A_1165 : vector<16xi32>
        %and3A = arith.constant 127 : i32
        %and3A_1167 = vector.broadcast %and3A : i32 to vector<16xi32>
        %and3A_1168 = arith.andi %add3A_1166, %and3A_1167 : vector<16xi32>
        %gather3A = arith.constant 0 : i32
        %gather3A_1169 = arith.constant 0 : i32
        %gather3A_1170 = arith.constant 0 : i32
        %gather3A_1171 = arith.constant 0 : i32
        %gather3A_1172 = tpu.memref_slice %arg19[%scan3A_936, %gather3A_1169, %gather3A_1170, %gather3A_1171] : memref<4x12x16x128xf32, #tpu.memory_space<vmem>> -> memref<1x12x16x128xf32, #tpu.memory_space<vmem>>
        %gather3A_1173 = tpu.memref_squeeze %gather3A_1172 : memref<1x12x16x128xf32, #tpu.memory_space<vmem>> -> memref<12x16x128xf32, #tpu.memory_space<vmem>>
        %gather3A_1174 = arith.constant 0 : i32
        %gather3A_1175 = arith.constant 0 : i32
        %gather3A_1176 = tpu.memref_slice %gather3A_1173[%gather3A, %gather3A_1174, %gather3A_1175] : memref<12x16x128xf32, #tpu.memory_space<vmem>> -> memref<1x16x128xf32, #tpu.memory_space<vmem>>
        %gather3A_1177 = tpu.memref_squeeze %gather3A_1176 : memref<1x16x128xf32, #tpu.memory_space<vmem>> -> memref<16x128xf32, #tpu.memory_space<vmem>>
        %gather3A_1178 = tpu.vector_load_idx %gather3A_1177[%add3A_933, %and3A_1168] : memref<16x128xf32, #tpu.memory_space<vmem>>[vector<16xi32>, vector<16xi32>], vector<16xf32>,
        %gather3A_1179 = arith.constant 1 : i32
        %gather3A_1180 = arith.constant 0 : i32
        %gather3A_1181 = arith.constant 0 : i32
        %gather3A_1182 = arith.constant 0 : i32
        %gather3A_1183 = tpu.memref_slice %arg19[%scan3A_936, %gather3A_1180, %gather3A_1181, %gather3A_1182] : memref<4x12x16x128xf32, #tpu.memory_space<vmem>> -> memref<1x12x16x128xf32, #tpu.memory_space<vmem>>
        %gather3A_1184 = tpu.memref_squeeze %gather3A_1183 : memref<1x12x16x128xf32, #tpu.memory_space<vmem>> -> memref<12x16x128xf32, #tpu.memory_space<vmem>>
        %gather3A_1185 = arith.constant 0 : i32
        %gather3A_1186 = arith.constant 0 : i32
        %gather3A_1187 = tpu.memref_slice %gather3A_1184[%gather3A_1179, %gather3A_1185, %gather3A_1186] : memref<12x16x128xf32, #tpu.memory_space<vmem>> -> memref<1x16x128xf32, #tpu.memory_space<vmem>>
        %gather3A_1188 = tpu.memref_squeeze %gather3A_1187 : memref<1x16x128xf32, #tpu.memory_space<vmem>> -> memref<16x128xf32, #tpu.memory_space<vmem>>
        %gather3A_1189 = tpu.vector_load_idx %gather3A_1188[%add3A_933, %and3A_1168] : memref<16x128xf32, #tpu.memory_space<vmem>>[vector<16xi32>, vector<16xi32>], vector<16xf32>,
        %gather3A_1190 = arith.constant 2 : i32
        %gather3A_1191 = arith.constant 0 : i32
        %gather3A_1192 = arith.constant 0 : i32
        %gather3A_1193 = arith.constant 0 : i32
        %gather3A_1194 = tpu.memref_slice %arg19[%scan3A_936, %gather3A_1191, %gather3A_1192, %gather3A_1193] : memref<4x12x16x128xf32, #tpu.memory_space<vmem>> -> memref<1x12x16x128xf32, #tpu.memory_space<vmem>>
        %gather3A_1195 = tpu.memref_squeeze %gather3A_1194 : memref<1x12x16x128xf32, #tpu.memory_space<vmem>> -> memref<12x16x128xf32, #tpu.memory_space<vmem>>
        %gather3A_1196 = arith.constant 0 : i32
        %gather3A_1197 = arith.constant 0 : i32
        %gather3A_1198 = tpu.memref_slice %gather3A_1195[%gather3A_1190, %gather3A_1196, %gather3A_1197] : memref<12x16x128xf32, #tpu.memory_space<vmem>> -> memref<1x16x128xf32, #tpu.memory_space<vmem>>
        %gather3A_1199 = tpu.memref_squeeze %gather3A_1198 : memref<1x16x128xf32, #tpu.memory_space<vmem>> -> memref<16x128xf32, #tpu.memory_space<vmem>>
        %gather3A_1200 = tpu.vector_load_idx %gather3A_1199[%add3A_933, %and3A_1168] : memref<16x128xf32, #tpu.memory_space<vmem>>[vector<16xi32>, vector<16xi32>], vector<16xf32>,
        %gather3A_1201 = arith.constant 3 : i32
        %gather3A_1202 = arith.constant 0 : i32
        %gather3A_1203 = arith.constant 0 : i32
        %gather3A_1204 = arith.constant 0 : i32
        %gather3A_1205 = tpu.memref_slice %arg19[%scan3A_936, %gather3A_1202, %gather3A_1203, %gather3A_1204] : memref<4x12x16x128xf32, #tpu.memory_space<vmem>> -> memref<1x12x16x128xf32, #tpu.memory_space<vmem>>
        %gather3A_1206 = tpu.memref_squeeze %gather3A_1205 : memref<1x12x16x128xf32, #tpu.memory_space<vmem>> -> memref<12x16x128xf32, #tpu.memory_space<vmem>>
        %gather3A_1207 = arith.constant 0 : i32
        %gather3A_1208 = arith.constant 0 : i32
        %gather3A_1209 = tpu.memref_slice %gather3A_1206[%gather3A_1201, %gather3A_1207, %gather3A_1208] : memref<12x16x128xf32, #tpu.memory_space<vmem>> -> memref<1x16x128xf32, #tpu.memory_space<vmem>>
        %gather3A_1210 = tpu.memref_squeeze %gather3A_1209 : memref<1x16x128xf32, #tpu.memory_space<vmem>> -> memref<16x128xf32, #tpu.memory_space<vmem>>
        %gather3A_1211 = tpu.vector_load_idx %gather3A_1210[%add3A_933, %and3A_1168] : memref<16x128xf32, #tpu.memory_space<vmem>>[vector<16xi32>, vector<16xi32>], vector<16xf32>,
        %gather3A_1212 = arith.constant 4 : i32
        %gather3A_1213 = arith.constant 0 : i32
        %gather3A_1214 = arith.constant 0 : i32
        %gather3A_1215 = arith.constant 0 : i32
        %gather3A_1216 = tpu.memref_slice %arg19[%scan3A_936, %gather3A_1213, %gather3A_1214, %gather3A_1215] : memref<4x12x16x128xf32, #tpu.memory_space<vmem>> -> memref<1x12x16x128xf32, #tpu.memory_space<vmem>>
        %gather3A_1217 = tpu.memref_squeeze %gather3A_1216 : memref<1x12x16x128xf32, #tpu.memory_space<vmem>> -> memref<12x16x128xf32, #tpu.memory_space<vmem>>
        %gather3A_1218 = arith.constant 0 : i32
        %gather3A_1219 = arith.constant 0 : i32
        %gather3A_1220 = tpu.memref_slice %gather3A_1217[%gather3A_1212, %gather3A_1218, %gather3A_1219] : memref<12x16x128xf32, #tpu.memory_space<vmem>> -> memref<1x16x128xf32, #tpu.memory_space<vmem>>
        %gather3A_1221 = tpu.memref_squeeze %gather3A_1220 : memref<1x16x128xf32, #tpu.memory_space<vmem>> -> memref<16x128xf32, #tpu.memory_space<vmem>>
        %gather3A_1222 = tpu.vector_load_idx %gather3A_1221[%add3A_933, %and3A_1168] : memref<16x128xf32, #tpu.memory_space<vmem>>[vector<16xi32>, vector<16xi32>], vector<16xf32>,
        %gather3A_1223 = arith.constant 5 : i32
        %gather3A_1224 = arith.constant 0 : i32
        %gather3A_1225 = arith.constant 0 : i32
        %gather3A_1226 = arith.constant 0 : i32
        %gather3A_1227 = tpu.memref_slice %arg19[%scan3A_936, %gather3A_1224, %gather3A_1225, %gather3A_1226] : memref<4x12x16x128xf32, #tpu.memory_space<vmem>> -> memref<1x12x16x128xf32, #tpu.memory_space<vmem>>
        %gather3A_1228 = tpu.memref_squeeze %gather3A_1227 : memref<1x12x16x128xf32, #tpu.memory_space<vmem>> -> memref<12x16x128xf32, #tpu.memory_space<vmem>>
        %gather3A_1229 = arith.constant 0 : i32
        %gather3A_1230 = arith.constant 0 : i32
        %gather3A_1231 = tpu.memref_slice %gather3A_1228[%gather3A_1223, %gather3A_1229, %gather3A_1230] : memref<12x16x128xf32, #tpu.memory_space<vmem>> -> memref<1x16x128xf32, #tpu.memory_space<vmem>>
        %gather3A_1232 = tpu.memref_squeeze %gather3A_1231 : memref<1x16x128xf32, #tpu.memory_space<vmem>> -> memref<16x128xf32, #tpu.memory_space<vmem>>
        %gather3A_1233 = tpu.vector_load_idx %gather3A_1232[%add3A_933, %and3A_1168] : memref<16x128xf32, #tpu.memory_space<vmem>>[vector<16xi32>, vector<16xi32>], vector<16xf32>,
        %mul3A_1234 = arith.mulf %gather3A_1178, %gather3A_1189 : vector<16xf32>
        %add3A_1235 = arith.addf %scan3A_1153, %mul3A_1234 : vector<16xf32>
        %mul3A_1236 = arith.mulf %gather3A_1200, %gather3A_1211 : vector<16xf32>
        %sub3A_1237 = arith.subf %add3A_1235, %mul3A_1236 : vector<16xf32>
        %sub3A_1238 = arith.subf %gather3A_1178, %gather3A_1200 : vector<16xf32>
        %add3A_1239 = arith.addf %sub3A_1238, %gather3A_1222 : vector<16xf32>
        %mul3A_1240 = arith.mulf %add3A_1239, %add3A_1239 : vector<16xf32>
        %add3A_1241 = arith.addf %scan3A_1154, %mul3A_1240 : vector<16xf32>
        %mul3A_1242 = arith.mulf %add3A_1239, %gather3A_1233 : vector<16xf32>
        %add3A_1243 = arith.addf %scan3A_1155, %mul3A_1242 : vector<16xf32>
        %mul3A_1244 = arith.mulf %gather3A_1233, %gather3A_1233 : vector<16xf32>
        %add3A_1245 = arith.addf %scan3A_1156, %mul3A_1244 : vector<16xf32>
        %gather3A_1246 = arith.constant 6 : i32
        %gather3A_1247 = arith.constant 0 : i32
        %gather3A_1248 = arith.constant 0 : i32
        %gather3A_1249 = arith.constant 0 : i32
        %gather3A_1250 = tpu.memref_slice %arg19[%scan3A_936, %gather3A_1247, %gather3A_1248, %gather3A_1249] : memref<4x12x16x128xf32, #tpu.memory_space<vmem>> -> memref<1x12x16x128xf32, #tpu.memory_space<vmem>>
        %gather3A_1251 = tpu.memref_squeeze %gather3A_1250 : memref<1x12x16x128xf32, #tpu.memory_space<vmem>> -> memref<12x16x128xf32, #tpu.memory_space<vmem>>
        %gather3A_1252 = arith.constant 0 : i32
        %gather3A_1253 = arith.constant 0 : i32
        %gather3A_1254 = tpu.memref_slice %gather3A_1251[%gather3A_1246, %gather3A_1252, %gather3A_1253] : memref<12x16x128xf32, #tpu.memory_space<vmem>> -> memref<1x16x128xf32, #tpu.memory_space<vmem>>
        %gather3A_1255 = tpu.memref_squeeze %gather3A_1254 : memref<1x16x128xf32, #tpu.memory_space<vmem>> -> memref<16x128xf32, #tpu.memory_space<vmem>>
        %gather3A_1256 = tpu.vector_load_idx %gather3A_1255[%add3A_933, %and3A_1168] : memref<16x128xf32, #tpu.memory_space<vmem>>[vector<16xi32>, vector<16xi32>], vector<16xf32>,
        %gather3A_1257 = arith.constant 7 : i32
        %gather3A_1258 = arith.constant 0 : i32
        %gather3A_1259 = arith.constant 0 : i32
        %gather3A_1260 = arith.constant 0 : i32
        %gather3A_1261 = tpu.memref_slice %arg19[%scan3A_936, %gather3A_1258, %gather3A_1259, %gather3A_1260] : memref<4x12x16x128xf32, #tpu.memory_space<vmem>> -> memref<1x12x16x128xf32, #tpu.memory_space<vmem>>
        %gather3A_1262 = tpu.memref_squeeze %gather3A_1261 : memref<1x12x16x128xf32, #tpu.memory_space<vmem>> -> memref<12x16x128xf32, #tpu.memory_space<vmem>>
        %gather3A_1263 = arith.constant 0 : i32
        %gather3A_1264 = arith.constant 0 : i32
        %gather3A_1265 = tpu.memref_slice %gather3A_1262[%gather3A_1257, %gather3A_1263, %gather3A_1264] : memref<12x16x128xf32, #tpu.memory_space<vmem>> -> memref<1x16x128xf32, #tpu.memory_space<vmem>>
        %gather3A_1266 = tpu.memref_squeeze %gather3A_1265 : memref<1x16x128xf32, #tpu.memory_space<vmem>> -> memref<16x128xf32, #tpu.memory_space<vmem>>
        %gather3A_1267 = tpu.vector_load_idx %gather3A_1266[%add3A_933, %and3A_1168] : memref<16x128xf32, #tpu.memory_space<vmem>>[vector<16xi32>, vector<16xi32>], vector<16xf32>,
        %gather3A_1268 = arith.constant 8 : i32
        %gather3A_1269 = arith.constant 0 : i32
        %gather3A_1270 = arith.constant 0 : i32
        %gather3A_1271 = arith.constant 0 : i32
        %gather3A_1272 = tpu.memref_slice %arg19[%scan3A_936, %gather3A_1269, %gather3A_1270, %gather3A_1271] : memref<4x12x16x128xf32, #tpu.memory_space<vmem>> -> memref<1x12x16x128xf32, #tpu.memory_space<vmem>>
        %gather3A_1273 = tpu.memref_squeeze %gather3A_1272 : memref<1x12x16x128xf32, #tpu.memory_space<vmem>> -> memref<12x16x128xf32, #tpu.memory_space<vmem>>
        %gather3A_1274 = arith.constant 0 : i32
        %gather3A_1275 = arith.constant 0 : i32
        %gather3A_1276 = tpu.memref_slice %gather3A_1273[%gather3A_1268, %gather3A_1274, %gather3A_1275] : memref<12x16x128xf32, #tpu.memory_space<vmem>> -> memref<1x16x128xf32, #tpu.memory_space<vmem>>
        %gather3A_1277 = tpu.memref_squeeze %gather3A_1276 : memref<1x16x128xf32, #tpu.memory_space<vmem>> -> memref<16x128xf32, #tpu.memory_space<vmem>>
        %gather3A_1278 = tpu.vector_load_idx %gather3A_1277[%add3A_933, %and3A_1168] : memref<16x128xf32, #tpu.memory_space<vmem>>[vector<16xi32>, vector<16xi32>], vector<16xf32>,
        %gather3A_1279 = arith.constant 9 : i32
        %gather3A_1280 = arith.constant 0 : i32
        %gather3A_1281 = arith.constant 0 : i32
        %gather3A_1282 = arith.constant 0 : i32
        %gather3A_1283 = tpu.memref_slice %arg19[%scan3A_936, %gather3A_1280, %gather3A_1281, %gather3A_1282] : memref<4x12x16x128xf32, #tpu.memory_space<vmem>> -> memref<1x12x16x128xf32, #tpu.memory_space<vmem>>
        %gather3A_1284 = tpu.memref_squeeze %gather3A_1283 : memref<1x12x16x128xf32, #tpu.memory_space<vmem>> -> memref<12x16x128xf32, #tpu.memory_space<vmem>>
        %gather3A_1285 = arith.constant 0 : i32
        %gather3A_1286 = arith.constant 0 : i32
        %gather3A_1287 = tpu.memref_slice %gather3A_1284[%gather3A_1279, %gather3A_1285, %gather3A_1286] : memref<12x16x128xf32, #tpu.memory_space<vmem>> -> memref<1x16x128xf32, #tpu.memory_space<vmem>>
        %gather3A_1288 = tpu.memref_squeeze %gather3A_1287 : memref<1x16x128xf32, #tpu.memory_space<vmem>> -> memref<16x128xf32, #tpu.memory_space<vmem>>
        %gather3A_1289 = tpu.vector_load_idx %gather3A_1288[%add3A_933, %and3A_1168] : memref<16x128xf32, #tpu.memory_space<vmem>>[vector<16xi32>, vector<16xi32>], vector<16xf32>,
        %gather3A_1290 = arith.constant 10 : i32
        %gather3A_1291 = arith.constant 0 : i32
        %gather3A_1292 = arith.constant 0 : i32
        %gather3A_1293 = arith.constant 0 : i32
        %gather3A_1294 = tpu.memref_slice %arg19[%scan3A_936, %gather3A_1291, %gather3A_1292, %gather3A_1293] : memref<4x12x16x128xf32, #tpu.memory_space<vmem>> -> memref<1x12x16x128xf32, #tpu.memory_space<vmem>>
        %gather3A_1295 = tpu.memref_squeeze %gather3A_1294 : memref<1x12x16x128xf32, #tpu.memory_space<vmem>> -> memref<12x16x128xf32, #tpu.memory_space<vmem>>
        %gather3A_1296 = arith.constant 0 : i32
        %gather3A_1297 = arith.constant 0 : i32
        %gather3A_1298 = tpu.memref_slice %gather3A_1295[%gather3A_1290, %gather3A_1296, %gather3A_1297] : memref<12x16x128xf32, #tpu.memory_space<vmem>> -> memref<1x16x128xf32, #tpu.memory_space<vmem>>
        %gather3A_1299 = tpu.memref_squeeze %gather3A_1298 : memref<1x16x128xf32, #tpu.memory_space<vmem>> -> memref<16x128xf32, #tpu.memory_space<vmem>>
        %gather3A_1300 = tpu.vector_load_idx %gather3A_1299[%add3A_933, %and3A_1168] : memref<16x128xf32, #tpu.memory_space<vmem>>[vector<16xi32>, vector<16xi32>], vector<16xf32>,
        %gather3A_1301 = arith.constant 11 : i32
        %gather3A_1302 = arith.constant 0 : i32
        %gather3A_1303 = arith.constant 0 : i32
        %gather3A_1304 = arith.constant 0 : i32
        %gather3A_1305 = tpu.memref_slice %arg19[%scan3A_936, %gather3A_1302, %gather3A_1303, %gather3A_1304] : memref<4x12x16x128xf32, #tpu.memory_space<vmem>> -> memref<1x12x16x128xf32, #tpu.memory_space<vmem>>
        %gather3A_1306 = tpu.memref_squeeze %gather3A_1305 : memref<1x12x16x128xf32, #tpu.memory_space<vmem>> -> memref<12x16x128xf32, #tpu.memory_space<vmem>>
        %gather3A_1307 = arith.constant 0 : i32
        %gather3A_1308 = arith.constant 0 : i32
        %gather3A_1309 = tpu.memref_slice %gather3A_1306[%gather3A_1301, %gather3A_1307, %gather3A_1308] : memref<12x16x128xf32, #tpu.memory_space<vmem>> -> memref<1x16x128xf32, #tpu.memory_space<vmem>>
        %gather3A_1310 = tpu.memref_squeeze %gather3A_1309 : memref<1x16x128xf32, #tpu.memory_space<vmem>> -> memref<16x128xf32, #tpu.memory_space<vmem>>
        %gather3A_1311 = tpu.vector_load_idx %gather3A_1310[%add3A_933, %and3A_1168] : memref<16x128xf32, #tpu.memory_space<vmem>>[vector<16xi32>, vector<16xi32>], vector<16xf32>,
        %mul3A_1312 = arith.mulf %gather3A_1256, %gather3A_1267 : vector<16xf32>
        %add3A_1313 = arith.addf %scan3A_1157, %mul3A_1312 : vector<16xf32>
        %mul3A_1314 = arith.mulf %gather3A_1278, %gather3A_1289 : vector<16xf32>
        %sub3A_1315 = arith.subf %add3A_1313, %mul3A_1314 : vector<16xf32>
        %sub3A_1316 = arith.subf %gather3A_1256, %gather3A_1278 : vector<16xf32>
        %add3A_1317 = arith.addf %sub3A_1316, %gather3A_1300 : vector<16xf32>
        %mul3A_1318 = arith.mulf %add3A_1317, %add3A_1317 : vector<16xf32>
        %add3A_1319 = arith.addf %scan3A_1158, %mul3A_1318 : vector<16xf32>
        %mul3A_1320 = arith.mulf %add3A_1317, %gather3A_1311 : vector<16xf32>
        %add3A_1321 = arith.addf %scan3A_1159, %mul3A_1320 : vector<16xf32>
        %mul3A_1322 = arith.mulf %gather3A_1311, %gather3A_1311 : vector<16xf32>
        %add3A_1323 = arith.addf %scan3A_1160, %mul3A_1322 : vector<16xf32>
        %add3A_1324 = arith.constant 1 : i32
        %add3A_1325 = arith.addi %mul3A_1162, %add3A_1324 : i32
        %add3A_1326 = vector.broadcast %add3A_1325 : i32 to vector<16xi32>
        %add3A_1327 = arith.addi %iota3A, %add3A_1326 : vector<16xi32>
        %and3A_1328 = arith.constant 127 : i32
        %and3A_1329 = vector.broadcast %and3A_1328 : i32 to vector<16xi32>
        %and3A_1330 = arith.andi %add3A_1327, %and3A_1329 : vector<16xi32>
        %gather3A_1331 = arith.constant 0 : i32
        %gather3A_1332 = arith.constant 0 : i32
        %gather3A_1333 = arith.constant 0 : i32
        %gather3A_1334 = arith.constant 0 : i32
        %gather3A_1335 = tpu.memref_slice %arg19[%scan3A_936, %gather3A_1332, %gather3A_1333, %gather3A_1334] : memref<4x12x16x128xf32, #tpu.memory_space<vmem>> -> memref<1x12x16x128xf32, #tpu.memory_space<vmem>>
        %gather3A_1336 = tpu.memref_squeeze %gather3A_1335 : memref<1x12x16x128xf32, #tpu.memory_space<vmem>> -> memref<12x16x128xf32, #tpu.memory_space<vmem>>
        %gather3A_1337 = arith.constant 0 : i32
        %gather3A_1338 = arith.constant 0 : i32
        %gather3A_1339 = tpu.memref_slice %gather3A_1336[%gather3A_1331, %gather3A_1337, %gather3A_1338] : memref<12x16x128xf32, #tpu.memory_space<vmem>> -> memref<1x16x128xf32, #tpu.memory_space<vmem>>
        %gather3A_1340 = tpu.memref_squeeze %gather3A_1339 : memref<1x16x128xf32, #tpu.memory_space<vmem>> -> memref<16x128xf32, #tpu.memory_space<vmem>>
        %gather3A_1341 = tpu.vector_load_idx %gather3A_1340[%add3A_933, %and3A_1330] : memref<16x128xf32, #tpu.memory_space<vmem>>[vector<16xi32>, vector<16xi32>], vector<16xf32>,
        %gather3A_1342 = arith.constant 1 : i32
        %gather3A_1343 = arith.constant 0 : i32
        %gather3A_1344 = arith.constant 0 : i32
        %gather3A_1345 = arith.constant 0 : i32
        %gather3A_1346 = tpu.memref_slice %arg19[%scan3A_936, %gather3A_1343, %gather3A_1344, %gather3A_1345] : memref<4x12x16x128xf32, #tpu.memory_space<vmem>> -> memref<1x12x16x128xf32, #tpu.memory_space<vmem>>
        %gather3A_1347 = tpu.memref_squeeze %gather3A_1346 : memref<1x12x16x128xf32, #tpu.memory_space<vmem>> -> memref<12x16x128xf32, #tpu.memory_space<vmem>>
        %gather3A_1348 = arith.constant 0 : i32
        %gather3A_1349 = arith.constant 0 : i32
        %gather3A_1350 = tpu.memref_slice %gather3A_1347[%gather3A_1342, %gather3A_1348, %gather3A_1349] : memref<12x16x128xf32, #tpu.memory_space<vmem>> -> memref<1x16x128xf32, #tpu.memory_space<vmem>>
        %gather3A_1351 = tpu.memref_squeeze %gather3A_1350 : memref<1x16x128xf32, #tpu.memory_space<vmem>> -> memref<16x128xf32, #tpu.memory_space<vmem>>
        %gather3A_1352 = tpu.vector_load_idx %gather3A_1351[%add3A_933, %and3A_1330] : memref<16x128xf32, #tpu.memory_space<vmem>>[vector<16xi32>, vector<16xi32>], vector<16xf32>,
        %gather3A_1353 = arith.constant 2 : i32
        %gather3A_1354 = arith.constant 0 : i32
        %gather3A_1355 = arith.constant 0 : i32
        %gather3A_1356 = arith.constant 0 : i32
        %gather3A_1357 = tpu.memref_slice %arg19[%scan3A_936, %gather3A_1354, %gather3A_1355, %gather3A_1356] : memref<4x12x16x128xf32, #tpu.memory_space<vmem>> -> memref<1x12x16x128xf32, #tpu.memory_space<vmem>>
        %gather3A_1358 = tpu.memref_squeeze %gather3A_1357 : memref<1x12x16x128xf32, #tpu.memory_space<vmem>> -> memref<12x16x128xf32, #tpu.memory_space<vmem>>
        %gather3A_1359 = arith.constant 0 : i32
        %gather3A_1360 = arith.constant 0 : i32
        %gather3A_1361 = tpu.memref_slice %gather3A_1358[%gather3A_1353, %gather3A_1359, %gather3A_1360] : memref<12x16x128xf32, #tpu.memory_space<vmem>> -> memref<1x16x128xf32, #tpu.memory_space<vmem>>
        %gather3A_1362 = tpu.memref_squeeze %gather3A_1361 : memref<1x16x128xf32, #tpu.memory_space<vmem>> -> memref<16x128xf32, #tpu.memory_space<vmem>>
        %gather3A_1363 = tpu.vector_load_idx %gather3A_1362[%add3A_933, %and3A_1330] : memref<16x128xf32, #tpu.memory_space<vmem>>[vector<16xi32>, vector<16xi32>], vector<16xf32>,
        %gather3A_1364 = arith.constant 3 : i32
        %gather3A_1365 = arith.constant 0 : i32
        %gather3A_1366 = arith.constant 0 : i32
        %gather3A_1367 = arith.constant 0 : i32
        %gather3A_1368 = tpu.memref_slice %arg19[%scan3A_936, %gather3A_1365, %gather3A_1366, %gather3A_1367] : memref<4x12x16x128xf32, #tpu.memory_space<vmem>> -> memref<1x12x16x128xf32, #tpu.memory_space<vmem>>
        %gather3A_1369 = tpu.memref_squeeze %gather3A_1368 : memref<1x12x16x128xf32, #tpu.memory_space<vmem>> -> memref<12x16x128xf32, #tpu.memory_space<vmem>>
        %gather3A_1370 = arith.constant 0 : i32
        %gather3A_1371 = arith.constant 0 : i32
        %gather3A_1372 = tpu.memref_slice %gather3A_1369[%gather3A_1364, %gather3A_1370, %gather3A_1371] : memref<12x16x128xf32, #tpu.memory_space<vmem>> -> memref<1x16x128xf32, #tpu.memory_space<vmem>>
        %gather3A_1373 = tpu.memref_squeeze %gather3A_1372 : memref<1x16x128xf32, #tpu.memory_space<vmem>> -> memref<16x128xf32, #tpu.memory_space<vmem>>
        %gather3A_1374 = tpu.vector_load_idx %gather3A_1373[%add3A_933, %and3A_1330] : memref<16x128xf32, #tpu.memory_space<vmem>>[vector<16xi32>, vector<16xi32>], vector<16xf32>,
        %gather3A_1375 = arith.constant 4 : i32
        %gather3A_1376 = arith.constant 0 : i32
        %gather3A_1377 = arith.constant 0 : i32
        %gather3A_1378 = arith.constant 0 : i32
        %gather3A_1379 = tpu.memref_slice %arg19[%scan3A_936, %gather3A_1376, %gather3A_1377, %gather3A_1378] : memref<4x12x16x128xf32, #tpu.memory_space<vmem>> -> memref<1x12x16x128xf32, #tpu.memory_space<vmem>>
        %gather3A_1380 = tpu.memref_squeeze %gather3A_1379 : memref<1x12x16x128xf32, #tpu.memory_space<vmem>> -> memref<12x16x128xf32, #tpu.memory_space<vmem>>
        %gather3A_1381 = arith.constant 0 : i32
        %gather3A_1382 = arith.constant 0 : i32
        %gather3A_1383 = tpu.memref_slice %gather3A_1380[%gather3A_1375, %gather3A_1381, %gather3A_1382] : memref<12x16x128xf32, #tpu.memory_space<vmem>> -> memref<1x16x128xf32, #tpu.memory_space<vmem>>
        %gather3A_1384 = tpu.memref_squeeze %gather3A_1383 : memref<1x16x128xf32, #tpu.memory_space<vmem>> -> memref<16x128xf32, #tpu.memory_space<vmem>>
        %gather3A_1385 = tpu.vector_load_idx %gather3A_1384[%add3A_933, %and3A_1330] : memref<16x128xf32, #tpu.memory_space<vmem>>[vector<16xi32>, vector<16xi32>], vector<16xf32>,
        %gather3A_1386 = arith.constant 5 : i32
        %gather3A_1387 = arith.constant 0 : i32
        %gather3A_1388 = arith.constant 0 : i32
        %gather3A_1389 = arith.constant 0 : i32
        %gather3A_1390 = tpu.memref_slice %arg19[%scan3A_936, %gather3A_1387, %gather3A_1388, %gather3A_1389] : memref<4x12x16x128xf32, #tpu.memory_space<vmem>> -> memref<1x12x16x128xf32, #tpu.memory_space<vmem>>
        %gather3A_1391 = tpu.memref_squeeze %gather3A_1390 : memref<1x12x16x128xf32, #tpu.memory_space<vmem>> -> memref<12x16x128xf32, #tpu.memory_space<vmem>>
        %gather3A_1392 = arith.constant 0 : i32
        %gather3A_1393 = arith.constant 0 : i32
        %gather3A_1394 = tpu.memref_slice %gather3A_1391[%gather3A_1386, %gather3A_1392, %gather3A_1393] : memref<12x16x128xf32, #tpu.memory_space<vmem>> -> memref<1x16x128xf32, #tpu.memory_space<vmem>>
        %gather3A_1395 = tpu.memref_squeeze %gather3A_1394 : memref<1x16x128xf32, #tpu.memory_space<vmem>> -> memref<16x128xf32, #tpu.memory_space<vmem>>
        %gather3A_1396 = tpu.vector_load_idx %gather3A_1395[%add3A_933, %and3A_1330] : memref<16x128xf32, #tpu.memory_space<vmem>>[vector<16xi32>, vector<16xi32>], vector<16xf32>,
        %mul3A_1397 = arith.mulf %gather3A_1341, %gather3A_1352 : vector<16xf32>
        %add3A_1398 = arith.addf %sub3A_1237, %mul3A_1397 : vector<16xf32>
        %mul3A_1399 = arith.mulf %gather3A_1363, %gather3A_1374 : vector<16xf32>
        %sub3A_1400 = arith.subf %add3A_1398, %mul3A_1399 : vector<16xf32>
        %sub3A_1401 = arith.subf %gather3A_1341, %gather3A_1363 : vector<16xf32>
        %add3A_1402 = arith.addf %sub3A_1401, %gather3A_1385 : vector<16xf32>
        %mul3A_1403 = arith.mulf %add3A_1402, %add3A_1402 : vector<16xf32>
        %add3A_1404 = arith.addf %add3A_1241, %mul3A_1403 : vector<16xf32>
        %mul3A_1405 = arith.mulf %add3A_1402, %gather3A_1396 : vector<16xf32>
        %add3A_1406 = arith.addf %add3A_1243, %mul3A_1405 : vector<16xf32>
        %mul3A_1407 = arith.mulf %gather3A_1396, %gather3A_1396 : vector<16xf32>
        %add3A_1408 = arith.addf %add3A_1245, %mul3A_1407 : vector<16xf32>
        %gather3A_1409 = arith.constant 6 : i32
        %gather3A_1410 = arith.constant 0 : i32
        %gather3A_1411 = arith.constant 0 : i32
        %gather3A_1412 = arith.constant 0 : i32
        %gather3A_1413 = tpu.memref_slice %arg19[%scan3A_936, %gather3A_1410, %gather3A_1411, %gather3A_1412] : memref<4x12x16x128xf32, #tpu.memory_space<vmem>> -> memref<1x12x16x128xf32, #tpu.memory_space<vmem>>
        %gather3A_1414 = tpu.memref_squeeze %gather3A_1413 : memref<1x12x16x128xf32, #tpu.memory_space<vmem>> -> memref<12x16x128xf32, #tpu.memory_space<vmem>>
        %gather3A_1415 = arith.constant 0 : i32
        %gather3A_1416 = arith.constant 0 : i32
        %gather3A_1417 = tpu.memref_slice %gather3A_1414[%gather3A_1409, %gather3A_1415, %gather3A_1416] : memref<12x16x128xf32, #tpu.memory_space<vmem>> -> memref<1x16x128xf32, #tpu.memory_space<vmem>>
        %gather3A_1418 = tpu.memref_squeeze %gather3A_1417 : memref<1x16x128xf32, #tpu.memory_space<vmem>> -> memref<16x128xf32, #tpu.memory_space<vmem>>
        %gather3A_1419 = tpu.vector_load_idx %gather3A_1418[%add3A_933, %and3A_1330] : memref<16x128xf32, #tpu.memory_space<vmem>>[vector<16xi32>, vector<16xi32>], vector<16xf32>,
        %gather3A_1420 = arith.constant 7 : i32
        %gather3A_1421 = arith.constant 0 : i32
        %gather3A_1422 = arith.constant 0 : i32
        %gather3A_1423 = arith.constant 0 : i32
        %gather3A_1424 = tpu.memref_slice %arg19[%scan3A_936, %gather3A_1421, %gather3A_1422, %gather3A_1423] : memref<4x12x16x128xf32, #tpu.memory_space<vmem>> -> memref<1x12x16x128xf32, #tpu.memory_space<vmem>>
        %gather3A_1425 = tpu.memref_squeeze %gather3A_1424 : memref<1x12x16x128xf32, #tpu.memory_space<vmem>> -> memref<12x16x128xf32, #tpu.memory_space<vmem>>
        %gather3A_1426 = arith.constant 0 : i32
        %gather3A_1427 = arith.constant 0 : i32
        %gather3A_1428 = tpu.memref_slice %gather3A_1425[%gather3A_1420, %gather3A_1426, %gather3A_1427] : memref<12x16x128xf32, #tpu.memory_space<vmem>> -> memref<1x16x128xf32, #tpu.memory_space<vmem>>
        %gather3A_1429 = tpu.memref_squeeze %gather3A_1428 : memref<1x16x128xf32, #tpu.memory_space<vmem>> -> memref<16x128xf32, #tpu.memory_space<vmem>>
        %gather3A_1430 = tpu.vector_load_idx %gather3A_1429[%add3A_933, %and3A_1330] : memref<16x128xf32, #tpu.memory_space<vmem>>[vector<16xi32>, vector<16xi32>], vector<16xf32>,
        %gather3A_1431 = arith.constant 8 : i32
        %gather3A_1432 = arith.constant 0 : i32
        %gather3A_1433 = arith.constant 0 : i32
        %gather3A_1434 = arith.constant 0 : i32
        %gather3A_1435 = tpu.memref_slice %arg19[%scan3A_936, %gather3A_1432, %gather3A_1433, %gather3A_1434] : memref<4x12x16x128xf32, #tpu.memory_space<vmem>> -> memref<1x12x16x128xf32, #tpu.memory_space<vmem>>
        %gather3A_1436 = tpu.memref_squeeze %gather3A_1435 : memref<1x12x16x128xf32, #tpu.memory_space<vmem>> -> memref<12x16x128xf32, #tpu.memory_space<vmem>>
        %gather3A_1437 = arith.constant 0 : i32
        %gather3A_1438 = arith.constant 0 : i32
        %gather3A_1439 = tpu.memref_slice %gather3A_1436[%gather3A_1431, %gather3A_1437, %gather3A_1438] : memref<12x16x128xf32, #tpu.memory_space<vmem>> -> memref<1x16x128xf32, #tpu.memory_space<vmem>>
        %gather3A_1440 = tpu.memref_squeeze %gather3A_1439 : memref<1x16x128xf32, #tpu.memory_space<vmem>> -> memref<16x128xf32, #tpu.memory_space<vmem>>
        %gather3A_1441 = tpu.vector_load_idx %gather3A_1440[%add3A_933, %and3A_1330] : memref<16x128xf32, #tpu.memory_space<vmem>>[vector<16xi32>, vector<16xi32>], vector<16xf32>,
        %gather3A_1442 = arith.constant 9 : i32
        %gather3A_1443 = arith.constant 0 : i32
        %gather3A_1444 = arith.constant 0 : i32
        %gather3A_1445 = arith.constant 0 : i32
        %gather3A_1446 = tpu.memref_slice %arg19[%scan3A_936, %gather3A_1443, %gather3A_1444, %gather3A_1445] : memref<4x12x16x128xf32, #tpu.memory_space<vmem>> -> memref<1x12x16x128xf32, #tpu.memory_space<vmem>>
        %gather3A_1447 = tpu.memref_squeeze %gather3A_1446 : memref<1x12x16x128xf32, #tpu.memory_space<vmem>> -> memref<12x16x128xf32, #tpu.memory_space<vmem>>
        %gather3A_1448 = arith.constant 0 : i32
        %gather3A_1449 = arith.constant 0 : i32
        %gather3A_1450 = tpu.memref_slice %gather3A_1447[%gather3A_1442, %gather3A_1448, %gather3A_1449] : memref<12x16x128xf32, #tpu.memory_space<vmem>> -> memref<1x16x128xf32, #tpu.memory_space<vmem>>
        %gather3A_1451 = tpu.memref_squeeze %gather3A_1450 : memref<1x16x128xf32, #tpu.memory_space<vmem>> -> memref<16x128xf32, #tpu.memory_space<vmem>>
        %gather3A_1452 = tpu.vector_load_idx %gather3A_1451[%add3A_933, %and3A_1330] : memref<16x128xf32, #tpu.memory_space<vmem>>[vector<16xi32>, vector<16xi32>], vector<16xf32>,
        %gather3A_1453 = arith.constant 10 : i32
        %gather3A_1454 = arith.constant 0 : i32
        %gather3A_1455 = arith.constant 0 : i32
        %gather3A_1456 = arith.constant 0 : i32
        %gather3A_1457 = tpu.memref_slice %arg19[%scan3A_936, %gather3A_1454, %gather3A_1455, %gather3A_1456] : memref<4x12x16x128xf32, #tpu.memory_space<vmem>> -> memref<1x12x16x128xf32, #tpu.memory_space<vmem>>
        %gather3A_1458 = tpu.memref_squeeze %gather3A_1457 : memref<1x12x16x128xf32, #tpu.memory_space<vmem>> -> memref<12x16x128xf32, #tpu.memory_space<vmem>>
        %gather3A_1459 = arith.constant 0 : i32
        %gather3A_1460 = arith.constant 0 : i32
        %gather3A_1461 = tpu.memref_slice %gather3A_1458[%gather3A_1453, %gather3A_1459, %gather3A_1460] : memref<12x16x128xf32, #tpu.memory_space<vmem>> -> memref<1x16x128xf32, #tpu.memory_space<vmem>>
        %gather3A_1462 = tpu.memref_squeeze %gather3A_1461 : memref<1x16x128xf32, #tpu.memory_space<vmem>> -> memref<16x128xf32, #tpu.memory_space<vmem>>
        %gather3A_1463 = tpu.vector_load_idx %gather3A_1462[%add3A_933, %and3A_1330] : memref<16x128xf32, #tpu.memory_space<vmem>>[vector<16xi32>, vector<16xi32>], vector<16xf32>,
        %gather3A_1464 = arith.constant 11 : i32
        %gather3A_1465 = arith.constant 0 : i32
        %gather3A_1466 = arith.constant 0 : i32
        %gather3A_1467 = arith.constant 0 : i32
        %gather3A_1468 = tpu.memref_slice %arg19[%scan3A_936, %gather3A_1465, %gather3A_1466, %gather3A_1467] : memref<4x12x16x128xf32, #tpu.memory_space<vmem>> -> memref<1x12x16x128xf32, #tpu.memory_space<vmem>>
        %gather3A_1469 = tpu.memref_squeeze %gather3A_1468 : memref<1x12x16x128xf32, #tpu.memory_space<vmem>> -> memref<12x16x128xf32, #tpu.memory_space<vmem>>
        %gather3A_1470 = arith.constant 0 : i32
        %gather3A_1471 = arith.constant 0 : i32
        %gather3A_1472 = tpu.memref_slice %gather3A_1469[%gather3A_1464, %gather3A_1470, %gather3A_1471] : memref<12x16x128xf32, #tpu.memory_space<vmem>> -> memref<1x16x128xf32, #tpu.memory_space<vmem>>
        %gather3A_1473 = tpu.memref_squeeze %gather3A_1472 : memref<1x16x128xf32, #tpu.memory_space<vmem>> -> memref<16x128xf32, #tpu.memory_space<vmem>>
        %gather3A_1474 = tpu.vector_load_idx %gather3A_1473[%add3A_933, %and3A_1330] : memref<16x128xf32, #tpu.memory_space<vmem>>[vector<16xi32>, vector<16xi32>], vector<16xf32>,
        %mul3A_1475 = arith.mulf %gather3A_1419, %gather3A_1430 : vector<16xf32>
        %add3A_1476 = arith.addf %sub3A_1315, %mul3A_1475 : vector<16xf32>
        %mul3A_1477 = arith.mulf %gather3A_1441, %gather3A_1452 : vector<16xf32>
        %sub3A_1478 = arith.subf %add3A_1476, %mul3A_1477 : vector<16xf32>
        %sub3A_1479 = arith.subf %gather3A_1419, %gather3A_1441 : vector<16xf32>
        %add3A_1480 = arith.addf %sub3A_1479, %gather3A_1463 : vector<16xf32>
        %mul3A_1481 = arith.mulf %add3A_1480, %add3A_1480 : vector<16xf32>
        %add3A_1482 = arith.addf %add3A_1319, %mul3A_1481 : vector<16xf32>
        %mul3A_1483 = arith.mulf %add3A_1480, %gather3A_1474 : vector<16xf32>
        %add3A_1484 = arith.addf %add3A_1321, %mul3A_1483 : vector<16xf32>
        %mul3A_1485 = arith.mulf %gather3A_1474, %gather3A_1474 : vector<16xf32>
        %add3A_1486 = arith.addf %add3A_1323, %mul3A_1485 : vector<16xf32>
        scf.yield %sub3A_1400, %add3A_1404, %add3A_1406, %add3A_1408, %sub3A_1478, %add3A_1482, %add3A_1484, %add3A_1486 : vector<16xf32>, vector<16xf32>, vector<16xf32>, vector<16xf32>, vector<16xf32>, vector<16xf32>, vector<16xf32>, vector<16xf32>
      }
      %scan3A_942 = arith.constant 64 : i32
      %mul3A_943 = arith.constant 2.000000e+00 : f32
      %mul3A_944 = vector.broadcast %mul3A_943 : f32 to vector<16xf32>
      %mul3A_945 = arith.mulf %mul3A_944, %scan3A_941#0 : vector<16xf32>
      %mul3A_946 = arith.mulf %mul3A_945, %scan3A_941#2 : vector<16xf32>
      %add3A_947 = arith.addf %scan3A_941#1, %mul3A_946 : vector<16xf32>
      %mul3A_948 = arith.mulf %scan3A_941#0, %scan3A_941#0 : vector<16xf32>
      %mul3A_949 = arith.mulf %mul3A_948, %scan3A_941#3 : vector<16xf32>
      %add3A_950 = arith.addf %add3A_947, %mul3A_949 : vector<16xf32>
      %mul3A_951 = arith.constant 2.000000e+00 : f32
      %mul3A_952 = vector.broadcast %mul3A_951 : f32 to vector<16xf32>
      %mul3A_953 = arith.mulf %mul3A_952, %scan3A_941#4 : vector<16xf32>
      %mul3A_954 = arith.mulf %mul3A_953, %scan3A_941#6 : vector<16xf32>
      %add3A_955 = arith.addf %scan3A_941#5, %mul3A_954 : vector<16xf32>
      %mul3A_956 = arith.mulf %scan3A_941#4, %scan3A_941#4 : vector<16xf32>
      %mul3A_957 = arith.mulf %mul3A_956, %scan3A_941#7 : vector<16xf32>
      %add3A_958 = arith.addf %add3A_955, %mul3A_957 : vector<16xf32>
      %sub3A_959 = arith.subf %add3A_958, %add3A_950 : vector<16xf32>
      %add3A_960 = arith.constant 1.000000e+00 : f32
      %add3A_961 = vector.broadcast %add3A_960 : f32 to vector<16xf32>
      %add3A_962 = arith.addf %sub3A_959, %add3A_961 : vector<16xf32>
      %max3A_963 = arith.constant 0.000000e+00 : f32
      %max3A_964 = vector.broadcast %max3A_963 : f32 to vector<16xf32>
      %max3A_965 = arith.maximumf %add3A_962, %max3A_964 : vector<16xf32>
      %get3A_966 = arith.constant 0 : index
      %get3A_967 = tpu.vector_load %arg20[%get3A_966] {strides = array<i32>} : memref<16xf32, #tpu.memory_space<vmem>>, vector<16xf32>,
      %add3A_968 = arith.addf %get3A_967, %max3A_965 : vector<16xf32>
      %swap3A_969 = arith.constant 0 : index
      %swap3A_970 = tpu.vector_load %arg20[%swap3A_969] {strides = array<i32>} : memref<16xf32, #tpu.memory_space<vmem>>, vector<16xf32>,
      tpu.vector_store %arg20[%swap3A_969], %add3A_968 {strides = array<i32>} : memref<16xf32, #tpu.memory_space<vmem>>, vector<16xf32>,
      %add3A_971 = arith.constant 3 : i32
      %add3A_972 = arith.addi %mul3A_433, %add3A_971 : i32
      %add3A_973 = arith.constant 4 : i32
      %add3A_974 = arith.addi %add3A_972, %add3A_973 : i32
      %sub3A_975 = arith.constant 1 : i32
      %sub3A_976 = arith.subi %add3A_974, %sub3A_975 : i32
      %lt3A_977 = arith.constant 32 : i32
      %lt3A_978 = arith.cmpi slt, %sub3A_976, %lt3A_977 : i32
      %add3A_979 = arith.constant 3 : i32
      %add3A_980 = arith.addi %mul3A_433, %add3A_979 : i32
      %add3A_981 = arith.constant 4 : i32
      %add3A_982 = arith.addi %add3A_980, %add3A_981 : i32
      %sub3A_983 = arith.constant 1 : i32
      %sub3A_984 = arith.subi %add3A_982, %sub3A_983 : i32
      %convert_element_type3A_985 = arith.extui %lt3A_978 : i1 to i32
      %cond3A_986 = arith.constant 0 : i32
      %cond3A_987 = arith.cmpi ne, %convert_element_type3A_985, %cond3A_986 : i32
      scf.if %cond3A_987 {
        %mul3A_1152 = arith.constant 16 : i32
        %mul3A_1153 = arith.muli %sub3A_984, %mul3A_1152 : i32
        %dma_start3A_1154 = arith.constant 2 : i32
        %dma_start3A_1155 = arith.constant 0 : i32
        %dma_start3A_1156 = arith.constant 0 : i32
        %dma_start3A_1157 = arith.constant 0 : i32
        %dma_start3A_1158 = tpu.memref_slice %arg19[%dma_start3A_1154, %dma_start3A_1155, %dma_start3A_1156, %dma_start3A_1157] : memref<4x12x16x128xf32, #tpu.memory_space<vmem>> -> memref<1x1x16x128xf32, #tpu.memory_space<vmem>>
        %dma_start3A_1159 = tpu.memref_squeeze %dma_start3A_1158 : memref<1x1x16x128xf32, #tpu.memory_space<vmem>> -> memref<16x128xf32, #tpu.memory_space<vmem>>
        %dma_start3A_1160 = tpu.memref_slice %arg13[%mul3A_1153] : memref<512xi32, #tpu.memory_space<vmem>> -> memref<16xi32, #tpu.memory_space<vmem>>
        %dma_start3A_1161 = arith.constant 0 : i32
        %dma_start3A_1162 = arith.constant 0 : i32
        %dma_start3A_1163 = tpu.memref_slice %arg2[%dma_start3A_1161, %dma_start3A_1162] : memref<1000000x128xf32, #tpu.memory_space<hbm>> -> memref<1000000x128xf32, #tpu.memory_space<hbm>>
        tpu.enqueue_indirect_dma source(%dma_start3A_1163 : memref<1000000x128xf32, #tpu.memory_space<hbm>>) target(%dma_start3A_1159 : memref<16x128xf32, #tpu.memory_space<vmem>>) offsets(%dma_start3A_1160 : memref<16xi32, #tpu.memory_space<vmem>>) semaphore(%arg24 : memref<!tpu.dma_semaphore, #tpu.memory_space<semaphore_mem>>)
        %dma_start3A_1164 = arith.constant 2 : i32
        %dma_start3A_1165 = arith.constant 1 : i32
        %dma_start3A_1166 = arith.constant 0 : i32
        %dma_start3A_1167 = arith.constant 0 : i32
        %dma_start3A_1168 = tpu.memref_slice %arg19[%dma_start3A_1164, %dma_start3A_1165, %dma_start3A_1166, %dma_start3A_1167] : memref<4x12x16x128xf32, #tpu.memory_space<vmem>> -> memref<1x1x16x128xf32, #tpu.memory_space<vmem>>
        %dma_start3A_1169 = tpu.memref_squeeze %dma_start3A_1168 : memref<1x1x16x128xf32, #tpu.memory_space<vmem>> -> memref<16x128xf32, #tpu.memory_space<vmem>>
        %dma_start3A_1170 = tpu.memref_slice %arg13[%mul3A_1153] : memref<512xi32, #tpu.memory_space<vmem>> -> memref<16xi32, #tpu.memory_space<vmem>>
        %dma_start3A_1171 = arith.constant 0 : i32
        %dma_start3A_1172 = arith.constant 0 : i32
        %dma_start3A_1173 = tpu.memref_slice %arg3[%dma_start3A_1171, %dma_start3A_1172] : memref<1000000x128xf32, #tpu.memory_space<hbm>> -> memref<1000000x128xf32, #tpu.memory_space<hbm>>
        tpu.enqueue_indirect_dma source(%dma_start3A_1173 : memref<1000000x128xf32, #tpu.memory_space<hbm>>) target(%dma_start3A_1169 : memref<16x128xf32, #tpu.memory_space<vmem>>) offsets(%dma_start3A_1170 : memref<16xi32, #tpu.memory_space<vmem>>) semaphore(%arg24 : memref<!tpu.dma_semaphore, #tpu.memory_space<semaphore_mem>>)
        %dma_start3A_1174 = arith.constant 2 : i32
        %dma_start3A_1175 = arith.constant 2 : i32
        %dma_start3A_1176 = arith.constant 0 : i32
        %dma_start3A_1177 = arith.constant 0 : i32
        %dma_start3A_1178 = tpu.memref_slice %arg19[%dma_start3A_1174, %dma_start3A_1175, %dma_start3A_1176, %dma_start3A_1177] : memref<4x12x16x128xf32, #tpu.memory_space<vmem>> -> memref<1x1x16x128xf32, #tpu.memory_space<vmem>>
        %dma_start3A_1179 = tpu.memref_squeeze %dma_start3A_1178 : memref<1x1x16x128xf32, #tpu.memory_space<vmem>> -> memref<16x128xf32, #tpu.memory_space<vmem>>
        %dma_start3A_1180 = tpu.memref_slice %arg14[%mul3A_1153] : memref<512xi32, #tpu.memory_space<vmem>> -> memref<16xi32, #tpu.memory_space<vmem>>
        %dma_start3A_1181 = arith.constant 0 : i32
        %dma_start3A_1182 = arith.constant 0 : i32
        %dma_start3A_1183 = tpu.memref_slice %arg2[%dma_start3A_1181, %dma_start3A_1182] : memref<1000000x128xf32, #tpu.memory_space<hbm>> -> memref<1000000x128xf32, #tpu.memory_space<hbm>>
        tpu.enqueue_indirect_dma source(%dma_start3A_1183 : memref<1000000x128xf32, #tpu.memory_space<hbm>>) target(%dma_start3A_1179 : memref<16x128xf32, #tpu.memory_space<vmem>>) offsets(%dma_start3A_1180 : memref<16xi32, #tpu.memory_space<vmem>>) semaphore(%arg24 : memref<!tpu.dma_semaphore, #tpu.memory_space<semaphore_mem>>)
        %dma_start3A_1184 = arith.constant 2 : i32
        %dma_start3A_1185 = arith.constant 3 : i32
        %dma_start3A_1186 = arith.constant 0 : i32
        %dma_start3A_1187 = arith.constant 0 : i32
        %dma_start3A_1188 = tpu.memref_slice %arg19[%dma_start3A_1184, %dma_start3A_1185, %dma_start3A_1186, %dma_start3A_1187] : memref<4x12x16x128xf32, #tpu.memory_space<vmem>> -> memref<1x1x16x128xf32, #tpu.memory_space<vmem>>
        %dma_start3A_1189 = tpu.memref_squeeze %dma_start3A_1188 : memref<1x1x16x128xf32, #tpu.memory_space<vmem>> -> memref<16x128xf32, #tpu.memory_space<vmem>>
        %dma_start3A_1190 = tpu.memref_slice %arg14[%mul3A_1153] : memref<512xi32, #tpu.memory_space<vmem>> -> memref<16xi32, #tpu.memory_space<vmem>>
        %dma_start3A_1191 = arith.constant 0 : i32
        %dma_start3A_1192 = arith.constant 0 : i32
        %dma_start3A_1193 = tpu.memref_slice %arg3[%dma_start3A_1191, %dma_start3A_1192] : memref<1000000x128xf32, #tpu.memory_space<hbm>> -> memref<1000000x128xf32, #tpu.memory_space<hbm>>
        tpu.enqueue_indirect_dma source(%dma_start3A_1193 : memref<1000000x128xf32, #tpu.memory_space<hbm>>) target(%dma_start3A_1189 : memref<16x128xf32, #tpu.memory_space<vmem>>) offsets(%dma_start3A_1190 : memref<16xi32, #tpu.memory_space<vmem>>) semaphore(%arg24 : memref<!tpu.dma_semaphore, #tpu.memory_space<semaphore_mem>>)
        %dma_start3A_1194 = arith.constant 2 : i32
        %dma_start3A_1195 = arith.constant 4 : i32
        %dma_start3A_1196 = arith.constant 0 : i32
        %dma_start3A_1197 = arith.constant 0 : i32
        %dma_start3A_1198 = tpu.memref_slice %arg19[%dma_start3A_1194, %dma_start3A_1195, %dma_start3A_1196, %dma_start3A_1197] : memref<4x12x16x128xf32, #tpu.memory_space<vmem>> -> memref<1x1x16x128xf32, #tpu.memory_space<vmem>>
        %dma_start3A_1199 = tpu.memref_squeeze %dma_start3A_1198 : memref<1x1x16x128xf32, #tpu.memory_space<vmem>> -> memref<16x128xf32, #tpu.memory_space<vmem>>
        %dma_start3A_1200 = tpu.memref_slice %arg15[%mul3A_1153] : memref<512xi32, #tpu.memory_space<vmem>> -> memref<16xi32, #tpu.memory_space<vmem>>
        %dma_start3A_1201 = arith.constant 0 : i32
        %dma_start3A_1202 = arith.constant 0 : i32
        %dma_start3A_1203 = tpu.memref_slice %arg4[%dma_start3A_1201, %dma_start3A_1202] : memref<1000x128xf32, #tpu.memory_space<hbm>> -> memref<1000x128xf32, #tpu.memory_space<hbm>>
        tpu.enqueue_indirect_dma source(%dma_start3A_1203 : memref<1000x128xf32, #tpu.memory_space<hbm>>) target(%dma_start3A_1199 : memref<16x128xf32, #tpu.memory_space<vmem>>) offsets(%dma_start3A_1200 : memref<16xi32, #tpu.memory_space<vmem>>) semaphore(%arg24 : memref<!tpu.dma_semaphore, #tpu.memory_space<semaphore_mem>>)
        %dma_start3A_1204 = arith.constant 2 : i32
        %dma_start3A_1205 = arith.constant 5 : i32
        %dma_start3A_1206 = arith.constant 0 : i32
        %dma_start3A_1207 = arith.constant 0 : i32
        %dma_start3A_1208 = tpu.memref_slice %arg19[%dma_start3A_1204, %dma_start3A_1205, %dma_start3A_1206, %dma_start3A_1207] : memref<4x12x16x128xf32, #tpu.memory_space<vmem>> -> memref<1x1x16x128xf32, #tpu.memory_space<vmem>>
        %dma_start3A_1209 = tpu.memref_squeeze %dma_start3A_1208 : memref<1x1x16x128xf32, #tpu.memory_space<vmem>> -> memref<16x128xf32, #tpu.memory_space<vmem>>
        %dma_start3A_1210 = tpu.memref_slice %arg15[%mul3A_1153] : memref<512xi32, #tpu.memory_space<vmem>> -> memref<16xi32, #tpu.memory_space<vmem>>
        %dma_start3A_1211 = arith.constant 0 : i32
        %dma_start3A_1212 = arith.constant 0 : i32
        %dma_start3A_1213 = tpu.memref_slice %arg5[%dma_start3A_1211, %dma_start3A_1212] : memref<1000x128xf32, #tpu.memory_space<hbm>> -> memref<1000x128xf32, #tpu.memory_space<hbm>>
        tpu.enqueue_indirect_dma source(%dma_start3A_1213 : memref<1000x128xf32, #tpu.memory_space<hbm>>) target(%dma_start3A_1209 : memref<16x128xf32, #tpu.memory_space<vmem>>) offsets(%dma_start3A_1210 : memref<16xi32, #tpu.memory_space<vmem>>) semaphore(%arg24 : memref<!tpu.dma_semaphore, #tpu.memory_space<semaphore_mem>>)
        %dma_start3A_1214 = arith.constant 2 : i32
        %dma_start3A_1215 = arith.constant 6 : i32
        %dma_start3A_1216 = arith.constant 0 : i32
        %dma_start3A_1217 = arith.constant 0 : i32
        %dma_start3A_1218 = tpu.memref_slice %arg19[%dma_start3A_1214, %dma_start3A_1215, %dma_start3A_1216, %dma_start3A_1217] : memref<4x12x16x128xf32, #tpu.memory_space<vmem>> -> memref<1x1x16x128xf32, #tpu.memory_space<vmem>>
        %dma_start3A_1219 = tpu.memref_squeeze %dma_start3A_1218 : memref<1x1x16x128xf32, #tpu.memory_space<vmem>> -> memref<16x128xf32, #tpu.memory_space<vmem>>
        %dma_start3A_1220 = tpu.memref_slice %arg16[%mul3A_1153] : memref<512xi32, #tpu.memory_space<vmem>> -> memref<16xi32, #tpu.memory_space<vmem>>
        %dma_start3A_1221 = arith.constant 0 : i32
        %dma_start3A_1222 = arith.constant 0 : i32
        %dma_start3A_1223 = tpu.memref_slice %arg2[%dma_start3A_1221, %dma_start3A_1222] : memref<1000000x128xf32, #tpu.memory_space<hbm>> -> memref<1000000x128xf32, #tpu.memory_space<hbm>>
        tpu.enqueue_indirect_dma source(%dma_start3A_1223 : memref<1000000x128xf32, #tpu.memory_space<hbm>>) target(%dma_start3A_1219 : memref<16x128xf32, #tpu.memory_space<vmem>>) offsets(%dma_start3A_1220 : memref<16xi32, #tpu.memory_space<vmem>>) semaphore(%arg24 : memref<!tpu.dma_semaphore, #tpu.memory_space<semaphore_mem>>)
        %dma_start3A_1224 = arith.constant 2 : i32
        %dma_start3A_1225 = arith.constant 7 : i32
        %dma_start3A_1226 = arith.constant 0 : i32
        %dma_start3A_1227 = arith.constant 0 : i32
        %dma_start3A_1228 = tpu.memref_slice %arg19[%dma_start3A_1224, %dma_start3A_1225, %dma_start3A_1226, %dma_start3A_1227] : memref<4x12x16x128xf32, #tpu.memory_space<vmem>> -> memref<1x1x16x128xf32, #tpu.memory_space<vmem>>
        %dma_start3A_1229 = tpu.memref_squeeze %dma_start3A_1228 : memref<1x1x16x128xf32, #tpu.memory_space<vmem>> -> memref<16x128xf32, #tpu.memory_space<vmem>>
        %dma_start3A_1230 = tpu.memref_slice %arg16[%mul3A_1153] : memref<512xi32, #tpu.memory_space<vmem>> -> memref<16xi32, #tpu.memory_space<vmem>>
        %dma_start3A_1231 = arith.constant 0 : i32
        %dma_start3A_1232 = arith.constant 0 : i32
        %dma_start3A_1233 = tpu.memref_slice %arg3[%dma_start3A_1231, %dma_start3A_1232] : memref<1000000x128xf32, #tpu.memory_space<hbm>> -> memref<1000000x128xf32, #tpu.memory_space<hbm>>
        tpu.enqueue_indirect_dma source(%dma_start3A_1233 : memref<1000000x128xf32, #tpu.memory_space<hbm>>) target(%dma_start3A_1229 : memref<16x128xf32, #tpu.memory_space<vmem>>) offsets(%dma_start3A_1230 : memref<16xi32, #tpu.memory_space<vmem>>) semaphore(%arg24 : memref<!tpu.dma_semaphore, #tpu.memory_space<semaphore_mem>>)
        %dma_start3A_1234 = arith.constant 2 : i32
        %dma_start3A_1235 = arith.constant 8 : i32
        %dma_start3A_1236 = arith.constant 0 : i32
        %dma_start3A_1237 = arith.constant 0 : i32
        %dma_start3A_1238 = tpu.memref_slice %arg19[%dma_start3A_1234, %dma_start3A_1235, %dma_start3A_1236, %dma_start3A_1237] : memref<4x12x16x128xf32, #tpu.memory_space<vmem>> -> memref<1x1x16x128xf32, #tpu.memory_space<vmem>>
        %dma_start3A_1239 = tpu.memref_squeeze %dma_start3A_1238 : memref<1x1x16x128xf32, #tpu.memory_space<vmem>> -> memref<16x128xf32, #tpu.memory_space<vmem>>
        %dma_start3A_1240 = tpu.memref_slice %arg17[%mul3A_1153] : memref<512xi32, #tpu.memory_space<vmem>> -> memref<16xi32, #tpu.memory_space<vmem>>
        %dma_start3A_1241 = arith.constant 0 : i32
        %dma_start3A_1242 = arith.constant 0 : i32
        %dma_start3A_1243 = tpu.memref_slice %arg2[%dma_start3A_1241, %dma_start3A_1242] : memref<1000000x128xf32, #tpu.memory_space<hbm>> -> memref<1000000x128xf32, #tpu.memory_space<hbm>>
        tpu.enqueue_indirect_dma source(%dma_start3A_1243 : memref<1000000x128xf32, #tpu.memory_space<hbm>>) target(%dma_start3A_1239 : memref<16x128xf32, #tpu.memory_space<vmem>>) offsets(%dma_start3A_1240 : memref<16xi32, #tpu.memory_space<vmem>>) semaphore(%arg24 : memref<!tpu.dma_semaphore, #tpu.memory_space<semaphore_mem>>)
        %dma_start3A_1244 = arith.constant 2 : i32
        %dma_start3A_1245 = arith.constant 9 : i32
        %dma_start3A_1246 = arith.constant 0 : i32
        %dma_start3A_1247 = arith.constant 0 : i32
        %dma_start3A_1248 = tpu.memref_slice %arg19[%dma_start3A_1244, %dma_start3A_1245, %dma_start3A_1246, %dma_start3A_1247] : memref<4x12x16x128xf32, #tpu.memory_space<vmem>> -> memref<1x1x16x128xf32, #tpu.memory_space<vmem>>
        %dma_start3A_1249 = tpu.memref_squeeze %dma_start3A_1248 : memref<1x1x16x128xf32, #tpu.memory_space<vmem>> -> memref<16x128xf32, #tpu.memory_space<vmem>>
        %dma_start3A_1250 = tpu.memref_slice %arg17[%mul3A_1153] : memref<512xi32, #tpu.memory_space<vmem>> -> memref<16xi32, #tpu.memory_space<vmem>>
        %dma_start3A_1251 = arith.constant 0 : i32
        %dma_start3A_1252 = arith.constant 0 : i32
        %dma_start3A_1253 = tpu.memref_slice %arg3[%dma_start3A_1251, %dma_start3A_1252] : memref<1000000x128xf32, #tpu.memory_space<hbm>> -> memref<1000000x128xf32, #tpu.memory_space<hbm>>
        tpu.enqueue_indirect_dma source(%dma_start3A_1253 : memref<1000000x128xf32, #tpu.memory_space<hbm>>) target(%dma_start3A_1249 : memref<16x128xf32, #tpu.memory_space<vmem>>) offsets(%dma_start3A_1250 : memref<16xi32, #tpu.memory_space<vmem>>) semaphore(%arg24 : memref<!tpu.dma_semaphore, #tpu.memory_space<semaphore_mem>>)
        %dma_start3A_1254 = arith.constant 2 : i32
        %dma_start3A_1255 = arith.constant 10 : i32
        %dma_start3A_1256 = arith.constant 0 : i32
        %dma_start3A_1257 = arith.constant 0 : i32
        %dma_start3A_1258 = tpu.memref_slice %arg19[%dma_start3A_1254, %dma_start3A_1255, %dma_start3A_1256, %dma_start3A_1257] : memref<4x12x16x128xf32, #tpu.memory_space<vmem>> -> memref<1x1x16x128xf32, #tpu.memory_space<vmem>>
        %dma_start3A_1259 = tpu.memref_squeeze %dma_start3A_1258 : memref<1x1x16x128xf32, #tpu.memory_space<vmem>> -> memref<16x128xf32, #tpu.memory_space<vmem>>
        %dma_start3A_1260 = tpu.memref_slice %arg18[%mul3A_1153] : memref<512xi32, #tpu.memory_space<vmem>> -> memref<16xi32, #tpu.memory_space<vmem>>
        %dma_start3A_1261 = arith.constant 0 : i32
        %dma_start3A_1262 = arith.constant 0 : i32
        %dma_start3A_1263 = tpu.memref_slice %arg4[%dma_start3A_1261, %dma_start3A_1262] : memref<1000x128xf32, #tpu.memory_space<hbm>> -> memref<1000x128xf32, #tpu.memory_space<hbm>>
        tpu.enqueue_indirect_dma source(%dma_start3A_1263 : memref<1000x128xf32, #tpu.memory_space<hbm>>) target(%dma_start3A_1259 : memref<16x128xf32, #tpu.memory_space<vmem>>) offsets(%dma_start3A_1260 : memref<16xi32, #tpu.memory_space<vmem>>) semaphore(%arg24 : memref<!tpu.dma_semaphore, #tpu.memory_space<semaphore_mem>>)
        %dma_start3A_1264 = arith.constant 2 : i32
        %dma_start3A_1265 = arith.constant 11 : i32
        %dma_start3A_1266 = arith.constant 0 : i32
        %dma_start3A_1267 = arith.constant 0 : i32
        %dma_start3A_1268 = tpu.memref_slice %arg19[%dma_start3A_1264, %dma_start3A_1265, %dma_start3A_1266, %dma_start3A_1267] : memref<4x12x16x128xf32, #tpu.memory_space<vmem>> -> memref<1x1x16x128xf32, #tpu.memory_space<vmem>>
        %dma_start3A_1269 = tpu.memref_squeeze %dma_start3A_1268 : memref<1x1x16x128xf32, #tpu.memory_space<vmem>> -> memref<16x128xf32, #tpu.memory_space<vmem>>
        %dma_start3A_1270 = tpu.memref_slice %arg18[%mul3A_1153] : memref<512xi32, #tpu.memory_space<vmem>> -> memref<16xi32, #tpu.memory_space<vmem>>
        %dma_start3A_1271 = arith.constant 0 : i32
        %dma_start3A_1272 = arith.constant 0 : i32
        %dma_start3A_1273 = tpu.memref_slice %arg5[%dma_start3A_1271, %dma_start3A_1272] : memref<1000x128xf32, #tpu.memory_space<hbm>> -> memref<1000x128xf32, #tpu.memory_space<hbm>>
        tpu.enqueue_indirect_dma source(%dma_start3A_1273 : memref<1000x128xf32, #tpu.memory_space<hbm>>) target(%dma_start3A_1269 : memref<16x128xf32, #tpu.memory_space<vmem>>) offsets(%dma_start3A_1270 : memref<16xi32, #tpu.memory_space<vmem>>) semaphore(%arg24 : memref<!tpu.dma_semaphore, #tpu.memory_space<semaphore_mem>>)
      } else {
      }
      %add3A_988 = arith.constant 3 : i32
      %add3A_989 = arith.addi %mul3A_433, %add3A_988 : i32
      %mul3A_990 = arith.constant 16 : i32
      %mul3A_991 = arith.muli %add3A_989, %mul3A_990 : i32
      %dma_wait3A_992 = arith.constant 3 : i32
      %dma_wait3A_993 = arith.constant 0 : i32
      %dma_wait3A_994 = arith.constant 0 : i32
      %dma_wait3A_995 = arith.constant 0 : i32
      %dma_wait3A_996 = tpu.memref_slice %arg19[%dma_wait3A_992, %dma_wait3A_993, %dma_wait3A_994, %dma_wait3A_995] : memref<4x12x16x128xf32, #tpu.memory_space<vmem>> -> memref<1x1x16x128xf32, #tpu.memory_space<vmem>>
      %dma_wait3A_997 = tpu.memref_squeeze %dma_wait3A_996 : memref<1x1x16x128xf32, #tpu.memory_space<vmem>> -> memref<16x128xf32, #tpu.memory_space<vmem>>
      %dma_wait3A_998 = tpu.memref_slice %arg13[%mul3A_991] : memref<512xi32, #tpu.memory_space<vmem>> -> memref<16xi32, #tpu.memory_space<vmem>>
      %dma_wait3A_999 = arith.constant 0 : i32
      %dma_wait3A_1000 = arith.constant 0 : i32
      %dma_wait3A_1001 = tpu.memref_slice %arg2[%dma_wait3A_999, %dma_wait3A_1000] : memref<1000000x128xf32, #tpu.memory_space<hbm>> -> memref<1000000x128xf32, #tpu.memory_space<hbm>>
      tpu.wait_indirect_dma semaphore(%arg25 : memref<!tpu.dma_semaphore, #tpu.memory_space<semaphore_mem>>) src(%dma_wait3A_1001 : memref<1000000x128xf32, #tpu.memory_space<hbm>>) dst(%dma_wait3A_997 : memref<16x128xf32, #tpu.memory_space<vmem>>)
      %dma_wait3A_1002 = arith.constant 3 : i32
      %dma_wait3A_1003 = arith.constant 1 : i32
      %dma_wait3A_1004 = arith.constant 0 : i32
      %dma_wait3A_1005 = arith.constant 0 : i32
      %dma_wait3A_1006 = tpu.memref_slice %arg19[%dma_wait3A_1002, %dma_wait3A_1003, %dma_wait3A_1004, %dma_wait3A_1005] : memref<4x12x16x128xf32, #tpu.memory_space<vmem>> -> memref<1x1x16x128xf32, #tpu.memory_space<vmem>>
      %dma_wait3A_1007 = tpu.memref_squeeze %dma_wait3A_1006 : memref<1x1x16x128xf32, #tpu.memory_space<vmem>> -> memref<16x128xf32, #tpu.memory_space<vmem>>
      %dma_wait3A_1008 = tpu.memref_slice %arg13[%mul3A_991] : memref<512xi32, #tpu.memory_space<vmem>> -> memref<16xi32, #tpu.memory_space<vmem>>
      %dma_wait3A_1009 = arith.constant 0 : i32
      %dma_wait3A_1010 = arith.constant 0 : i32
      %dma_wait3A_1011 = tpu.memref_slice %arg3[%dma_wait3A_1009, %dma_wait3A_1010] : memref<1000000x128xf32, #tpu.memory_space<hbm>> -> memref<1000000x128xf32, #tpu.memory_space<hbm>>
      tpu.wait_indirect_dma semaphore(%arg25 : memref<!tpu.dma_semaphore, #tpu.memory_space<semaphore_mem>>) src(%dma_wait3A_1011 : memref<1000000x128xf32, #tpu.memory_space<hbm>>) dst(%dma_wait3A_1007 : memref<16x128xf32, #tpu.memory_space<vmem>>)
      %dma_wait3A_1012 = arith.constant 3 : i32
      %dma_wait3A_1013 = arith.constant 2 : i32
      %dma_wait3A_1014 = arith.constant 0 : i32
      %dma_wait3A_1015 = arith.constant 0 : i32
      %dma_wait3A_1016 = tpu.memref_slice %arg19[%dma_wait3A_1012, %dma_wait3A_1013, %dma_wait3A_1014, %dma_wait3A_1015] : memref<4x12x16x128xf32, #tpu.memory_space<vmem>> -> memref<1x1x16x128xf32, #tpu.memory_space<vmem>>
      %dma_wait3A_1017 = tpu.memref_squeeze %dma_wait3A_1016 : memref<1x1x16x128xf32, #tpu.memory_space<vmem>> -> memref<16x128xf32, #tpu.memory_space<vmem>>
      %dma_wait3A_1018 = tpu.memref_slice %arg14[%mul3A_991] : memref<512xi32, #tpu.memory_space<vmem>> -> memref<16xi32, #tpu.memory_space<vmem>>
      %dma_wait3A_1019 = arith.constant 0 : i32
      %dma_wait3A_1020 = arith.constant 0 : i32
      %dma_wait3A_1021 = tpu.memref_slice %arg2[%dma_wait3A_1019, %dma_wait3A_1020] : memref<1000000x128xf32, #tpu.memory_space<hbm>> -> memref<1000000x128xf32, #tpu.memory_space<hbm>>
      tpu.wait_indirect_dma semaphore(%arg25 : memref<!tpu.dma_semaphore, #tpu.memory_space<semaphore_mem>>) src(%dma_wait3A_1021 : memref<1000000x128xf32, #tpu.memory_space<hbm>>) dst(%dma_wait3A_1017 : memref<16x128xf32, #tpu.memory_space<vmem>>)
      %dma_wait3A_1022 = arith.constant 3 : i32
      %dma_wait3A_1023 = arith.constant 3 : i32
      %dma_wait3A_1024 = arith.constant 0 : i32
      %dma_wait3A_1025 = arith.constant 0 : i32
      %dma_wait3A_1026 = tpu.memref_slice %arg19[%dma_wait3A_1022, %dma_wait3A_1023, %dma_wait3A_1024, %dma_wait3A_1025] : memref<4x12x16x128xf32, #tpu.memory_space<vmem>> -> memref<1x1x16x128xf32, #tpu.memory_space<vmem>>
      %dma_wait3A_1027 = tpu.memref_squeeze %dma_wait3A_1026 : memref<1x1x16x128xf32, #tpu.memory_space<vmem>> -> memref<16x128xf32, #tpu.memory_space<vmem>>
      %dma_wait3A_1028 = tpu.memref_slice %arg14[%mul3A_991] : memref<512xi32, #tpu.memory_space<vmem>> -> memref<16xi32, #tpu.memory_space<vmem>>
      %dma_wait3A_1029 = arith.constant 0 : i32
      %dma_wait3A_1030 = arith.constant 0 : i32
      %dma_wait3A_1031 = tpu.memref_slice %arg3[%dma_wait3A_1029, %dma_wait3A_1030] : memref<1000000x128xf32, #tpu.memory_space<hbm>> -> memref<1000000x128xf32, #tpu.memory_space<hbm>>
      tpu.wait_indirect_dma semaphore(%arg25 : memref<!tpu.dma_semaphore, #tpu.memory_space<semaphore_mem>>) src(%dma_wait3A_1031 : memref<1000000x128xf32, #tpu.memory_space<hbm>>) dst(%dma_wait3A_1027 : memref<16x128xf32, #tpu.memory_space<vmem>>)
      %dma_wait3A_1032 = arith.constant 3 : i32
      %dma_wait3A_1033 = arith.constant 4 : i32
      %dma_wait3A_1034 = arith.constant 0 : i32
      %dma_wait3A_1035 = arith.constant 0 : i32
      %dma_wait3A_1036 = tpu.memref_slice %arg19[%dma_wait3A_1032, %dma_wait3A_1033, %dma_wait3A_1034, %dma_wait3A_1035] : memref<4x12x16x128xf32, #tpu.memory_space<vmem>> -> memref<1x1x16x128xf32, #tpu.memory_space<vmem>>
      %dma_wait3A_1037 = tpu.memref_squeeze %dma_wait3A_1036 : memref<1x1x16x128xf32, #tpu.memory_space<vmem>> -> memref<16x128xf32, #tpu.memory_space<vmem>>
      %dma_wait3A_1038 = tpu.memref_slice %arg15[%mul3A_991] : memref<512xi32, #tpu.memory_space<vmem>> -> memref<16xi32, #tpu.memory_space<vmem>>
      %dma_wait3A_1039 = arith.constant 0 : i32
      %dma_wait3A_1040 = arith.constant 0 : i32
      %dma_wait3A_1041 = tpu.memref_slice %arg4[%dma_wait3A_1039, %dma_wait3A_1040] : memref<1000x128xf32, #tpu.memory_space<hbm>> -> memref<1000x128xf32, #tpu.memory_space<hbm>>
      tpu.wait_indirect_dma semaphore(%arg25 : memref<!tpu.dma_semaphore, #tpu.memory_space<semaphore_mem>>) src(%dma_wait3A_1041 : memref<1000x128xf32, #tpu.memory_space<hbm>>) dst(%dma_wait3A_1037 : memref<16x128xf32, #tpu.memory_space<vmem>>)
      %dma_wait3A_1042 = arith.constant 3 : i32
      %dma_wait3A_1043 = arith.constant 5 : i32
      %dma_wait3A_1044 = arith.constant 0 : i32
      %dma_wait3A_1045 = arith.constant 0 : i32
      %dma_wait3A_1046 = tpu.memref_slice %arg19[%dma_wait3A_1042, %dma_wait3A_1043, %dma_wait3A_1044, %dma_wait3A_1045] : memref<4x12x16x128xf32, #tpu.memory_space<vmem>> -> memref<1x1x16x128xf32, #tpu.memory_space<vmem>>
      %dma_wait3A_1047 = tpu.memref_squeeze %dma_wait3A_1046 : memref<1x1x16x128xf32, #tpu.memory_space<vmem>> -> memref<16x128xf32, #tpu.memory_space<vmem>>
      %dma_wait3A_1048 = tpu.memref_slice %arg15[%mul3A_991] : memref<512xi32, #tpu.memory_space<vmem>> -> memref<16xi32, #tpu.memory_space<vmem>>
      %dma_wait3A_1049 = arith.constant 0 : i32
      %dma_wait3A_1050 = arith.constant 0 : i32
      %dma_wait3A_1051 = tpu.memref_slice %arg5[%dma_wait3A_1049, %dma_wait3A_1050] : memref<1000x128xf32, #tpu.memory_space<hbm>> -> memref<1000x128xf32, #tpu.memory_space<hbm>>
      tpu.wait_indirect_dma semaphore(%arg25 : memref<!tpu.dma_semaphore, #tpu.memory_space<semaphore_mem>>) src(%dma_wait3A_1051 : memref<1000x128xf32, #tpu.memory_space<hbm>>) dst(%dma_wait3A_1047 : memref<16x128xf32, #tpu.memory_space<vmem>>)
      %dma_wait3A_1052 = arith.constant 3 : i32
      %dma_wait3A_1053 = arith.constant 6 : i32
      %dma_wait3A_1054 = arith.constant 0 : i32
      %dma_wait3A_1055 = arith.constant 0 : i32
      %dma_wait3A_1056 = tpu.memref_slice %arg19[%dma_wait3A_1052, %dma_wait3A_1053, %dma_wait3A_1054, %dma_wait3A_1055] : memref<4x12x16x128xf32, #tpu.memory_space<vmem>> -> memref<1x1x16x128xf32, #tpu.memory_space<vmem>>
      %dma_wait3A_1057 = tpu.memref_squeeze %dma_wait3A_1056 : memref<1x1x16x128xf32, #tpu.memory_space<vmem>> -> memref<16x128xf32, #tpu.memory_space<vmem>>
      %dma_wait3A_1058 = tpu.memref_slice %arg16[%mul3A_991] : memref<512xi32, #tpu.memory_space<vmem>> -> memref<16xi32, #tpu.memory_space<vmem>>
      %dma_wait3A_1059 = arith.constant 0 : i32
      %dma_wait3A_1060 = arith.constant 0 : i32
      %dma_wait3A_1061 = tpu.memref_slice %arg2[%dma_wait3A_1059, %dma_wait3A_1060] : memref<1000000x128xf32, #tpu.memory_space<hbm>> -> memref<1000000x128xf32, #tpu.memory_space<hbm>>
      tpu.wait_indirect_dma semaphore(%arg25 : memref<!tpu.dma_semaphore, #tpu.memory_space<semaphore_mem>>) src(%dma_wait3A_1061 : memref<1000000x128xf32, #tpu.memory_space<hbm>>) dst(%dma_wait3A_1057 : memref<16x128xf32, #tpu.memory_space<vmem>>)
      %dma_wait3A_1062 = arith.constant 3 : i32
      %dma_wait3A_1063 = arith.constant 7 : i32
      %dma_wait3A_1064 = arith.constant 0 : i32
      %dma_wait3A_1065 = arith.constant 0 : i32
      %dma_wait3A_1066 = tpu.memref_slice %arg19[%dma_wait3A_1062, %dma_wait3A_1063, %dma_wait3A_1064, %dma_wait3A_1065] : memref<4x12x16x128xf32, #tpu.memory_space<vmem>> -> memref<1x1x16x128xf32, #tpu.memory_space<vmem>>
      %dma_wait3A_1067 = tpu.memref_squeeze %dma_wait3A_1066 : memref<1x1x16x128xf32, #tpu.memory_space<vmem>> -> memref<16x128xf32, #tpu.memory_space<vmem>>
      %dma_wait3A_1068 = tpu.memref_slice %arg16[%mul3A_991] : memref<512xi32, #tpu.memory_space<vmem>> -> memref<16xi32, #tpu.memory_space<vmem>>
      %dma_wait3A_1069 = arith.constant 0 : i32
      %dma_wait3A_1070 = arith.constant 0 : i32
      %dma_wait3A_1071 = tpu.memref_slice %arg3[%dma_wait3A_1069, %dma_wait3A_1070] : memref<1000000x128xf32, #tpu.memory_space<hbm>> -> memref<1000000x128xf32, #tpu.memory_space<hbm>>
      tpu.wait_indirect_dma semaphore(%arg25 : memref<!tpu.dma_semaphore, #tpu.memory_space<semaphore_mem>>) src(%dma_wait3A_1071 : memref<1000000x128xf32, #tpu.memory_space<hbm>>) dst(%dma_wait3A_1067 : memref<16x128xf32, #tpu.memory_space<vmem>>)
      %dma_wait3A_1072 = arith.constant 3 : i32
      %dma_wait3A_1073 = arith.constant 8 : i32
      %dma_wait3A_1074 = arith.constant 0 : i32
      %dma_wait3A_1075 = arith.constant 0 : i32
      %dma_wait3A_1076 = tpu.memref_slice %arg19[%dma_wait3A_1072, %dma_wait3A_1073, %dma_wait3A_1074, %dma_wait3A_1075] : memref<4x12x16x128xf32, #tpu.memory_space<vmem>> -> memref<1x1x16x128xf32, #tpu.memory_space<vmem>>
      %dma_wait3A_1077 = tpu.memref_squeeze %dma_wait3A_1076 : memref<1x1x16x128xf32, #tpu.memory_space<vmem>> -> memref<16x128xf32, #tpu.memory_space<vmem>>
      %dma_wait3A_1078 = tpu.memref_slice %arg17[%mul3A_991] : memref<512xi32, #tpu.memory_space<vmem>> -> memref<16xi32, #tpu.memory_space<vmem>>
      %dma_wait3A_1079 = arith.constant 0 : i32
      %dma_wait3A_1080 = arith.constant 0 : i32
      %dma_wait3A_1081 = tpu.memref_slice %arg2[%dma_wait3A_1079, %dma_wait3A_1080] : memref<1000000x128xf32, #tpu.memory_space<hbm>> -> memref<1000000x128xf32, #tpu.memory_space<hbm>>
      tpu.wait_indirect_dma semaphore(%arg25 : memref<!tpu.dma_semaphore, #tpu.memory_space<semaphore_mem>>) src(%dma_wait3A_1081 : memref<1000000x128xf32, #tpu.memory_space<hbm>>) dst(%dma_wait3A_1077 : memref<16x128xf32, #tpu.memory_space<vmem>>)
      %dma_wait3A_1082 = arith.constant 3 : i32
      %dma_wait3A_1083 = arith.constant 9 : i32
      %dma_wait3A_1084 = arith.constant 0 : i32
      %dma_wait3A_1085 = arith.constant 0 : i32
      %dma_wait3A_1086 = tpu.memref_slice %arg19[%dma_wait3A_1082, %dma_wait3A_1083, %dma_wait3A_1084, %dma_wait3A_1085] : memref<4x12x16x128xf32, #tpu.memory_space<vmem>> -> memref<1x1x16x128xf32, #tpu.memory_space<vmem>>
      %dma_wait3A_1087 = tpu.memref_squeeze %dma_wait3A_1086 : memref<1x1x16x128xf32, #tpu.memory_space<vmem>> -> memref<16x128xf32, #tpu.memory_space<vmem>>
      %dma_wait3A_1088 = tpu.memref_slice %arg17[%mul3A_991] : memref<512xi32, #tpu.memory_space<vmem>> -> memref<16xi32, #tpu.memory_space<vmem>>
      %dma_wait3A_1089 = arith.constant 0 : i32
      %dma_wait3A_1090 = arith.constant 0 : i32
      %dma_wait3A_1091 = tpu.memref_slice %arg3[%dma_wait3A_1089, %dma_wait3A_1090] : memref<1000000x128xf32, #tpu.memory_space<hbm>> -> memref<1000000x128xf32, #tpu.memory_space<hbm>>
      tpu.wait_indirect_dma semaphore(%arg25 : memref<!tpu.dma_semaphore, #tpu.memory_space<semaphore_mem>>) src(%dma_wait3A_1091 : memref<1000000x128xf32, #tpu.memory_space<hbm>>) dst(%dma_wait3A_1087 : memref<16x128xf32, #tpu.memory_space<vmem>>)
      %dma_wait3A_1092 = arith.constant 3 : i32
      %dma_wait3A_1093 = arith.constant 10 : i32
      %dma_wait3A_1094 = arith.constant 0 : i32
      %dma_wait3A_1095 = arith.constant 0 : i32
      %dma_wait3A_1096 = tpu.memref_slice %arg19[%dma_wait3A_1092, %dma_wait3A_1093, %dma_wait3A_1094, %dma_wait3A_1095] : memref<4x12x16x128xf32, #tpu.memory_space<vmem>> -> memref<1x1x16x128xf32, #tpu.memory_space<vmem>>
      %dma_wait3A_1097 = tpu.memref_squeeze %dma_wait3A_1096 : memref<1x1x16x128xf32, #tpu.memory_space<vmem>> -> memref<16x128xf32, #tpu.memory_space<vmem>>
      %dma_wait3A_1098 = tpu.memref_slice %arg18[%mul3A_991] : memref<512xi32, #tpu.memory_space<vmem>> -> memref<16xi32, #tpu.memory_space<vmem>>
      %dma_wait3A_1099 = arith.constant 0 : i32
      %dma_wait3A_1100 = arith.constant 0 : i32
      %dma_wait3A_1101 = tpu.memref_slice %arg4[%dma_wait3A_1099, %dma_wait3A_1100] : memref<1000x128xf32, #tpu.memory_space<hbm>> -> memref<1000x128xf32, #tpu.memory_space<hbm>>
      tpu.wait_indirect_dma semaphore(%arg25 : memref<!tpu.dma_semaphore, #tpu.memory_space<semaphore_mem>>) src(%dma_wait3A_1101 : memref<1000x128xf32, #tpu.memory_space<hbm>>) dst(%dma_wait3A_1097 : memref<16x128xf32, #tpu.memory_space<vmem>>)
      %dma_wait3A_1102 = arith.constant 3 : i32
      %dma_wait3A_1103 = arith.constant 11 : i32
      %dma_wait3A_1104 = arith.constant 0 : i32
      %dma_wait3A_1105 = arith.constant 0 : i32
      %dma_wait3A_1106 = tpu.memref_slice %arg19[%dma_wait3A_1102, %dma_wait3A_1103, %dma_wait3A_1104, %dma_wait3A_1105] : memref<4x12x16x128xf32, #tpu.memory_space<vmem>> -> memref<1x1x16x128xf32, #tpu.memory_space<vmem>>
      %dma_wait3A_1107 = tpu.memref_squeeze %dma_wait3A_1106 : memref<1x1x16x128xf32, #tpu.memory_space<vmem>> -> memref<16x128xf32, #tpu.memory_space<vmem>>
      %dma_wait3A_1108 = tpu.memref_slice %arg18[%mul3A_991] : memref<512xi32, #tpu.memory_space<vmem>> -> memref<16xi32, #tpu.memory_space<vmem>>
      %dma_wait3A_1109 = arith.constant 0 : i32
      %dma_wait3A_1110 = arith.constant 0 : i32
      %dma_wait3A_1111 = tpu.memref_slice %arg5[%dma_wait3A_1109, %dma_wait3A_1110] : memref<1000x128xf32, #tpu.memory_space<hbm>> -> memref<1000x128xf32, #tpu.memory_space<hbm>>
      tpu.wait_indirect_dma semaphore(%arg25 : memref<!tpu.dma_semaphore, #tpu.memory_space<semaphore_mem>>) src(%dma_wait3A_1111 : memref<1000x128xf32, #tpu.memory_space<hbm>>) dst(%dma_wait3A_1107 : memref<16x128xf32, #tpu.memory_space<vmem>>)
      %add3A_1112 = arith.constant 0 : i32
      %add3A_1113 = vector.broadcast %add3A_1112 : i32 to vector<16xi32>
      %add3A_1114 = arith.addi %iota3A, %add3A_1113 : vector<16xi32>
      %broadcast_in_dim3A_1115 = arith.constant 0.000000e+00 : f32
      %broadcast_in_dim3A_1116 = vector.broadcast %broadcast_in_dim3A_1115 : f32 to vector<16xf32>
      %scan3A_1117 = arith.constant 3 : i32
      %scan3A_1118 = arith.constant 0 : i32
      %scan3A_1119 = arith.constant 64 : i32
      %scan3A_1120 = arith.addi %scan3A_1118, %scan3A_1119 : i32
      %scan3A_1121 = arith.constant 1 : i32
      %scan3A_1122:8 = scf.for %scan3A_1152 = %scan3A_1118 to %scan3A_1120 step %scan3A_1121 iter_args(%scan3A_1153 = %broadcast_in_dim3A_1116, %scan3A_1154 = %broadcast_in_dim3A_1116, %scan3A_1155 = %broadcast_in_dim3A_1116, %scan3A_1156 = %broadcast_in_dim3A_1116, %scan3A_1157 = %broadcast_in_dim3A_1116, %scan3A_1158 = %broadcast_in_dim3A_1116, %scan3A_1159 = %broadcast_in_dim3A_1116, %scan3A_1160 = %broadcast_in_dim3A_1116) -> (vector<16xf32>, vector<16xf32>, vector<16xf32>, vector<16xf32>, vector<16xf32>, vector<16xf32>, vector<16xf32>, vector<16xf32>)  : i32 {
        %mul3A_1161 = arith.constant 2 : i32
        %mul3A_1162 = arith.muli %scan3A_1152, %mul3A_1161 : i32
        %add3A_1163 = arith.constant 0 : i32
        %add3A_1164 = arith.addi %mul3A_1162, %add3A_1163 : i32
        %add3A_1165 = vector.broadcast %add3A_1164 : i32 to vector<16xi32>
        %add3A_1166 = arith.addi %iota3A, %add3A_1165 : vector<16xi32>
        %and3A = arith.constant 127 : i32
        %and3A_1167 = vector.broadcast %and3A : i32 to vector<16xi32>
        %and3A_1168 = arith.andi %add3A_1166, %and3A_1167 : vector<16xi32>
        %gather3A = arith.constant 0 : i32
        %gather3A_1169 = arith.constant 0 : i32
        %gather3A_1170 = arith.constant 0 : i32
        %gather3A_1171 = arith.constant 0 : i32
        %gather3A_1172 = tpu.memref_slice %arg19[%scan3A_1117, %gather3A_1169, %gather3A_1170, %gather3A_1171] : memref<4x12x16x128xf32, #tpu.memory_space<vmem>> -> memref<1x12x16x128xf32, #tpu.memory_space<vmem>>
        %gather3A_1173 = tpu.memref_squeeze %gather3A_1172 : memref<1x12x16x128xf32, #tpu.memory_space<vmem>> -> memref<12x16x128xf32, #tpu.memory_space<vmem>>
        %gather3A_1174 = arith.constant 0 : i32
        %gather3A_1175 = arith.constant 0 : i32
        %gather3A_1176 = tpu.memref_slice %gather3A_1173[%gather3A, %gather3A_1174, %gather3A_1175] : memref<12x16x128xf32, #tpu.memory_space<vmem>> -> memref<1x16x128xf32, #tpu.memory_space<vmem>>
        %gather3A_1177 = tpu.memref_squeeze %gather3A_1176 : memref<1x16x128xf32, #tpu.memory_space<vmem>> -> memref<16x128xf32, #tpu.memory_space<vmem>>
        %gather3A_1178 = tpu.vector_load_idx %gather3A_1177[%add3A_1114, %and3A_1168] : memref<16x128xf32, #tpu.memory_space<vmem>>[vector<16xi32>, vector<16xi32>], vector<16xf32>,
        %gather3A_1179 = arith.constant 1 : i32
        %gather3A_1180 = arith.constant 0 : i32
        %gather3A_1181 = arith.constant 0 : i32
        %gather3A_1182 = arith.constant 0 : i32
        %gather3A_1183 = tpu.memref_slice %arg19[%scan3A_1117, %gather3A_1180, %gather3A_1181, %gather3A_1182] : memref<4x12x16x128xf32, #tpu.memory_space<vmem>> -> memref<1x12x16x128xf32, #tpu.memory_space<vmem>>
        %gather3A_1184 = tpu.memref_squeeze %gather3A_1183 : memref<1x12x16x128xf32, #tpu.memory_space<vmem>> -> memref<12x16x128xf32, #tpu.memory_space<vmem>>
        %gather3A_1185 = arith.constant 0 : i32
        %gather3A_1186 = arith.constant 0 : i32
        %gather3A_1187 = tpu.memref_slice %gather3A_1184[%gather3A_1179, %gather3A_1185, %gather3A_1186] : memref<12x16x128xf32, #tpu.memory_space<vmem>> -> memref<1x16x128xf32, #tpu.memory_space<vmem>>
        %gather3A_1188 = tpu.memref_squeeze %gather3A_1187 : memref<1x16x128xf32, #tpu.memory_space<vmem>> -> memref<16x128xf32, #tpu.memory_space<vmem>>
        %gather3A_1189 = tpu.vector_load_idx %gather3A_1188[%add3A_1114, %and3A_1168] : memref<16x128xf32, #tpu.memory_space<vmem>>[vector<16xi32>, vector<16xi32>], vector<16xf32>,
        %gather3A_1190 = arith.constant 2 : i32
        %gather3A_1191 = arith.constant 0 : i32
        %gather3A_1192 = arith.constant 0 : i32
        %gather3A_1193 = arith.constant 0 : i32
        %gather3A_1194 = tpu.memref_slice %arg19[%scan3A_1117, %gather3A_1191, %gather3A_1192, %gather3A_1193] : memref<4x12x16x128xf32, #tpu.memory_space<vmem>> -> memref<1x12x16x128xf32, #tpu.memory_space<vmem>>
        %gather3A_1195 = tpu.memref_squeeze %gather3A_1194 : memref<1x12x16x128xf32, #tpu.memory_space<vmem>> -> memref<12x16x128xf32, #tpu.memory_space<vmem>>
        %gather3A_1196 = arith.constant 0 : i32
        %gather3A_1197 = arith.constant 0 : i32
        %gather3A_1198 = tpu.memref_slice %gather3A_1195[%gather3A_1190, %gather3A_1196, %gather3A_1197] : memref<12x16x128xf32, #tpu.memory_space<vmem>> -> memref<1x16x128xf32, #tpu.memory_space<vmem>>
        %gather3A_1199 = tpu.memref_squeeze %gather3A_1198 : memref<1x16x128xf32, #tpu.memory_space<vmem>> -> memref<16x128xf32, #tpu.memory_space<vmem>>
        %gather3A_1200 = tpu.vector_load_idx %gather3A_1199[%add3A_1114, %and3A_1168] : memref<16x128xf32, #tpu.memory_space<vmem>>[vector<16xi32>, vector<16xi32>], vector<16xf32>,
        %gather3A_1201 = arith.constant 3 : i32
        %gather3A_1202 = arith.constant 0 : i32
        %gather3A_1203 = arith.constant 0 : i32
        %gather3A_1204 = arith.constant 0 : i32
        %gather3A_1205 = tpu.memref_slice %arg19[%scan3A_1117, %gather3A_1202, %gather3A_1203, %gather3A_1204] : memref<4x12x16x128xf32, #tpu.memory_space<vmem>> -> memref<1x12x16x128xf32, #tpu.memory_space<vmem>>
        %gather3A_1206 = tpu.memref_squeeze %gather3A_1205 : memref<1x12x16x128xf32, #tpu.memory_space<vmem>> -> memref<12x16x128xf32, #tpu.memory_space<vmem>>
        %gather3A_1207 = arith.constant 0 : i32
        %gather3A_1208 = arith.constant 0 : i32
        %gather3A_1209 = tpu.memref_slice %gather3A_1206[%gather3A_1201, %gather3A_1207, %gather3A_1208] : memref<12x16x128xf32, #tpu.memory_space<vmem>> -> memref<1x16x128xf32, #tpu.memory_space<vmem>>
        %gather3A_1210 = tpu.memref_squeeze %gather3A_1209 : memref<1x16x128xf32, #tpu.memory_space<vmem>> -> memref<16x128xf32, #tpu.memory_space<vmem>>
        %gather3A_1211 = tpu.vector_load_idx %gather3A_1210[%add3A_1114, %and3A_1168] : memref<16x128xf32, #tpu.memory_space<vmem>>[vector<16xi32>, vector<16xi32>], vector<16xf32>,
        %gather3A_1212 = arith.constant 4 : i32
        %gather3A_1213 = arith.constant 0 : i32
        %gather3A_1214 = arith.constant 0 : i32
        %gather3A_1215 = arith.constant 0 : i32
        %gather3A_1216 = tpu.memref_slice %arg19[%scan3A_1117, %gather3A_1213, %gather3A_1214, %gather3A_1215] : memref<4x12x16x128xf32, #tpu.memory_space<vmem>> -> memref<1x12x16x128xf32, #tpu.memory_space<vmem>>
        %gather3A_1217 = tpu.memref_squeeze %gather3A_1216 : memref<1x12x16x128xf32, #tpu.memory_space<vmem>> -> memref<12x16x128xf32, #tpu.memory_space<vmem>>
        %gather3A_1218 = arith.constant 0 : i32
        %gather3A_1219 = arith.constant 0 : i32
        %gather3A_1220 = tpu.memref_slice %gather3A_1217[%gather3A_1212, %gather3A_1218, %gather3A_1219] : memref<12x16x128xf32, #tpu.memory_space<vmem>> -> memref<1x16x128xf32, #tpu.memory_space<vmem>>
        %gather3A_1221 = tpu.memref_squeeze %gather3A_1220 : memref<1x16x128xf32, #tpu.memory_space<vmem>> -> memref<16x128xf32, #tpu.memory_space<vmem>>
        %gather3A_1222 = tpu.vector_load_idx %gather3A_1221[%add3A_1114, %and3A_1168] : memref<16x128xf32, #tpu.memory_space<vmem>>[vector<16xi32>, vector<16xi32>], vector<16xf32>,
        %gather3A_1223 = arith.constant 5 : i32
        %gather3A_1224 = arith.constant 0 : i32
        %gather3A_1225 = arith.constant 0 : i32
        %gather3A_1226 = arith.constant 0 : i32
        %gather3A_1227 = tpu.memref_slice %arg19[%scan3A_1117, %gather3A_1224, %gather3A_1225, %gather3A_1226] : memref<4x12x16x128xf32, #tpu.memory_space<vmem>> -> memref<1x12x16x128xf32, #tpu.memory_space<vmem>>
        %gather3A_1228 = tpu.memref_squeeze %gather3A_1227 : memref<1x12x16x128xf32, #tpu.memory_space<vmem>> -> memref<12x16x128xf32, #tpu.memory_space<vmem>>
        %gather3A_1229 = arith.constant 0 : i32
        %gather3A_1230 = arith.constant 0 : i32
        %gather3A_1231 = tpu.memref_slice %gather3A_1228[%gather3A_1223, %gather3A_1229, %gather3A_1230] : memref<12x16x128xf32, #tpu.memory_space<vmem>> -> memref<1x16x128xf32, #tpu.memory_space<vmem>>
        %gather3A_1232 = tpu.memref_squeeze %gather3A_1231 : memref<1x16x128xf32, #tpu.memory_space<vmem>> -> memref<16x128xf32, #tpu.memory_space<vmem>>
        %gather3A_1233 = tpu.vector_load_idx %gather3A_1232[%add3A_1114, %and3A_1168] : memref<16x128xf32, #tpu.memory_space<vmem>>[vector<16xi32>, vector<16xi32>], vector<16xf32>,
        %mul3A_1234 = arith.mulf %gather3A_1178, %gather3A_1189 : vector<16xf32>
        %add3A_1235 = arith.addf %scan3A_1153, %mul3A_1234 : vector<16xf32>
        %mul3A_1236 = arith.mulf %gather3A_1200, %gather3A_1211 : vector<16xf32>
        %sub3A_1237 = arith.subf %add3A_1235, %mul3A_1236 : vector<16xf32>
        %sub3A_1238 = arith.subf %gather3A_1178, %gather3A_1200 : vector<16xf32>
        %add3A_1239 = arith.addf %sub3A_1238, %gather3A_1222 : vector<16xf32>
        %mul3A_1240 = arith.mulf %add3A_1239, %add3A_1239 : vector<16xf32>
        %add3A_1241 = arith.addf %scan3A_1154, %mul3A_1240 : vector<16xf32>
        %mul3A_1242 = arith.mulf %add3A_1239, %gather3A_1233 : vector<16xf32>
        %add3A_1243 = arith.addf %scan3A_1155, %mul3A_1242 : vector<16xf32>
        %mul3A_1244 = arith.mulf %gather3A_1233, %gather3A_1233 : vector<16xf32>
        %add3A_1245 = arith.addf %scan3A_1156, %mul3A_1244 : vector<16xf32>
        %gather3A_1246 = arith.constant 6 : i32
        %gather3A_1247 = arith.constant 0 : i32
        %gather3A_1248 = arith.constant 0 : i32
        %gather3A_1249 = arith.constant 0 : i32
        %gather3A_1250 = tpu.memref_slice %arg19[%scan3A_1117, %gather3A_1247, %gather3A_1248, %gather3A_1249] : memref<4x12x16x128xf32, #tpu.memory_space<vmem>> -> memref<1x12x16x128xf32, #tpu.memory_space<vmem>>
        %gather3A_1251 = tpu.memref_squeeze %gather3A_1250 : memref<1x12x16x128xf32, #tpu.memory_space<vmem>> -> memref<12x16x128xf32, #tpu.memory_space<vmem>>
        %gather3A_1252 = arith.constant 0 : i32
        %gather3A_1253 = arith.constant 0 : i32
        %gather3A_1254 = tpu.memref_slice %gather3A_1251[%gather3A_1246, %gather3A_1252, %gather3A_1253] : memref<12x16x128xf32, #tpu.memory_space<vmem>> -> memref<1x16x128xf32, #tpu.memory_space<vmem>>
        %gather3A_1255 = tpu.memref_squeeze %gather3A_1254 : memref<1x16x128xf32, #tpu.memory_space<vmem>> -> memref<16x128xf32, #tpu.memory_space<vmem>>
        %gather3A_1256 = tpu.vector_load_idx %gather3A_1255[%add3A_1114, %and3A_1168] : memref<16x128xf32, #tpu.memory_space<vmem>>[vector<16xi32>, vector<16xi32>], vector<16xf32>,
        %gather3A_1257 = arith.constant 7 : i32
        %gather3A_1258 = arith.constant 0 : i32
        %gather3A_1259 = arith.constant 0 : i32
        %gather3A_1260 = arith.constant 0 : i32
        %gather3A_1261 = tpu.memref_slice %arg19[%scan3A_1117, %gather3A_1258, %gather3A_1259, %gather3A_1260] : memref<4x12x16x128xf32, #tpu.memory_space<vmem>> -> memref<1x12x16x128xf32, #tpu.memory_space<vmem>>
        %gather3A_1262 = tpu.memref_squeeze %gather3A_1261 : memref<1x12x16x128xf32, #tpu.memory_space<vmem>> -> memref<12x16x128xf32, #tpu.memory_space<vmem>>
        %gather3A_1263 = arith.constant 0 : i32
        %gather3A_1264 = arith.constant 0 : i32
        %gather3A_1265 = tpu.memref_slice %gather3A_1262[%gather3A_1257, %gather3A_1263, %gather3A_1264] : memref<12x16x128xf32, #tpu.memory_space<vmem>> -> memref<1x16x128xf32, #tpu.memory_space<vmem>>
        %gather3A_1266 = tpu.memref_squeeze %gather3A_1265 : memref<1x16x128xf32, #tpu.memory_space<vmem>> -> memref<16x128xf32, #tpu.memory_space<vmem>>
        %gather3A_1267 = tpu.vector_load_idx %gather3A_1266[%add3A_1114, %and3A_1168] : memref<16x128xf32, #tpu.memory_space<vmem>>[vector<16xi32>, vector<16xi32>], vector<16xf32>,
        %gather3A_1268 = arith.constant 8 : i32
        %gather3A_1269 = arith.constant 0 : i32
        %gather3A_1270 = arith.constant 0 : i32
        %gather3A_1271 = arith.constant 0 : i32
        %gather3A_1272 = tpu.memref_slice %arg19[%scan3A_1117, %gather3A_1269, %gather3A_1270, %gather3A_1271] : memref<4x12x16x128xf32, #tpu.memory_space<vmem>> -> memref<1x12x16x128xf32, #tpu.memory_space<vmem>>
        %gather3A_1273 = tpu.memref_squeeze %gather3A_1272 : memref<1x12x16x128xf32, #tpu.memory_space<vmem>> -> memref<12x16x128xf32, #tpu.memory_space<vmem>>
        %gather3A_1274 = arith.constant 0 : i32
        %gather3A_1275 = arith.constant 0 : i32
        %gather3A_1276 = tpu.memref_slice %gather3A_1273[%gather3A_1268, %gather3A_1274, %gather3A_1275] : memref<12x16x128xf32, #tpu.memory_space<vmem>> -> memref<1x16x128xf32, #tpu.memory_space<vmem>>
        %gather3A_1277 = tpu.memref_squeeze %gather3A_1276 : memref<1x16x128xf32, #tpu.memory_space<vmem>> -> memref<16x128xf32, #tpu.memory_space<vmem>>
        %gather3A_1278 = tpu.vector_load_idx %gather3A_1277[%add3A_1114, %and3A_1168] : memref<16x128xf32, #tpu.memory_space<vmem>>[vector<16xi32>, vector<16xi32>], vector<16xf32>,
        %gather3A_1279 = arith.constant 9 : i32
        %gather3A_1280 = arith.constant 0 : i32
        %gather3A_1281 = arith.constant 0 : i32
        %gather3A_1282 = arith.constant 0 : i32
        %gather3A_1283 = tpu.memref_slice %arg19[%scan3A_1117, %gather3A_1280, %gather3A_1281, %gather3A_1282] : memref<4x12x16x128xf32, #tpu.memory_space<vmem>> -> memref<1x12x16x128xf32, #tpu.memory_space<vmem>>
        %gather3A_1284 = tpu.memref_squeeze %gather3A_1283 : memref<1x12x16x128xf32, #tpu.memory_space<vmem>> -> memref<12x16x128xf32, #tpu.memory_space<vmem>>
        %gather3A_1285 = arith.constant 0 : i32
        %gather3A_1286 = arith.constant 0 : i32
        %gather3A_1287 = tpu.memref_slice %gather3A_1284[%gather3A_1279, %gather3A_1285, %gather3A_1286] : memref<12x16x128xf32, #tpu.memory_space<vmem>> -> memref<1x16x128xf32, #tpu.memory_space<vmem>>
        %gather3A_1288 = tpu.memref_squeeze %gather3A_1287 : memref<1x16x128xf32, #tpu.memory_space<vmem>> -> memref<16x128xf32, #tpu.memory_space<vmem>>
        %gather3A_1289 = tpu.vector_load_idx %gather3A_1288[%add3A_1114, %and3A_1168] : memref<16x128xf32, #tpu.memory_space<vmem>>[vector<16xi32>, vector<16xi32>], vector<16xf32>,
        %gather3A_1290 = arith.constant 10 : i32
        %gather3A_1291 = arith.constant 0 : i32
        %gather3A_1292 = arith.constant 0 : i32
        %gather3A_1293 = arith.constant 0 : i32
        %gather3A_1294 = tpu.memref_slice %arg19[%scan3A_1117, %gather3A_1291, %gather3A_1292, %gather3A_1293] : memref<4x12x16x128xf32, #tpu.memory_space<vmem>> -> memref<1x12x16x128xf32, #tpu.memory_space<vmem>>
        %gather3A_1295 = tpu.memref_squeeze %gather3A_1294 : memref<1x12x16x128xf32, #tpu.memory_space<vmem>> -> memref<12x16x128xf32, #tpu.memory_space<vmem>>
        %gather3A_1296 = arith.constant 0 : i32
        %gather3A_1297 = arith.constant 0 : i32
        %gather3A_1298 = tpu.memref_slice %gather3A_1295[%gather3A_1290, %gather3A_1296, %gather3A_1297] : memref<12x16x128xf32, #tpu.memory_space<vmem>> -> memref<1x16x128xf32, #tpu.memory_space<vmem>>
        %gather3A_1299 = tpu.memref_squeeze %gather3A_1298 : memref<1x16x128xf32, #tpu.memory_space<vmem>> -> memref<16x128xf32, #tpu.memory_space<vmem>>
        %gather3A_1300 = tpu.vector_load_idx %gather3A_1299[%add3A_1114, %and3A_1168] : memref<16x128xf32, #tpu.memory_space<vmem>>[vector<16xi32>, vector<16xi32>], vector<16xf32>,
        %gather3A_1301 = arith.constant 11 : i32
        %gather3A_1302 = arith.constant 0 : i32
        %gather3A_1303 = arith.constant 0 : i32
        %gather3A_1304 = arith.constant 0 : i32
        %gather3A_1305 = tpu.memref_slice %arg19[%scan3A_1117, %gather3A_1302, %gather3A_1303, %gather3A_1304] : memref<4x12x16x128xf32, #tpu.memory_space<vmem>> -> memref<1x12x16x128xf32, #tpu.memory_space<vmem>>
        %gather3A_1306 = tpu.memref_squeeze %gather3A_1305 : memref<1x12x16x128xf32, #tpu.memory_space<vmem>> -> memref<12x16x128xf32, #tpu.memory_space<vmem>>
        %gather3A_1307 = arith.constant 0 : i32
        %gather3A_1308 = arith.constant 0 : i32
        %gather3A_1309 = tpu.memref_slice %gather3A_1306[%gather3A_1301, %gather3A_1307, %gather3A_1308] : memref<12x16x128xf32, #tpu.memory_space<vmem>> -> memref<1x16x128xf32, #tpu.memory_space<vmem>>
        %gather3A_1310 = tpu.memref_squeeze %gather3A_1309 : memref<1x16x128xf32, #tpu.memory_space<vmem>> -> memref<16x128xf32, #tpu.memory_space<vmem>>
        %gather3A_1311 = tpu.vector_load_idx %gather3A_1310[%add3A_1114, %and3A_1168] : memref<16x128xf32, #tpu.memory_space<vmem>>[vector<16xi32>, vector<16xi32>], vector<16xf32>,
        %mul3A_1312 = arith.mulf %gather3A_1256, %gather3A_1267 : vector<16xf32>
        %add3A_1313 = arith.addf %scan3A_1157, %mul3A_1312 : vector<16xf32>
        %mul3A_1314 = arith.mulf %gather3A_1278, %gather3A_1289 : vector<16xf32>
        %sub3A_1315 = arith.subf %add3A_1313, %mul3A_1314 : vector<16xf32>
        %sub3A_1316 = arith.subf %gather3A_1256, %gather3A_1278 : vector<16xf32>
        %add3A_1317 = arith.addf %sub3A_1316, %gather3A_1300 : vector<16xf32>
        %mul3A_1318 = arith.mulf %add3A_1317, %add3A_1317 : vector<16xf32>
        %add3A_1319 = arith.addf %scan3A_1158, %mul3A_1318 : vector<16xf32>
        %mul3A_1320 = arith.mulf %add3A_1317, %gather3A_1311 : vector<16xf32>
        %add3A_1321 = arith.addf %scan3A_1159, %mul3A_1320 : vector<16xf32>
        %mul3A_1322 = arith.mulf %gather3A_1311, %gather3A_1311 : vector<16xf32>
        %add3A_1323 = arith.addf %scan3A_1160, %mul3A_1322 : vector<16xf32>
        %add3A_1324 = arith.constant 1 : i32
        %add3A_1325 = arith.addi %mul3A_1162, %add3A_1324 : i32
        %add3A_1326 = vector.broadcast %add3A_1325 : i32 to vector<16xi32>
        %add3A_1327 = arith.addi %iota3A, %add3A_1326 : vector<16xi32>
        %and3A_1328 = arith.constant 127 : i32
        %and3A_1329 = vector.broadcast %and3A_1328 : i32 to vector<16xi32>
        %and3A_1330 = arith.andi %add3A_1327, %and3A_1329 : vector<16xi32>
        %gather3A_1331 = arith.constant 0 : i32
        %gather3A_1332 = arith.constant 0 : i32
        %gather3A_1333 = arith.constant 0 : i32
        %gather3A_1334 = arith.constant 0 : i32
        %gather3A_1335 = tpu.memref_slice %arg19[%scan3A_1117, %gather3A_1332, %gather3A_1333, %gather3A_1334] : memref<4x12x16x128xf32, #tpu.memory_space<vmem>> -> memref<1x12x16x128xf32, #tpu.memory_space<vmem>>
        %gather3A_1336 = tpu.memref_squeeze %gather3A_1335 : memref<1x12x16x128xf32, #tpu.memory_space<vmem>> -> memref<12x16x128xf32, #tpu.memory_space<vmem>>
        %gather3A_1337 = arith.constant 0 : i32
        %gather3A_1338 = arith.constant 0 : i32
        %gather3A_1339 = tpu.memref_slice %gather3A_1336[%gather3A_1331, %gather3A_1337, %gather3A_1338] : memref<12x16x128xf32, #tpu.memory_space<vmem>> -> memref<1x16x128xf32, #tpu.memory_space<vmem>>
        %gather3A_1340 = tpu.memref_squeeze %gather3A_1339 : memref<1x16x128xf32, #tpu.memory_space<vmem>> -> memref<16x128xf32, #tpu.memory_space<vmem>>
        %gather3A_1341 = tpu.vector_load_idx %gather3A_1340[%add3A_1114, %and3A_1330] : memref<16x128xf32, #tpu.memory_space<vmem>>[vector<16xi32>, vector<16xi32>], vector<16xf32>,
        %gather3A_1342 = arith.constant 1 : i32
        %gather3A_1343 = arith.constant 0 : i32
        %gather3A_1344 = arith.constant 0 : i32
        %gather3A_1345 = arith.constant 0 : i32
        %gather3A_1346 = tpu.memref_slice %arg19[%scan3A_1117, %gather3A_1343, %gather3A_1344, %gather3A_1345] : memref<4x12x16x128xf32, #tpu.memory_space<vmem>> -> memref<1x12x16x128xf32, #tpu.memory_space<vmem>>
        %gather3A_1347 = tpu.memref_squeeze %gather3A_1346 : memref<1x12x16x128xf32, #tpu.memory_space<vmem>> -> memref<12x16x128xf32, #tpu.memory_space<vmem>>
        %gather3A_1348 = arith.constant 0 : i32
        %gather3A_1349 = arith.constant 0 : i32
        %gather3A_1350 = tpu.memref_slice %gather3A_1347[%gather3A_1342, %gather3A_1348, %gather3A_1349] : memref<12x16x128xf32, #tpu.memory_space<vmem>> -> memref<1x16x128xf32, #tpu.memory_space<vmem>>
        %gather3A_1351 = tpu.memref_squeeze %gather3A_1350 : memref<1x16x128xf32, #tpu.memory_space<vmem>> -> memref<16x128xf32, #tpu.memory_space<vmem>>
        %gather3A_1352 = tpu.vector_load_idx %gather3A_1351[%add3A_1114, %and3A_1330] : memref<16x128xf32, #tpu.memory_space<vmem>>[vector<16xi32>, vector<16xi32>], vector<16xf32>,
        %gather3A_1353 = arith.constant 2 : i32
        %gather3A_1354 = arith.constant 0 : i32
        %gather3A_1355 = arith.constant 0 : i32
        %gather3A_1356 = arith.constant 0 : i32
        %gather3A_1357 = tpu.memref_slice %arg19[%scan3A_1117, %gather3A_1354, %gather3A_1355, %gather3A_1356] : memref<4x12x16x128xf32, #tpu.memory_space<vmem>> -> memref<1x12x16x128xf32, #tpu.memory_space<vmem>>
        %gather3A_1358 = tpu.memref_squeeze %gather3A_1357 : memref<1x12x16x128xf32, #tpu.memory_space<vmem>> -> memref<12x16x128xf32, #tpu.memory_space<vmem>>
        %gather3A_1359 = arith.constant 0 : i32
        %gather3A_1360 = arith.constant 0 : i32
        %gather3A_1361 = tpu.memref_slice %gather3A_1358[%gather3A_1353, %gather3A_1359, %gather3A_1360] : memref<12x16x128xf32, #tpu.memory_space<vmem>> -> memref<1x16x128xf32, #tpu.memory_space<vmem>>
        %gather3A_1362 = tpu.memref_squeeze %gather3A_1361 : memref<1x16x128xf32, #tpu.memory_space<vmem>> -> memref<16x128xf32, #tpu.memory_space<vmem>>
        %gather3A_1363 = tpu.vector_load_idx %gather3A_1362[%add3A_1114, %and3A_1330] : memref<16x128xf32, #tpu.memory_space<vmem>>[vector<16xi32>, vector<16xi32>], vector<16xf32>,
        %gather3A_1364 = arith.constant 3 : i32
        %gather3A_1365 = arith.constant 0 : i32
        %gather3A_1366 = arith.constant 0 : i32
        %gather3A_1367 = arith.constant 0 : i32
        %gather3A_1368 = tpu.memref_slice %arg19[%scan3A_1117, %gather3A_1365, %gather3A_1366, %gather3A_1367] : memref<4x12x16x128xf32, #tpu.memory_space<vmem>> -> memref<1x12x16x128xf32, #tpu.memory_space<vmem>>
        %gather3A_1369 = tpu.memref_squeeze %gather3A_1368 : memref<1x12x16x128xf32, #tpu.memory_space<vmem>> -> memref<12x16x128xf32, #tpu.memory_space<vmem>>
        %gather3A_1370 = arith.constant 0 : i32
        %gather3A_1371 = arith.constant 0 : i32
        %gather3A_1372 = tpu.memref_slice %gather3A_1369[%gather3A_1364, %gather3A_1370, %gather3A_1371] : memref<12x16x128xf32, #tpu.memory_space<vmem>> -> memref<1x16x128xf32, #tpu.memory_space<vmem>>
        %gather3A_1373 = tpu.memref_squeeze %gather3A_1372 : memref<1x16x128xf32, #tpu.memory_space<vmem>> -> memref<16x128xf32, #tpu.memory_space<vmem>>
        %gather3A_1374 = tpu.vector_load_idx %gather3A_1373[%add3A_1114, %and3A_1330] : memref<16x128xf32, #tpu.memory_space<vmem>>[vector<16xi32>, vector<16xi32>], vector<16xf32>,
        %gather3A_1375 = arith.constant 4 : i32
        %gather3A_1376 = arith.constant 0 : i32
        %gather3A_1377 = arith.constant 0 : i32
        %gather3A_1378 = arith.constant 0 : i32
        %gather3A_1379 = tpu.memref_slice %arg19[%scan3A_1117, %gather3A_1376, %gather3A_1377, %gather3A_1378] : memref<4x12x16x128xf32, #tpu.memory_space<vmem>> -> memref<1x12x16x128xf32, #tpu.memory_space<vmem>>
        %gather3A_1380 = tpu.memref_squeeze %gather3A_1379 : memref<1x12x16x128xf32, #tpu.memory_space<vmem>> -> memref<12x16x128xf32, #tpu.memory_space<vmem>>
        %gather3A_1381 = arith.constant 0 : i32
        %gather3A_1382 = arith.constant 0 : i32
        %gather3A_1383 = tpu.memref_slice %gather3A_1380[%gather3A_1375, %gather3A_1381, %gather3A_1382] : memref<12x16x128xf32, #tpu.memory_space<vmem>> -> memref<1x16x128xf32, #tpu.memory_space<vmem>>
        %gather3A_1384 = tpu.memref_squeeze %gather3A_1383 : memref<1x16x128xf32, #tpu.memory_space<vmem>> -> memref<16x128xf32, #tpu.memory_space<vmem>>
        %gather3A_1385 = tpu.vector_load_idx %gather3A_1384[%add3A_1114, %and3A_1330] : memref<16x128xf32, #tpu.memory_space<vmem>>[vector<16xi32>, vector<16xi32>], vector<16xf32>,
        %gather3A_1386 = arith.constant 5 : i32
        %gather3A_1387 = arith.constant 0 : i32
        %gather3A_1388 = arith.constant 0 : i32
        %gather3A_1389 = arith.constant 0 : i32
        %gather3A_1390 = tpu.memref_slice %arg19[%scan3A_1117, %gather3A_1387, %gather3A_1388, %gather3A_1389] : memref<4x12x16x128xf32, #tpu.memory_space<vmem>> -> memref<1x12x16x128xf32, #tpu.memory_space<vmem>>
        %gather3A_1391 = tpu.memref_squeeze %gather3A_1390 : memref<1x12x16x128xf32, #tpu.memory_space<vmem>> -> memref<12x16x128xf32, #tpu.memory_space<vmem>>
        %gather3A_1392 = arith.constant 0 : i32
        %gather3A_1393 = arith.constant 0 : i32
        %gather3A_1394 = tpu.memref_slice %gather3A_1391[%gather3A_1386, %gather3A_1392, %gather3A_1393] : memref<12x16x128xf32, #tpu.memory_space<vmem>> -> memref<1x16x128xf32, #tpu.memory_space<vmem>>
        %gather3A_1395 = tpu.memref_squeeze %gather3A_1394 : memref<1x16x128xf32, #tpu.memory_space<vmem>> -> memref<16x128xf32, #tpu.memory_space<vmem>>
        %gather3A_1396 = tpu.vector_load_idx %gather3A_1395[%add3A_1114, %and3A_1330] : memref<16x128xf32, #tpu.memory_space<vmem>>[vector<16xi32>, vector<16xi32>], vector<16xf32>,
        %mul3A_1397 = arith.mulf %gather3A_1341, %gather3A_1352 : vector<16xf32>
        %add3A_1398 = arith.addf %sub3A_1237, %mul3A_1397 : vector<16xf32>
        %mul3A_1399 = arith.mulf %gather3A_1363, %gather3A_1374 : vector<16xf32>
        %sub3A_1400 = arith.subf %add3A_1398, %mul3A_1399 : vector<16xf32>
        %sub3A_1401 = arith.subf %gather3A_1341, %gather3A_1363 : vector<16xf32>
        %add3A_1402 = arith.addf %sub3A_1401, %gather3A_1385 : vector<16xf32>
        %mul3A_1403 = arith.mulf %add3A_1402, %add3A_1402 : vector<16xf32>
        %add3A_1404 = arith.addf %add3A_1241, %mul3A_1403 : vector<16xf32>
        %mul3A_1405 = arith.mulf %add3A_1402, %gather3A_1396 : vector<16xf32>
        %add3A_1406 = arith.addf %add3A_1243, %mul3A_1405 : vector<16xf32>
        %mul3A_1407 = arith.mulf %gather3A_1396, %gather3A_1396 : vector<16xf32>
        %add3A_1408 = arith.addf %add3A_1245, %mul3A_1407 : vector<16xf32>
        %gather3A_1409 = arith.constant 6 : i32
        %gather3A_1410 = arith.constant 0 : i32
        %gather3A_1411 = arith.constant 0 : i32
        %gather3A_1412 = arith.constant 0 : i32
        %gather3A_1413 = tpu.memref_slice %arg19[%scan3A_1117, %gather3A_1410, %gather3A_1411, %gather3A_1412] : memref<4x12x16x128xf32, #tpu.memory_space<vmem>> -> memref<1x12x16x128xf32, #tpu.memory_space<vmem>>
        %gather3A_1414 = tpu.memref_squeeze %gather3A_1413 : memref<1x12x16x128xf32, #tpu.memory_space<vmem>> -> memref<12x16x128xf32, #tpu.memory_space<vmem>>
        %gather3A_1415 = arith.constant 0 : i32
        %gather3A_1416 = arith.constant 0 : i32
        %gather3A_1417 = tpu.memref_slice %gather3A_1414[%gather3A_1409, %gather3A_1415, %gather3A_1416] : memref<12x16x128xf32, #tpu.memory_space<vmem>> -> memref<1x16x128xf32, #tpu.memory_space<vmem>>
        %gather3A_1418 = tpu.memref_squeeze %gather3A_1417 : memref<1x16x128xf32, #tpu.memory_space<vmem>> -> memref<16x128xf32, #tpu.memory_space<vmem>>
        %gather3A_1419 = tpu.vector_load_idx %gather3A_1418[%add3A_1114, %and3A_1330] : memref<16x128xf32, #tpu.memory_space<vmem>>[vector<16xi32>, vector<16xi32>], vector<16xf32>,
        %gather3A_1420 = arith.constant 7 : i32
        %gather3A_1421 = arith.constant 0 : i32
        %gather3A_1422 = arith.constant 0 : i32
        %gather3A_1423 = arith.constant 0 : i32
        %gather3A_1424 = tpu.memref_slice %arg19[%scan3A_1117, %gather3A_1421, %gather3A_1422, %gather3A_1423] : memref<4x12x16x128xf32, #tpu.memory_space<vmem>> -> memref<1x12x16x128xf32, #tpu.memory_space<vmem>>
        %gather3A_1425 = tpu.memref_squeeze %gather3A_1424 : memref<1x12x16x128xf32, #tpu.memory_space<vmem>> -> memref<12x16x128xf32, #tpu.memory_space<vmem>>
        %gather3A_1426 = arith.constant 0 : i32
        %gather3A_1427 = arith.constant 0 : i32
        %gather3A_1428 = tpu.memref_slice %gather3A_1425[%gather3A_1420, %gather3A_1426, %gather3A_1427] : memref<12x16x128xf32, #tpu.memory_space<vmem>> -> memref<1x16x128xf32, #tpu.memory_space<vmem>>
        %gather3A_1429 = tpu.memref_squeeze %gather3A_1428 : memref<1x16x128xf32, #tpu.memory_space<vmem>> -> memref<16x128xf32, #tpu.memory_space<vmem>>
        %gather3A_1430 = tpu.vector_load_idx %gather3A_1429[%add3A_1114, %and3A_1330] : memref<16x128xf32, #tpu.memory_space<vmem>>[vector<16xi32>, vector<16xi32>], vector<16xf32>,
        %gather3A_1431 = arith.constant 8 : i32
        %gather3A_1432 = arith.constant 0 : i32
        %gather3A_1433 = arith.constant 0 : i32
        %gather3A_1434 = arith.constant 0 : i32
        %gather3A_1435 = tpu.memref_slice %arg19[%scan3A_1117, %gather3A_1432, %gather3A_1433, %gather3A_1434] : memref<4x12x16x128xf32, #tpu.memory_space<vmem>> -> memref<1x12x16x128xf32, #tpu.memory_space<vmem>>
        %gather3A_1436 = tpu.memref_squeeze %gather3A_1435 : memref<1x12x16x128xf32, #tpu.memory_space<vmem>> -> memref<12x16x128xf32, #tpu.memory_space<vmem>>
        %gather3A_1437 = arith.constant 0 : i32
        %gather3A_1438 = arith.constant 0 : i32
        %gather3A_1439 = tpu.memref_slice %gather3A_1436[%gather3A_1431, %gather3A_1437, %gather3A_1438] : memref<12x16x128xf32, #tpu.memory_space<vmem>> -> memref<1x16x128xf32, #tpu.memory_space<vmem>>
        %gather3A_1440 = tpu.memref_squeeze %gather3A_1439 : memref<1x16x128xf32, #tpu.memory_space<vmem>> -> memref<16x128xf32, #tpu.memory_space<vmem>>
        %gather3A_1441 = tpu.vector_load_idx %gather3A_1440[%add3A_1114, %and3A_1330] : memref<16x128xf32, #tpu.memory_space<vmem>>[vector<16xi32>, vector<16xi32>], vector<16xf32>,
        %gather3A_1442 = arith.constant 9 : i32
        %gather3A_1443 = arith.constant 0 : i32
        %gather3A_1444 = arith.constant 0 : i32
        %gather3A_1445 = arith.constant 0 : i32
        %gather3A_1446 = tpu.memref_slice %arg19[%scan3A_1117, %gather3A_1443, %gather3A_1444, %gather3A_1445] : memref<4x12x16x128xf32, #tpu.memory_space<vmem>> -> memref<1x12x16x128xf32, #tpu.memory_space<vmem>>
        %gather3A_1447 = tpu.memref_squeeze %gather3A_1446 : memref<1x12x16x128xf32, #tpu.memory_space<vmem>> -> memref<12x16x128xf32, #tpu.memory_space<vmem>>
        %gather3A_1448 = arith.constant 0 : i32
        %gather3A_1449 = arith.constant 0 : i32
        %gather3A_1450 = tpu.memref_slice %gather3A_1447[%gather3A_1442, %gather3A_1448, %gather3A_1449] : memref<12x16x128xf32, #tpu.memory_space<vmem>> -> memref<1x16x128xf32, #tpu.memory_space<vmem>>
        %gather3A_1451 = tpu.memref_squeeze %gather3A_1450 : memref<1x16x128xf32, #tpu.memory_space<vmem>> -> memref<16x128xf32, #tpu.memory_space<vmem>>
        %gather3A_1452 = tpu.vector_load_idx %gather3A_1451[%add3A_1114, %and3A_1330] : memref<16x128xf32, #tpu.memory_space<vmem>>[vector<16xi32>, vector<16xi32>], vector<16xf32>,
        %gather3A_1453 = arith.constant 10 : i32
        %gather3A_1454 = arith.constant 0 : i32
        %gather3A_1455 = arith.constant 0 : i32
        %gather3A_1456 = arith.constant 0 : i32
        %gather3A_1457 = tpu.memref_slice %arg19[%scan3A_1117, %gather3A_1454, %gather3A_1455, %gather3A_1456] : memref<4x12x16x128xf32, #tpu.memory_space<vmem>> -> memref<1x12x16x128xf32, #tpu.memory_space<vmem>>
        %gather3A_1458 = tpu.memref_squeeze %gather3A_1457 : memref<1x12x16x128xf32, #tpu.memory_space<vmem>> -> memref<12x16x128xf32, #tpu.memory_space<vmem>>
        %gather3A_1459 = arith.constant 0 : i32
        %gather3A_1460 = arith.constant 0 : i32
        %gather3A_1461 = tpu.memref_slice %gather3A_1458[%gather3A_1453, %gather3A_1459, %gather3A_1460] : memref<12x16x128xf32, #tpu.memory_space<vmem>> -> memref<1x16x128xf32, #tpu.memory_space<vmem>>
        %gather3A_1462 = tpu.memref_squeeze %gather3A_1461 : memref<1x16x128xf32, #tpu.memory_space<vmem>> -> memref<16x128xf32, #tpu.memory_space<vmem>>
        %gather3A_1463 = tpu.vector_load_idx %gather3A_1462[%add3A_1114, %and3A_1330] : memref<16x128xf32, #tpu.memory_space<vmem>>[vector<16xi32>, vector<16xi32>], vector<16xf32>,
        %gather3A_1464 = arith.constant 11 : i32
        %gather3A_1465 = arith.constant 0 : i32
        %gather3A_1466 = arith.constant 0 : i32
        %gather3A_1467 = arith.constant 0 : i32
        %gather3A_1468 = tpu.memref_slice %arg19[%scan3A_1117, %gather3A_1465, %gather3A_1466, %gather3A_1467] : memref<4x12x16x128xf32, #tpu.memory_space<vmem>> -> memref<1x12x16x128xf32, #tpu.memory_space<vmem>>
        %gather3A_1469 = tpu.memref_squeeze %gather3A_1468 : memref<1x12x16x128xf32, #tpu.memory_space<vmem>> -> memref<12x16x128xf32, #tpu.memory_space<vmem>>
        %gather3A_1470 = arith.constant 0 : i32
        %gather3A_1471 = arith.constant 0 : i32
        %gather3A_1472 = tpu.memref_slice %gather3A_1469[%gather3A_1464, %gather3A_1470, %gather3A_1471] : memref<12x16x128xf32, #tpu.memory_space<vmem>> -> memref<1x16x128xf32, #tpu.memory_space<vmem>>
        %gather3A_1473 = tpu.memref_squeeze %gather3A_1472 : memref<1x16x128xf32, #tpu.memory_space<vmem>> -> memref<16x128xf32, #tpu.memory_space<vmem>>
        %gather3A_1474 = tpu.vector_load_idx %gather3A_1473[%add3A_1114, %and3A_1330] : memref<16x128xf32, #tpu.memory_space<vmem>>[vector<16xi32>, vector<16xi32>], vector<16xf32>,
        %mul3A_1475 = arith.mulf %gather3A_1419, %gather3A_1430 : vector<16xf32>
        %add3A_1476 = arith.addf %sub3A_1315, %mul3A_1475 : vector<16xf32>
        %mul3A_1477 = arith.mulf %gather3A_1441, %gather3A_1452 : vector<16xf32>
        %sub3A_1478 = arith.subf %add3A_1476, %mul3A_1477 : vector<16xf32>
        %sub3A_1479 = arith.subf %gather3A_1419, %gather3A_1441 : vector<16xf32>
        %add3A_1480 = arith.addf %sub3A_1479, %gather3A_1463 : vector<16xf32>
        %mul3A_1481 = arith.mulf %add3A_1480, %add3A_1480 : vector<16xf32>
        %add3A_1482 = arith.addf %add3A_1319, %mul3A_1481 : vector<16xf32>
        %mul3A_1483 = arith.mulf %add3A_1480, %gather3A_1474 : vector<16xf32>
        %add3A_1484 = arith.addf %add3A_1321, %mul3A_1483 : vector<16xf32>
        %mul3A_1485 = arith.mulf %gather3A_1474, %gather3A_1474 : vector<16xf32>
        %add3A_1486 = arith.addf %add3A_1323, %mul3A_1485 : vector<16xf32>
        scf.yield %sub3A_1400, %add3A_1404, %add3A_1406, %add3A_1408, %sub3A_1478, %add3A_1482, %add3A_1484, %add3A_1486 : vector<16xf32>, vector<16xf32>, vector<16xf32>, vector<16xf32>, vector<16xf32>, vector<16xf32>, vector<16xf32>, vector<16xf32>
      }
      %scan3A_1123 = arith.constant 64 : i32
      %mul3A_1124 = arith.constant 2.000000e+00 : f32
      %mul3A_1125 = vector.broadcast %mul3A_1124 : f32 to vector<16xf32>
      %mul3A_1126 = arith.mulf %mul3A_1125, %scan3A_1122#0 : vector<16xf32>
      %mul3A_1127 = arith.mulf %mul3A_1126, %scan3A_1122#2 : vector<16xf32>
      %add3A_1128 = arith.addf %scan3A_1122#1, %mul3A_1127 : vector<16xf32>
      %mul3A_1129 = arith.mulf %scan3A_1122#0, %scan3A_1122#0 : vector<16xf32>
      %mul3A_1130 = arith.mulf %mul3A_1129, %scan3A_1122#3 : vector<16xf32>
      %add3A_1131 = arith.addf %add3A_1128, %mul3A_1130 : vector<16xf32>
      %mul3A_1132 = arith.constant 2.000000e+00 : f32
      %mul3A_1133 = vector.broadcast %mul3A_1132 : f32 to vector<16xf32>
      %mul3A_1134 = arith.mulf %mul3A_1133, %scan3A_1122#4 : vector<16xf32>
      %mul3A_1135 = arith.mulf %mul3A_1134, %scan3A_1122#6 : vector<16xf32>
      %add3A_1136 = arith.addf %scan3A_1122#5, %mul3A_1135 : vector<16xf32>
      %mul3A_1137 = arith.mulf %scan3A_1122#4, %scan3A_1122#4 : vector<16xf32>
      %mul3A_1138 = arith.mulf %mul3A_1137, %scan3A_1122#7 : vector<16xf32>
      %add3A_1139 = arith.addf %add3A_1136, %mul3A_1138 : vector<16xf32>
      %sub3A_1140 = arith.subf %add3A_1139, %add3A_1131 : vector<16xf32>
      %add3A_1141 = arith.constant 1.000000e+00 : f32
      %add3A_1142 = vector.broadcast %add3A_1141 : f32 to vector<16xf32>
      %add3A_1143 = arith.addf %sub3A_1140, %add3A_1142 : vector<16xf32>
      %max3A_1144 = arith.constant 0.000000e+00 : f32
      %max3A_1145 = vector.broadcast %max3A_1144 : f32 to vector<16xf32>
      %max3A_1146 = arith.maximumf %add3A_1143, %max3A_1145 : vector<16xf32>
      %get3A_1147 = arith.constant 0 : index
      %get3A_1148 = tpu.vector_load %arg20[%get3A_1147] {strides = array<i32>} : memref<16xf32, #tpu.memory_space<vmem>>, vector<16xf32>,
      %add3A_1149 = arith.addf %get3A_1148, %max3A_1146 : vector<16xf32>
      %swap3A_1150 = arith.constant 0 : index
      %swap3A_1151 = tpu.vector_load %arg20[%swap3A_1150] {strides = array<i32>} : memref<16xf32, #tpu.memory_space<vmem>>, vector<16xf32>,
      tpu.vector_store %arg20[%swap3A_1150], %add3A_1149 {strides = array<i32>} : memref<16xf32, #tpu.memory_space<vmem>>, vector<16xf32>,
    }
    %scan3A_426 = arith.constant 8 : i32
    "tpu.region"() ({
      %run_scoped3A = tpu.sem_alloc : memref<!tpu.dma_semaphore, #tpu.memory_space<semaphore_mem>>
      %dma_start3A_427 = arith.constant 0 : i32
      %dma_start3A_428 = tpu.memref_slice %arg12[%add3A, %dma_start3A_427] : memref<32x16xf32, #tpu.memory_space<hbm>> -> memref<1x16xf32, #tpu.memory_space<hbm>>
      %dma_start3A_429 = tpu.memref_squeeze %dma_start3A_428 : memref<1x16xf32, #tpu.memory_space<hbm>> -> memref<16xf32, #tpu.memory_space<hbm>>
      %dma_start3A_430 = arith.constant 0 : i32
      %dma_start3A_431 = tpu.memref_slice %arg12[%add3A, %dma_start3A_430] : memref<32x16xf32, #tpu.memory_space<hbm>> -> memref<1x16xf32, #tpu.memory_space<hbm>>
      %dma_start3A_432 = tpu.memref_squeeze %dma_start3A_431 : memref<1x16xf32, #tpu.memory_space<hbm>> -> memref<16xf32, #tpu.memory_space<hbm>>
      tpu.enqueue_dma source(%arg20 : memref<16xf32, #tpu.memory_space<vmem>>) target(%dma_start3A_432 : memref<16xf32, #tpu.memory_space<hbm>>) target_semaphore(%run_scoped3A : memref<!tpu.dma_semaphore, #tpu.memory_space<semaphore_mem>>)
      %dma_wait3A_433 = arith.constant 0 : i32
      %dma_wait3A_434 = tpu.memref_slice %arg12[%add3A, %dma_wait3A_433] : memref<32x16xf32, #tpu.memory_space<hbm>> -> memref<1x16xf32, #tpu.memory_space<hbm>>
      %dma_wait3A_435 = tpu.memref_squeeze %dma_wait3A_434 : memref<1x16xf32, #tpu.memory_space<hbm>> -> memref<16xf32, #tpu.memory_space<hbm>>
      %dma_wait3A_436 = arith.constant 0 : i32
      %dma_wait3A_437 = tpu.memref_slice %arg12[%add3A, %dma_wait3A_436] : memref<32x16xf32, #tpu.memory_space<hbm>> -> memref<1x16xf32, #tpu.memory_space<hbm>>
      %dma_wait3A_438 = tpu.memref_squeeze %dma_wait3A_437 : memref<1x16xf32, #tpu.memory_space<hbm>> -> memref<16xf32, #tpu.memory_space<hbm>>
      tpu.wait_dma2 semaphore(%run_scoped3A : memref<!tpu.dma_semaphore, #tpu.memory_space<semaphore_mem>>) src(%arg20 : memref<16xf32, #tpu.memory_space<vmem>>) dst(%dma_wait3A_438 : memref<16xf32, #tpu.memory_space<hbm>>)
      tpu.yield
    }) : () -> ()
    return
  }
}

</mosaic_0001>

<sc_bundles>
// kernel: kernel.3.cloned.1.call-start
scs
__scs_entry_jumppad:
0x0: {  	(pc) =	sbr.rel $0x88, $3  }
0x1: {  	(tag) =	ssettag $0x0;
	lr =	simm.s32 $0x1  }
0x2: {  	[smem:$0x3F97] =	sst lr;
	_ =	strace $0xD0000000  }
0x3: {  	_ = 	snop  }
0x4: {  	_ = 	snop  }
0x5: {  	_ = 	snop  }
0x6: {  	_ = 	snop  }
0x7: {  	_ = 	snop  }
__scs_overlays_trampoline_lowered:
0x8: {  	[smem:$0x3FA6] =	sst s0  }
0x9: {  	[smem:$0x3FA7] =	sst s1  }
0xa: {  	[smem:$0x3FA8] =	sst s2  }
0xb: {  	[smem:$0x3FA9] =	sst s3  }
0xc: {  	[smem:$0x3FAA] =	sst s4  }
0xd: {  	[smem:$0x3FAB] =	sst s5  }
0xe: {  	[smem:$0x3FAC] =	sst s6  }
0xf: {  	[smem:$0x3FAD] =	sst s7  }
0x10: {  	[smem:$0x3FAE] =	sst s8  }
0x11: {  	[smem:$0x3FAF] =	sst s9;
	s0 =	simm.s32 @!p0 $0x0  }
0x12: {  	s1 =	sld [smem:$0x3F95];
	s0 =	simm.s32 @p0 $0x1  }
0x13: {  	[smem:$0x3FB0] =	sst s0;
	s0 =	simm.s32 @!p1 $0x0  }
0x14: {  	s2 =	sld [smem:$0x3F94];
	s0 =	simm.s32 @p1 $0x1  }
0x15: {  	[smem:$0x3FB1] =	sst s0;
	s0 =	simm.s32 @!p2 $0x0  }
0x16: {  	s3 =	sld [smem:$0x3FDB];
	s0 =	simm.s32 @p2 $0x1  }
0x17: {  	s4 =	simm.s32 $0x1BF5;
	[smem:$0x3FB3] =	sst s0  }
0x18: {  	s0 =	sld [smem:$0x3F96];
	_ =	swait.ge [sflag:s4], $0x0  }
0x19: {  	s7 =	sld [smem:$0x3F97]  }
0x1a: {  	s8 =	sadd.s32 $0xFFFFE003, lr  }
0x1b: {  	s9 =	sadd.s32 $0xFFFFFEF7, lr;
	s5 =	simm.s32 $0xFFFFFFFF;
	p2 =	slt.u32 s8, $0xFFFFF086  }
0x1c: {  	p1 =	slt.u32 s9, $0xF7A;
	s5 =	simm.s32 @!p2 $0x0  }
0x1d: {  	s5 =	simm.s32 @p1 $0x1;
	p0 =	seq.s32 s7, s2  }
0x1e: {  	s7 =	smul.u32 @!p0 $0xF7A, s2;
	p2 =	seq.s32 @!p0 s5, $0x0  }
0x1f: {  	s9 =	smul.u32 $0xF7A, s1;
	s8 =	simm.s32 @!p0 $0x1BF5;
	p2 =	por !p2, p0  }
0x20: {  	[sflag:s8] =	ssyncset.s32 @!p0 $0xFFFFF086;
	s6 =	sadd.s32 @!p0 s3, s7;
	s7 =	simm.s32 @!p0 $0x108  }
0x21: {  	s3 =	sadd.s32 s3, s9;
	s6 =	sadd.s32 @!p0 $0x88, s6;
	s7 =	simm.s32 @p2 $0x1082  }
0x22: {  	[simem:s7], [sflag:s8] =	dma.local @!p0 [hbm:s6], $0xF7A  }
0x23: {  	s9 =	sor.u32 $0xD0000000, s2;
	s6 =	simm.s32 $0x108;
	_ =	swait.ge @!p0 [sflag:s8], $0x0  }
0x24: {  	s3 =	sadd.s32 $0x88, s3;
	s6 =	simm.s32 @!p1 $0x1082;
	[sflag:s4] =	ssyncset.s32 $0xFFFFF086  }
0x25: {  	[simem:s6], [sflag:s4] =	dma.local [hbm:s3], $0xF7A  }
0x26: {  	[smem:$0x3F97] =	sst s1;
	(tag) =	ssettag s2;
	_ =	strace s9  }
0x27: {  	s1 =	sld [smem:$0x3FA7]  }
0x28: {  	s2 =	sld [smem:$0x3FA8]  }
0x29: {  	s4 =	sld [smem:$0x3FAA]  }
0x2a: {  	p0 =	seq.s32 s5, $0x0;
	s5 =	sld [smem:$0x3FAB]  }
0x2b: {  	s6 =	sld [smem:$0x3FAC]  }
0x2c: {  	s7 =	sld [smem:$0x3FAD]  }
0x2d: {  	s3 =	simm.s32 $0x108;
	s8 =	sld [smem:$0x3FAE]  }
0x2e: {  	s3 =	simm.s32 @!p0 $0x1082;
	s9 =	sld [smem:$0x3FAF]  }
0x2f: {  	lr =	sadd.s32 s0, s3;
	s0 =	sld [smem:$0x3FA6]  }
0x30: {  	s3 =	sld [smem:$0x3FA9]  }
0x31: {  	[smem:$0x3FB2] =	sst s10  }
0x32: {  	s10 =	sld [smem:$0x3FB0];
	_ =	sdelay $0x3  }
0x33: {  	p0 =	seq.s32 s10, $0x1;
	s10 =	sld [smem:$0x3FB2];
	_ =	sdelay $0x3  }
0x34: {  	[smem:$0x3FB2] =	sst s10  }
0x35: {  	s10 =	sld [smem:$0x3FB1];
	_ =	sdelay $0x3  }
0x36: {  	p1 =	seq.s32 s10, $0x1;
	s10 =	sld [smem:$0x3FB2];
	_ =	sdelay $0x3  }
0x37: {  	[smem:$0x3FB2] =	sst s10  }
0x38: {  	s10 =	sld [smem:$0x3FB3]  }
0x39: {  	_ = 	snop;
	(pc) =	sbr.ind lr, $3  }
0x3a: {  	_ = 	snop  }
0x3b: {  	_ = 	snop  }
0x3c: {  	p2 =	seq.s32 s10, $0x1;
	s10 =	sld [smem:$0x3FB2]  }
0x3d: {  	_ =	shalt  }
0x3e: {  	_ =	shalt  }
0x3f: {  	_ =	shalt  }
0x40: {  	_ =	shalt  }
0x41: {  	_ =	shalt  }
0x42: {  	_ =	shalt  }
0x43: {  	_ =	shalt  }
0x44: {  	_ =	shalt  }
0x45: {  	_ =	shalt  }
0x46: {  	_ =	shalt  }
0x47: {  	_ =	shalt  }
0x48: {  	_ =	shalt  }
0x49: {  	_ =	shalt  }
0x4a: {  	_ =	shalt  }
0x4b: {  	_ =	shalt  }
0x4c: {  	_ =	shalt  }
0x4d: {  	_ =	shalt  }
0x4e: {  	_ =	shalt  }
0x4f: {  	_ =	shalt  }
0x50: {  	_ =	shalt  }
0x51: {  	_ =	shalt  }
0x52: {  	_ =	shalt  }
0x53: {  	_ =	shalt  }
0x54: {  	_ =	shalt  }
0x55: {  	_ =	shalt  }
0x56: {  	_ =	shalt  }
0x57: {  	_ =	shalt  }
0x58: {  	_ =	shalt  }
0x59: {  	_ =	shalt  }
0x5a: {  	_ =	shalt  }
0x5b: {  	_ =	shalt  }
0x5c: {  	_ =	shalt  }
0x5d: {  	_ =	shalt  }
0x5e: {  	_ =	shalt  }
0x5f: {  	_ =	shalt  }
0x60: {  	_ =	shalt  }
0x61: {  	_ =	shalt  }
0x62: {  	_ =	shalt  }
0x63: {  	_ =	shalt  }
0x64: {  	_ =	shalt  }
0x65: {  	_ =	shalt  }
0x66: {  	_ =	shalt  }
0x67: {  	_ =	shalt  }
0x68: {  	_ =	shalt  }
0x69: {  	_ =	shalt  }
0x6a: {  	_ =	shalt  }
0x6b: {  	_ =	shalt  }
0x6c: {  	_ =	shalt  }
0x6d: {  	_ =	shalt  }
0x6e: {  	_ =	shalt  }
0x6f: {  	_ =	shalt  }
0x70: {  	_ =	shalt  }
0x71: {  	_ =	shalt  }
0x72: {  	_ =	shalt  }
0x73: {  	_ =	shalt  }
0x74: {  	_ =	shalt  }
0x75: {  	_ =	shalt  }
0x76: {  	_ =	shalt  }
0x77: {  	_ =	shalt  }
0x78: {  	_ =	shalt  }
0x79: {  	_ =	shalt  }
0x7a: {  	_ =	shalt  }
0x7b: {  	_ =	shalt  }
0x7c: {  	_ =	shalt  }
0x7d: {  	_ =	shalt  }
0x7e: {  	_ =	shalt  }
0x7f: {  	_ =	shalt  }
0x80: {  	_ =	shalt  }
0x81: {  	_ =	shalt  }
0x82: {  	_ =	shalt  }
0x83: {  	_ =	shalt  }
0x84: {  	_ =	shalt  }
0x85: {  	_ =	shalt  }
0x86: {  	_ =	shalt  }
0x87: {  	_ =	shalt  }
.Lfunc_end0:
.L_simem_size_0:
called_computation_lowered:
.L_overlay_start_0:
0x88: {  	s2 =	sld [smem:$0x3FD9]  }
0x89: {  	s3 =	sld [smem:$0x3FFE];
	_ =	sdelay $0x1  }
0x8a: {  	s1 =	srdreg.scid  }
0x8b: {  	s0 =	sand.u32 $0x1, s1  }
0x8c: {  	s17 =	sshll.u32 s0, $0xA;
	s2 =	sadd.s32 s3, s2  }
0x8d: {  	s2 =	sadd.s32 s2, s17  }
0x8e: {  	[smem:$0x3FBE] =	sst s2  }
0x8f: {  	_ = 	snop  }
0x90: {  	s2 =	sld [smem:$0x3FC9]  }
0x91: {  	s18 =	sld [smem:$0x3FC8]  }
0x92: {  	s4 =	sld [smem:$0x3FC7]  }
0x93: {  	s5 =	sld [smem:$0x3FC6]  }
0x94: {  	s6 =	sld [smem:$0x3FC5]  }
0x95: {  	s7 =	sld [smem:$0x3FC4]  }
0x96: {  	s8 =	sld [smem:$0x3FC3]  }
0x97: {  	s9 =	sld [smem:$0x3FC2]  }
0x98: {  	s10 =	sld [smem:$0x3FC1]  }
0x99: {  	s11 =	sld [smem:$0x3FC0];
	(tm) =	ssettm $0x1  }
0x9a: {  	s12 =	sld [smem:$0x3FFB];
	_ =	sdelay $0x3  }
0x9b: {  	_ =	strace s12  }
0x9c: {  	s12 =	sld [smem:$0x3FFC];
	_ =	sdelay $0x3  }
0x9d: {  	_ =	strace s12  }
0x9e: {  	s12 =	sld [smem:$0x3FFD];
	_ =	sdelay $0x3  }
0x9f: {  	_ =	strace s12  }
0xa0: {  	_ =	strace $0x8FFFFFFF  }
0xa1: {  	s19 =	sld [smem:$0x3FDB];
	_ =	sdelay $0x1  }
0xa2: {  	s13 =	simm.s32 $_scs_section_size  }
0xa3: {  	s14 =	simm.s32 $_size__tile_overlayer_lowered;
	s15 =	simm.s32 $_tile_overlayer_lowered  }
0xa4: {  	s22 =	simm.s32 $0x1BFF;
	s21 =	sshll.u32 s15, $0x1;
	s12 =	sadd.s32 s13, s19  }
0xa5: {  	s16 =	simm.s32 $0x0;
	s20 =	sshll.u32 s14, $0x1;
	s14 =	sadd.s32 s21, s12  }
0xa6: {  	[timem:s16], [sflag:s22] =	dma.local [hbm:s14], s20  }
0xa7: {  	_ =	swait.ge [sflag:s22], s20  }
0xa8: {  	s13 =	ssub.s32 $0x0, s20;
	[sflag:s22] =	ssyncset.done $0x0  }
0xa9: {  	[sflag:s22] =	ssyncadd.s32 s13;
	_ =	sdelay $0x1  }
0xaa: {  	s23 =	simm.s32 $0x1B8B  }
0xab: {  	_ =	swait.ge [sflag:s23], $0x1  }
0xac: {  	[sflag:s23] =	ssyncset.done $0x0  }
0xad: {  	s25 =	simm.s32 $0x1B8E;
	s24 =	sld [smem:$0x3FFE];
	[sflag:s23] =	ssyncadd.s32 $0xFFFFFFFF  }
0xae: {  	s26 =	simm.s32 $execute0_lowered;
	[smem:$0x3FD2] =	sst s25  }
0xaf: {  	s14 =	sshll.u32 s26, $0x1;
	_ =	strace $0x80000046;
	[dreg:$0x1] =	wrdreg $0xFFFFFFFF  }
0xb0: {  	s28 =	simm.s32 $_size_execute0_lowered;
	s12 =	sadd.s32 s12, s14;
	[dreg:$0x0] =	wrdreg $0x0  }
0xb1: {  	s14 =	sshll.u32 s28, $0x1;
	[dreg:$0x2] =	wrdreg s12  }
0xb2: {  	[dreg:$0x3] =	wrdreg s14  }
0xb3: {  	[dreg:$0x4] =	wrdreg $0xC0  }
0xb4: {  	_ =	task [dreg:s16], $0x5FFFF  }
0xb5: {  	[dreg:$0x1] =	wrdreg $0xFFFFFFFF  }
0xb6: {  	[dreg:$0x0] =	wrdreg $0x60  }
0xb7: {  	[dreg:$0x2] =	wrdreg s8  }
0xb8: {  	[dreg:$0x3] =	wrdreg s10  }
0xb9: {  	[dreg:$0x4] =	wrdreg s9  }
0xba: {  	[dreg:$0x5] =	wrdreg s11  }
0xbb: {  	[dreg:$0x6] =	wrdreg s2  }
0xbc: {  	[dreg:$0x7] =	wrdreg s18  }
0xbd: {  	[dreg:$0x8] =	wrdreg s4  }
0xbe: {  	[dreg:$0x9] =	wrdreg s5  }
0xbf: {  	[dreg:$0xa] =	wrdreg s6  }
0xc0: {  	[dreg:$0xb] =	wrdreg s7  }
0xc1: {  	[dreg:$0xc] =	wrdreg s24  }
0xc2: {  	[dreg:$0xd] =	wrdreg $0x9  }
0xc3: {  	_ =	task.clear_ibuf [dreg:s16], $0xEFFFF;
	_ =	strace $0x90000046  }
0xc4: {  	s29 =	simm.s32 $0x9;
	_ =	strace $0x80000048  }
0xc5: {  	_ =	swait.ge [sflag:s29], $0x1  }
0xc6: {  	[sflag:s29] =	ssyncadd.s32 $0xFFFFFFFF  }
0xc7: {  	_ =	strace $0x90000048  }
0xc8: {  	_ =	sfence  }
0xc9: {  	s30 =	sld [smem:$0x0];
	_ =	sdelay $0x2  }
0xca: {  	s31 =	sshll.u32 s1, $0xD;
	s1 =	sshrl.u32 s1, $0x2  }
0xcb: {  	s3 =	sand.u32 $0x4000, s31;
	s1 =	sadd.s32 s1, s30  }
0xcc: {  	s0 =	sor.u32 s3, s0;
	s1 =	sshll.u32 s1, $0x11  }
0xcd: {  	s0 =	sor.u32 s1, s0  }
0xce: {  	s0 =	sadd.s32 $0x8F2B, s0  }
0xcf: {  	[sflag:s0] =	ssyncadd.remote.s32 $0x1  }
0xd0: {  	_ =	sfence.sel $0xFFFF  }
0xd1: {  	[dreg:$0x0] =	wrdreg $0xFFFFFFFF;
	(pc) =	sbr.abs _section_cstart, $3  }
0xd2: {  	[dreg:$0x1] =	wrdreg $0xFFFFFFFF  }
0xd3: {  	_ =	task.clear_ibuf [dreg:s16], $0x2FFFF;
	_ =	strace $0x9FFFFFFF  }
0xd4: {  	(tm) =	ssettm $0x7FFFFFFF  }
0xd5: {  	_ =	shalt  }
tec
execute0_lowered:
.L_overlay_start_1:
0x0: {  	(tag) =	ssettag $0x1  }
0x1: {  	s0 =	rddreg [dreg:$0x4]  }
0x2: {  	s1 =	rddreg [dreg:$0x5]  }
0x3: {  	s2 =	rddreg [dreg:$0x6]  }
0x4: {  	s3 =	rddreg [dreg:$0x7]  }
0x5: {  	s4 =	rddreg [dreg:$0x8]  }
0x6: {  	s5 =	rddreg [dreg:$0x9]  }
0x7: {  	s6 =	rddreg [dreg:$0xa];
	s7 =	srdreg.scid  }
0x8: {  	s8 =	stileid.u32;
	s13 =	simm.s32 $0x0;
	s21 =	simm.s32 $0x7400  }
0x9: {  	s16 =	simm.s32 $0x9C00;
	s17 =	simm.s32 $0xA400;
	s20 =	simm.s32 $0xAC00  }
0xa: {  	s18 =	simm.s32 $0xB400;
	s19 =	simm.s32 $0xCC00;
	s15 =	simm.s32 $0xDC00  }
0xb: {  	s22 =	simm.s32 $0x10400;
	s23 =	simm.s32 $0x10C00;
	s24 =	simm.s32 $0x11400  }
0xc: {  	s25 =	simm.s32 $0x11C00;
	s28 =	simm.s32 $0x12C00;
	s29 =	simm.s32 $0x13400  }
0xd: {  	s30 =	simm.s32 $0x13C00;
	s7 =	sand.u32 $0x1, s7;
	s8 =	sshll.u32 s8, $0x1  }
0xe: {  	s31 =	simm.s32 $0x14400;
	s9 =	ssub.s32 $0x2, s7;
	s7 =	sor.u32 s7, s8  }
0xf: {  	s11 =	simm.s32 $0x17400;
	s12 =	simm.s32 $0x17C00;
	s10 =	sshll.u32 s7, $0x6  }
0x10: {  	s14 =	simm.s32 $0x18400;
	[smem:$0x7FF] =	sst s13;
	s0 =	sadd.s32 s0, s10  }
0x11: {  	_ =	strace $0x80000047;
	s1 =	sadd.s32 s1, s10;
	[dreg:$0xc] =	wrdreg s0  }
0x12: {  	s26 =	sshrl.u32 s9, $0x1;
	s2 =	sadd.s32 s2, s10;
	[dreg:$0xd] =	wrdreg s1  }
0x13: {  	s7 =	sshll.u32 s7, $0x4;
	s3 =	sadd.s32 s3, s10;
	[dreg:$0xe] =	wrdreg s2  }
0x14: {  	s8 =	ssub.s32 s9, s26;
	s4 =	sadd.s32 s4, s10;
	[dreg:$0xf] =	wrdreg s3  }
0x15: {  	s5 =	sadd.s32 s5, s10;
	s26 =	simm.s32 $0x12400;
	[dreg:$0x10] =	wrdreg s4  }
0x16: {  	s10 =	simm.s32 $0x0;
	[dreg:$0x11] =	wrdreg s5;
	s0 =	sadd.s32 s6, s7  }
0x17: {  	s9 =	smax.u32 s8, $0x1;
	s3 =	simm.s32 $0xBC00;
	s1 =	simm.s32 $0xFC00  }
0x18: {  	s4 =	simm.s32 $0x14C00;
	s5 =	simm.s32 $0x15400;
	[dreg:$0x14] =	wrdreg s10  }
0x19: {  	v0 =	vlaneseq.u32;
	s7 =	simm.s32 $0x15C00;
	s8 =	simm.s32 $0x16400;
	[dreg:$0x12] =	wrdreg s0  }
0x1a: {  	v1 =	vimm.f32 $0.0e+00;
	v2 =	vmul.u32 $0x80, v0;
	[dreg:$0x13] =	wrdreg s9;
	s0 =	simm.s32 $0x6C00;
	s9 =	simm.s32 $0x16C00  }
.LBB2_1:
0x1b: {  	s10 =	rddreg [dreg:$0xc]  }
0x1c: {  	[tilespmem:s13], [sflag:$0x1] =	stream.linear.gather [hbm4b:s10+s13], $0x200, $0x38;
	[tilespmem:$0x18C80] =	vst v63  }
0x1d: {  	s2 =	rddreg [dreg:$0xd];
	s6 =	simm.s32 $0x200  }
0x1e: {  	[tilespmem:s6], [sflag:$0x1] =	stream.linear.gather [hbm4b:s2+s13], $0x200, $0x38;
	[tilespmem:$0x18C80] =	vst v63  }
0x1f: {  	s6 =	rddreg [dreg:$0xe];
	s2 =	simm.s32 $0x400  }
0x20: {  	[tilespmem:s2], [sflag:$0x1] =	stream.linear.gather [hbm4b:s6+s13], $0x200, $0x38;
	[tilespmem:$0x18C80] =	vst v63  }
0x21: {  	s6 =	rddreg [dreg:$0xf];
	s2 =	simm.s32 $0x600  }
0x22: {  	[tilespmem:s2], [sflag:$0x1] =	stream.linear.gather [hbm4b:s6+s13], $0x200, $0x38;
	[tilespmem:$0x18C80] =	vst v63  }
0x23: {  	s6 =	rddreg [dreg:$0x10];
	s2 =	simm.s32 $0x800  }
0x24: {  	[tilespmem:s2], [sflag:$0x1] =	stream.linear.gather [hbm4b:s6+s13], $0x200, $0x38;
	[tilespmem:$0x18C80] =	vst v63  }
0x25: {  	s6 =	rddreg [dreg:$0x11];
	s2 =	simm.s32 $0xA00  }
0x26: {  	[tilespmem:s2], [sflag:$0x1] =	stream.linear.gather [hbm4b:s6+s13], $0x200, $0x38;
	[tilespmem:$0x18C80] =	vst v63  }
0x27: {  	s6 =	simm.s32 $0x1  }
0x28: {  	_ =	swait.ge [sflag:s6], $0x200  }
0x29: {  	[sflag:s6] =	ssyncset.done $0x0  }
0x2a: {  	[sflag:s6] =	ssyncadd.s32 $0xFFFFFE00  }
0x2b: {  	_ =	swait.ge [sflag:s6], $0x200  }
0x2c: {  	[sflag:s6] =	ssyncset.done $0x0  }
0x2d: {  	[sflag:s6] =	ssyncadd.s32 $0xFFFFFE00  }
0x2e: {  	_ =	swait.ge [sflag:s6], $0x200  }
0x2f: {  	[sflag:s6] =	ssyncset.done $0x0  }
0x30: {  	[sflag:s6] =	ssyncadd.s32 $0xFFFFFE00  }
0x31: {  	_ =	swait.ge [sflag:s6], $0x200  }
0x32: {  	[sflag:s6] =	ssyncset.done $0x0  }
0x33: {  	[sflag:s6] =	ssyncadd.s32 $0xFFFFFE00  }
0x34: {  	_ =	swait.ge [sflag:s6], $0x200  }
0x35: {  	[sflag:s6] =	ssyncset.done $0x0  }
0x36: {  	[sflag:s6] =	ssyncadd.s32 $0xFFFFFE00  }
0x37: {  	_ =	swait.ge [sflag:s6], $0x200  }
0x38: {  	[sflag:s6] =	ssyncset.done $0x0  }
0x39: {  	[sflag:s6] =	ssyncadd.s32 $0xFFFFFE00  }
0x3a: {  	s10 =	simm.s32 $0xC00;
	s2 =	simm.s32 $0x10;
	[tilespmem:$0x18C00] =	vst v1;
	s6 =	rddreg [dreg:$0x0]  }
0x3b: {  	[tilespmem:s10], [sflag:$0x2] =	stream.indirect.gather [hbm4b:s6+s2], $0x80, s13, s2, $0xb8;
	[tilespmem:$0x18C80] =	vst v63  }
0x3c: {  	s10 =	simm.s32 $0x0  }
0x3d: {  	s13 =	rddreg [dreg:$0x1];
	s6 =	simm.s32 $0x1400;
	s2 =	simm.s32 $0x10  }
0x3e: {  	[tilespmem:s6], [sflag:$0x2] =	stream.indirect.gather [hbm4b:s13+s2], $0x80, s10, s2, $0xb8;
	[tilespmem:$0x18C80] =	vst v63  }
0x3f: {  	s10 =	simm.s32 $0x1C00;
	s6 =	simm.s32 $0x200;
	s13 =	rddreg [dreg:$0x0]  }
0x40: {  	[tilespmem:s10], [sflag:$0x2] =	stream.indirect.gather [hbm4b:s13+s2], $0x80, s6, s2, $0xb8;
	[tilespmem:$0x18C80] =	vst v63  }
0x41: {  	s6 =	simm.s32 $0x2400;
	s10 =	simm.s32 $0x200;
	s13 =	rddreg [dreg:$0x1]  }
0x42: {  	[tilespmem:s6], [sflag:$0x2] =	stream.indirect.gather [hbm4b:s13+s2], $0x80, s10, s2, $0xb8;
	[tilespmem:$0x18C80] =	vst v63  }
0x43: {  	s13 =	rddreg [dreg:$0x2];
	s6 =	simm.s32 $0x2C00;
	s10 =	simm.s32 $0x400  }
0x44: {  	[tilespmem:s6], [sflag:$0x2] =	stream.indirect.gather [hbm4b:s13+s2], $0x80, s10, s2, $0xb8;
	[tilespmem:$0x18C80] =	vst v63  }
0x45: {  	s2 =	simm.s32 $0x10  }
0x46: {  	s6 =	simm.s32 $0x3400;
	s10 =	simm.s32 $0x400;
	s13 =	rddreg [dreg:$0x3]  }
0x47: {  	[tilespmem:s6], [sflag:$0x2] =	stream.indirect.gather [hbm4b:s13+s2], $0x80, s10, s2, $0xb8;
	[tilespmem:$0x18C80] =	vst v63  }
0x48: {  	s6 =	simm.s32 $0x3C00  }
0x49: {  	s10 =	simm.s32 $0x600;
	s13 =	simm.s32 $0x10;
	s2 =	rddreg [dreg:$0x0]  }
0x4a: {  	[tilespmem:s6], [sflag:$0x2] =	stream.indirect.gather [hbm4b:s2+s13], $0x80, s10, s13, $0xb8;
	[tilespmem:$0x18C80] =	vst v63  }
0x4b: {  	s6 =	simm.s32 $0x4400  }
0x4c: {  	s10 =	simm.s32 $0x600;
	s2 =	rddreg [dreg:$0x1];
	s13 =	simm.s32 $0x10  }
0x4d: {  	[tilespmem:s6], [sflag:$0x2] =	stream.indirect.gather [hbm4b:s2+s13], $0x80, s10, s13, $0xb8;
	[tilespmem:$0x18C80] =	vst v63  }
0x4e: {  	s6 =	simm.s32 $0x4C00;
	s10 =	simm.s32 $0x800;
	s2 =	rddreg [dreg:$0x0]  }
0x4f: {  	[tilespmem:s6], [sflag:$0x2] =	stream.indirect.gather [hbm4b:s2+s13], $0x80, s10, s13, $0xb8;
	[tilespmem:$0x18C80] =	vst v63  }
0x50: {  	s13 =	simm.s32 $0x10  }
0x51: {  	s6 =	simm.s32 $0x5400;
	s10 =	simm.s32 $0x800;
	s2 =	rddreg [dreg:$0x1]  }
0x52: {  	[tilespmem:s6], [sflag:$0x2] =	stream.indirect.gather [hbm4b:s2+s13], $0x80, s10, s13, $0xb8;
	[tilespmem:$0x18C80] =	vst v63  }
0x53: {  	s10 =	simm.s32 $0xA00  }
0x54: {  	s13 =	rddreg [dreg:$0x2];
	s6 =	simm.s32 $0x10;
	s2 =	simm.s32 $0x5C00  }
0x55: {  	[tilespmem:s2], [sflag:$0x2] =	stream.indirect.gather [hbm4b:s13+s6], $0x80, s10, s6, $0xb8;
	[tilespmem:$0x18C80] =	vst v63  }
0x56: {  	s2 =	simm.s32 $0x10  }
0x57: {  	s6 =	simm.s32 $0x6400;
	s10 =	simm.s32 $0xA00;
	s13 =	rddreg [dreg:$0x3]  }
0x58: {  	[tilespmem:s6], [sflag:$0x2] =	stream.indirect.gather [hbm4b:s13+s2], $0x80, s10, s2, $0xb8;
	[tilespmem:$0x18C80] =	vst v63  }
0x59: {  	s6 =	rddreg [dreg:$0x0];
	s2 =	simm.s32 $0x10  }
0x5a: {  	[tilespmem:s0], [sflag:$0x3] =	stream.indirect.gather [hbm4b:s6+s2], $0x80, s2, s2, $0xb8;
	[tilespmem:$0x18C80] =	vst v63  }
0x5b: {  	s13 =	rddreg [dreg:$0x1]  }
0x5c: {  	[tilespmem:s21], [sflag:$0x3] =	stream.indirect.gather [hbm4b:s13+s2], $0x80, s2, s2, $0xb8;
	[tilespmem:$0x18C80] =	vst v63  }
0x5d: {  	s10 =	simm.s32 $0x7C00;
	s0 =	simm.s32 $0x210;
	s21 =	simm.s32 $0x10  }
0x5e: {  	[tilespmem:s10], [sflag:$0x3] =	stream.indirect.gather [hbm4b:s6+s21], $0x80, s0, s21, $0xb8;
	[tilespmem:$0x18C80] =	vst v63  }
0x5f: {  	s6 =	simm.s32 $0x8400  }
0x60: {  	[tilespmem:s6], [sflag:$0x3] =	stream.indirect.gather [hbm4b:s13+s21], $0x80, s0, s21, $0xb8;
	[tilespmem:$0x18C80] =	vst v63  }
0x61: {  	s2 =	rddreg [dreg:$0x2];
	s10 =	simm.s32 $0x8C00;
	s0 =	simm.s32 $0x410  }
0x62: {  	[tilespmem:s10], [sflag:$0x3] =	stream.indirect.gather [hbm4b:s2+s21], $0x80, s0, s21, $0xb8;
	[tilespmem:$0x18C80] =	vst v63  }
0x63: {  	s6 =	simm.s32 $0x9400;
	s10 =	rddreg [dreg:$0x3]  }
0x64: {  	[tilespmem:s6], [sflag:$0x3] =	stream.indirect.gather [hbm4b:s10+s21], $0x80, s0, s21, $0xb8;
	[tilespmem:$0x18C80] =	vst v63  }
0x65: {  	s0 =	simm.s32 $0x610;
	s6 =	rddreg [dreg:$0x0]  }
0x66: {  	[tilespmem:s16], [sflag:$0x3] =	stream.indirect.gather [hbm4b:s6+s21], $0x80, s0, s21, $0xb8;
	[tilespmem:$0x18C80] =	vst v63  }
0x67: {  	_ = 	snop  }
0x68: {  	[tilespmem:s17], [sflag:$0x3] =	stream.indirect.gather [hbm4b:s13+s21], $0x80, s0, s21, $0xb8;
	[tilespmem:$0x18C80] =	vst v63  }
0x69: {  	s17 =	simm.s32 $0x810  }
0x6a: {  	[tilespmem:s20], [sflag:$0x3] =	stream.indirect.gather [hbm4b:s6+s21], $0x80, s17, s21, $0xb8;
	[tilespmem:$0x18C80] =	vst v63  }
0x6b: {  	_ = 	snop  }
0x6c: {  	[tilespmem:s18], [sflag:$0x3] =	stream.indirect.gather [hbm4b:s13+s21], $0x80, s17, s21, $0xb8;
	[tilespmem:$0x18C80] =	vst v63  }
0x6d: {  	s20 =	simm.s32 $0xA10  }
0x6e: {  	[tilespmem:s3], [sflag:$0x3] =	stream.indirect.gather [hbm4b:s2+s21], $0x80, s20, s21, $0xb8;
	[tilespmem:$0x18C80] =	vst v63  }
0x6f: {  	s16 =	simm.s32 $0xC400  }
0x70: {  	[tilespmem:s16], [sflag:$0x3] =	stream.indirect.gather [hbm4b:s10+s21], $0x80, s20, s21, $0xb8;
	[tilespmem:$0x18C80] =	vst v63  }
0x71: {  	s17 =	simm.s32 $0x20  }
0x72: {  	[tilespmem:s19], [sflag:$0x4] =	stream.indirect.gather [hbm4b:s6+s21], $0x80, s17, s21, $0xb8;
	[tilespmem:$0x18C80] =	vst v63  }
0x73: {  	s18 =	simm.s32 $0xD400  }
0x74: {  	[tilespmem:s18], [sflag:$0x4] =	stream.indirect.gather [hbm4b:s13+s21], $0x80, s17, s21, $0xb8;
	[tilespmem:$0x18C80] =	vst v63  }
0x75: {  	s19 =	simm.s32 $0x220  }
0x76: {  	[tilespmem:s15], [sflag:$0x4] =	stream.indirect.gather [hbm4b:s6+s21], $0x80, s19, s21, $0xb8;
	[tilespmem:$0x18C80] =	vst v63  }
0x77: {  	s20 =	simm.s32 $0xE400  }
0x78: {  	[tilespmem:s20], [sflag:$0x4] =	stream.indirect.gather [hbm4b:s13+s21], $0x80, s19, s21, $0xb8;
	[tilespmem:$0x18C80] =	vst v63  }
0x79: {  	s3 =	smov.u32 s2;
	s16 =	simm.s32 $0xEC00;
	s15 =	simm.s32 $0x420  }
0x7a: {  	[tilespmem:s16], [sflag:$0x4] =	stream.indirect.gather [hbm4b:s3+s21], $0x80, s15, s21, $0xb8;
	[tilespmem:$0x18C80] =	vst v63  }
0x7b: {  	s17 =	simm.s32 $0xF400  }
0x7c: {  	[tilespmem:s17], [sflag:$0x4] =	stream.indirect.gather [hbm4b:s10+s21], $0x80, s15, s21, $0xb8;
	[tilespmem:$0x18C80] =	vst v63  }
0x7d: {  	s18 =	simm.s32 $0x620  }
0x7e: {  	[tilespmem:s1], [sflag:$0x4] =	stream.indirect.gather [hbm4b:s6+s21], $0x80, s18, s21, $0xb8;
	[tilespmem:$0x18C80] =	vst v63  }
0x7f: {  	_ = 	snop  }
0x80: {  	[tilespmem:s22], [sflag:$0x4] =	stream.indirect.gather [hbm4b:s13+s21], $0x80, s18, s21, $0xb8;
	[tilespmem:$0x18C80] =	vst v63  }
0x81: {  	s19 =	simm.s32 $0x820  }
0x82: {  	[tilespmem:s23], [sflag:$0x4] =	stream.indirect.gather [hbm4b:s6+s21], $0x80, s19, s21, $0xb8;
	[tilespmem:$0x18C80] =	vst v63  }
0x83: {  	_ = 	snop  }
0x84: {  	[tilespmem:s24], [sflag:$0x4] =	stream.indirect.gather [hbm4b:s13+s21], $0x80, s19, s21, $0xb8;
	[tilespmem:$0x18C80] =	vst v63  }
0x85: {  	s20 =	simm.s32 $0xA20  }
0x86: {  	[tilespmem:s25], [sflag:$0x4] =	stream.indirect.gather [hbm4b:s3+s21], $0x80, s20, s21, $0xb8;
	[tilespmem:$0x18C80] =	vst v63  }
0x87: {  	s6 =	simm.s32 $0x0  }
0x88: {  	[tilespmem:s26], [sflag:$0x4] =	stream.indirect.gather [hbm4b:s10+s21], $0x80, s20, s21, $0xb8;
	[tilespmem:$0x18C80] =	vst v63  }
.LBB2_2:
0x89: {  	[dreg:$0x15] =	wrdreg s6;
	s0 =	sshll.u32 s6, $0x6  }
0x8a: {  	s2 =	rddreg [dreg:$0x0];
	s10 =	simm.s32 $0x10;
	s6 =	sor.u32 $0x30, s0  }
0x8b: {  	[tilespmem:s28], [sflag:$0x5] =	stream.indirect.gather [hbm4b:s2+s10], $0x80, s6, s10, $0xb8;
	[tilespmem:$0x18C80] =	vst v63  }
0x8c: {  	s3 =	rddreg [dreg:$0x1]  }
0x8d: {  	[tilespmem:s29], [sflag:$0x5] =	stream.indirect.gather [hbm4b:s3+s10], $0x80, s6, s10, $0xb8;
	[tilespmem:$0x18C80] =	vst v63  }
0x8e: {  	s13 =	sadd.s32 $0x230, s0  }
0x8f: {  	[tilespmem:s30], [sflag:$0x5] =	stream.indirect.gather [hbm4b:s2+s10], $0x80, s13, s10, $0xb8;
	[tilespmem:$0x18C80] =	vst v63  }
0x90: {  	_ = 	snop  }
0x91: {  	[tilespmem:s31], [sflag:$0x5] =	stream.indirect.gather [hbm4b:s3+s10], $0x80, s13, s10, $0xb8;
	[tilespmem:$0x18C80] =	vst v63  }
0x92: {  	s19 =	rddreg [dreg:$0x2];
	s16 =	sadd.s32 $0x430, s0  }
0x93: {  	[tilespmem:s4], [sflag:$0x5] =	stream.indirect.gather [hbm4b:s19+s10], $0x80, s16, s10, $0xb8;
	[tilespmem:$0x18C80] =	vst v63  }
0x94: {  	s15 =	rddreg [dreg:$0x3]  }
0x95: {  	[tilespmem:s5], [sflag:$0x5] =	stream.indirect.gather [hbm4b:s15+s10], $0x80, s16, s10, $0xb8;
	[tilespmem:$0x18C80] =	vst v63  }
0x96: {  	s20 =	sadd.s32 $0x630, s0  }
0x97: {  	[tilespmem:s7], [sflag:$0x5] =	stream.indirect.gather [hbm4b:s2+s10], $0x80, s20, s10, $0xb8;
	[tilespmem:$0x18C80] =	vst v63  }
0x98: {  	_ = 	snop  }
0x99: {  	[tilespmem:s8], [sflag:$0x5] =	stream.indirect.gather [hbm4b:s3+s10], $0x80, s20, s10, $0xb8;
	[tilespmem:$0x18C80] =	vst v63  }
0x9a: {  	s21 =	sadd.s32 $0x830, s0  }
0x9b: {  	[tilespmem:s9], [sflag:$0x5] =	stream.indirect.gather [hbm4b:s2+s10], $0x80, s21, s10, $0xb8;
	[tilespmem:$0x18C80] =	vst v63  }
0x9c: {  	_ = 	snop  }
0x9d: {  	[tilespmem:s11], [sflag:$0x5] =	stream.indirect.gather [hbm4b:s3+s10], $0x80, s21, s10, $0xb8;
	[tilespmem:$0x18C80] =	vst v63  }
0x9e: {  	s2 =	sadd.s32 $0xA30, s0  }
0x9f: {  	[tilespmem:s12], [sflag:$0x5] =	stream.indirect.gather [hbm4b:s19+s10], $0x80, s2, s10, $0xb8;
	[tilespmem:$0x18C80] =	vst v63  }
0xa0: {  	[dreg:$0x16] =	wrdreg s0;
	s3 =	simm.s32 $0x2  }
0xa1: {  	[tilespmem:s14], [sflag:$0x5] =	stream.indirect.gather [hbm4b:s15+s10], $0x80, s2, s10, $0xb8;
	[tilespmem:$0x18C80] =	vst v63  }
0xa2: {  	_ =	swait.ge [sflag:s3], $0x800  }
0xa3: {  	[sflag:s3] =	ssyncset.done $0x0  }
0xa4: {  	[sflag:s3] =	ssyncadd.s32 $0xFFFFF800  }
0xa5: {  	_ =	swait.ge [sflag:s3], $0x800  }
0xa6: {  	[sflag:s3] =	ssyncset.done $0x0  }
0xa7: {  	[sflag:s3] =	ssyncadd.s32 $0xFFFFF800  }
0xa8: {  	_ =	swait.ge [sflag:s3], $0x800  }
0xa9: {  	[sflag:s3] =	ssyncset.done $0x0  }
0xaa: {  	[sflag:s3] =	ssyncadd.s32 $0xFFFFF800  }
0xab: {  	_ =	swait.ge [sflag:s3], $0x800  }
0xac: {  	[sflag:s3] =	ssyncset.done $0x0  }
0xad: {  	[sflag:s3] =	ssyncadd.s32 $0xFFFFF800  }
0xae: {  	_ =	swait.ge [sflag:s3], $0x800  }
0xaf: {  	[sflag:s3] =	ssyncset.done $0x0  }
0xb0: {  	[sflag:s3] =	ssyncadd.s32 $0xFFFFF800  }
0xb1: {  	_ =	swait.ge [sflag:s3], $0x800  }
0xb2: {  	[sflag:s3] =	ssyncset.done $0x0  }
0xb3: {  	[sflag:s3] =	ssyncadd.s32 $0xFFFFF800  }
0xb4: {  	_ =	swait.ge [sflag:s3], $0x800  }
0xb5: {  	[sflag:s3] =	ssyncset.done $0x0  }
0xb6: {  	[sflag:s3] =	ssyncadd.s32 $0xFFFFF800  }
0xb7: {  	_ =	swait.ge [sflag:s3], $0x800  }
0xb8: {  	[sflag:s3] =	ssyncset.done $0x0  }
0xb9: {  	[sflag:s3] =	ssyncadd.s32 $0xFFFFF800  }
0xba: {  	_ =	swait.ge [sflag:s3], $0x800  }
0xbb: {  	[sflag:s3] =	ssyncset.done $0x0  }
0xbc: {  	[sflag:s3] =	ssyncadd.s32 $0xFFFFF800  }
0xbd: {  	_ =	swait.ge [sflag:s3], $0x800  }
0xbe: {  	s6 =	simm.s32 $0x0;
	[sflag:s3] =	ssyncset.done $0x0  }
0xbf: {  	v3 =	vadd.s32 s6, v0;
	[sflag:s3] =	ssyncadd.s32 $0xFFFFF800  }
0xc0: {  	v3 =	vand.u32 $0x7F, v3;
	_ =	swait.ge [sflag:s3], $0x800  }
0xc1: {  	v4 =	vor.u32 v2, v3;
	[sflag:s3] =	ssyncset.done $0x0  }
0xc2: {  	[sflag:s3] =	ssyncadd.s32 $0xFFFFF800  }
0xc3: {  	_ =	swait.ge [sflag:s3], $0x800  }
0xc4: {  	[sflag:s3] =	ssyncset.done $0x0  }
0xc5: {  	s13 =	simm.s32 $0x3400;
	[sflag:s3] =	ssyncadd.s32 $0xFFFFF800  }
0xc6: {  	s15 =	simm.s32 $0x6400;
	v19 =	vld.idx.msk [tilespmem:v4+s13+$0x0], $0xffff  }
0xc7: {  	s16 =	simm.s32 $0x2400;
	v3 =	vld.idx.msk [tilespmem:v4+s15+$0x0], $0xffff  }
0xc8: {  	s17 =	simm.s32 $0x2C00;
	v15 =	vld.idx.msk [tilespmem:v4+s16+$0x0], $0xffff  }
0xc9: {  	s19 =	simm.s32 $0x5400;
	v17 =	vld.idx.msk [tilespmem:v4+s17+$0x0], $0xffff  }
0xca: {  	s18 =	simm.s32 $0x1;
	s20 =	simm.s32 $0x5C00;
	v20 =	vld.idx.msk [tilespmem:v4+s19+$0x0], $0xffff  }
0xcb: {  	v5 =	vadd.s32 s18, v0;
	s21 =	simm.s32 $0x1400;
	v12 =	vld.idx.msk [tilespmem:v4+s20+$0x0], $0xffff  }
0xcc: {  	v5 =	vand.u32 $0x7F, v5;
	s6 =	simm.s32 $0x3C00;
	v22 =	vld.idx.msk [tilespmem:v4+s21+$0x0], $0xffff  }
0xcd: {  	v11 =	vor.u32 v2, v5;
	s2 =	simm.s32 $0x4C00;
	v23 =	vld.idx.msk [tilespmem:v4+s6+$0x0], $0xffff  }
0xce: {  	s15 =	simm.s32 $0xC00;
	v26 =	vld.idx.msk [tilespmem:v4+s2+$0x0], $0xffff  }
0xcf: {  	s16 =	simm.s32 $0x1C00;
	v21 =	vld.idx.msk [tilespmem:v4+s15+$0x0], $0xffff  }
0xd0: {  	s20 =	simm.s32 $0x4400;
	v24 =	vld.idx.msk [tilespmem:v4+s16+$0x0], $0xffff  }
0xd1: {  	v8 =	vimm.f32 $0.0e+00;
	v10 =	vimm.f32 $0.0e+00;
	s18 =	simm.s32 $0x2C00;
	v25 =	vld.idx.msk [tilespmem:v4+s20+$0x0], $0xffff  }
0xd2: {  	v7 =	vimm.f32 $0.0e+00;
	v6 =	vimm.f32 $0.0e+00;
	v14 =	vimm.f32 $0.0e+00;
	s0 =	simm.s32 $0x6400;
	s10 =	simm.s32 $0x2;
	s3 =	simm.s32 $0x5400;
	v13 =	vld.idx.msk [tilespmem:v11+s15+$0x0], $0xffff  }
0xd3: {  	v16 =	vimm.f32 $0.0e+00;
	v5 =	vimm.f32 $0.0e+00;
	s19 =	simm.s32 $0x3400;
	s17 =	simm.s32 $0x2400;
	s21 =	simm.s32 $0x5C00;
	v27 =	vld.idx.msk [tilespmem:v11+s16+$0x0], $0xffff;
	v4 =	vimm.f32 $0.0e+00;
	v18 =	vmovc v19;
	v9 =	vmovc v3  }
.LBB2_3:
0xd4: {  	v28 =	vadd.s32 s10, v0;
	p0 =	sne.s32 s10, $0x7E;
	v29 =	vld.idx.msk [tilespmem:v11+s17+$0x0], $0xffff  }
0xd5: {  	s13 =	sadd.s32 $0x1, s10;
	v28 =	vand.u32 $0x7F, v28;
	v30 =	vld.idx.msk [tilespmem:v11+s18+$0x0], $0xffff  }
0xd6: {  	v31 =	vadd.s32 s13, v0;
	s13 =	simm.s32 $0x1400;
	v28 =	vor.u32 v2, v28;
	v32 =	vld.idx.msk [tilespmem:v11+s6+$0x0], $0xffff  }
0xd7: {  	v31 =	vand.u32 $0x7F, v31;
	v33 =	vld.idx.msk [tilespmem:v11+s2+$0x0], $0xffff  }
0xd8: {  	v34 =	vsub.f32 v21, v24;
	v35 =	vmul.f32 v18, v19;
	v36 =	vmul.f32 v9, v3;
	v37 =	vld.idx.msk [tilespmem:v11+s19+$0x0], $0xffff  }
0xd9: {  	v24 =	vmul.f32 v15, v24;
	v38 =	vmul.f32 v20, v26;
	v9 =	vsub.f32 v13, v27;
	v20 =	vld.idx.msk [tilespmem:v11+s21+$0x0], $0xffff  }
0xda: {  	v21 =	vmul.f32 v22, v21;
	v22 =	vmul.f32 v25, v23;
	v15 =	vadd.f32 v17, v34;
	v25 =	vld.idx.msk [tilespmem:v11+s0+$0x0], $0xffff  }
0xdb: {  	v17 =	vsub.f32 v23, v26;
	v26 =	vmul.f32 v29, v27;
	v23 =	vadd.f32 v30, v9;
	v18 =	vld.idx.msk [tilespmem:v28+s19+$0x0], $0xffff  }
0xdc: {  	v27 =	vor.u32 v2, v31;
	v29 =	vmul.f32 v15, v15;
	v15 =	vmul.f32 v19, v15;
	v19 =	vld.idx.msk [tilespmem:v11+s13+$0x0], $0xffff  }
0xdd: {  	v30 =	vadd.f32 v12, v17;
	v12 =	vmul.f32 v23, v23;
	v17 =	vsub.f32 v32, v33;
	v9 =	vld.idx.msk [tilespmem:v28+s0+$0x0], $0xffff  }
0xde: {  	v8 =	vadd.f32 v29, v8;
	v10 =	vadd.f32 v15, v10;
	v23 =	vmul.f32 v37, v23;
	v29 =	vld.idx.msk [tilespmem:v11+s20+$0x0], $0xffff  }
0xdf: {  	v31 =	vmul.f32 v30, v30;
	v34 =	vmul.f32 v37, v37;
	v37 =	vadd.f32 v20, v17;
	v15 =	vld.idx.msk [tilespmem:v28+s17+$0x0], $0xffff  }
0xe0: {  	v8 =	vadd.f32 v12, v8;
	v10 =	vadd.f32 v23, v10;
	v39 =	vmul.f32 v25, v25;
	v11 =	vld.idx.msk [tilespmem:v11+s3+$0x0], $0xffff  }
0xe1: {  	v7 =	vadd.f32 v35, v7;
	v6 =	vadd.f32 v31, v6;
	v23 =	vmul.f32 v37, v37;
	v17 =	vld.idx.msk [tilespmem:v28+s18+$0x0], $0xffff  }
0xe2: {  	v14 =	vadd.f32 v21, v14;
	v16 =	vadd.f32 v22, v16;
	v13 =	vmul.f32 v19, v13;
	v20 =	vld.idx.msk [tilespmem:v28+s3+$0x0], $0xffff  }
0xe3: {  	v3 =	vmul.f32 v3, v30;
	v7 =	vadd.f32 v34, v7;
	v6 =	vadd.f32 v23, v6;
	v12 =	vld.idx.msk [tilespmem:v28+s21+$0x0], $0xffff  }
0xe4: {  	v14 =	vsub.f32 v14, v24;
	v16 =	vsub.f32 v16, v38;
	v30 =	vmul.f32 v29, v32;
	v21 =	vld.idx.msk [tilespmem:v28+s15+$0x0], $0xffff  }
0xe5: {  	v4 =	vadd.f32 v36, v4;
	v31 =	vadd.f32 v3, v5;
	v5 =	vmul.f32 v25, v37;
	v22 =	vld.idx.msk [tilespmem:v28+s13+$0x0], $0xffff  }
0xe6: {  	v13 =	vadd.f32 v13, v14;
	v16 =	vadd.f32 v30, v16;
	v29 =	vmul.f32 v11, v33;
	v24 =	vld.idx.msk [tilespmem:v28+s16+$0x0], $0xffff  }
.Ltmp0:
0xe7: {  	v4 =	vadd.f32 v39, v4;
	v19 =	vmovc v18;
	v5 =	vadd.f32 v5, v31;
	v11 =	vmov v27;
	v23 =	vld.idx.msk [tilespmem:v28+s6+$0x0], $0xffff;
	(pc) =	sbr.rel @p0 .LBB2_3-.Ltmp0, $4  }
0xe8: {  	v3 =	vmov v9;
	v14 =	vsub.f32 v13, v26;
	v16 =	vsub.f32 v16, v29;
	v25 =	vld.idx.msk [tilespmem:v28+s20+$0x0], $0xffff  }
0xe9: {  	v26 =	vld.idx.msk [tilespmem:v28+s2+$0x0], $0xffff  }
0xea: {  	v13 =	vld.idx.msk [tilespmem:v27+s15+$0x0], $0xffff  }
0xeb: {  	s10 =	sadd.s32 $0x2, s10;
	v27 =	vld.idx.msk [tilespmem:v27+s16+$0x0], $0xffff  }
0xec: {  	_ =	sdelay $0x3  }
0xed: {  	v28 =	vld.idx.msk [tilespmem:v11+s17+$0x0], $0xffff  }
0xee: {  	v29 =	vld.idx.msk [tilespmem:v11+s18+$0x0], $0xffff;
	v32 =	vsub.f32 v21, v24  }
0xef: {  	v30 =	vld.idx.msk [tilespmem:v11+s6+$0x0], $0xffff;
	v21 =	vmul.f32 v22, v21  }
0xf0: {  	v31 =	vld.idx.msk [tilespmem:v11+s2+$0x0], $0xffff;
	v18 =	vmul.f32 v18, v19;
	v15 =	vmul.f32 v15, v24;
	v17 =	vadd.f32 v17, v32  }
0xf1: {  	v33 =	vld.idx.msk [tilespmem:v11+s19+$0x0], $0xffff;
	v22 =	vmul.f32 v25, v23;
	v23 =	vsub.f32 v23, v26;
	v14 =	vadd.f32 v21, v14  }
0xf2: {  	v34 =	vld.idx.msk [tilespmem:v11+s21+$0x0], $0xffff;
	v20 =	vmul.f32 v20, v26;
	v7 =	vadd.f32 v18, v7;
	v24 =	vsub.f32 v13, v27  }
0xf3: {  	v16 =	vadd.f32 v22, v16;
	v25 =	vmul.f32 v17, v17;
	v17 =	vmul.f32 v19, v17;
	v19 =	vld.idx.msk [tilespmem:v11+s13+$0x0], $0xffff  }
0xf4: {  	v12 =	vadd.f32 v12, v23;
	v26 =	vmul.f32 v28, v27;
	v27 =	vld.idx.msk [tilespmem:v11+s20+$0x0], $0xffff;
	v24 =	vadd.f32 v29, v24  }
0xf5: {  	v14 =	vsub.f32 v14, v15;
	v23 =	vsub.f32 v30, v31  }
0xf6: {  	v10 =	vadd.f32 v17, v10;
	v28 =	vmul.f32 v24, v24;
	v17 =	vmul.f32 v33, v24;
	v24 =	vld.idx.msk [tilespmem:v11+s3+$0x0], $0xffff  }
0xf7: {  	v15 =	vsub.f32 v16, v20;
	v21 =	vmul.f32 v12, v12;
	v12 =	vmul.f32 v3, v12  }
0xf8: {  	v8 =	vadd.f32 v25, v8;
	v3 =	vmul.f32 v9, v3;
	v11 =	vld.idx.msk [tilespmem:v11+s0+$0x0], $0xffff;
	v13 =	vmul.f32 v19, v13  }
0xf9: {  	v23 =	vadd.f32 v34, v23;
	v6 =	vadd.f32 v21, v6;
	v16 =	vmul.f32 v27, v30  }
0xfa: {  	v5 =	vadd.f32 v12, v5;
	v13 =	vadd.f32 v13, v14  }
0xfb: {  	v3 =	vadd.f32 v3, v4;
	v14 =	vadd.f32 v16, v15;
	v15 =	vmul.f32 v24, v31  }
0xfc: {  	v10 =	vadd.f32 v17, v10;
	v17 =	vmul.f32 v33, v33;
	v9 =	vsub.f32 v13, v26  }
0xfd: {  	v8 =	vadd.f32 v28, v8;
	v12 =	vmul.f32 v11, v23;
	v13 =	vsub.f32 v14, v15  }
0xfe: {  	v7 =	vadd.f32 v17, v7;
	v11 =	vmul.f32 v11, v11;
	v4 =	vadd.f32 v9, v9  }
0xff: {  	v14 =	vmul.f32 v23, v23;
	v5 =	vadd.f32 v12, v5;
	v12 =	vadd.f32 v13, v13  }
0x100: {  	v9 =	vmul.f32 v9, v9;
	v3 =	vadd.f32 v11, v3;
	v4 =	vmul.f32 v10, v4  }
0x101: {  	v6 =	vadd.f32 v14, v6;
	v10 =	vmul.f32 v13, v13;
	v5 =	vmul.f32 v5, v12  }
0x102: {  	v7 =	vmul.f32 v7, v9  }
0x103: {  	v4 =	vadd.f32 v4, v8;
	v3 =	vmul.f32 v3, v10;
	v5 =	vadd.f32 v5, v6;
	_ =	sdelay $0x1  }
0x104: {  	v4 =	vadd.f32 v7, v4;
	v3 =	vadd.f32 v3, v5;
	_ =	sdelay $0x1  }
0x105: {  	v3 =	vsub.f32 v3, v4;
	v4 =	vld [tilespmem:$0x18C00];
	_ =	sdelay $0x1  }
0x106: {  	v3 =	vadd.f32 $1.000000000e+00, v3;
	_ =	sdelay $0x1  }
0x107: {  	s17 =	rddreg [dreg:$0x15];
	v3 =	vmax.f32 v3, $0.0e+00  }
0x108: {  	p0 =	seq.s32 s17, $0x7;
	v3 =	vadd.f32 v4, v3  }
0x109: {  	s2 =	simm.s32 @!p0 $0x10;
	s0 =	rddreg [dreg:$0x16]  }
0x10a: {  	s10 =	simm.s32 @!p0 $0xC00;
	s3 =	rddreg [dreg:$0x0];
	s15 =	sadd.s32 @!p0 $0x40, s0;
	[tilespmem:$0x18C00] =	vst v3  }
0x10b: {  	[tilespmem:s10], [sflag:$0x2] =	stream.indirect.gather @!p0 [hbm4b:s3+s2], $0x80, s15, s2, $0xb8;
	[tilespmem:$0x18C80] =	vst v63  }
0x10c: {  	s6 =	rddreg [dreg:$0x1];
	s10 =	simm.s32 @!p0 $0x1400  }
0x10d: {  	[tilespmem:s10], [sflag:$0x2] =	stream.indirect.gather @!p0 [hbm4b:s6+s2], $0x80, s15, s2, $0xb8;
	[tilespmem:$0x18C80] =	vst v63  }
0x10e: {  	s13 =	sadd.s32 @!p0 $0x240, s0;
	s10 =	simm.s32 @!p0 $0x1C00  }
0x10f: {  	[tilespmem:s10], [sflag:$0x2] =	stream.indirect.gather @!p0 [hbm4b:s3+s2], $0x80, s13, s2, $0xb8;
	[tilespmem:$0x18C80] =	vst v63  }
0x110: {  	s10 =	simm.s32 @!p0 $0x2400  }
0x111: {  	[tilespmem:s10], [sflag:$0x2] =	stream.indirect.gather @!p0 [hbm4b:s6+s2], $0x80, s13, s2, $0xb8;
	[tilespmem:$0x18C80] =	vst v63  }
0x112: {  	s16 =	sadd.s32 @!p0 $0x440, s0;
	s15 =	rddreg [dreg:$0x2];
	s10 =	simm.s32 @!p0 $0x2C00  }
0x113: {  	[tilespmem:s10], [sflag:$0x2] =	stream.indirect.gather @!p0 [hbm4b:s15+s2], $0x80, s16, s2, $0xb8;
	[tilespmem:$0x18C80] =	vst v63  }
0x114: {  	s13 =	rddreg [dreg:$0x3];
	s10 =	simm.s32 @!p0 $0x3400  }
0x115: {  	[tilespmem:s10], [sflag:$0x2] =	stream.indirect.gather @!p0 [hbm4b:s13+s2], $0x80, s16, s2, $0xb8;
	[tilespmem:$0x18C80] =	vst v63  }
0x116: {  	s16 =	sadd.s32 @!p0 $0x640, s0;
	s10 =	simm.s32 @!p0 $0x3C00  }
0x117: {  	[tilespmem:s10], [sflag:$0x2] =	stream.indirect.gather @!p0 [hbm4b:s3+s2], $0x80, s16, s2, $0xb8;
	[tilespmem:$0x18C80] =	vst v63  }
0x118: {  	s10 =	simm.s32 @!p0 $0x4400  }
0x119: {  	[tilespmem:s10], [sflag:$0x2] =	stream.indirect.gather @!p0 [hbm4b:s6+s2], $0x80, s16, s2, $0xb8;
	[tilespmem:$0x18C80] =	vst v63  }
0x11a: {  	s16 =	sadd.s32 @!p0 $0x840, s0;
	s10 =	simm.s32 @!p0 $0x4C00  }
0x11b: {  	[tilespmem:s10], [sflag:$0x2] =	stream.indirect.gather @!p0 [hbm4b:s3+s2], $0x80, s16, s2, $0xb8;
	[tilespmem:$0x18C80] =	vst v63  }
0x11c: {  	s10 =	simm.s32 @!p0 $0x5400  }
0x11d: {  	[tilespmem:s10], [sflag:$0x2] =	stream.indirect.gather @!p0 [hbm4b:s6+s2], $0x80, s16, s2, $0xb8;
	[tilespmem:$0x18C80] =	vst v63  }
0x11e: {  	s0 =	sadd.s32 @!p0 $0xA40, s0;
	s10 =	simm.s32 @!p0 $0x5C00  }
0x11f: {  	[tilespmem:s10], [sflag:$0x2] =	stream.indirect.gather @!p0 [hbm4b:s15+s2], $0x80, s0, s2, $0xb8;
	[tilespmem:$0x18C80] =	vst v63  }
0x120: {  	s18 =	simm.s32 $0x3;
	s10 =	simm.s32 @!p0 $0x6400  }
0x121: {  	[tilespmem:s10], [sflag:$0x2] =	stream.indirect.gather @!p0 [hbm4b:s13+s2], $0x80, s0, s2, $0xb8;
	[tilespmem:$0x18C80] =	vst v63  }
0x122: {  	_ =	swait.ge [sflag:s18], $0x800  }
0x123: {  	[sflag:s18] =	ssyncset.done $0x0  }
0x124: {  	[sflag:s18] =	ssyncadd.s32 $0xFFFFF800  }
0x125: {  	_ =	swait.ge [sflag:s18], $0x800  }
0x126: {  	[sflag:s18] =	ssyncset.done $0x0  }
0x127: {  	[sflag:s18] =	ssyncadd.s32 $0xFFFFF800  }
0x128: {  	_ =	swait.ge [sflag:s18], $0x800  }
0x129: {  	[sflag:s18] =	ssyncset.done $0x0  }
0x12a: {  	[sflag:s18] =	ssyncadd.s32 $0xFFFFF800  }
0x12b: {  	_ =	swait.ge [sflag:s18], $0x800  }
0x12c: {  	[sflag:s18] =	ssyncset.done $0x0  }
0x12d: {  	[sflag:s18] =	ssyncadd.s32 $0xFFFFF800  }
0x12e: {  	_ =	swait.ge [sflag:s18], $0x800  }
0x12f: {  	[sflag:s18] =	ssyncset.done $0x0  }
0x130: {  	[sflag:s18] =	ssyncadd.s32 $0xFFFFF800  }
0x131: {  	_ =	swait.ge [sflag:s18], $0x800  }
0x132: {  	[sflag:s18] =	ssyncset.done $0x0  }
0x133: {  	[sflag:s18] =	ssyncadd.s32 $0xFFFFF800  }
0x134: {  	_ =	swait.ge [sflag:s18], $0x800  }
0x135: {  	[sflag:s18] =	ssyncset.done $0x0  }
0x136: {  	[sflag:s18] =	ssyncadd.s32 $0xFFFFF800  }
0x137: {  	_ =	swait.ge [sflag:s18], $0x800  }
0x138: {  	[sflag:s18] =	ssyncset.done $0x0  }
0x139: {  	[sflag:s18] =	ssyncadd.s32 $0xFFFFF800  }
0x13a: {  	_ =	swait.ge [sflag:s18], $0x800  }
0x13b: {  	[sflag:s18] =	ssyncset.done $0x0  }
0x13c: {  	[sflag:s18] =	ssyncadd.s32 $0xFFFFF800  }
0x13d: {  	_ =	swait.ge [sflag:s18], $0x800  }
0x13e: {  	s19 =	simm.s32 $0x0;
	[sflag:s18] =	ssyncset.done $0x0  }
0x13f: {  	v3 =	vadd.s32 s19, v0;
	[sflag:s18] =	ssyncadd.s32 $0xFFFFF800  }
0x140: {  	v3 =	vand.u32 $0x7F, v3;
	_ =	swait.ge [sflag:s18], $0x800  }
0x141: {  	v4 =	vor.u32 v2, v3;
	[sflag:s18] =	ssyncset.done $0x0  }
0x142: {  	[sflag:s18] =	ssyncadd.s32 $0xFFFFF800  }
0x143: {  	_ =	swait.ge [sflag:s18], $0x800  }
0x144: {  	[sflag:s18] =	ssyncset.done $0x0  }
0x145: {  	s20 =	simm.s32 $0x9400;
	[sflag:s18] =	ssyncadd.s32 $0xFFFFF800  }
0x146: {  	s2 =	simm.s32 $0xC400;
	v19 =	vld.idx.msk [tilespmem:v4+s20+$0x0], $0xffff  }
0x147: {  	s15 =	simm.s32 $0x8400;
	v3 =	vld.idx.msk [tilespmem:v4+s2+$0x0], $0xffff  }
0x148: {  	s19 =	simm.s32 $0x8C00;
	v15 =	vld.idx.msk [tilespmem:v4+s15+$0x0], $0xffff  }
0x149: {  	s21 =	simm.s32 $0x1;
	s18 =	simm.s32 $0xB400;
	v17 =	vld.idx.msk [tilespmem:v4+s19+$0x0], $0xffff  }
0x14a: {  	v5 =	vadd.s32 s21, v0;
	s3 =	simm.s32 $0xBC00;
	v20 =	vld.idx.msk [tilespmem:v4+s18+$0x0], $0xffff  }
0x14b: {  	v5 =	vand.u32 $0x7F, v5;
	s0 =	simm.s32 $0x6C00;
	v12 =	vld.idx.msk [tilespmem:v4+s3+$0x0], $0xffff  }
0x14c: {  	s21 =	simm.s32 $0x7400;
	v11 =	vor.u32 v2, v5;
	v21 =	vld.idx.msk [tilespmem:v4+s0+$0x0], $0xffff  }
0x14d: {  	s6 =	simm.s32 $0x7C00;
	v22 =	vld.idx.msk [tilespmem:v4+s21+$0x0], $0xffff  }
0x14e: {  	s16 =	simm.s32 $0x9C00;
	v24 =	vld.idx.msk [tilespmem:v4+s6+$0x0], $0xffff  }
0x14f: {  	s17 =	simm.s32 $0xA400;
	v23 =	vld.idx.msk [tilespmem:v4+s16+$0x0], $0xffff  }
0x150: {  	v25 =	vld.idx.msk [tilespmem:v4+s17+$0x0], $0xffff  }
0x151: {  	v16 =	vimm.f32 $0.0e+00;
	v14 =	vimm.f32 $0.0e+00;
	v13 =	vld.idx.msk [tilespmem:v11+s0+$0x0], $0xffff  }
0x152: {  	v8 =	vimm.f32 $0.0e+00;
	v10 =	vimm.f32 $0.0e+00;
	v7 =	vimm.f32 $0.0e+00;
	s20 =	simm.s32 $0xAC00;
	v27 =	vld.idx.msk [tilespmem:v11+s6+$0x0], $0xffff  }
0x153: {  	v6 =	vimm.f32 $0.0e+00;
	v5 =	vimm.f32 $0.0e+00;
	s10 =	simm.s32 $0x2;
	v26 =	vld.idx.msk [tilespmem:v4+s20+$0x0], $0xffff;
	v4 =	vimm.f32 $0.0e+00;
	v18 =	vmovc v19;
	v9 =	vmovc v3  }
.LBB2_5:
0x154: {  	v28 =	vadd.s32 s10, v0;
	p1 =	sne.s32 s10, $0x7E;
	v29 =	vld.idx.msk [tilespmem:v11+s15+$0x0], $0xffff  }
0x155: {  	s13 =	sadd.s32 $0x1, s10;
	v28 =	vand.u32 $0x7F, v28;
	v30 =	vld.idx.msk [tilespmem:v11+s19+$0x0], $0xffff  }
0x156: {  	v31 =	vadd.s32 s13, v0;
	s13 =	simm.s32 $0x9400;
	v28 =	vor.u32 v2, v28;
	v32 =	vld.idx.msk [tilespmem:v11+s16+$0x0], $0xffff  }
0x157: {  	v31 =	vand.u32 $0x7F, v31;
	v33 =	vld.idx.msk [tilespmem:v11+s20+$0x0], $0xffff  }
0x158: {  	v34 =	vsub.f32 v21, v24;
	v35 =	vmul.f32 v18, v19;
	v36 =	vmul.f32 v9, v3;
	v37 =	vld.idx.msk [tilespmem:v11+s13+$0x0], $0xffff  }
0x159: {  	v24 =	vmul.f32 v15, v24;
	v38 =	vmul.f32 v20, v26;
	v9 =	vsub.f32 v13, v27;
	v20 =	vld.idx.msk [tilespmem:v11+s3+$0x0], $0xffff  }
0x15a: {  	v21 =	vmul.f32 v22, v21;
	v22 =	vmul.f32 v25, v23;
	v15 =	vadd.f32 v17, v34;
	v25 =	vld.idx.msk [tilespmem:v11+s2+$0x0], $0xffff  }
0x15b: {  	v17 =	vsub.f32 v23, v26;
	v26 =	vmul.f32 v29, v27;
	v23 =	vadd.f32 v30, v9;
	v18 =	vld.idx.msk [tilespmem:v28+s13+$0x0], $0xffff  }
0x15c: {  	v27 =	vor.u32 v2, v31;
	v29 =	vmul.f32 v15, v15;
	v15 =	vmul.f32 v19, v15;
	v19 =	vld.idx.msk [tilespmem:v11+s21+$0x0], $0xffff  }
0x15d: {  	v30 =	vadd.f32 v12, v17;
	v12 =	vmul.f32 v23, v23;
	v17 =	vsub.f32 v32, v33;
	v9 =	vld.idx.msk [tilespmem:v28+s2+$0x0], $0xffff  }
0x15e: {  	v8 =	vadd.f32 v29, v8;
	v10 =	vadd.f32 v15, v10;
	v23 =	vmul.f32 v37, v23;
	v29 =	vld.idx.msk [tilespmem:v11+s17+$0x0], $0xffff  }
0x15f: {  	v31 =	vmul.f32 v30, v30;
	v34 =	vmul.f32 v37, v37;
	v37 =	vadd.f32 v20, v17;
	v15 =	vld.idx.msk [tilespmem:v28+s15+$0x0], $0xffff  }
0x160: {  	v8 =	vadd.f32 v12, v8;
	v10 =	vadd.f32 v23, v10;
	v39 =	vmul.f32 v25, v25;
	v11 =	vld.idx.msk [tilespmem:v11+s18+$0x0], $0xffff  }
0x161: {  	v7 =	vadd.f32 v35, v7;
	v6 =	vadd.f32 v31, v6;
	v23 =	vmul.f32 v37, v37;
	v17 =	vld.idx.msk [tilespmem:v28+s19+$0x0], $0xffff  }
0x162: {  	v14 =	vadd.f32 v21, v14;
	v16 =	vadd.f32 v22, v16;
	v13 =	vmul.f32 v19, v13;
	v20 =	vld.idx.msk [tilespmem:v28+s18+$0x0], $0xffff  }
0x163: {  	v3 =	vmul.f32 v3, v30;
	v7 =	vadd.f32 v34, v7;
	v6 =	vadd.f32 v23, v6;
	v12 =	vld.idx.msk [tilespmem:v28+s3+$0x0], $0xffff  }
0x164: {  	v14 =	vsub.f32 v14, v24;
	v16 =	vsub.f32 v16, v38;
	v30 =	vmul.f32 v29, v32;
	v21 =	vld.idx.msk [tilespmem:v28+s0+$0x0], $0xffff  }
0x165: {  	v4 =	vadd.f32 v36, v4;
	v31 =	vadd.f32 v3, v5;
	v5 =	vmul.f32 v25, v37;
	v22 =	vld.idx.msk [tilespmem:v28+s21+$0x0], $0xffff  }
0x166: {  	v13 =	vadd.f32 v13, v14;
	v16 =	vadd.f32 v30, v16;
	v29 =	vmul.f32 v11, v33;
	v24 =	vld.idx.msk [tilespmem:v28+s6+$0x0], $0xffff  }
.Ltmp1:
0x167: {  	v4 =	vadd.f32 v39, v4;
	v19 =	vmovc v18;
	v5 =	vadd.f32 v5, v31;
	v11 =	vmov v27;
	v23 =	vld.idx.msk [tilespmem:v28+s16+$0x0], $0xffff;
	(pc) =	sbr.rel @p1 .LBB2_5-.Ltmp1, $4  }
0x168: {  	v3 =	vmov v9;
	v14 =	vsub.f32 v13, v26;
	v16 =	vsub.f32 v16, v29;
	v25 =	vld.idx.msk [tilespmem:v28+s17+$0x0], $0xffff  }
0x169: {  	v26 =	vld.idx.msk [tilespmem:v28+s20+$0x0], $0xffff  }
0x16a: {  	v13 =	vld.idx.msk [tilespmem:v27+s0+$0x0], $0xffff  }
0x16b: {  	s10 =	sadd.s32 $0x2, s10;
	v27 =	vld.idx.msk [tilespmem:v27+s6+$0x0], $0xffff  }
0x16c: {  	_ =	sdelay $0x3  }
0x16d: {  	v28 =	vld.idx.msk [tilespmem:v11+s15+$0x0], $0xffff  }
0x16e: {  	v29 =	vld.idx.msk [tilespmem:v11+s19+$0x0], $0xffff;
	v32 =	vsub.f32 v21, v24  }
0x16f: {  	v30 =	vld.idx.msk [tilespmem:v11+s16+$0x0], $0xffff;
	v21 =	vmul.f32 v22, v21  }
0x170: {  	v31 =	vld.idx.msk [tilespmem:v11+s20+$0x0], $0xffff;
	v18 =	vmul.f32 v18, v19;
	v15 =	vmul.f32 v15, v24;
	v17 =	vadd.f32 v17, v32  }
0x171: {  	v33 =	vld.idx.msk [tilespmem:v11+s13+$0x0], $0xffff;
	v22 =	vmul.f32 v25, v23;
	v23 =	vsub.f32 v23, v26;
	v14 =	vadd.f32 v21, v14  }
0x172: {  	v34 =	vld.idx.msk [tilespmem:v11+s3+$0x0], $0xffff;
	v20 =	vmul.f32 v20, v26;
	v7 =	vadd.f32 v18, v7;
	v24 =	vsub.f32 v13, v27  }
0x173: {  	v16 =	vadd.f32 v22, v16;
	v25 =	vmul.f32 v17, v17;
	v17 =	vmul.f32 v19, v17;
	v19 =	vld.idx.msk [tilespmem:v11+s21+$0x0], $0xffff  }
0x174: {  	v12 =	vadd.f32 v12, v23;
	v26 =	vmul.f32 v28, v27;
	v27 =	vld.idx.msk [tilespmem:v11+s17+$0x0], $0xffff;
	v24 =	vadd.f32 v29, v24  }
0x175: {  	v14 =	vsub.f32 v14, v15;
	v23 =	vsub.f32 v30, v31  }
0x176: {  	v10 =	vadd.f32 v17, v10;
	v28 =	vmul.f32 v24, v24;
	v17 =	vmul.f32 v33, v24;
	v24 =	vld.idx.msk [tilespmem:v11+s18+$0x0], $0xffff  }
0x177: {  	v15 =	vsub.f32 v16, v20;
	v21 =	vmul.f32 v12, v12;
	v12 =	vmul.f32 v3, v12  }
0x178: {  	v8 =	vadd.f32 v25, v8;
	v3 =	vmul.f32 v9, v3;
	v11 =	vld.idx.msk [tilespmem:v11+s2+$0x0], $0xffff;
	v13 =	vmul.f32 v19, v13  }
0x179: {  	v23 =	vadd.f32 v34, v23;
	v6 =	vadd.f32 v21, v6;
	v16 =	vmul.f32 v27, v30  }
0x17a: {  	v5 =	vadd.f32 v12, v5;
	v13 =	vadd.f32 v13, v14  }
0x17b: {  	v3 =	vadd.f32 v3, v4;
	v14 =	vadd.f32 v16, v15;
	v15 =	vmul.f32 v24, v31  }
0x17c: {  	v10 =	vadd.f32 v17, v10;
	v17 =	vmul.f32 v33, v33;
	v9 =	vsub.f32 v13, v26  }
0x17d: {  	v8 =	vadd.f32 v28, v8;
	v12 =	vmul.f32 v11, v23;
	v13 =	vsub.f32 v14, v15  }
0x17e: {  	v7 =	vadd.f32 v17, v7;
	v11 =	vmul.f32 v11, v11;
	v4 =	vadd.f32 v9, v9  }
0x17f: {  	v14 =	vmul.f32 v23, v23;
	v5 =	vadd.f32 v12, v5;
	v12 =	vadd.f32 v13, v13  }
0x180: {  	v9 =	vmul.f32 v9, v9;
	v3 =	vadd.f32 v11, v3;
	v4 =	vmul.f32 v10, v4  }
0x181: {  	v6 =	vadd.f32 v14, v6;
	v10 =	vmul.f32 v13, v13;
	v5 =	vmul.f32 v5, v12  }
0x182: {  	v7 =	vmul.f32 v7, v9  }
0x183: {  	v4 =	vadd.f32 v4, v8;
	v3 =	vmul.f32 v3, v10;
	v5 =	vadd.f32 v5, v6;
	_ =	sdelay $0x1  }
0x184: {  	v4 =	vadd.f32 v7, v4;
	v3 =	vadd.f32 v3, v5;
	_ =	sdelay $0x1  }
0x185: {  	v3 =	vsub.f32 v3, v4;
	v4 =	vld [tilespmem:$0x18C00];
	_ =	sdelay $0x1  }
0x186: {  	v3 =	vadd.f32 $1.000000000e+00, v3;
	_ =	sdelay $0x1  }
0x187: {  	v3 =	vmax.f32 v3, $0.0e+00  }
0x188: {  	v3 =	vadd.f32 v4, v3  }
0x189: {  	s3 =	simm.s32 @!p0 $0x10;
	s2 =	rddreg [dreg:$0x16]  }
0x18a: {  	s10 =	simm.s32 @!p0 $0x6C00;
	s6 =	rddreg [dreg:$0x0];
	s16 =	sadd.s32 @!p0 $0x50, s2;
	[tilespmem:$0x18C00] =	vst v3  }
0x18b: {  	[tilespmem:s10], [sflag:$0x3] =	stream.indirect.gather @!p0 [hbm4b:s6+s3], $0x80, s16, s3, $0xb8;
	[tilespmem:$0x18C80] =	vst v63  }
0x18c: {  	s15 =	rddreg [dreg:$0x1];
	s10 =	simm.s32 @!p0 $0x7400  }
0x18d: {  	[tilespmem:s10], [sflag:$0x3] =	stream.indirect.gather @!p0 [hbm4b:s15+s3], $0x80, s16, s3, $0xb8;
	[tilespmem:$0x18C80] =	vst v63  }
0x18e: {  	s13 =	sadd.s32 @!p0 $0x250, s2;
	s10 =	simm.s32 @!p0 $0x7C00  }
0x18f: {  	[tilespmem:s10], [sflag:$0x3] =	stream.indirect.gather @!p0 [hbm4b:s6+s3], $0x80, s13, s3, $0xb8;
	[tilespmem:$0x18C80] =	vst v63  }
0x190: {  	s10 =	simm.s32 @!p0 $0x8400  }
0x191: {  	[tilespmem:s10], [sflag:$0x3] =	stream.indirect.gather @!p0 [hbm4b:s15+s3], $0x80, s13, s3, $0xb8;
	[tilespmem:$0x18C80] =	vst v63  }
0x192: {  	s17 =	sadd.s32 @!p0 $0x450, s2;
	s16 =	rddreg [dreg:$0x2];
	s10 =	simm.s32 @!p0 $0x8C00  }
0x193: {  	[tilespmem:s10], [sflag:$0x3] =	stream.indirect.gather @!p0 [hbm4b:s16+s3], $0x80, s17, s3, $0xb8;
	[tilespmem:$0x18C80] =	vst v63  }
0x194: {  	s13 =	rddreg [dreg:$0x3];
	s10 =	simm.s32 @!p0 $0x9400  }
0x195: {  	[tilespmem:s10], [sflag:$0x3] =	stream.indirect.gather @!p0 [hbm4b:s13+s3], $0x80, s17, s3, $0xb8;
	[tilespmem:$0x18C80] =	vst v63  }
0x196: {  	s17 =	sadd.s32 @!p0 $0x650, s2;
	s10 =	simm.s32 @!p0 $0x9C00  }
0x197: {  	[tilespmem:s10], [sflag:$0x3] =	stream.indirect.gather @!p0 [hbm4b:s6+s3], $0x80, s17, s3, $0xb8;
	[tilespmem:$0x18C80] =	vst v63  }
0x198: {  	s10 =	simm.s32 @!p0 $0xA400  }
0x199: {  	[tilespmem:s10], [sflag:$0x3] =	stream.indirect.gather @!p0 [hbm4b:s15+s3], $0x80, s17, s3, $0xb8;
	[tilespmem:$0x18C80] =	vst v63  }
0x19a: {  	s17 =	sadd.s32 @!p0 $0x850, s2;
	s10 =	simm.s32 @!p0 $0xAC00  }
0x19b: {  	[tilespmem:s10], [sflag:$0x3] =	stream.indirect.gather @!p0 [hbm4b:s6+s3], $0x80, s17, s3, $0xb8;
	[tilespmem:$0x18C80] =	vst v63  }
0x19c: {  	s10 =	simm.s32 @!p0 $0xB400  }
0x19d: {  	[tilespmem:s10], [sflag:$0x3] =	stream.indirect.gather @!p0 [hbm4b:s15+s3], $0x80, s17, s3, $0xb8;
	[tilespmem:$0x18C80] =	vst v63  }
0x19e: {  	s2 =	sadd.s32 @!p0 $0xA50, s2;
	s10 =	simm.s32 @!p0 $0xBC00  }
0x19f: {  	[tilespmem:s10], [sflag:$0x3] =	stream.indirect.gather @!p0 [hbm4b:s16+s3], $0x80, s2, s3, $0xb8;
	[tilespmem:$0x18C80] =	vst v63  }
0x1a0: {  	s18 =	simm.s32 $0x4;
	s10 =	simm.s32 @!p0 $0xC400  }
0x1a1: {  	[tilespmem:s10], [sflag:$0x3] =	stream.indirect.gather @!p0 [hbm4b:s13+s3], $0x80, s2, s3, $0xb8;
	[tilespmem:$0x18C80] =	vst v63  }
0x1a2: {  	_ =	swait.ge [sflag:s18], $0x800  }
0x1a3: {  	[sflag:s18] =	ssyncset.done $0x0  }
0x1a4: {  	[sflag:s18] =	ssyncadd.s32 $0xFFFFF800  }
0x1a5: {  	_ =	swait.ge [sflag:s18], $0x800  }
0x1a6: {  	[sflag:s18] =	ssyncset.done $0x0  }
0x1a7: {  	[sflag:s18] =	ssyncadd.s32 $0xFFFFF800  }
0x1a8: {  	_ =	swait.ge [sflag:s18], $0x800  }
0x1a9: {  	[sflag:s18] =	ssyncset.done $0x0  }
0x1aa: {  	[sflag:s18] =	ssyncadd.s32 $0xFFFFF800  }
0x1ab: {  	_ =	swait.ge [sflag:s18], $0x800  }
0x1ac: {  	[sflag:s18] =	ssyncset.done $0x0  }
0x1ad: {  	[sflag:s18] =	ssyncadd.s32 $0xFFFFF800  }
0x1ae: {  	_ =	swait.ge [sflag:s18], $0x800  }
0x1af: {  	[sflag:s18] =	ssyncset.done $0x0  }
0x1b0: {  	[sflag:s18] =	ssyncadd.s32 $0xFFFFF800  }
0x1b1: {  	_ =	swait.ge [sflag:s18], $0x800  }
0x1b2: {  	[sflag:s18] =	ssyncset.done $0x0  }
0x1b3: {  	[sflag:s18] =	ssyncadd.s32 $0xFFFFF800  }
0x1b4: {  	_ =	swait.ge [sflag:s18], $0x800  }
0x1b5: {  	[sflag:s18] =	ssyncset.done $0x0  }
0x1b6: {  	[sflag:s18] =	ssyncadd.s32 $0xFFFFF800  }
0x1b7: {  	_ =	swait.ge [sflag:s18], $0x800  }
0x1b8: {  	[sflag:s18] =	ssyncset.done $0x0  }
0x1b9: {  	[sflag:s18] =	ssyncadd.s32 $0xFFFFF800  }
0x1ba: {  	_ =	swait.ge [sflag:s18], $0x800  }
0x1bb: {  	[sflag:s18] =	ssyncset.done $0x0  }
0x1bc: {  	[sflag:s18] =	ssyncadd.s32 $0xFFFFF800  }
0x1bd: {  	_ =	swait.ge [sflag:s18], $0x800  }
0x1be: {  	s19 =	simm.s32 $0x0;
	[sflag:s18] =	ssyncset.done $0x0  }
0x1bf: {  	v3 =	vadd.s32 s19, v0;
	[sflag:s18] =	ssyncadd.s32 $0xFFFFF800  }
0x1c0: {  	v3 =	vand.u32 $0x7F, v3;
	_ =	swait.ge [sflag:s18], $0x800  }
0x1c1: {  	v4 =	vor.u32 v2, v3;
	[sflag:s18] =	ssyncset.done $0x0  }
0x1c2: {  	[sflag:s18] =	ssyncadd.s32 $0xFFFFF800  }
0x1c3: {  	_ =	swait.ge [sflag:s18], $0x800  }
0x1c4: {  	[sflag:s18] =	ssyncset.done $0x0  }
0x1c5: {  	s17 =	simm.s32 $0xF400;
	[sflag:s18] =	ssyncadd.s32 $0xFFFFF800  }
0x1c6: {  	v19 =	vld.idx.msk [tilespmem:v4+s17+$0x0], $0xffff  }
0x1c7: {  	s15 =	simm.s32 $0xE400;
	v3 =	vld.idx.msk [tilespmem:v4+s26+$0x0], $0xffff  }
0x1c8: {  	s16 =	simm.s32 $0xEC00;
	v15 =	vld.idx.msk [tilespmem:v4+s15+$0x0], $0xffff  }
0x1c9: {  	v17 =	vld.idx.msk [tilespmem:v4+s16+$0x0], $0xffff  }
0x1ca: {  	s20 =	simm.s32 $0x1;
	v20 =	vld.idx.msk [tilespmem:v4+s24+$0x0], $0xffff  }
0x1cb: {  	v5 =	vadd.s32 s20, v0;
	s2 =	simm.s32 $0xCC00;
	v12 =	vld.idx.msk [tilespmem:v4+s25+$0x0], $0xffff  }
0x1cc: {  	v5 =	vand.u32 $0x7F, v5;
	s3 =	simm.s32 $0xD400;
	v21 =	vld.idx.msk [tilespmem:v4+s2+$0x0], $0xffff  }
0x1cd: {  	v11 =	vor.u32 v2, v5;
	s6 =	simm.s32 $0xDC00;
	v22 =	vld.idx.msk [tilespmem:v4+s3+$0x0], $0xffff  }
0x1ce: {  	v24 =	vld.idx.msk [tilespmem:v4+s6+$0x0], $0xffff  }
0x1cf: {  	v23 =	vld.idx.msk [tilespmem:v4+s1+$0x0], $0xffff  }
0x1d0: {  	v25 =	vld.idx.msk [tilespmem:v4+s22+$0x0], $0xffff  }
0x1d1: {  	v16 =	vimm.f32 $0.0e+00;
	v14 =	vimm.f32 $0.0e+00;
	v26 =	vld.idx.msk [tilespmem:v4+s23+$0x0], $0xffff  }
0x1d2: {  	v8 =	vimm.f32 $0.0e+00;
	v10 =	vimm.f32 $0.0e+00;
	v7 =	vimm.f32 $0.0e+00;
	v13 =	vld.idx.msk [tilespmem:v11+s2+$0x0], $0xffff  }
0x1d3: {  	v6 =	vimm.f32 $0.0e+00;
	v5 =	vimm.f32 $0.0e+00;
	s10 =	simm.s32 $0x2;
	v27 =	vld.idx.msk [tilespmem:v11+s6+$0x0], $0xffff;
	v4 =	vimm.f32 $0.0e+00;
	v18 =	vmovc v19;
	v9 =	vmovc v3  }
.LBB2_7:
0x1d4: {  	v28 =	vadd.s32 s10, v0;
	p1 =	sne.s32 s10, $0x7E;
	v29 =	vld.idx.msk [tilespmem:v11+s15+$0x0], $0xffff  }
0x1d5: {  	s13 =	sadd.s32 $0x1, s10;
	v28 =	vand.u32 $0x7F, v28;
	v30 =	vld.idx.msk [tilespmem:v11+s16+$0x0], $0xffff  }
0x1d6: {  	v31 =	vadd.s32 s13, v0;
	v28 =	vor.u32 v2, v28;
	v32 =	vld.idx.msk [tilespmem:v11+s1+$0x0], $0xffff  }
0x1d7: {  	v31 =	vand.u32 $0x7F, v31;
	v33 =	vld.idx.msk [tilespmem:v11+s23+$0x0], $0xffff  }
0x1d8: {  	v34 =	vsub.f32 v21, v24;
	v35 =	vmul.f32 v18, v19;
	v36 =	vmul.f32 v9, v3;
	v37 =	vld.idx.msk [tilespmem:v11+s17+$0x0], $0xffff  }
0x1d9: {  	v24 =	vmul.f32 v15, v24;
	v38 =	vmul.f32 v20, v26;
	v9 =	vsub.f32 v13, v27;
	v20 =	vld.idx.msk [tilespmem:v11+s25+$0x0], $0xffff  }
0x1da: {  	v21 =	vmul.f32 v22, v21;
	v22 =	vmul.f32 v25, v23;
	v15 =	vadd.f32 v17, v34;
	v25 =	vld.idx.msk [tilespmem:v11+s26+$0x0], $0xffff  }
0x1db: {  	v17 =	vsub.f32 v23, v26;
	v26 =	vmul.f32 v29, v27;
	v23 =	vadd.f32 v30, v9;
	v18 =	vld.idx.msk [tilespmem:v28+s17+$0x0], $0xffff  }
0x1dc: {  	v27 =	vor.u32 v2, v31;
	v29 =	vmul.f32 v15, v15;
	v15 =	vmul.f32 v19, v15;
	v19 =	vld.idx.msk [tilespmem:v11+s3+$0x0], $0xffff  }
0x1dd: {  	v30 =	vadd.f32 v12, v17;
	v12 =	vmul.f32 v23, v23;
	v17 =	vsub.f32 v32, v33;
	v9 =	vld.idx.msk [tilespmem:v28+s26+$0x0], $0xffff  }
0x1de: {  	v8 =	vadd.f32 v29, v8;
	v10 =	vadd.f32 v15, v10;
	v23 =	vmul.f32 v37, v23;
	v29 =	vld.idx.msk [tilespmem:v11+s22+$0x0], $0xffff  }
0x1df: {  	v31 =	vmul.f32 v30, v30;
	v34 =	vmul.f32 v37, v37;
	v37 =	vadd.f32 v20, v17;
	v15 =	vld.idx.msk [tilespmem:v28+s15+$0x0], $0xffff  }
0x1e0: {  	v8 =	vadd.f32 v12, v8;
	v10 =	vadd.f32 v23, v10;
	v39 =	vmul.f32 v25, v25;
	v11 =	vld.idx.msk [tilespmem:v11+s24+$0x0], $0xffff  }
0x1e1: {  	v7 =	vadd.f32 v35, v7;
	v6 =	vadd.f32 v31, v6;
	v23 =	vmul.f32 v37, v37;
	v17 =	vld.idx.msk [tilespmem:v28+s16+$0x0], $0xffff  }
0x1e2: {  	v14 =	vadd.f32 v21, v14;
	v16 =	vadd.f32 v22, v16;
	v13 =	vmul.f32 v19, v13;
	v20 =	vld.idx.msk [tilespmem:v28+s24+$0x0], $0xffff  }
0x1e3: {  	v3 =	vmul.f32 v3, v30;
	v7 =	vadd.f32 v34, v7;
	v6 =	vadd.f32 v23, v6;
	v12 =	vld.idx.msk [tilespmem:v28+s25+$0x0], $0xffff  }
0x1e4: {  	v14 =	vsub.f32 v14, v24;
	v16 =	vsub.f32 v16, v38;
	v30 =	vmul.f32 v29, v32;
	v21 =	vld.idx.msk [tilespmem:v28+s2+$0x0], $0xffff  }
0x1e5: {  	v4 =	vadd.f32 v36, v4;
	v31 =	vadd.f32 v3, v5;
	v5 =	vmul.f32 v25, v37;
	v22 =	vld.idx.msk [tilespmem:v28+s3+$0x0], $0xffff  }
0x1e6: {  	v13 =	vadd.f32 v13, v14;
	v16 =	vadd.f32 v30, v16;
	v29 =	vmul.f32 v11, v33;
	v24 =	vld.idx.msk [tilespmem:v28+s6+$0x0], $0xffff  }
.Ltmp2:
0x1e7: {  	v4 =	vadd.f32 v39, v4;
	v19 =	vmovc v18;
	v5 =	vadd.f32 v5, v31;
	v11 =	vmov v27;
	v23 =	vld.idx.msk [tilespmem:v28+s1+$0x0], $0xffff;
	(pc) =	sbr.rel @p1 .LBB2_7-.Ltmp2, $4  }
0x1e8: {  	v3 =	vmov v9;
	v14 =	vsub.f32 v13, v26;
	v16 =	vsub.f32 v16, v29;
	v25 =	vld.idx.msk [tilespmem:v28+s22+$0x0], $0xffff  }
0x1e9: {  	v26 =	vld.idx.msk [tilespmem:v28+s23+$0x0], $0xffff  }
0x1ea: {  	v13 =	vld.idx.msk [tilespmem:v27+s2+$0x0], $0xffff  }
0x1eb: {  	s10 =	sadd.s32 $0x2, s10;
	v27 =	vld.idx.msk [tilespmem:v27+s6+$0x0], $0xffff  }
0x1ec: {  	_ =	sdelay $0x3  }
0x1ed: {  	v28 =	vld.idx.msk [tilespmem:v11+s15+$0x0], $0xffff  }
0x1ee: {  	v29 =	vld.idx.msk [tilespmem:v11+s16+$0x0], $0xffff;
	v32 =	vsub.f32 v21, v24  }
0x1ef: {  	v30 =	vld.idx.msk [tilespmem:v11+s1+$0x0], $0xffff;
	v21 =	vmul.f32 v22, v21  }
0x1f0: {  	v31 =	vld.idx.msk [tilespmem:v11+s23+$0x0], $0xffff;
	v18 =	vmul.f32 v18, v19;
	v15 =	vmul.f32 v15, v24;
	v17 =	vadd.f32 v17, v32  }
0x1f1: {  	v33 =	vld.idx.msk [tilespmem:v11+s17+$0x0], $0xffff;
	v22 =	vmul.f32 v25, v23;
	v23 =	vsub.f32 v23, v26;
	v14 =	vadd.f32 v21, v14  }
0x1f2: {  	v34 =	vld.idx.msk [tilespmem:v11+s25+$0x0], $0xffff;
	v20 =	vmul.f32 v20, v26;
	v7 =	vadd.f32 v18, v7;
	v24 =	vsub.f32 v13, v27  }
0x1f3: {  	v16 =	vadd.f32 v22, v16;
	v25 =	vmul.f32 v17, v17;
	v17 =	vmul.f32 v19, v17;
	v19 =	vld.idx.msk [tilespmem:v11+s3+$0x0], $0xffff  }
0x1f4: {  	v12 =	vadd.f32 v12, v23;
	v26 =	vmul.f32 v28, v27;
	v27 =	vld.idx.msk [tilespmem:v11+s22+$0x0], $0xffff;
	v24 =	vadd.f32 v29, v24  }
0x1f5: {  	v14 =	vsub.f32 v14, v15;
	v23 =	vsub.f32 v30, v31  }
0x1f6: {  	v10 =	vadd.f32 v17, v10;
	v28 =	vmul.f32 v24, v24;
	v17 =	vmul.f32 v33, v24;
	v24 =	vld.idx.msk [tilespmem:v11+s24+$0x0], $0xffff  }
0x1f7: {  	v15 =	vsub.f32 v16, v20;
	v21 =	vmul.f32 v12, v12;
	v12 =	vmul.f32 v3, v12  }
0x1f8: {  	v8 =	vadd.f32 v25, v8;
	v3 =	vmul.f32 v9, v3;
	v11 =	vld.idx.msk [tilespmem:v11+s26+$0x0], $0xffff;
	v13 =	vmul.f32 v19, v13  }
0x1f9: {  	v23 =	vadd.f32 v34, v23;
	v6 =	vadd.f32 v21, v6;
	v16 =	vmul.f32 v27, v30  }
0x1fa: {  	v5 =	vadd.f32 v12, v5;
	v13 =	vadd.f32 v13, v14  }
0x1fb: {  	v3 =	vadd.f32 v3, v4;
	v14 =	vadd.f32 v16, v15;
	v15 =	vmul.f32 v24, v31  }
0x1fc: {  	v10 =	vadd.f32 v17, v10;
	v17 =	vmul.f32 v33, v33;
	v9 =	vsub.f32 v13, v26  }
0x1fd: {  	v8 =	vadd.f32 v28, v8;
	v12 =	vmul.f32 v11, v23;
	v13 =	vsub.f32 v14, v15  }
0x1fe: {  	v7 =	vadd.f32 v17, v7;
	v11 =	vmul.f32 v11, v11;
	v4 =	vadd.f32 v9, v9  }
0x1ff: {  	v14 =	vmul.f32 v23, v23;
	v5 =	vadd.f32 v12, v5;
	v12 =	vadd.f32 v13, v13  }
0x200: {  	v9 =	vmul.f32 v9, v9;
	v3 =	vadd.f32 v11, v3;
	v4 =	vmul.f32 v10, v4  }
0x201: {  	v6 =	vadd.f32 v14, v6;
	v10 =	vmul.f32 v13, v13;
	v5 =	vmul.f32 v5, v12  }
0x202: {  	v7 =	vmul.f32 v7, v9  }
0x203: {  	v4 =	vadd.f32 v4, v8;
	v3 =	vmul.f32 v3, v10;
	v5 =	vadd.f32 v5, v6;
	_ =	sdelay $0x1  }
0x204: {  	v4 =	vadd.f32 v7, v4;
	v3 =	vadd.f32 v3, v5;
	_ =	sdelay $0x1  }
0x205: {  	v3 =	vsub.f32 v3, v4;
	v4 =	vld [tilespmem:$0x18C00];
	_ =	sdelay $0x1  }
0x206: {  	v3 =	vadd.f32 $1.000000000e+00, v3;
	_ =	sdelay $0x1  }
0x207: {  	v3 =	vmax.f32 v3, $0.0e+00  }
0x208: {  	v3 =	vadd.f32 v4, v3  }
0x209: {  	s2 =	rddreg [dreg:$0x16];
	s10 =	simm.s32 @!p0 $0xCC00  }
0x20a: {  	s6 =	rddreg [dreg:$0x0];
	s16 =	sadd.s32 @!p0 $0x60, s2;
	s3 =	simm.s32 @!p0 $0x10;
	[tilespmem:$0x18C00] =	vst v3  }
0x20b: {  	[tilespmem:s10], [sflag:$0x4] =	stream.indirect.gather @!p0 [hbm4b:s6+s3], $0x80, s16, s3, $0xb8;
	[tilespmem:$0x18C80] =	vst v63  }
0x20c: {  	s15 =	rddreg [dreg:$0x1];
	s10 =	simm.s32 @!p0 $0xD400  }
0x20d: {  	[tilespmem:s10], [sflag:$0x4] =	stream.indirect.gather @!p0 [hbm4b:s15+s3], $0x80, s16, s3, $0xb8;
	[tilespmem:$0x18C80] =	vst v63  }
0x20e: {  	s13 =	sadd.s32 @!p0 $0x260, s2;
	s10 =	simm.s32 @!p0 $0xDC00  }
0x20f: {  	[tilespmem:s10], [sflag:$0x4] =	stream.indirect.gather @!p0 [hbm4b:s6+s3], $0x80, s13, s3, $0xb8;
	[tilespmem:$0x18C80] =	vst v63  }
0x210: {  	s10 =	simm.s32 @!p0 $0xE400  }
0x211: {  	[tilespmem:s10], [sflag:$0x4] =	stream.indirect.gather @!p0 [hbm4b:s15+s3], $0x80, s13, s3, $0xb8;
	[tilespmem:$0x18C80] =	vst v63  }
0x212: {  	s17 =	sadd.s32 @!p0 $0x460, s2;
	s16 =	rddreg [dreg:$0x2];
	s10 =	simm.s32 @!p0 $0xEC00  }
0x213: {  	[tilespmem:s10], [sflag:$0x4] =	stream.indirect.gather @!p0 [hbm4b:s16+s3], $0x80, s17, s3, $0xb8;
	[tilespmem:$0x18C80] =	vst v63  }
0x214: {  	s13 =	rddreg [dreg:$0x3];
	s10 =	simm.s32 @!p0 $0xF400  }
0x215: {  	[tilespmem:s10], [sflag:$0x4] =	stream.indirect.gather @!p0 [hbm4b:s13+s3], $0x80, s17, s3, $0xb8;
	[tilespmem:$0x18C80] =	vst v63  }
0x216: {  	s17 =	sadd.s32 @!p0 $0x660, s2;
	s10 =	simm.s32 @!p0 $0xFC00  }
0x217: {  	[tilespmem:s10], [sflag:$0x4] =	stream.indirect.gather @!p0 [hbm4b:s6+s3], $0x80, s17, s3, $0xb8;
	[tilespmem:$0x18C80] =	vst v63  }
0x218: {  	s10 =	simm.s32 @!p0 $0x10400  }
0x219: {  	[tilespmem:s10], [sflag:$0x4] =	stream.indirect.gather @!p0 [hbm4b:s15+s3], $0x80, s17, s3, $0xb8;
	[tilespmem:$0x18C80] =	vst v63  }
0x21a: {  	s17 =	sadd.s32 @!p0 $0x860, s2;
	s10 =	simm.s32 @!p0 $0x10C00  }
0x21b: {  	[tilespmem:s10], [sflag:$0x4] =	stream.indirect.gather @!p0 [hbm4b:s6+s3], $0x80, s17, s3, $0xb8;
	[tilespmem:$0x18C80] =	vst v63  }
0x21c: {  	s10 =	simm.s32 @!p0 $0x11400  }
0x21d: {  	[tilespmem:s10], [sflag:$0x4] =	stream.indirect.gather @!p0 [hbm4b:s15+s3], $0x80, s17, s3, $0xb8;
	[tilespmem:$0x18C80] =	vst v63  }
0x21e: {  	s2 =	sadd.s32 @!p0 $0xA60, s2;
	s10 =	simm.s32 @!p0 $0x11C00  }
0x21f: {  	[tilespmem:s10], [sflag:$0x4] =	stream.indirect.gather @!p0 [hbm4b:s16+s3], $0x80, s2, s3, $0xb8;
	[tilespmem:$0x18C80] =	vst v63  }
0x220: {  	s18 =	simm.s32 $0x5;
	s10 =	simm.s32 @!p0 $0x12400  }
0x221: {  	[tilespmem:s10], [sflag:$0x4] =	stream.indirect.gather @!p0 [hbm4b:s13+s3], $0x80, s2, s3, $0xb8;
	[tilespmem:$0x18C80] =	vst v63  }
0x222: {  	_ =	swait.ge [sflag:s18], $0x800  }
0x223: {  	[sflag:s18] =	ssyncset.done $0x0  }
0x224: {  	[sflag:s18] =	ssyncadd.s32 $0xFFFFF800  }
0x225: {  	_ =	swait.ge [sflag:s18], $0x800  }
0x226: {  	[sflag:s18] =	ssyncset.done $0x0  }
0x227: {  	[sflag:s18] =	ssyncadd.s32 $0xFFFFF800  }
0x228: {  	_ =	swait.ge [sflag:s18], $0x800  }
0x229: {  	[sflag:s18] =	ssyncset.done $0x0  }
0x22a: {  	[sflag:s18] =	ssyncadd.s32 $0xFFFFF800  }
0x22b: {  	_ =	swait.ge [sflag:s18], $0x800  }
0x22c: {  	[sflag:s18] =	ssyncset.done $0x0  }
0x22d: {  	[sflag:s18] =	ssyncadd.s32 $0xFFFFF800  }
0x22e: {  	_ =	swait.ge [sflag:s18], $0x800  }
0x22f: {  	[sflag:s18] =	ssyncset.done $0x0  }
0x230: {  	[sflag:s18] =	ssyncadd.s32 $0xFFFFF800  }
0x231: {  	_ =	swait.ge [sflag:s18], $0x800  }
0x232: {  	[sflag:s18] =	ssyncset.done $0x0  }
0x233: {  	[sflag:s18] =	ssyncadd.s32 $0xFFFFF800  }
0x234: {  	_ =	swait.ge [sflag:s18], $0x800  }
0x235: {  	[sflag:s18] =	ssyncset.done $0x0  }
0x236: {  	[sflag:s18] =	ssyncadd.s32 $0xFFFFF800  }
0x237: {  	_ =	swait.ge [sflag:s18], $0x800  }
0x238: {  	[sflag:s18] =	ssyncset.done $0x0  }
0x239: {  	[sflag:s18] =	ssyncadd.s32 $0xFFFFF800  }
0x23a: {  	_ =	swait.ge [sflag:s18], $0x800  }
0x23b: {  	[sflag:s18] =	ssyncset.done $0x0  }
0x23c: {  	[sflag:s18] =	ssyncadd.s32 $0xFFFFF800  }
0x23d: {  	_ =	swait.ge [sflag:s18], $0x800  }
0x23e: {  	s19 =	simm.s32 $0x0;
	[sflag:s18] =	ssyncset.done $0x0  }
0x23f: {  	v3 =	vadd.s32 s19, v0;
	[sflag:s18] =	ssyncadd.s32 $0xFFFFF800  }
0x240: {  	v3 =	vand.u32 $0x7F, v3;
	_ =	swait.ge [sflag:s18], $0x800  }
0x241: {  	v4 =	vor.u32 v2, v3;
	[sflag:s18] =	ssyncset.done $0x0  }
0x242: {  	[sflag:s18] =	ssyncadd.s32 $0xFFFFF800  }
0x243: {  	_ =	swait.ge [sflag:s18], $0x800  }
0x244: {  	[sflag:s18] =	ssyncset.done $0x0  }
0x245: {  	[sflag:s18] =	ssyncadd.s32 $0xFFFFF800  }
0x246: {  	v19 =	vld.idx.msk [tilespmem:v4+s5+$0x0], $0xffff  }
0x247: {  	v3 =	vld.idx.msk [tilespmem:v4+s14+$0x0], $0xffff  }
0x248: {  	v15 =	vld.idx.msk [tilespmem:v4+s31+$0x0], $0xffff  }
0x249: {  	v17 =	vld.idx.msk [tilespmem:v4+s4+$0x0], $0xffff  }
0x24a: {  	s20 =	simm.s32 $0x1;
	v20 =	vld.idx.msk [tilespmem:v4+s11+$0x0], $0xffff  }
0x24b: {  	v5 =	vadd.s32 s20, v0;
	v12 =	vld.idx.msk [tilespmem:v4+s12+$0x0], $0xffff  }
0x24c: {  	v5 =	vand.u32 $0x7F, v5;
	v21 =	vld.idx.msk [tilespmem:v4+s28+$0x0], $0xffff  }
0x24d: {  	v11 =	vor.u32 v2, v5;
	v22 =	vld.idx.msk [tilespmem:v4+s29+$0x0], $0xffff  }
0x24e: {  	v24 =	vld.idx.msk [tilespmem:v4+s30+$0x0], $0xffff  }
0x24f: {  	v23 =	vld.idx.msk [tilespmem:v4+s7+$0x0], $0xffff  }
0x250: {  	v25 =	vld.idx.msk [tilespmem:v4+s8+$0x0], $0xffff  }
0x251: {  	v16 =	vimm.f32 $0.0e+00;
	v14 =	vimm.f32 $0.0e+00;
	v26 =	vld.idx.msk [tilespmem:v4+s9+$0x0], $0xffff  }
0x252: {  	v8 =	vimm.f32 $0.0e+00;
	v10 =	vimm.f32 $0.0e+00;
	v7 =	vimm.f32 $0.0e+00;
	v13 =	vld.idx.msk [tilespmem:v11+s28+$0x0], $0xffff  }
0x253: {  	v6 =	vimm.f32 $0.0e+00;
	v5 =	vimm.f32 $0.0e+00;
	s10 =	simm.s32 $0x2;
	v27 =	vld.idx.msk [tilespmem:v11+s30+$0x0], $0xffff;
	v4 =	vimm.f32 $0.0e+00;
	v18 =	vmovc v19;
	v9 =	vmovc v3  }
.LBB2_9:
0x254: {  	v28 =	vadd.s32 s10, v0;
	p0 =	sne.s32 s10, $0x7E;
	v29 =	vld.idx.msk [tilespmem:v11+s31+$0x0], $0xffff  }
0x255: {  	s13 =	sadd.s32 $0x1, s10;
	v28 =	vand.u32 $0x7F, v28;
	v30 =	vld.idx.msk [tilespmem:v11+s4+$0x0], $0xffff  }
0x256: {  	v31 =	vadd.s32 s13, v0;
	v28 =	vor.u32 v2, v28;
	v32 =	vld.idx.msk [tilespmem:v11+s7+$0x0], $0xffff  }
0x257: {  	v31 =	vand.u32 $0x7F, v31;
	v33 =	vld.idx.msk [tilespmem:v11+s9+$0x0], $0xffff  }
0x258: {  	v34 =	vsub.f32 v21, v24;
	v35 =	vmul.f32 v18, v19;
	v36 =	vmul.f32 v9, v3;
	v37 =	vld.idx.msk [tilespmem:v11+s5+$0x0], $0xffff  }
0x259: {  	v24 =	vmul.f32 v15, v24;
	v38 =	vmul.f32 v20, v26;
	v9 =	vsub.f32 v13, v27;
	v20 =	vld.idx.msk [tilespmem:v11+s12+$0x0], $0xffff  }
0x25a: {  	v21 =	vmul.f32 v22, v21;
	v22 =	vmul.f32 v25, v23;
	v15 =	vadd.f32 v17, v34;
	v25 =	vld.idx.msk [tilespmem:v11+s14+$0x0], $0xffff  }
0x25b: {  	v17 =	vsub.f32 v23, v26;
	v26 =	vmul.f32 v29, v27;
	v23 =	vadd.f32 v30, v9;
	v18 =	vld.idx.msk [tilespmem:v28+s5+$0x0], $0xffff  }
0x25c: {  	v27 =	vor.u32 v2, v31;
	v29 =	vmul.f32 v15, v15;
	v15 =	vmul.f32 v19, v15;
	v19 =	vld.idx.msk [tilespmem:v11+s29+$0x0], $0xffff  }
0x25d: {  	v30 =	vadd.f32 v12, v17;
	v12 =	vmul.f32 v23, v23;
	v17 =	vsub.f32 v32, v33;
	v9 =	vld.idx.msk [tilespmem:v28+s14+$0x0], $0xffff  }
0x25e: {  	v8 =	vadd.f32 v29, v8;
	v10 =	vadd.f32 v15, v10;
	v23 =	vmul.f32 v37, v23;
	v29 =	vld.idx.msk [tilespmem:v11+s8+$0x0], $0xffff  }
0x25f: {  	v31 =	vmul.f32 v30, v30;
	v34 =	vmul.f32 v37, v37;
	v37 =	vadd.f32 v20, v17;
	v15 =	vld.idx.msk [tilespmem:v28+s31+$0x0], $0xffff  }
0x260: {  	v8 =	vadd.f32 v12, v8;
	v10 =	vadd.f32 v23, v10;
	v39 =	vmul.f32 v25, v25;
	v11 =	vld.idx.msk [tilespmem:v11+s11+$0x0], $0xffff  }
0x261: {  	v7 =	vadd.f32 v35, v7;
	v6 =	vadd.f32 v31, v6;
	v23 =	vmul.f32 v37, v37;
	v17 =	vld.idx.msk [tilespmem:v28+s4+$0x0], $0xffff  }
0x262: {  	v14 =	vadd.f32 v21, v14;
	v16 =	vadd.f32 v22, v16;
	v13 =	vmul.f32 v19, v13;
	v20 =	vld.idx.msk [tilespmem:v28+s11+$0x0], $0xffff  }
0x263: {  	v3 =	vmul.f32 v3, v30;
	v7 =	vadd.f32 v34, v7;
	v6 =	vadd.f32 v23, v6;
	v12 =	vld.idx.msk [tilespmem:v28+s12+$0x0], $0xffff  }
0x264: {  	v14 =	vsub.f32 v14, v24;
	v16 =	vsub.f32 v16, v38;
	v30 =	vmul.f32 v29, v32;
	v21 =	vld.idx.msk [tilespmem:v28+s28+$0x0], $0xffff  }
0x265: {  	v4 =	vadd.f32 v36, v4;
	v31 =	vadd.f32 v3, v5;
	v5 =	vmul.f32 v25, v37;
	v22 =	vld.idx.msk [tilespmem:v28+s29+$0x0], $0xffff  }
0x266: {  	v13 =	vadd.f32 v13, v14;
	v16 =	vadd.f32 v30, v16;
	v29 =	vmul.f32 v11, v33;
	v24 =	vld.idx.msk [tilespmem:v28+s30+$0x0], $0xffff  }
.Ltmp3:
0x267: {  	v4 =	vadd.f32 v39, v4;
	v19 =	vmovc v18;
	v5 =	vadd.f32 v5, v31;
	v11 =	vmov v27;
	v23 =	vld.idx.msk [tilespmem:v28+s7+$0x0], $0xffff;
	(pc) =	sbr.rel @p0 .LBB2_9-.Ltmp3, $4  }
0x268: {  	v3 =	vmov v9;
	v14 =	vsub.f32 v13, v26;
	v16 =	vsub.f32 v16, v29;
	v25 =	vld.idx.msk [tilespmem:v28+s8+$0x0], $0xffff  }
0x269: {  	v26 =	vld.idx.msk [tilespmem:v28+s9+$0x0], $0xffff  }
0x26a: {  	v13 =	vld.idx.msk [tilespmem:v27+s28+$0x0], $0xffff  }
0x26b: {  	s10 =	sadd.s32 $0x2, s10;
	v27 =	vld.idx.msk [tilespmem:v27+s30+$0x0], $0xffff  }
0x26c: {  	_ =	sdelay $0x3  }
0x26d: {  	v28 =	vld.idx.msk [tilespmem:v11+s31+$0x0], $0xffff  }
0x26e: {  	v29 =	vld.idx.msk [tilespmem:v11+s4+$0x0], $0xffff  }
0x26f: {  	v30 =	vld.idx.msk [tilespmem:v11+s7+$0x0], $0xffff  }
0x270: {  	v31 =	vld.idx.msk [tilespmem:v11+s9+$0x0], $0xffff  }
0x271: {  	v32 =	vsub.f32 v21, v24;
	v33 =	vld.idx.msk [tilespmem:v11+s5+$0x0], $0xffff  }
0x272: {  	v18 =	vmul.f32 v18, v19;
	v37 =	vmul.f32 v22, v21;
	v41 =	vld.idx.msk [tilespmem:v11+s29+$0x0], $0xffff  }
0x273: {  	v44 =	vld.idx.msk [tilespmem:v11+s8+$0x0], $0xffff;
	v38 =	vmul.f32 v25, v23;
	v17 =	vadd.f32 v17, v32;
	v39 =	vsub.f32 v23, v26  }
0x274: {  	v15 =	vmul.f32 v15, v24;
	v47 =	vld.idx.msk [tilespmem:v11+s11+$0x0], $0xffff;
	v14 =	vadd.f32 v37, v14;
	v7 =	vadd.f32 v18, v7  }
0x275: {  	v20 =	vmul.f32 v20, v26;
	v16 =	vadd.f32 v38, v16;
	v36 =	vsub.f32 v13, v27  }
0x276: {  	v34 =	vld.idx.msk [tilespmem:v11+s12+$0x0], $0xffff;
	v40 =	vmul.f32 v17, v17;
	v17 =	vmul.f32 v19, v17;
	v12 =	vadd.f32 v12, v39  }
0x277: {  	v14 =	vsub.f32 v14, v15;
	v42 =	vmul.f32 v28, v27;
	v43 =	vsub.f32 v30, v31  }
0x278: {  	v50 =	vmul.f32 v41, v13;
	v51 =	vsub.f32 v16, v20;
	v52 =	vmul.f32 v44, v30  }
0x279: {  	v53 =	vmul.f32 v33, v33;
	v55 =	vmul.f32 v47, v31;
	v24 =	vadd.f32 v29, v36  }
0x27a: {  	v49 =	vld.idx.msk [tilespmem:v11+s14+$0x0], $0xffff;
	v8 =	vadd.f32 v40, v8;
	v10 =	vadd.f32 v17, v10;
	v48 =	vmul.f32 v12, v12  }
0x27b: {  	v12 =	vmul.f32 v3, v12;
	v23 =	vadd.f32 v34, v43;
	v13 =	vadd.f32 v50, v14  }
0x27c: {  	v3 =	vmul.f32 v9, v3;
	v54 =	vadd.f32 v52, v51;
	v7 =	vadd.f32 v53, v7  }
0x27d: {  	v45 =	vmul.f32 v24, v24;
	v6 =	vadd.f32 v48, v6;
	v5 =	vadd.f32 v12, v5  }
0x27e: {  	v46 =	vmul.f32 v33, v24;
	v3 =	vadd.f32 v3, v4;
	v56 =	vsub.f32 v13, v42  }
0x27f: {  	v57 =	vmul.f32 v49, v23;
	v58 =	vsub.f32 v54, v55;
	v8 =	vadd.f32 v45, v8  }
0x280: {  	v11 =	vmul.f32 v49, v49;
	v10 =	vadd.f32 v46, v10;
	v60 =	vadd.f32 v56, v56  }
0x281: {  	v59 =	vmul.f32 v23, v23;
	v5 =	vadd.f32 v57, v5;
	v61 =	vadd.f32 v58, v58  }
0x282: {  	v3 =	vadd.f32 v11, v3;
	v9 =	vmul.f32 v56, v56;
	v62 =	vmul.f32 v58, v58  }
0x283: {  	v6 =	vadd.f32 v59, v6;
	v4 =	vmul.f32 v10, v60;
	v5 =	vmul.f32 v5, v61  }
0x284: {  	v7 =	vmul.f32 v7, v9  }
0x285: {  	v3 =	vmul.f32 v3, v62;
	v4 =	vadd.f32 v4, v8;
	v5 =	vadd.f32 v5, v6;
	_ =	sdelay $0x1  }
0x286: {  	v4 =	vadd.f32 v7, v4;
	v3 =	vadd.f32 v3, v5;
	_ =	sdelay $0x1  }
0x287: {  	v63 =	vld [tilespmem:$0x18C00];
	s6 =	rddreg [dreg:$0x15];
	v3 =	vsub.f32 v3, v4  }
0x288: {  	s6 =	sadd.s32 $0x1, s6  }
0x289: {  	p0 =	sne.s32 s6, $0x8;
	v3 =	vadd.f32 $1.000000000e+00, v3  }
.Ltmp4:
0x28a: {  	_ = 	snop;
	(pc) =	sbr.rel @p0 .LBB2_2-.Ltmp4, $4  }
0x28b: {  	v3 =	vmax.f32 v3, $0.0e+00  }
0x28c: {  	s15 =	simm.s32 $0xDC00;
	v3 =	vadd.f32 v63, v3  }
0x28d: {  	s19 =	simm.s32 $0xCC00;
	s3 =	simm.s32 $0xBC00;
	s18 =	simm.s32 $0xB400  }
0x28e: {  	s20 =	simm.s32 $0xAC00;
	s17 =	simm.s32 $0xA400;
	s16 =	simm.s32 $0x9C00;
	[tilespmem:$0x18C00] =	vst v3  }
0x28f: {  	s13 =	simm.s32 $0x0  }
0x290: {  	s10 =	rddreg [dreg:$0x12];
	s6 =	simm.s32 $0x18C00;
	s2 =	simm.s32 $0x6  }
0x291: {  	[hbm4b:s10+s13] =	stream.linear.scatter [tilespmem:s6], [sflag:$0x6], $0x80, $0x38;
	[tilespmem:$0x18C80] =	vst v63  }
0x292: {  	_ =	swait.ge [sflag:s2], $0x80  }
0x293: {  	s10 =	rddreg [dreg:$0x14]  }
0x294: {  	s6 =	sadd.s32 $0x1, s10;
	s10 =	rddreg [dreg:$0x13]  }
0x295: {  	p0 =	sne.s32 s6, s10  }
.Ltmp5:
0x296: {  	_ = 	snop;
	(pc) =	sbr.rel @p0 .LBB2_1-.Ltmp5, $3  }
0x297: {  	_ =	sdelay $0x1  }
0x298: {  	[sflag:s2] =	ssyncset.done $0x0  }
0x299: {  	[sflag:s2] =	ssyncadd.s32 $0xFFFFFF80;
	[dreg:$0x14] =	wrdreg s6  }
0x29a: {  	_ =	sfence.sel $0x180000  }
0x29b: {  	[bflag:$0x0] =	sbarrier.arrive $0xFFFF  }
0x29c: {  	_ =	strace $0x90000047  }
0x29d: {  	s0 =	stileid.u32;
	[bflag:$0x2] =	sbarrier.arrive $0xFFFF  }
0x29e: {  	p0 =	sne.s32 s0, $0x0;
	s0 =	rddreg [dreg:$0xb]  }
0x29f: {  	s0 =	sadd.s32 @!p0 $0x100000, s0  }
0x2a0: {  	[sflag:s0] =	ssyncadd.tile.s32 @!p0 $0x1;
	_ =	shalt  }
.Lfunc_end2:
_tile_overlayer_lowered:
.L_overlay_start_2:
0x2a1: {  	(tag) =	ssettag $0x2  }
0x2a2: {  	s0 =	rddreg [dreg:$0x0];
	s2 =	stileid.u32  }
0x2a3: {  	s1 =	rddreg [dreg:$0x1];
	p0 =	sne.s32 s2, $0x0  }
0x2a4: {  	s3 =	rddreg [dreg:$0x2];
	[bflag:$0x3] =	sbarrier.arrive $0xFFFF;
	s2 =	simm.s32 @!p0 $0x1C06  }
0x2a5: {  	[timem:s3], [sflag:s2] =	dma.local @!p0 [hbm:s0], s1  }
0x2a6: {  	s0 =	simm.s32 @!p0 $0x6  }
0x2a7: {  	_ =	swait.ge @!p0 [sflag:s0], s1  }
0x2a8: {  	s1 =	ssub.s32 @!p0 $0x0, s1;
	[sflag:s0] =	ssyncset.done @!p0 $0x0  }
0x2a9: {  	[sflag:s0] =	ssyncadd.s32 @!p0 s1  }
0x2aa: {  	[bflag:$0x3] =	sbarrier.arrive $0xFFFF  }
0x2ab: {  	_ =	shalt  }

</sc_bundles>
